<compile_context>
chip_gen: v7x
topology: tpu7x:2x2x1
jax: 0.10.2.dev20260603
libtpu: 0.0.44.dev20260713+nightly
codegen_flags: <defaults>
</compile_context>

<pallas_src>
import functools

import jax
import jax.numpy as jnp
import numpy as np
from jax import lax
from jax.experimental import pallas as pl
from jax.experimental.pallas import tpu as pltpu
from jax.experimental.pallas import tpu_sc as plsc

_N_CLS = 1024
_ATT = 512
_LP1 = 16
_SQRT8 = float(np.sqrt(np.float32(8.0)))

_SEEN = 768
_N_UNSEEN = _N_CLS - _SEEN
_NSEEN_COL = _SEEN * _LP1
_NZSL_COL = _N_UNSEEN * _LP1
_NGZ_COL = _N_CLS * _LP1



def _pattern_u(betas_ref):
    a_i = lax.broadcasted_iota(jnp.int32, (_ATT, _LP1), 0)
    j_i = lax.broadcasted_iota(jnp.int32, (_ATT, _LP1), 1)
    vv = jnp.zeros((_ATT, _LP1), jnp.float32)
    for j in range(2, _LP1):
        b = betas_ref[0, j - 2]
        vj = b / jnp.maximum(jnp.abs(b) * _SQRT8, 1e-12)
        vv = jnp.where(j_i == j, vj, vv)
    base = (j_i - 1) * 32
    win = (a_i >= base) & (a_i < base + 8) & (j_i >= 2)
    return jnp.where(win, vv, 0.0)


_PREP_BLK = _N_UNSEEN


def _prep_body(betas_ref, a_ref, bt_ref, u_ref):
    A = a_ref[...]
    s = jnp.sum(A * A, axis=1)
    recip = 1.0 / jnp.maximum(jnp.sqrt(s), 1e-12)
    m_idx = lax.broadcasted_iota(jnp.int32, (_PREP_BLK, _PREP_BLK), 1)
    c_idx = lax.broadcasted_iota(jnp.int32, (_PREP_BLK, _PREP_BLK), 0)
    D = jnp.where(m_idx == c_idx, recip[:, None], 0.0)
    bt_ref[...] = lax.dot_general(A, D, (((0,), (0,)), ((), ())),
                                  preferred_element_type=jnp.float32)
    u_ref[...] = _pattern_u(betas_ref)


def _tc_prep(attribute, betas):
    return pl.pallas_call(
        _prep_body,
        grid=(1,),
        in_specs=[
            pl.BlockSpec(memory_space=pltpu.SMEM),
            pl.BlockSpec((_PREP_BLK, _ATT), lambda i: (_SEEN // _PREP_BLK, 0)),
        ],
        out_specs=[
            pl.BlockSpec((_ATT, _PREP_BLK), lambda i: (0, 0)),
            pl.BlockSpec((_ATT, _LP1), lambda i: (0, 0)),
        ],
        out_shape=(
            jax.ShapeDtypeStruct((_ATT, _N_UNSEEN), jnp.float32),
            jax.ShapeDtypeStruct((_ATT, _LP1), jnp.float32),
        ),
    )(betas, attribute)


_GZ_BLK = 64
_GZ_NBLK = _N_CLS // _GZ_BLK
_GZ_SEEN_BLKS = _SEEN // _GZ_BLK


def _gz_body(betas_ref, a_ref, seen_ref, gz_ref):
    i = pl.program_id(0)
    A = a_ref[...]
    s = jnp.sum(A * A, axis=1)
    recip = 1.0 / jnp.maximum(jnp.sqrt(s), 1e-12)
    P = _GZ_BLK * _LP1
    p_idx = lax.broadcasted_iota(jnp.int32, (_GZ_BLK, P), 1)
    c_idx = lax.broadcasted_iota(jnp.int32, (_GZ_BLK, P), 0)
    W = jnp.where(p_idx == c_idx * _LP1, recip[:, None], 0.0)
    main = lax.dot_general(A, W, (((0,), (0,)), ((), ())),
                           preferred_element_type=jnp.float32)
    U = _pattern_u(betas_ref)
    jj = lax.broadcasted_iota(jnp.int32, (_LP1, P), 0)
    pp = lax.broadcasted_iota(jnp.int32, (_LP1, P), 1)
    V = (pp % _LP1 == jj).astype(jnp.float32)
    bg = lax.dot_general(U, V, (((1,), (0,)), ((), ())),
                         preferred_element_type=jnp.float32)
    out = main + bg
    gz_ref[...] = out

    @pl.when(i < _GZ_SEEN_BLKS)
    def _():
        seen_ref[...] = out


def _tc_gz_seen(attribute, betas):
    P = _GZ_BLK * _LP1
    return pl.pallas_call(
        _gz_body,
        grid=(_GZ_NBLK,),
        in_specs=[
            pl.BlockSpec(memory_space=pltpu.SMEM),
            pl.BlockSpec((_GZ_BLK, _ATT), lambda i: (i, 0)),
        ],
        out_specs=[
            pl.BlockSpec((_ATT, P), lambda i: (0, jnp.minimum(i, _GZ_SEEN_BLKS - 1))),
            pl.BlockSpec((_ATT, P), lambda i: (0, i)),
        ],
        out_shape=(
            jax.ShapeDtypeStruct((_ATT, _NSEEN_COL), jnp.float32),
            jax.ShapeDtypeStruct((_ATT, _NGZ_COL), jnp.float32),
        ),
    )(betas, attribute)



_NC = 2
_NS = 16
_NW = _NC * _NS
_ROWS_PER_W = _ATT // _NW


@functools.partial(
    pl.kernel,
    mesh=plsc.VectorSubcoreMesh(core_axis_name="c", subcore_axis_name="s"),
    compiler_params=pltpu.CompilerParams(needs_layout_passes=False),
    cost_estimate=pl.CostEstimate(flops=2_000_000, bytes_accessed=18_000_000,
                                  transcendentals=0),
    out_type=jax.ShapeDtypeStruct((_ATT, _NZSL_COL), jnp.float32),
    scratch_types=[
        pltpu.VMEM((_ROWS_PER_W, _N_UNSEEN), jnp.float32),
        pltpu.VMEM((_ROWS_PER_W, _LP1), jnp.float32),
        pltpu.VMEM((_NZSL_COL,), jnp.float32),
        pltpu.VMEM((_NZSL_COL,), jnp.float32),
        pltpu.SemaphoreType.DMA,
        pltpu.SemaphoreType.DMA,
        pltpu.SemaphoreType.DMA,
    ],
)
def _sc_zsl(bt_hbm, u_hbm, zsl_hbm, bt_v, u_v, rv0, rv1, sem_in, sem0, sem1):
    w = lax.axis_index("s") * _NC + lax.axis_index("c")
    a0 = w * _ROWS_PER_W
    bt_in = pltpu.async_copy(bt_hbm.at[pl.ds(a0, _ROWS_PER_W), :], bt_v, sem_in)
    pltpu.sync_copy(u_hbm.at[pl.ds(a0, _ROWS_PER_W), :], u_v)
    jt = jnp.minimum(a0 // 32 + 1, _LP1 - 1)
    lane = lax.iota(jnp.int32, 16)
    zeros = jnp.zeros((16,), jnp.float32)

    def zfill(rv):
        def zb(c, carry):
            base = c * 128
            for u in range(8):
                rv[pl.ds(base + u * 16, 16)] = zeros
            return carry
        lax.fori_loop(0, _NZSL_COL // 128, zb, 0)

    zfill(rv0)
    zfill(rv1)
    bt_in.wait()

    jt_vec = jnp.full((16,), jt, dtype=jnp.int32)
    handles = {}
    for al in range(_ROWS_PER_W):
        rv, sem = (rv0, sem0) if al % 2 == 0 else (rv1, sem1)
        if al >= 2:
            handles.pop(al - 2).wait()
        u_row = u_v[al, :]
        val = lax.gather(
            u_row, jt_vec[:, None],
            lax.GatherDimensionNumbers(offset_dims=(), collapsed_slice_dims=(0,),
                                       start_index_map=(0,)),
            slice_sizes=(1,),
            mode=lax.GatherScatterMode.PROMISE_IN_BOUNDS)

        for c in range(_N_UNSEEN // 16):
            c0 = c * 16
            idx0 = (lane + c0) * _LP1
            plsc.store_scatter(rv, [idx0 + jt], val)
            vals = bt_v[al, pl.ds(c0, 16)]
            plsc.store_scatter(rv, [idx0], vals)

        handles[al] = pltpu.async_copy(rv, zsl_hbm.at[a0 + al], sem)
    for al in (_ROWS_PER_W - 2, _ROWS_PER_W - 1):
        handles.pop(al).wait()


def kernel(attribute, betas):
    bt_z, u = _tc_prep(attribute, betas)
    zsl = _sc_zsl(bt_z, u)
    seen, gz = _tc_gz_seen(attribute, betas)
    return (zsl, seen, gz)

# --- scband reference (transcript-rebuilt; emitter-appended) ---
"""Pipeline reference for scband-naa-86199993631438 (READ-ONLY COPY).

The authoritative reference and input builder live on the scoring server;
editing this copy changes nothing except your own understanding.
"""

import jax, jax.numpy as jnp
import numpy as np

N_CLASSES = 1024
ATT_SIZE = 512
N_GROUPS = 15
LP1 = N_GROUPS + 1
GROUP_IDX = [np.arange(k * 32, k * 32 + 8) for k in range(N_GROUPS)]
SEENCLASSES = np.arange(0, 768)
UNSEENCLASSES = np.arange(768, 1024)


def setup_inputs(seed: int = 0):
    key = jax.random.key(seed)
    attribute = jax.random.uniform(key, (N_CLASSES, ATT_SIZE), dtype=jnp.float32)
    betas = 0.0002 * jax.random.uniform(jax.random.fold_in(key, 1), (1, N_GROUPS), dtype=jnp.float32)
    return {"attribute": attribute, "betas": betas}


def _prepare_attri_label(multy, classes):
    # gather rows [c*Lp1 : c*Lp1+Lp1] for each class c, then transpose -> [att, n*Lp1]
    rows = (np.asarray(classes)[:, None] * LP1 + np.arange(LP1)[None, :]).reshape(-1)
    out = jnp.take(multy, jnp.asarray(rows), axis=0)
    return out.T


def reference(attribute, betas):
    multy = jnp.zeros((N_CLASSES * LP1, ATT_SIZE), dtype=jnp.float32)
    base_rows = jnp.arange(N_CLASSES) * LP1
    # row i*Lp1 <- attribute[i]
    multy = multy.at[base_rows].set(attribute)
    # for k in 1..N_GROUPS-1: row i*Lp1 + k + 1 gets betas[0, k-1] at the group-k attribute indices
    for k in range(1, N_GROUPS):
        rows = base_rows + (k + 1)
        cols = jnp.asarray(GROUP_IDX[k])
        multy = multy.at[rows[:, None], cols[None, :]].set(betas[0, k - 1])
    # F.normalize(dim=1): x / max(||x||_2, eps)
    norm = jnp.linalg.norm(multy, ord=2, axis=1, keepdims=True)
    multy = multy / jnp.maximum(norm, 1e-12)
    attribute_zsl = _prepare_attri_label(multy, UNSEENCLASSES)
    attribute_seen = _prepare_attri_label(multy, SEENCLASSES)
    attribute_gzsl = multy.T
    return (attribute_zsl, attribute_seen, attribute_gzsl)

if __name__ == "__main__":
    import jax
    _d = setup_inputs()
    print(jax.jit(kernel)(*tuple(_d.values())))

</pallas_src>

<mosaic_0001>
#map = affine_map<(d0, d1) -> (0, 0)>
module attributes {stable_mosaic.version = 14 : i64} {
  func.func @_sc_zsl(%arg0: i32, %arg1: i32, %arg2: memref<512x256xf32, #tpu.memory_space<hbm>>, %arg3: memref<512x16xf32, #tpu.memory_space<hbm>>, %arg4: memref<512x4096xf32, #tpu.memory_space<hbm>>, %arg5: memref<16x256xf32, #tpu.memory_space<vmem>>, %arg6: memref<16x16xf32, #tpu.memory_space<vmem>>, %arg7: memref<4096xf32, #tpu.memory_space<vmem>>, %arg8: memref<4096xf32, #tpu.memory_space<vmem>>, %arg9: memref<!tpu.dma_semaphore, #tpu.memory_space<semaphore_mem>>, %arg10: memref<!tpu.dma_semaphore, #tpu.memory_space<semaphore_mem>>, %arg11: memref<!tpu.dma_semaphore, #tpu.memory_space<semaphore_mem>>) attributes {dimension_semantics = [#tpu.dimension_semantics<core_parallel>, #tpu.dimension_semantics<subcore_parallel>], iteration_bounds = array<i64: 2, 16>, scalar_prefetch = 0 : i64, scratch_operands = 7 : i64, tpu.core_type = #tpu.core_type<sc_vector_subcore>, window_params = [{transform_indices = #map}, {transform_indices = #map}, {transform_indices = #map}]} {
    %mul3A = arith.constant 2 : i32
    %mul3A_0 = arith.muli %arg1, %mul3A : i32
    %add3A = arith.addi %mul3A_0, %arg0 : i32
    %mul3A_1 = arith.constant 16 : i32
    %mul3A_2 = arith.muli %add3A, %mul3A_1 : i32
    %dma_start3A = arith.constant 0 : i32
    %dma_start3A_3 = tpu.memref_slice %arg2[%mul3A_2, %dma_start3A] : memref<512x256xf32, #tpu.memory_space<hbm>> -> memref<16x256xf32, #tpu.memory_space<hbm>>
    %dma_start3A_4 = arith.constant 0 : i32
    %dma_start3A_5 = tpu.memref_slice %arg2[%mul3A_2, %dma_start3A_4] : memref<512x256xf32, #tpu.memory_space<hbm>> -> memref<16x256xf32, #tpu.memory_space<hbm>>
    tpu.enqueue_dma source(%dma_start3A_5 : memref<16x256xf32, #tpu.memory_space<hbm>>) target(%arg5 : memref<16x256xf32, #tpu.memory_space<vmem>>) target_semaphore(%arg9 : memref<!tpu.dma_semaphore, #tpu.memory_space<semaphore_mem>>)
    "tpu.region"() ({
      %run_scoped3A = tpu.sem_alloc : memref<!tpu.dma_semaphore, #tpu.memory_space<semaphore_mem>>
      %dma_start3A_3447 = arith.constant 0 : i32
      %dma_start3A_3448 = tpu.memref_slice %arg3[%mul3A_2, %dma_start3A_3447] : memref<512x16xf32, #tpu.memory_space<hbm>> -> memref<16x16xf32, #tpu.memory_space<hbm>>
      %dma_start3A_3449 = arith.constant 0 : i32
      %dma_start3A_3450 = tpu.memref_slice %arg3[%mul3A_2, %dma_start3A_3449] : memref<512x16xf32, #tpu.memory_space<hbm>> -> memref<16x16xf32, #tpu.memory_space<hbm>>
      tpu.enqueue_dma source(%dma_start3A_3450 : memref<16x16xf32, #tpu.memory_space<hbm>>) target(%arg6 : memref<16x16xf32, #tpu.memory_space<vmem>>) target_semaphore(%run_scoped3A : memref<!tpu.dma_semaphore, #tpu.memory_space<semaphore_mem>>)
      %dma_wait3A_3451 = arith.constant 0 : i32
      %dma_wait3A_3452 = tpu.memref_slice %arg3[%mul3A_2, %dma_wait3A_3451] : memref<512x16xf32, #tpu.memory_space<hbm>> -> memref<16x16xf32, #tpu.memory_space<hbm>>
      %dma_wait3A_3453 = arith.constant 0 : i32
      %dma_wait3A_3454 = tpu.memref_slice %arg3[%mul3A_2, %dma_wait3A_3453] : memref<512x16xf32, #tpu.memory_space<hbm>> -> memref<16x16xf32, #tpu.memory_space<hbm>>
      tpu.wait_dma2 semaphore(%run_scoped3A : memref<!tpu.dma_semaphore, #tpu.memory_space<semaphore_mem>>) src(%dma_wait3A_3454 : memref<16x16xf32, #tpu.memory_space<hbm>>) dst(%arg6 : memref<16x16xf32, #tpu.memory_space<vmem>>)
      tpu.yield
    }) : () -> ()
    %jit3A = arith.constant 32 : i32
    %div3A = arith.divsi %mul3A_2, %jit3A : i32
    %sign3A = arith.constant 0 : i32
    %sign3A_6 = arith.cmpi sgt, %mul3A_2, %sign3A : i32
    %sign3A_7 = arith.extui %sign3A_6 : i1 to i32
    %sign3A_8 = arith.constant 0 : i32
    %sign3A_9 = arith.cmpi slt, %mul3A_2, %sign3A_8 : i32
    %sign3A_10 = arith.extui %sign3A_9 : i1 to i32
    %sign3A_11 = arith.subi %sign3A_7, %sign3A_10 : i32
    %sign3A_12 = arith.constant 0 : i32
    %sign3A_13 = arith.cmpi sgt, %jit3A, %sign3A_12 : i32
    %sign3A_14 = arith.extui %sign3A_13 : i1 to i32
    %sign3A_15 = arith.constant 0 : i32
    %sign3A_16 = arith.cmpi slt, %jit3A, %sign3A_15 : i32
    %sign3A_17 = arith.extui %sign3A_16 : i1 to i32
    %sign3A_18 = arith.subi %sign3A_14, %sign3A_17 : i32
    %ne3A = arith.cmpi ne, %sign3A_11, %sign3A_18 : i32
    %rem3A = arith.remsi %mul3A_2, %jit3A : i32
    %ne3A_19 = arith.constant 0 : i32
    %ne3A_20 = arith.cmpi ne, %rem3A, %ne3A_19 : i32
    %and3A = arith.andi %ne3A, %ne3A_20 : i1
    %sub3A = arith.constant 1 : i32
    %sub3A_21 = arith.subi %div3A, %sub3A : i32
    %select_n3A = arith.select %and3A, %sub3A_21, %div3A : i32
    %add3A_22 = arith.constant 1 : i32
    %add3A_23 = arith.addi %select_n3A, %add3A_22 : i32
    %min3A = arith.constant 15 : i32
    %min3A_24 = arith.minsi %add3A_23, %min3A : i32
    %iota3A = tpu.iota {dimensions = array<i32: 0>} : vector<16xi32>
    %broadcast_in_dim3A = arith.constant 0.000000e+00 : f32
    %broadcast_in_dim3A_25 = vector.broadcast %broadcast_in_dim3A : f32 to vector<16xf32>
    %scan3A = arith.constant 0 : i32
    %scan3A_26 = arith.constant 0 : i32
    %scan3A_27 = arith.constant 32 : i32
    %scan3A_28 = arith.addi %scan3A_26, %scan3A_27 : i32
    %scan3A_29 = arith.constant 1 : i32
    scf.for %scan3A_3447 = %scan3A_26 to %scan3A_28 step %scan3A_29  : i32 {
      %mul3A_3448 = arith.constant 128 : i32
      %mul3A_3449 = arith.muli %scan3A_3447, %mul3A_3448 : i32
      %add3A_3450 = arith.constant 0 : i32
      %add3A_3451 = arith.addi %mul3A_3449, %add3A_3450 : i32
      %swap3A = arith.index_cast %add3A_3451 : i32 to index
      %swap3A_3452 = tpu.vector_load %arg7[%swap3A] {strides = array<i32>} : memref<4096xf32, #tpu.memory_space<vmem>>, vector<16xf32>,
      tpu.vector_store %arg7[%swap3A], %broadcast_in_dim3A_25 {strides = array<i32>} : memref<4096xf32, #tpu.memory_space<vmem>>, vector<16xf32>,
      %add3A_3453 = arith.constant 16 : i32
      %add3A_3454 = arith.addi %mul3A_3449, %add3A_3453 : i32
      %swap3A_3455 = arith.index_cast %add3A_3454 : i32 to index
      %swap3A_3456 = tpu.vector_load %arg7[%swap3A_3455] {strides = array<i32>} : memref<4096xf32, #tpu.memory_space<vmem>>, vector<16xf32>,
      tpu.vector_store %arg7[%swap3A_3455], %broadcast_in_dim3A_25 {strides = array<i32>} : memref<4096xf32, #tpu.memory_space<vmem>>, vector<16xf32>,
      %add3A_3457 = arith.constant 32 : i32
      %add3A_3458 = arith.addi %mul3A_3449, %add3A_3457 : i32
      %swap3A_3459 = arith.index_cast %add3A_3458 : i32 to index
      %swap3A_3460 = tpu.vector_load %arg7[%swap3A_3459] {strides = array<i32>} : memref<4096xf32, #tpu.memory_space<vmem>>, vector<16xf32>,
      tpu.vector_store %arg7[%swap3A_3459], %broadcast_in_dim3A_25 {strides = array<i32>} : memref<4096xf32, #tpu.memory_space<vmem>>, vector<16xf32>,
      %add3A_3461 = arith.constant 48 : i32
      %add3A_3462 = arith.addi %mul3A_3449, %add3A_3461 : i32
      %swap3A_3463 = arith.index_cast %add3A_3462 : i32 to index
      %swap3A_3464 = tpu.vector_load %arg7[%swap3A_3463] {strides = array<i32>} : memref<4096xf32, #tpu.memory_space<vmem>>, vector<16xf32>,
      tpu.vector_store %arg7[%swap3A_3463], %broadcast_in_dim3A_25 {strides = array<i32>} : memref<4096xf32, #tpu.memory_space<vmem>>, vector<16xf32>,
      %add3A_3465 = arith.constant 64 : i32
      %add3A_3466 = arith.addi %mul3A_3449, %add3A_3465 : i32
      %swap3A_3467 = arith.index_cast %add3A_3466 : i32 to index
      %swap3A_3468 = tpu.vector_load %arg7[%swap3A_3467] {strides = array<i32>} : memref<4096xf32, #tpu.memory_space<vmem>>, vector<16xf32>,
      tpu.vector_store %arg7[%swap3A_3467], %broadcast_in_dim3A_25 {strides = array<i32>} : memref<4096xf32, #tpu.memory_space<vmem>>, vector<16xf32>,
      %add3A_3469 = arith.constant 80 : i32
      %add3A_3470 = arith.addi %mul3A_3449, %add3A_3469 : i32
      %swap3A_3471 = arith.index_cast %add3A_3470 : i32 to index
      %swap3A_3472 = tpu.vector_load %arg7[%swap3A_3471] {strides = array<i32>} : memref<4096xf32, #tpu.memory_space<vmem>>, vector<16xf32>,
      tpu.vector_store %arg7[%swap3A_3471], %broadcast_in_dim3A_25 {strides = array<i32>} : memref<4096xf32, #tpu.memory_space<vmem>>, vector<16xf32>,
      %add3A_3473 = arith.constant 96 : i32
      %add3A_3474 = arith.addi %mul3A_3449, %add3A_3473 : i32
      %swap3A_3475 = arith.index_cast %add3A_3474 : i32 to index
      %swap3A_3476 = tpu.vector_load %arg7[%swap3A_3475] {strides = array<i32>} : memref<4096xf32, #tpu.memory_space<vmem>>, vector<16xf32>,
      tpu.vector_store %arg7[%swap3A_3475], %broadcast_in_dim3A_25 {strides = array<i32>} : memref<4096xf32, #tpu.memory_space<vmem>>, vector<16xf32>,
      %add3A_3477 = arith.constant 112 : i32
      %add3A_3478 = arith.addi %mul3A_3449, %add3A_3477 : i32
      %swap3A_3479 = arith.index_cast %add3A_3478 : i32 to index
      %swap3A_3480 = tpu.vector_load %arg7[%swap3A_3479] {strides = array<i32>} : memref<4096xf32, #tpu.memory_space<vmem>>, vector<16xf32>,
      tpu.vector_store %arg7[%swap3A_3479], %broadcast_in_dim3A_25 {strides = array<i32>} : memref<4096xf32, #tpu.memory_space<vmem>>, vector<16xf32>,
    }
    %scan3A_30 = arith.constant 32 : i32
    %scan3A_31 = arith.constant 0 : i32
    %scan3A_32 = arith.constant 0 : i32
    %scan3A_33 = arith.constant 32 : i32
    %scan3A_34 = arith.addi %scan3A_32, %scan3A_33 : i32
    %scan3A_35 = arith.constant 1 : i32
    scf.for %scan3A_3447 = %scan3A_32 to %scan3A_34 step %scan3A_35  : i32 {
      %mul3A_3448 = arith.constant 128 : i32
      %mul3A_3449 = arith.muli %scan3A_3447, %mul3A_3448 : i32
      %add3A_3450 = arith.constant 0 : i32
      %add3A_3451 = arith.addi %mul3A_3449, %add3A_3450 : i32
      %swap3A = arith.index_cast %add3A_3451 : i32 to index
      %swap3A_3452 = tpu.vector_load %arg8[%swap3A] {strides = array<i32>} : memref<4096xf32, #tpu.memory_space<vmem>>, vector<16xf32>,
      tpu.vector_store %arg8[%swap3A], %broadcast_in_dim3A_25 {strides = array<i32>} : memref<4096xf32, #tpu.memory_space<vmem>>, vector<16xf32>,
      %add3A_3453 = arith.constant 16 : i32
      %add3A_3454 = arith.addi %mul3A_3449, %add3A_3453 : i32
      %swap3A_3455 = arith.index_cast %add3A_3454 : i32 to index
      %swap3A_3456 = tpu.vector_load %arg8[%swap3A_3455] {strides = array<i32>} : memref<4096xf32, #tpu.memory_space<vmem>>, vector<16xf32>,
      tpu.vector_store %arg8[%swap3A_3455], %broadcast_in_dim3A_25 {strides = array<i32>} : memref<4096xf32, #tpu.memory_space<vmem>>, vector<16xf32>,
      %add3A_3457 = arith.constant 32 : i32
      %add3A_3458 = arith.addi %mul3A_3449, %add3A_3457 : i32
      %swap3A_3459 = arith.index_cast %add3A_3458 : i32 to index
      %swap3A_3460 = tpu.vector_load %arg8[%swap3A_3459] {strides = array<i32>} : memref<4096xf32, #tpu.memory_space<vmem>>, vector<16xf32>,
      tpu.vector_store %arg8[%swap3A_3459], %broadcast_in_dim3A_25 {strides = array<i32>} : memref<4096xf32, #tpu.memory_space<vmem>>, vector<16xf32>,
      %add3A_3461 = arith.constant 48 : i32
      %add3A_3462 = arith.addi %mul3A_3449, %add3A_3461 : i32
      %swap3A_3463 = arith.index_cast %add3A_3462 : i32 to index
      %swap3A_3464 = tpu.vector_load %arg8[%swap3A_3463] {strides = array<i32>} : memref<4096xf32, #tpu.memory_space<vmem>>, vector<16xf32>,
      tpu.vector_store %arg8[%swap3A_3463], %broadcast_in_dim3A_25 {strides = array<i32>} : memref<4096xf32, #tpu.memory_space<vmem>>, vector<16xf32>,
      %add3A_3465 = arith.constant 64 : i32
      %add3A_3466 = arith.addi %mul3A_3449, %add3A_3465 : i32
      %swap3A_3467 = arith.index_cast %add3A_3466 : i32 to index
      %swap3A_3468 = tpu.vector_load %arg8[%swap3A_3467] {strides = array<i32>} : memref<4096xf32, #tpu.memory_space<vmem>>, vector<16xf32>,
      tpu.vector_store %arg8[%swap3A_3467], %broadcast_in_dim3A_25 {strides = array<i32>} : memref<4096xf32, #tpu.memory_space<vmem>>, vector<16xf32>,
      %add3A_3469 = arith.constant 80 : i32
      %add3A_3470 = arith.addi %mul3A_3449, %add3A_3469 : i32
      %swap3A_3471 = arith.index_cast %add3A_3470 : i32 to index
      %swap3A_3472 = tpu.vector_load %arg8[%swap3A_3471] {strides = array<i32>} : memref<4096xf32, #tpu.memory_space<vmem>>, vector<16xf32>,
      tpu.vector_store %arg8[%swap3A_3471], %broadcast_in_dim3A_25 {strides = array<i32>} : memref<4096xf32, #tpu.memory_space<vmem>>, vector<16xf32>,
      %add3A_3473 = arith.constant 96 : i32
      %add3A_3474 = arith.addi %mul3A_3449, %add3A_3473 : i32
      %swap3A_3475 = arith.index_cast %add3A_3474 : i32 to index
      %swap3A_3476 = tpu.vector_load %arg8[%swap3A_3475] {strides = array<i32>} : memref<4096xf32, #tpu.memory_space<vmem>>, vector<16xf32>,
      tpu.vector_store %arg8[%swap3A_3475], %broadcast_in_dim3A_25 {strides = array<i32>} : memref<4096xf32, #tpu.memory_space<vmem>>, vector<16xf32>,
      %add3A_3477 = arith.constant 112 : i32
      %add3A_3478 = arith.addi %mul3A_3449, %add3A_3477 : i32
      %swap3A_3479 = arith.index_cast %add3A_3478 : i32 to index
      %swap3A_3480 = tpu.vector_load %arg8[%swap3A_3479] {strides = array<i32>} : memref<4096xf32, #tpu.memory_space<vmem>>, vector<16xf32>,
      tpu.vector_store %arg8[%swap3A_3479], %broadcast_in_dim3A_25 {strides = array<i32>} : memref<4096xf32, #tpu.memory_space<vmem>>, vector<16xf32>,
    }
    %scan3A_36 = arith.constant 32 : i32
    %dma_wait3A = arith.constant 0 : i32
    %dma_wait3A_37 = tpu.memref_slice %arg2[%mul3A_2, %dma_wait3A] : memref<512x256xf32, #tpu.memory_space<hbm>> -> memref<16x256xf32, #tpu.memory_space<hbm>>
    %dma_wait3A_38 = arith.constant 0 : i32
    %dma_wait3A_39 = tpu.memref_slice %arg2[%mul3A_2, %dma_wait3A_38] : memref<512x256xf32, #tpu.memory_space<hbm>> -> memref<16x256xf32, #tpu.memory_space<hbm>>
    tpu.wait_dma2 semaphore(%arg9 : memref<!tpu.dma_semaphore, #tpu.memory_space<semaphore_mem>>) src(%dma_wait3A_39 : memref<16x256xf32, #tpu.memory_space<hbm>>) dst(%arg5 : memref<16x256xf32, #tpu.memory_space<vmem>>)
    %broadcast_in_dim3A_40 = vector.broadcast %min3A_24 : i32 to vector<16xi32>
    %get3A = arith.constant 0 : i32
    %get3A_41 = arith.index_cast %get3A : i32 to index
    %get3A_42 = arith.constant 0 : index
    %get3A_43 = tpu.vector_load %arg6[%get3A_41, %get3A_42] {strides = array<i32>} : memref<16x16xf32, #tpu.memory_space<vmem>>, vector<16xf32>,
    %broadcast_in_dim3A_44 = vector.shape_cast %broadcast_in_dim3A_40 : vector<16xi32> to vector<16x1xi32>
    %gather3A = vector.shape_cast %broadcast_in_dim3A_44 : vector<16x1xi32> to vector<16xi32>
    %gather3A_45 = tpu.dynamic_gather %get3A_43[%gather3A] in [0] : vector<16xf32>, vector<16xi32> -> vector<16xf32>
    %add3A_46 = arith.constant 0 : i32
    %add3A_47 = vector.broadcast %add3A_46 : i32 to vector<16xi32>
    %add3A_48 = arith.addi %iota3A, %add3A_47 : vector<16xi32>
    %mul3A_49 = arith.constant 16 : i32
    %mul3A_50 = vector.broadcast %mul3A_49 : i32 to vector<16xi32>
    %mul3A_51 = arith.muli %add3A_48, %mul3A_50 : vector<16xi32>
    %add3A_52 = vector.broadcast %min3A_24 : i32 to vector<16xi32>
    %add3A_53 = arith.addi %mul3A_51, %add3A_52 : vector<16xi32>
    tpu.vector_store_idx %arg7[%add3A_53], %gather3A_45 : memref<4096xf32, #tpu.memory_space<vmem>>[vector<16xi32>], vector<16xf32>,
    %get3A_54 = arith.constant 0 : i32
    %get3A_55 = arith.index_cast %get3A_54 : i32 to index
    %get3A_56 = arith.constant 0 : index
    %get3A_57 = tpu.vector_load %arg5[%get3A_55, %get3A_56] {strides = array<i32>} : memref<16x256xf32, #tpu.memory_space<vmem>>, vector<16xf32>,
    tpu.vector_store_idx %arg7[%mul3A_51], %get3A_57 : memref<4096xf32, #tpu.memory_space<vmem>>[vector<16xi32>], vector<16xf32>,
    %add3A_58 = arith.constant 16 : i32
    %add3A_59 = vector.broadcast %add3A_58 : i32 to vector<16xi32>
    %add3A_60 = arith.addi %iota3A, %add3A_59 : vector<16xi32>
    %mul3A_61 = arith.constant 16 : i32
    %mul3A_62 = vector.broadcast %mul3A_61 : i32 to vector<16xi32>
    %mul3A_63 = arith.muli %add3A_60, %mul3A_62 : vector<16xi32>
    %add3A_64 = vector.broadcast %min3A_24 : i32 to vector<16xi32>
    %add3A_65 = arith.addi %mul3A_63, %add3A_64 : vector<16xi32>
    tpu.vector_store_idx %arg7[%add3A_65], %gather3A_45 : memref<4096xf32, #tpu.memory_space<vmem>>[vector<16xi32>], vector<16xf32>,
    %get3A_66 = arith.constant 0 : i32
    %get3A_67 = arith.index_cast %get3A_66 : i32 to index
    %get3A_68 = arith.constant 16 : index
    %get3A_69 = tpu.vector_load %arg5[%get3A_67, %get3A_68] {strides = array<i32>} : memref<16x256xf32, #tpu.memory_space<vmem>>, vector<16xf32>,
    tpu.vector_store_idx %arg7[%mul3A_63], %get3A_69 : memref<4096xf32, #tpu.memory_space<vmem>>[vector<16xi32>], vector<16xf32>,
    %add3A_70 = arith.constant 32 : i32
    %add3A_71 = vector.broadcast %add3A_70 : i32 to vector<16xi32>
    %add3A_72 = arith.addi %iota3A, %add3A_71 : vector<16xi32>
    %mul3A_73 = arith.constant 16 : i32
    %mul3A_74 = vector.broadcast %mul3A_73 : i32 to vector<16xi32>
    %mul3A_75 = arith.muli %add3A_72, %mul3A_74 : vector<16xi32>
    %add3A_76 = vector.broadcast %min3A_24 : i32 to vector<16xi32>
    %add3A_77 = arith.addi %mul3A_75, %add3A_76 : vector<16xi32>
    tpu.vector_store_idx %arg7[%add3A_77], %gather3A_45 : memref<4096xf32, #tpu.memory_space<vmem>>[vector<16xi32>], vector<16xf32>,
    %get3A_78 = arith.constant 0 : i32
    %get3A_79 = arith.index_cast %get3A_78 : i32 to index
    %get3A_80 = arith.constant 32 : index
    %get3A_81 = tpu.vector_load %arg5[%get3A_79, %get3A_80] {strides = array<i32>} : memref<16x256xf32, #tpu.memory_space<vmem>>, vector<16xf32>,
    tpu.vector_store_idx %arg7[%mul3A_75], %get3A_81 : memref<4096xf32, #tpu.memory_space<vmem>>[vector<16xi32>], vector<16xf32>,
    %add3A_82 = arith.constant 48 : i32
    %add3A_83 = vector.broadcast %add3A_82 : i32 to vector<16xi32>
    %add3A_84 = arith.addi %iota3A, %add3A_83 : vector<16xi32>
    %mul3A_85 = arith.constant 16 : i32
    %mul3A_86 = vector.broadcast %mul3A_85 : i32 to vector<16xi32>
    %mul3A_87 = arith.muli %add3A_84, %mul3A_86 : vector<16xi32>
    %add3A_88 = vector.broadcast %min3A_24 : i32 to vector<16xi32>
    %add3A_89 = arith.addi %mul3A_87, %add3A_88 : vector<16xi32>
    tpu.vector_store_idx %arg7[%add3A_89], %gather3A_45 : memref<4096xf32, #tpu.memory_space<vmem>>[vector<16xi32>], vector<16xf32>,
    %get3A_90 = arith.constant 0 : i32
    %get3A_91 = arith.index_cast %get3A_90 : i32 to index
    %get3A_92 = arith.constant 48 : index
    %get3A_93 = tpu.vector_load %arg5[%get3A_91, %get3A_92] {strides = array<i32>} : memref<16x256xf32, #tpu.memory_space<vmem>>, vector<16xf32>,
    tpu.vector_store_idx %arg7[%mul3A_87], %get3A_93 : memref<4096xf32, #tpu.memory_space<vmem>>[vector<16xi32>], vector<16xf32>,
    %add3A_94 = arith.constant 64 : i32
    %add3A_95 = vector.broadcast %add3A_94 : i32 to vector<16xi32>
    %add3A_96 = arith.addi %iota3A, %add3A_95 : vector<16xi32>
    %mul3A_97 = arith.constant 16 : i32
    %mul3A_98 = vector.broadcast %mul3A_97 : i32 to vector<16xi32>
    %mul3A_99 = arith.muli %add3A_96, %mul3A_98 : vector<16xi32>
    %add3A_100 = vector.broadcast %min3A_24 : i32 to vector<16xi32>
    %add3A_101 = arith.addi %mul3A_99, %add3A_100 : vector<16xi32>
    tpu.vector_store_idx %arg7[%add3A_101], %gather3A_45 : memref<4096xf32, #tpu.memory_space<vmem>>[vector<16xi32>], vector<16xf32>,
    %get3A_102 = arith.constant 0 : i32
    %get3A_103 = arith.index_cast %get3A_102 : i32 to index
    %get3A_104 = arith.constant 64 : index
    %get3A_105 = tpu.vector_load %arg5[%get3A_103, %get3A_104] {strides = array<i32>} : memref<16x256xf32, #tpu.memory_space<vmem>>, vector<16xf32>,
    tpu.vector_store_idx %arg7[%mul3A_99], %get3A_105 : memref<4096xf32, #tpu.memory_space<vmem>>[vector<16xi32>], vector<16xf32>,
    %add3A_106 = arith.constant 80 : i32
    %add3A_107 = vector.broadcast %add3A_106 : i32 to vector<16xi32>
    %add3A_108 = arith.addi %iota3A, %add3A_107 : vector<16xi32>
    %mul3A_109 = arith.constant 16 : i32
    %mul3A_110 = vector.broadcast %mul3A_109 : i32 to vector<16xi32>
    %mul3A_111 = arith.muli %add3A_108, %mul3A_110 : vector<16xi32>
    %add3A_112 = vector.broadcast %min3A_24 : i32 to vector<16xi32>
    %add3A_113 = arith.addi %mul3A_111, %add3A_112 : vector<16xi32>
    tpu.vector_store_idx %arg7[%add3A_113], %gather3A_45 : memref<4096xf32, #tpu.memory_space<vmem>>[vector<16xi32>], vector<16xf32>,
    %get3A_114 = arith.constant 0 : i32
    %get3A_115 = arith.index_cast %get3A_114 : i32 to index
    %get3A_116 = arith.constant 80 : index
    %get3A_117 = tpu.vector_load %arg5[%get3A_115, %get3A_116] {strides = array<i32>} : memref<16x256xf32, #tpu.memory_space<vmem>>, vector<16xf32>,
    tpu.vector_store_idx %arg7[%mul3A_111], %get3A_117 : memref<4096xf32, #tpu.memory_space<vmem>>[vector<16xi32>], vector<16xf32>,
    %add3A_118 = arith.constant 96 : i32
    %add3A_119 = vector.broadcast %add3A_118 : i32 to vector<16xi32>
    %add3A_120 = arith.addi %iota3A, %add3A_119 : vector<16xi32>
    %mul3A_121 = arith.constant 16 : i32
    %mul3A_122 = vector.broadcast %mul3A_121 : i32 to vector<16xi32>
    %mul3A_123 = arith.muli %add3A_120, %mul3A_122 : vector<16xi32>
    %add3A_124 = vector.broadcast %min3A_24 : i32 to vector<16xi32>
    %add3A_125 = arith.addi %mul3A_123, %add3A_124 : vector<16xi32>
    tpu.vector_store_idx %arg7[%add3A_125], %gather3A_45 : memref<4096xf32, #tpu.memory_space<vmem>>[vector<16xi32>], vector<16xf32>,
    %get3A_126 = arith.constant 0 : i32
    %get3A_127 = arith.index_cast %get3A_126 : i32 to index
    %get3A_128 = arith.constant 96 : index
    %get3A_129 = tpu.vector_load %arg5[%get3A_127, %get3A_128] {strides = array<i32>} : memref<16x256xf32, #tpu.memory_space<vmem>>, vector<16xf32>,
    tpu.vector_store_idx %arg7[%mul3A_123], %get3A_129 : memref<4096xf32, #tpu.memory_space<vmem>>[vector<16xi32>], vector<16xf32>,
    %add3A_130 = arith.constant 112 : i32
    %add3A_131 = vector.broadcast %add3A_130 : i32 to vector<16xi32>
    %add3A_132 = arith.addi %iota3A, %add3A_131 : vector<16xi32>
    %mul3A_133 = arith.constant 16 : i32
    %mul3A_134 = vector.broadcast %mul3A_133 : i32 to vector<16xi32>
    %mul3A_135 = arith.muli %add3A_132, %mul3A_134 : vector<16xi32>
    %add3A_136 = vector.broadcast %min3A_24 : i32 to vector<16xi32>
    %add3A_137 = arith.addi %mul3A_135, %add3A_136 : vector<16xi32>
    tpu.vector_store_idx %arg7[%add3A_137], %gather3A_45 : memref<4096xf32, #tpu.memory_space<vmem>>[vector<16xi32>], vector<16xf32>,
    %get3A_138 = arith.constant 0 : i32
    %get3A_139 = arith.index_cast %get3A_138 : i32 to index
    %get3A_140 = arith.constant 112 : index
    %get3A_141 = tpu.vector_load %arg5[%get3A_139, %get3A_140] {strides = array<i32>} : memref<16x256xf32, #tpu.memory_space<vmem>>, vector<16xf32>,
    tpu.vector_store_idx %arg7[%mul3A_135], %get3A_141 : memref<4096xf32, #tpu.memory_space<vmem>>[vector<16xi32>], vector<16xf32>,
    %add3A_142 = arith.constant 128 : i32
    %add3A_143 = vector.broadcast %add3A_142 : i32 to vector<16xi32>
    %add3A_144 = arith.addi %iota3A, %add3A_143 : vector<16xi32>
    %mul3A_145 = arith.constant 16 : i32
    %mul3A_146 = vector.broadcast %mul3A_145 : i32 to vector<16xi32>
    %mul3A_147 = arith.muli %add3A_144, %mul3A_146 : vector<16xi32>
    %add3A_148 = vector.broadcast %min3A_24 : i32 to vector<16xi32>
    %add3A_149 = arith.addi %mul3A_147, %add3A_148 : vector<16xi32>
    tpu.vector_store_idx %arg7[%add3A_149], %gather3A_45 : memref<4096xf32, #tpu.memory_space<vmem>>[vector<16xi32>], vector<16xf32>,
    %get3A_150 = arith.constant 0 : i32
    %get3A_151 = arith.index_cast %get3A_150 : i32 to index
    %get3A_152 = arith.constant 128 : index
    %get3A_153 = tpu.vector_load %arg5[%get3A_151, %get3A_152] {strides = array<i32>} : memref<16x256xf32, #tpu.memory_space<vmem>>, vector<16xf32>,
    tpu.vector_store_idx %arg7[%mul3A_147], %get3A_153 : memref<4096xf32, #tpu.memory_space<vmem>>[vector<16xi32>], vector<16xf32>,
    %add3A_154 = arith.constant 144 : i32
    %add3A_155 = vector.broadcast %add3A_154 : i32 to vector<16xi32>
    %add3A_156 = arith.addi %iota3A, %add3A_155 : vector<16xi32>
    %mul3A_157 = arith.constant 16 : i32
    %mul3A_158 = vector.broadcast %mul3A_157 : i32 to vector<16xi32>
    %mul3A_159 = arith.muli %add3A_156, %mul3A_158 : vector<16xi32>
    %add3A_160 = vector.broadcast %min3A_24 : i32 to vector<16xi32>
    %add3A_161 = arith.addi %mul3A_159, %add3A_160 : vector<16xi32>
    tpu.vector_store_idx %arg7[%add3A_161], %gather3A_45 : memref<4096xf32, #tpu.memory_space<vmem>>[vector<16xi32>], vector<16xf32>,
    %get3A_162 = arith.constant 0 : i32
    %get3A_163 = arith.index_cast %get3A_162 : i32 to index
    %get3A_164 = arith.constant 144 : index
    %get3A_165 = tpu.vector_load %arg5[%get3A_163, %get3A_164] {strides = array<i32>} : memref<16x256xf32, #tpu.memory_space<vmem>>, vector<16xf32>,
    tpu.vector_store_idx %arg7[%mul3A_159], %get3A_165 : memref<4096xf32, #tpu.memory_space<vmem>>[vector<16xi32>], vector<16xf32>,
    %add3A_166 = arith.constant 160 : i32
    %add3A_167 = vector.broadcast %add3A_166 : i32 to vector<16xi32>
    %add3A_168 = arith.addi %iota3A, %add3A_167 : vector<16xi32>
    %mul3A_169 = arith.constant 16 : i32
    %mul3A_170 = vector.broadcast %mul3A_169 : i32 to vector<16xi32>
    %mul3A_171 = arith.muli %add3A_168, %mul3A_170 : vector<16xi32>
    %add3A_172 = vector.broadcast %min3A_24 : i32 to vector<16xi32>
    %add3A_173 = arith.addi %mul3A_171, %add3A_172 : vector<16xi32>
    tpu.vector_store_idx %arg7[%add3A_173], %gather3A_45 : memref<4096xf32, #tpu.memory_space<vmem>>[vector<16xi32>], vector<16xf32>,
    %get3A_174 = arith.constant 0 : i32
    %get3A_175 = arith.index_cast %get3A_174 : i32 to index
    %get3A_176 = arith.constant 160 : index
    %get3A_177 = tpu.vector_load %arg5[%get3A_175, %get3A_176] {strides = array<i32>} : memref<16x256xf32, #tpu.memory_space<vmem>>, vector<16xf32>,
    tpu.vector_store_idx %arg7[%mul3A_171], %get3A_177 : memref<4096xf32, #tpu.memory_space<vmem>>[vector<16xi32>], vector<16xf32>,
    %add3A_178 = arith.constant 176 : i32
    %add3A_179 = vector.broadcast %add3A_178 : i32 to vector<16xi32>
    %add3A_180 = arith.addi %iota3A, %add3A_179 : vector<16xi32>
    %mul3A_181 = arith.constant 16 : i32
    %mul3A_182 = vector.broadcast %mul3A_181 : i32 to vector<16xi32>
    %mul3A_183 = arith.muli %add3A_180, %mul3A_182 : vector<16xi32>
    %add3A_184 = vector.broadcast %min3A_24 : i32 to vector<16xi32>
    %add3A_185 = arith.addi %mul3A_183, %add3A_184 : vector<16xi32>
    tpu.vector_store_idx %arg7[%add3A_185], %gather3A_45 : memref<4096xf32, #tpu.memory_space<vmem>>[vector<16xi32>], vector<16xf32>,
    %get3A_186 = arith.constant 0 : i32
    %get3A_187 = arith.index_cast %get3A_186 : i32 to index
    %get3A_188 = arith.constant 176 : index
    %get3A_189 = tpu.vector_load %arg5[%get3A_187, %get3A_188] {strides = array<i32>} : memref<16x256xf32, #tpu.memory_space<vmem>>, vector<16xf32>,
    tpu.vector_store_idx %arg7[%mul3A_183], %get3A_189 : memref<4096xf32, #tpu.memory_space<vmem>>[vector<16xi32>], vector<16xf32>,
    %add3A_190 = arith.constant 192 : i32
    %add3A_191 = vector.broadcast %add3A_190 : i32 to vector<16xi32>
    %add3A_192 = arith.addi %iota3A, %add3A_191 : vector<16xi32>
    %mul3A_193 = arith.constant 16 : i32
    %mul3A_194 = vector.broadcast %mul3A_193 : i32 to vector<16xi32>
    %mul3A_195 = arith.muli %add3A_192, %mul3A_194 : vector<16xi32>
    %add3A_196 = vector.broadcast %min3A_24 : i32 to vector<16xi32>
    %add3A_197 = arith.addi %mul3A_195, %add3A_196 : vector<16xi32>
    tpu.vector_store_idx %arg7[%add3A_197], %gather3A_45 : memref<4096xf32, #tpu.memory_space<vmem>>[vector<16xi32>], vector<16xf32>,
    %get3A_198 = arith.constant 0 : i32
    %get3A_199 = arith.index_cast %get3A_198 : i32 to index
    %get3A_200 = arith.constant 192 : index
    %get3A_201 = tpu.vector_load %arg5[%get3A_199, %get3A_200] {strides = array<i32>} : memref<16x256xf32, #tpu.memory_space<vmem>>, vector<16xf32>,
    tpu.vector_store_idx %arg7[%mul3A_195], %get3A_201 : memref<4096xf32, #tpu.memory_space<vmem>>[vector<16xi32>], vector<16xf32>,
    %add3A_202 = arith.constant 208 : i32
    %add3A_203 = vector.broadcast %add3A_202 : i32 to vector<16xi32>
    %add3A_204 = arith.addi %iota3A, %add3A_203 : vector<16xi32>
    %mul3A_205 = arith.constant 16 : i32
    %mul3A_206 = vector.broadcast %mul3A_205 : i32 to vector<16xi32>
    %mul3A_207 = arith.muli %add3A_204, %mul3A_206 : vector<16xi32>
    %add3A_208 = vector.broadcast %min3A_24 : i32 to vector<16xi32>
    %add3A_209 = arith.addi %mul3A_207, %add3A_208 : vector<16xi32>
    tpu.vector_store_idx %arg7[%add3A_209], %gather3A_45 : memref<4096xf32, #tpu.memory_space<vmem>>[vector<16xi32>], vector<16xf32>,
    %get3A_210 = arith.constant 0 : i32
    %get3A_211 = arith.index_cast %get3A_210 : i32 to index
    %get3A_212 = arith.constant 208 : index
    %get3A_213 = tpu.vector_load %arg5[%get3A_211, %get3A_212] {strides = array<i32>} : memref<16x256xf32, #tpu.memory_space<vmem>>, vector<16xf32>,
    tpu.vector_store_idx %arg7[%mul3A_207], %get3A_213 : memref<4096xf32, #tpu.memory_space<vmem>>[vector<16xi32>], vector<16xf32>,
    %add3A_214 = arith.constant 224 : i32
    %add3A_215 = vector.broadcast %add3A_214 : i32 to vector<16xi32>
    %add3A_216 = arith.addi %iota3A, %add3A_215 : vector<16xi32>
    %mul3A_217 = arith.constant 16 : i32
    %mul3A_218 = vector.broadcast %mul3A_217 : i32 to vector<16xi32>
    %mul3A_219 = arith.muli %add3A_216, %mul3A_218 : vector<16xi32>
    %add3A_220 = vector.broadcast %min3A_24 : i32 to vector<16xi32>
    %add3A_221 = arith.addi %mul3A_219, %add3A_220 : vector<16xi32>
    tpu.vector_store_idx %arg7[%add3A_221], %gather3A_45 : memref<4096xf32, #tpu.memory_space<vmem>>[vector<16xi32>], vector<16xf32>,
    %get3A_222 = arith.constant 0 : i32
    %get3A_223 = arith.index_cast %get3A_222 : i32 to index
    %get3A_224 = arith.constant 224 : index
    %get3A_225 = tpu.vector_load %arg5[%get3A_223, %get3A_224] {strides = array<i32>} : memref<16x256xf32, #tpu.memory_space<vmem>>, vector<16xf32>,
    tpu.vector_store_idx %arg7[%mul3A_219], %get3A_225 : memref<4096xf32, #tpu.memory_space<vmem>>[vector<16xi32>], vector<16xf32>,
    %add3A_226 = arith.constant 240 : i32
    %add3A_227 = vector.broadcast %add3A_226 : i32 to vector<16xi32>
    %add3A_228 = arith.addi %iota3A, %add3A_227 : vector<16xi32>
    %mul3A_229 = arith.constant 16 : i32
    %mul3A_230 = vector.broadcast %mul3A_229 : i32 to vector<16xi32>
    %mul3A_231 = arith.muli %add3A_228, %mul3A_230 : vector<16xi32>
    %add3A_232 = vector.broadcast %min3A_24 : i32 to vector<16xi32>
    %add3A_233 = arith.addi %mul3A_231, %add3A_232 : vector<16xi32>
    tpu.vector_store_idx %arg7[%add3A_233], %gather3A_45 : memref<4096xf32, #tpu.memory_space<vmem>>[vector<16xi32>], vector<16xf32>,
    %get3A_234 = arith.constant 0 : i32
    %get3A_235 = arith.index_cast %get3A_234 : i32 to index
    %get3A_236 = arith.constant 240 : index
    %get3A_237 = tpu.vector_load %arg5[%get3A_235, %get3A_236] {strides = array<i32>} : memref<16x256xf32, #tpu.memory_space<vmem>>, vector<16xf32>,
    tpu.vector_store_idx %arg7[%mul3A_231], %get3A_237 : memref<4096xf32, #tpu.memory_space<vmem>>[vector<16xi32>], vector<16xf32>,
    %add3A_238 = arith.constant 0 : i32
    %add3A_239 = arith.addi %mul3A_2, %add3A_238 : i32
    %dma_start3A_240 = arith.constant 0 : i32
    %dma_start3A_241 = tpu.memref_slice %arg4[%add3A_239, %dma_start3A_240] : memref<512x4096xf32, #tpu.memory_space<hbm>> -> memref<1x4096xf32, #tpu.memory_space<hbm>>
    %dma_start3A_242 = tpu.memref_squeeze %dma_start3A_241 : memref<1x4096xf32, #tpu.memory_space<hbm>> -> memref<4096xf32, #tpu.memory_space<hbm>>
    %dma_start3A_243 = arith.constant 0 : i32
    %dma_start3A_244 = tpu.memref_slice %arg4[%add3A_239, %dma_start3A_243] : memref<512x4096xf32, #tpu.memory_space<hbm>> -> memref<1x4096xf32, #tpu.memory_space<hbm>>
    %dma_start3A_245 = tpu.memref_squeeze %dma_start3A_244 : memref<1x4096xf32, #tpu.memory_space<hbm>> -> memref<4096xf32, #tpu.memory_space<hbm>>
    tpu.enqueue_dma source(%arg7 : memref<4096xf32, #tpu.memory_space<vmem>>) target(%dma_start3A_245 : memref<4096xf32, #tpu.memory_space<hbm>>) target_semaphore(%arg10 : memref<!tpu.dma_semaphore, #tpu.memory_space<semaphore_mem>>)
    %get3A_246 = arith.constant 1 : i32
    %get3A_247 = arith.index_cast %get3A_246 : i32 to index
    %get3A_248 = arith.constant 0 : index
    %get3A_249 = tpu.vector_load %arg6[%get3A_247, %get3A_248] {strides = array<i32>} : memref<16x16xf32, #tpu.memory_space<vmem>>, vector<16xf32>,
    %broadcast_in_dim3A_250 = vector.shape_cast %broadcast_in_dim3A_40 : vector<16xi32> to vector<16x1xi32>
    %gather3A_251 = vector.shape_cast %broadcast_in_dim3A_250 : vector<16x1xi32> to vector<16xi32>
    %gather3A_252 = tpu.dynamic_gather %get3A_249[%gather3A_251] in [0] : vector<16xf32>, vector<16xi32> -> vector<16xf32>
    %add3A_253 = arith.constant 0 : i32
    %add3A_254 = vector.broadcast %add3A_253 : i32 to vector<16xi32>
    %add3A_255 = arith.addi %iota3A, %add3A_254 : vector<16xi32>
    %mul3A_256 = arith.constant 16 : i32
    %mul3A_257 = vector.broadcast %mul3A_256 : i32 to vector<16xi32>
    %mul3A_258 = arith.muli %add3A_255, %mul3A_257 : vector<16xi32>
    %add3A_259 = vector.broadcast %min3A_24 : i32 to vector<16xi32>
    %add3A_260 = arith.addi %mul3A_258, %add3A_259 : vector<16xi32>
    tpu.vector_store_idx %arg8[%add3A_260], %gather3A_252 : memref<4096xf32, #tpu.memory_space<vmem>>[vector<16xi32>], vector<16xf32>,
    %get3A_261 = arith.constant 1 : i32
    %get3A_262 = arith.index_cast %get3A_261 : i32 to index
    %get3A_263 = arith.constant 0 : index
    %get3A_264 = tpu.vector_load %arg5[%get3A_262, %get3A_263] {strides = array<i32>} : memref<16x256xf32, #tpu.memory_space<vmem>>, vector<16xf32>,
    tpu.vector_store_idx %arg8[%mul3A_258], %get3A_264 : memref<4096xf32, #tpu.memory_space<vmem>>[vector<16xi32>], vector<16xf32>,
    %add3A_265 = arith.constant 16 : i32
    %add3A_266 = vector.broadcast %add3A_265 : i32 to vector<16xi32>
    %add3A_267 = arith.addi %iota3A, %add3A_266 : vector<16xi32>
    %mul3A_268 = arith.constant 16 : i32
    %mul3A_269 = vector.broadcast %mul3A_268 : i32 to vector<16xi32>
    %mul3A_270 = arith.muli %add3A_267, %mul3A_269 : vector<16xi32>
    %add3A_271 = vector.broadcast %min3A_24 : i32 to vector<16xi32>
    %add3A_272 = arith.addi %mul3A_270, %add3A_271 : vector<16xi32>
    tpu.vector_store_idx %arg8[%add3A_272], %gather3A_252 : memref<4096xf32, #tpu.memory_space<vmem>>[vector<16xi32>], vector<16xf32>,
    %get3A_273 = arith.constant 1 : i32
    %get3A_274 = arith.index_cast %get3A_273 : i32 to index
    %get3A_275 = arith.constant 16 : index
    %get3A_276 = tpu.vector_load %arg5[%get3A_274, %get3A_275] {strides = array<i32>} : memref<16x256xf32, #tpu.memory_space<vmem>>, vector<16xf32>,
    tpu.vector_store_idx %arg8[%mul3A_270], %get3A_276 : memref<4096xf32, #tpu.memory_space<vmem>>[vector<16xi32>], vector<16xf32>,
    %add3A_277 = arith.constant 32 : i32
    %add3A_278 = vector.broadcast %add3A_277 : i32 to vector<16xi32>
    %add3A_279 = arith.addi %iota3A, %add3A_278 : vector<16xi32>
    %mul3A_280 = arith.constant 16 : i32
    %mul3A_281 = vector.broadcast %mul3A_280 : i32 to vector<16xi32>
    %mul3A_282 = arith.muli %add3A_279, %mul3A_281 : vector<16xi32>
    %add3A_283 = vector.broadcast %min3A_24 : i32 to vector<16xi32>
    %add3A_284 = arith.addi %mul3A_282, %add3A_283 : vector<16xi32>
    tpu.vector_store_idx %arg8[%add3A_284], %gather3A_252 : memref<4096xf32, #tpu.memory_space<vmem>>[vector<16xi32>], vector<16xf32>,
    %get3A_285 = arith.constant 1 : i32
    %get3A_286 = arith.index_cast %get3A_285 : i32 to index
    %get3A_287 = arith.constant 32 : index
    %get3A_288 = tpu.vector_load %arg5[%get3A_286, %get3A_287] {strides = array<i32>} : memref<16x256xf32, #tpu.memory_space<vmem>>, vector<16xf32>,
    tpu.vector_store_idx %arg8[%mul3A_282], %get3A_288 : memref<4096xf32, #tpu.memory_space<vmem>>[vector<16xi32>], vector<16xf32>,
    %add3A_289 = arith.constant 48 : i32
    %add3A_290 = vector.broadcast %add3A_289 : i32 to vector<16xi32>
    %add3A_291 = arith.addi %iota3A, %add3A_290 : vector<16xi32>
    %mul3A_292 = arith.constant 16 : i32
    %mul3A_293 = vector.broadcast %mul3A_292 : i32 to vector<16xi32>
    %mul3A_294 = arith.muli %add3A_291, %mul3A_293 : vector<16xi32>
    %add3A_295 = vector.broadcast %min3A_24 : i32 to vector<16xi32>
    %add3A_296 = arith.addi %mul3A_294, %add3A_295 : vector<16xi32>
    tpu.vector_store_idx %arg8[%add3A_296], %gather3A_252 : memref<4096xf32, #tpu.memory_space<vmem>>[vector<16xi32>], vector<16xf32>,
    %get3A_297 = arith.constant 1 : i32
    %get3A_298 = arith.index_cast %get3A_297 : i32 to index
    %get3A_299 = arith.constant 48 : index
    %get3A_300 = tpu.vector_load %arg5[%get3A_298, %get3A_299] {strides = array<i32>} : memref<16x256xf32, #tpu.memory_space<vmem>>, vector<16xf32>,
    tpu.vector_store_idx %arg8[%mul3A_294], %get3A_300 : memref<4096xf32, #tpu.memory_space<vmem>>[vector<16xi32>], vector<16xf32>,
    %add3A_301 = arith.constant 64 : i32
    %add3A_302 = vector.broadcast %add3A_301 : i32 to vector<16xi32>
    %add3A_303 = arith.addi %iota3A, %add3A_302 : vector<16xi32>
    %mul3A_304 = arith.constant 16 : i32
    %mul3A_305 = vector.broadcast %mul3A_304 : i32 to vector<16xi32>
    %mul3A_306 = arith.muli %add3A_303, %mul3A_305 : vector<16xi32>
    %add3A_307 = vector.broadcast %min3A_24 : i32 to vector<16xi32>
    %add3A_308 = arith.addi %mul3A_306, %add3A_307 : vector<16xi32>
    tpu.vector_store_idx %arg8[%add3A_308], %gather3A_252 : memref<4096xf32, #tpu.memory_space<vmem>>[vector<16xi32>], vector<16xf32>,
    %get3A_309 = arith.constant 1 : i32
    %get3A_310 = arith.index_cast %get3A_309 : i32 to index
    %get3A_311 = arith.constant 64 : index
    %get3A_312 = tpu.vector_load %arg5[%get3A_310, %get3A_311] {strides = array<i32>} : memref<16x256xf32, #tpu.memory_space<vmem>>, vector<16xf32>,
    tpu.vector_store_idx %arg8[%mul3A_306], %get3A_312 : memref<4096xf32, #tpu.memory_space<vmem>>[vector<16xi32>], vector<16xf32>,
    %add3A_313 = arith.constant 80 : i32
    %add3A_314 = vector.broadcast %add3A_313 : i32 to vector<16xi32>
    %add3A_315 = arith.addi %iota3A, %add3A_314 : vector<16xi32>
    %mul3A_316 = arith.constant 16 : i32
    %mul3A_317 = vector.broadcast %mul3A_316 : i32 to vector<16xi32>
    %mul3A_318 = arith.muli %add3A_315, %mul3A_317 : vector<16xi32>
    %add3A_319 = vector.broadcast %min3A_24 : i32 to vector<16xi32>
    %add3A_320 = arith.addi %mul3A_318, %add3A_319 : vector<16xi32>
    tpu.vector_store_idx %arg8[%add3A_320], %gather3A_252 : memref<4096xf32, #tpu.memory_space<vmem>>[vector<16xi32>], vector<16xf32>,
    %get3A_321 = arith.constant 1 : i32
    %get3A_322 = arith.index_cast %get3A_321 : i32 to index
    %get3A_323 = arith.constant 80 : index
    %get3A_324 = tpu.vector_load %arg5[%get3A_322, %get3A_323] {strides = array<i32>} : memref<16x256xf32, #tpu.memory_space<vmem>>, vector<16xf32>,
    tpu.vector_store_idx %arg8[%mul3A_318], %get3A_324 : memref<4096xf32, #tpu.memory_space<vmem>>[vector<16xi32>], vector<16xf32>,
    %add3A_325 = arith.constant 96 : i32
    %add3A_326 = vector.broadcast %add3A_325 : i32 to vector<16xi32>
    %add3A_327 = arith.addi %iota3A, %add3A_326 : vector<16xi32>
    %mul3A_328 = arith.constant 16 : i32
    %mul3A_329 = vector.broadcast %mul3A_328 : i32 to vector<16xi32>
    %mul3A_330 = arith.muli %add3A_327, %mul3A_329 : vector<16xi32>
    %add3A_331 = vector.broadcast %min3A_24 : i32 to vector<16xi32>
    %add3A_332 = arith.addi %mul3A_330, %add3A_331 : vector<16xi32>
    tpu.vector_store_idx %arg8[%add3A_332], %gather3A_252 : memref<4096xf32, #tpu.memory_space<vmem>>[vector<16xi32>], vector<16xf32>,
    %get3A_333 = arith.constant 1 : i32
    %get3A_334 = arith.index_cast %get3A_333 : i32 to index
    %get3A_335 = arith.constant 96 : index
    %get3A_336 = tpu.vector_load %arg5[%get3A_334, %get3A_335] {strides = array<i32>} : memref<16x256xf32, #tpu.memory_space<vmem>>, vector<16xf32>,
    tpu.vector_store_idx %arg8[%mul3A_330], %get3A_336 : memref<4096xf32, #tpu.memory_space<vmem>>[vector<16xi32>], vector<16xf32>,
    %add3A_337 = arith.constant 112 : i32
    %add3A_338 = vector.broadcast %add3A_337 : i32 to vector<16xi32>
    %add3A_339 = arith.addi %iota3A, %add3A_338 : vector<16xi32>
    %mul3A_340 = arith.constant 16 : i32
    %mul3A_341 = vector.broadcast %mul3A_340 : i32 to vector<16xi32>
    %mul3A_342 = arith.muli %add3A_339, %mul3A_341 : vector<16xi32>
    %add3A_343 = vector.broadcast %min3A_24 : i32 to vector<16xi32>
    %add3A_344 = arith.addi %mul3A_342, %add3A_343 : vector<16xi32>
    tpu.vector_store_idx %arg8[%add3A_344], %gather3A_252 : memref<4096xf32, #tpu.memory_space<vmem>>[vector<16xi32>], vector<16xf32>,
    %get3A_345 = arith.constant 1 : i32
    %get3A_346 = arith.index_cast %get3A_345 : i32 to index
    %get3A_347 = arith.constant 112 : index
    %get3A_348 = tpu.vector_load %arg5[%get3A_346, %get3A_347] {strides = array<i32>} : memref<16x256xf32, #tpu.memory_space<vmem>>, vector<16xf32>,
    tpu.vector_store_idx %arg8[%mul3A_342], %get3A_348 : memref<4096xf32, #tpu.memory_space<vmem>>[vector<16xi32>], vector<16xf32>,
    %add3A_349 = arith.constant 128 : i32
    %add3A_350 = vector.broadcast %add3A_349 : i32 to vector<16xi32>
    %add3A_351 = arith.addi %iota3A, %add3A_350 : vector<16xi32>
    %mul3A_352 = arith.constant 16 : i32
    %mul3A_353 = vector.broadcast %mul3A_352 : i32 to vector<16xi32>
    %mul3A_354 = arith.muli %add3A_351, %mul3A_353 : vector<16xi32>
    %add3A_355 = vector.broadcast %min3A_24 : i32 to vector<16xi32>
    %add3A_356 = arith.addi %mul3A_354, %add3A_355 : vector<16xi32>
    tpu.vector_store_idx %arg8[%add3A_356], %gather3A_252 : memref<4096xf32, #tpu.memory_space<vmem>>[vector<16xi32>], vector<16xf32>,
    %get3A_357 = arith.constant 1 : i32
    %get3A_358 = arith.index_cast %get3A_357 : i32 to index
    %get3A_359 = arith.constant 128 : index
    %get3A_360 = tpu.vector_load %arg5[%get3A_358, %get3A_359] {strides = array<i32>} : memref<16x256xf32, #tpu.memory_space<vmem>>, vector<16xf32>,
    tpu.vector_store_idx %arg8[%mul3A_354], %get3A_360 : memref<4096xf32, #tpu.memory_space<vmem>>[vector<16xi32>], vector<16xf32>,
    %add3A_361 = arith.constant 144 : i32
    %add3A_362 = vector.broadcast %add3A_361 : i32 to vector<16xi32>
    %add3A_363 = arith.addi %iota3A, %add3A_362 : vector<16xi32>
    %mul3A_364 = arith.constant 16 : i32
    %mul3A_365 = vector.broadcast %mul3A_364 : i32 to vector<16xi32>
    %mul3A_366 = arith.muli %add3A_363, %mul3A_365 : vector<16xi32>
    %add3A_367 = vector.broadcast %min3A_24 : i32 to vector<16xi32>
    %add3A_368 = arith.addi %mul3A_366, %add3A_367 : vector<16xi32>
    tpu.vector_store_idx %arg8[%add3A_368], %gather3A_252 : memref<4096xf32, #tpu.memory_space<vmem>>[vector<16xi32>], vector<16xf32>,
    %get3A_369 = arith.constant 1 : i32
    %get3A_370 = arith.index_cast %get3A_369 : i32 to index
    %get3A_371 = arith.constant 144 : index
    %get3A_372 = tpu.vector_load %arg5[%get3A_370, %get3A_371] {strides = array<i32>} : memref<16x256xf32, #tpu.memory_space<vmem>>, vector<16xf32>,
    tpu.vector_store_idx %arg8[%mul3A_366], %get3A_372 : memref<4096xf32, #tpu.memory_space<vmem>>[vector<16xi32>], vector<16xf32>,
    %add3A_373 = arith.constant 160 : i32
    %add3A_374 = vector.broadcast %add3A_373 : i32 to vector<16xi32>
    %add3A_375 = arith.addi %iota3A, %add3A_374 : vector<16xi32>
    %mul3A_376 = arith.constant 16 : i32
    %mul3A_377 = vector.broadcast %mul3A_376 : i32 to vector<16xi32>
    %mul3A_378 = arith.muli %add3A_375, %mul3A_377 : vector<16xi32>
    %add3A_379 = vector.broadcast %min3A_24 : i32 to vector<16xi32>
    %add3A_380 = arith.addi %mul3A_378, %add3A_379 : vector<16xi32>
    tpu.vector_store_idx %arg8[%add3A_380], %gather3A_252 : memref<4096xf32, #tpu.memory_space<vmem>>[vector<16xi32>], vector<16xf32>,
    %get3A_381 = arith.constant 1 : i32
    %get3A_382 = arith.index_cast %get3A_381 : i32 to index
    %get3A_383 = arith.constant 160 : index
    %get3A_384 = tpu.vector_load %arg5[%get3A_382, %get3A_383] {strides = array<i32>} : memref<16x256xf32, #tpu.memory_space<vmem>>, vector<16xf32>,
    tpu.vector_store_idx %arg8[%mul3A_378], %get3A_384 : memref<4096xf32, #tpu.memory_space<vmem>>[vector<16xi32>], vector<16xf32>,
    %add3A_385 = arith.constant 176 : i32
    %add3A_386 = vector.broadcast %add3A_385 : i32 to vector<16xi32>
    %add3A_387 = arith.addi %iota3A, %add3A_386 : vector<16xi32>
    %mul3A_388 = arith.constant 16 : i32
    %mul3A_389 = vector.broadcast %mul3A_388 : i32 to vector<16xi32>
    %mul3A_390 = arith.muli %add3A_387, %mul3A_389 : vector<16xi32>
    %add3A_391 = vector.broadcast %min3A_24 : i32 to vector<16xi32>
    %add3A_392 = arith.addi %mul3A_390, %add3A_391 : vector<16xi32>
    tpu.vector_store_idx %arg8[%add3A_392], %gather3A_252 : memref<4096xf32, #tpu.memory_space<vmem>>[vector<16xi32>], vector<16xf32>,
    %get3A_393 = arith.constant 1 : i32
    %get3A_394 = arith.index_cast %get3A_393 : i32 to index
    %get3A_395 = arith.constant 176 : index
    %get3A_396 = tpu.vector_load %arg5[%get3A_394, %get3A_395] {strides = array<i32>} : memref<16x256xf32, #tpu.memory_space<vmem>>, vector<16xf32>,
    tpu.vector_store_idx %arg8[%mul3A_390], %get3A_396 : memref<4096xf32, #tpu.memory_space<vmem>>[vector<16xi32>], vector<16xf32>,
    %add3A_397 = arith.constant 192 : i32
    %add3A_398 = vector.broadcast %add3A_397 : i32 to vector<16xi32>
    %add3A_399 = arith.addi %iota3A, %add3A_398 : vector<16xi32>
    %mul3A_400 = arith.constant 16 : i32
    %mul3A_401 = vector.broadcast %mul3A_400 : i32 to vector<16xi32>
    %mul3A_402 = arith.muli %add3A_399, %mul3A_401 : vector<16xi32>
    %add3A_403 = vector.broadcast %min3A_24 : i32 to vector<16xi32>
    %add3A_404 = arith.addi %mul3A_402, %add3A_403 : vector<16xi32>
    tpu.vector_store_idx %arg8[%add3A_404], %gather3A_252 : memref<4096xf32, #tpu.memory_space<vmem>>[vector<16xi32>], vector<16xf32>,
    %get3A_405 = arith.constant 1 : i32
    %get3A_406 = arith.index_cast %get3A_405 : i32 to index
    %get3A_407 = arith.constant 192 : index
    %get3A_408 = tpu.vector_load %arg5[%get3A_406, %get3A_407] {strides = array<i32>} : memref<16x256xf32, #tpu.memory_space<vmem>>, vector<16xf32>,
    tpu.vector_store_idx %arg8[%mul3A_402], %get3A_408 : memref<4096xf32, #tpu.memory_space<vmem>>[vector<16xi32>], vector<16xf32>,
    %add3A_409 = arith.constant 208 : i32
    %add3A_410 = vector.broadcast %add3A_409 : i32 to vector<16xi32>
    %add3A_411 = arith.addi %iota3A, %add3A_410 : vector<16xi32>
    %mul3A_412 = arith.constant 16 : i32
    %mul3A_413 = vector.broadcast %mul3A_412 : i32 to vector<16xi32>
    %mul3A_414 = arith.muli %add3A_411, %mul3A_413 : vector<16xi32>
    %add3A_415 = vector.broadcast %min3A_24 : i32 to vector<16xi32>
    %add3A_416 = arith.addi %mul3A_414, %add3A_415 : vector<16xi32>
    tpu.vector_store_idx %arg8[%add3A_416], %gather3A_252 : memref<4096xf32, #tpu.memory_space<vmem>>[vector<16xi32>], vector<16xf32>,
    %get3A_417 = arith.constant 1 : i32
    %get3A_418 = arith.index_cast %get3A_417 : i32 to index
    %get3A_419 = arith.constant 208 : index
    %get3A_420 = tpu.vector_load %arg5[%get3A_418, %get3A_419] {strides = array<i32>} : memref<16x256xf32, #tpu.memory_space<vmem>>, vector<16xf32>,
    tpu.vector_store_idx %arg8[%mul3A_414], %get3A_420 : memref<4096xf32, #tpu.memory_space<vmem>>[vector<16xi32>], vector<16xf32>,
    %add3A_421 = arith.constant 224 : i32
    %add3A_422 = vector.broadcast %add3A_421 : i32 to vector<16xi32>
    %add3A_423 = arith.addi %iota3A, %add3A_422 : vector<16xi32>
    %mul3A_424 = arith.constant 16 : i32
    %mul3A_425 = vector.broadcast %mul3A_424 : i32 to vector<16xi32>
    %mul3A_426 = arith.muli %add3A_423, %mul3A_425 : vector<16xi32>
    %add3A_427 = vector.broadcast %min3A_24 : i32 to vector<16xi32>
    %add3A_428 = arith.addi %mul3A_426, %add3A_427 : vector<16xi32>
    tpu.vector_store_idx %arg8[%add3A_428], %gather3A_252 : memref<4096xf32, #tpu.memory_space<vmem>>[vector<16xi32>], vector<16xf32>,
    %get3A_429 = arith.constant 1 : i32
    %get3A_430 = arith.index_cast %get3A_429 : i32 to index
    %get3A_431 = arith.constant 224 : index
    %get3A_432 = tpu.vector_load %arg5[%get3A_430, %get3A_431] {strides = array<i32>} : memref<16x256xf32, #tpu.memory_space<vmem>>, vector<16xf32>,
    tpu.vector_store_idx %arg8[%mul3A_426], %get3A_432 : memref<4096xf32, #tpu.memory_space<vmem>>[vector<16xi32>], vector<16xf32>,
    %add3A_433 = arith.constant 240 : i32
    %add3A_434 = vector.broadcast %add3A_433 : i32 to vector<16xi32>
    %add3A_435 = arith.addi %iota3A, %add3A_434 : vector<16xi32>
    %mul3A_436 = arith.constant 16 : i32
    %mul3A_437 = vector.broadcast %mul3A_436 : i32 to vector<16xi32>
    %mul3A_438 = arith.muli %add3A_435, %mul3A_437 : vector<16xi32>
    %add3A_439 = vector.broadcast %min3A_24 : i32 to vector<16xi32>
    %add3A_440 = arith.addi %mul3A_438, %add3A_439 : vector<16xi32>
    tpu.vector_store_idx %arg8[%add3A_440], %gather3A_252 : memref<4096xf32, #tpu.memory_space<vmem>>[vector<16xi32>], vector<16xf32>,
    %get3A_441 = arith.constant 1 : i32
    %get3A_442 = arith.index_cast %get3A_441 : i32 to index
    %get3A_443 = arith.constant 240 : index
    %get3A_444 = tpu.vector_load %arg5[%get3A_442, %get3A_443] {strides = array<i32>} : memref<16x256xf32, #tpu.memory_space<vmem>>, vector<16xf32>,
    tpu.vector_store_idx %arg8[%mul3A_438], %get3A_444 : memref<4096xf32, #tpu.memory_space<vmem>>[vector<16xi32>], vector<16xf32>,
    %add3A_445 = arith.constant 1 : i32
    %add3A_446 = arith.addi %mul3A_2, %add3A_445 : i32
    %dma_start3A_447 = arith.constant 0 : i32
    %dma_start3A_448 = tpu.memref_slice %arg4[%add3A_446, %dma_start3A_447] : memref<512x4096xf32, #tpu.memory_space<hbm>> -> memref<1x4096xf32, #tpu.memory_space<hbm>>
    %dma_start3A_449 = tpu.memref_squeeze %dma_start3A_448 : memref<1x4096xf32, #tpu.memory_space<hbm>> -> memref<4096xf32, #tpu.memory_space<hbm>>
    %dma_start3A_450 = arith.constant 0 : i32
    %dma_start3A_451 = tpu.memref_slice %arg4[%add3A_446, %dma_start3A_450] : memref<512x4096xf32, #tpu.memory_space<hbm>> -> memref<1x4096xf32, #tpu.memory_space<hbm>>
    %dma_start3A_452 = tpu.memref_squeeze %dma_start3A_451 : memref<1x4096xf32, #tpu.memory_space<hbm>> -> memref<4096xf32, #tpu.memory_space<hbm>>
    tpu.enqueue_dma source(%arg8 : memref<4096xf32, #tpu.memory_space<vmem>>) target(%dma_start3A_452 : memref<4096xf32, #tpu.memory_space<hbm>>) target_semaphore(%arg11 : memref<!tpu.dma_semaphore, #tpu.memory_space<semaphore_mem>>)
    %dma_wait3A_453 = arith.constant 0 : i32
    %dma_wait3A_454 = tpu.memref_slice %arg4[%add3A_239, %dma_wait3A_453] : memref<512x4096xf32, #tpu.memory_space<hbm>> -> memref<1x4096xf32, #tpu.memory_space<hbm>>
    %dma_wait3A_455 = tpu.memref_squeeze %dma_wait3A_454 : memref<1x4096xf32, #tpu.memory_space<hbm>> -> memref<4096xf32, #tpu.memory_space<hbm>>
    %dma_wait3A_456 = arith.constant 0 : i32
    %dma_wait3A_457 = tpu.memref_slice %arg4[%add3A_239, %dma_wait3A_456] : memref<512x4096xf32, #tpu.memory_space<hbm>> -> memref<1x4096xf32, #tpu.memory_space<hbm>>
    %dma_wait3A_458 = tpu.memref_squeeze %dma_wait3A_457 : memref<1x4096xf32, #tpu.memory_space<hbm>> -> memref<4096xf32, #tpu.memory_space<hbm>>
    tpu.wait_dma2 semaphore(%arg10 : memref<!tpu.dma_semaphore, #tpu.memory_space<semaphore_mem>>) src(%arg7 : memref<4096xf32, #tpu.memory_space<vmem>>) dst(%dma_wait3A_458 : memref<4096xf32, #tpu.memory_space<hbm>>)
    %get3A_459 = arith.constant 2 : i32
    %get3A_460 = arith.index_cast %get3A_459 : i32 to index
    %get3A_461 = arith.constant 0 : index
    %get3A_462 = tpu.vector_load %arg6[%get3A_460, %get3A_461] {strides = array<i32>} : memref<16x16xf32, #tpu.memory_space<vmem>>, vector<16xf32>,
    %broadcast_in_dim3A_463 = vector.shape_cast %broadcast_in_dim3A_40 : vector<16xi32> to vector<16x1xi32>
    %gather3A_464 = vector.shape_cast %broadcast_in_dim3A_463 : vector<16x1xi32> to vector<16xi32>
    %gather3A_465 = tpu.dynamic_gather %get3A_462[%gather3A_464] in [0] : vector<16xf32>, vector<16xi32> -> vector<16xf32>
    %add3A_466 = arith.constant 0 : i32
    %add3A_467 = vector.broadcast %add3A_466 : i32 to vector<16xi32>
    %add3A_468 = arith.addi %iota3A, %add3A_467 : vector<16xi32>
    %mul3A_469 = arith.constant 16 : i32
    %mul3A_470 = vector.broadcast %mul3A_469 : i32 to vector<16xi32>
    %mul3A_471 = arith.muli %add3A_468, %mul3A_470 : vector<16xi32>
    %add3A_472 = vector.broadcast %min3A_24 : i32 to vector<16xi32>
    %add3A_473 = arith.addi %mul3A_471, %add3A_472 : vector<16xi32>
    tpu.vector_store_idx %arg7[%add3A_473], %gather3A_465 : memref<4096xf32, #tpu.memory_space<vmem>>[vector<16xi32>], vector<16xf32>,
    %get3A_474 = arith.constant 2 : i32
    %get3A_475 = arith.index_cast %get3A_474 : i32 to index
    %get3A_476 = arith.constant 0 : index
    %get3A_477 = tpu.vector_load %arg5[%get3A_475, %get3A_476] {strides = array<i32>} : memref<16x256xf32, #tpu.memory_space<vmem>>, vector<16xf32>,
    tpu.vector_store_idx %arg7[%mul3A_471], %get3A_477 : memref<4096xf32, #tpu.memory_space<vmem>>[vector<16xi32>], vector<16xf32>,
    %add3A_478 = arith.constant 16 : i32
    %add3A_479 = vector.broadcast %add3A_478 : i32 to vector<16xi32>
    %add3A_480 = arith.addi %iota3A, %add3A_479 : vector<16xi32>
    %mul3A_481 = arith.constant 16 : i32
    %mul3A_482 = vector.broadcast %mul3A_481 : i32 to vector<16xi32>
    %mul3A_483 = arith.muli %add3A_480, %mul3A_482 : vector<16xi32>
    %add3A_484 = vector.broadcast %min3A_24 : i32 to vector<16xi32>
    %add3A_485 = arith.addi %mul3A_483, %add3A_484 : vector<16xi32>
    tpu.vector_store_idx %arg7[%add3A_485], %gather3A_465 : memref<4096xf32, #tpu.memory_space<vmem>>[vector<16xi32>], vector<16xf32>,
    %get3A_486 = arith.constant 2 : i32
    %get3A_487 = arith.index_cast %get3A_486 : i32 to index
    %get3A_488 = arith.constant 16 : index
    %get3A_489 = tpu.vector_load %arg5[%get3A_487, %get3A_488] {strides = array<i32>} : memref<16x256xf32, #tpu.memory_space<vmem>>, vector<16xf32>,
    tpu.vector_store_idx %arg7[%mul3A_483], %get3A_489 : memref<4096xf32, #tpu.memory_space<vmem>>[vector<16xi32>], vector<16xf32>,
    %add3A_490 = arith.constant 32 : i32
    %add3A_491 = vector.broadcast %add3A_490 : i32 to vector<16xi32>
    %add3A_492 = arith.addi %iota3A, %add3A_491 : vector<16xi32>
    %mul3A_493 = arith.constant 16 : i32
    %mul3A_494 = vector.broadcast %mul3A_493 : i32 to vector<16xi32>
    %mul3A_495 = arith.muli %add3A_492, %mul3A_494 : vector<16xi32>
    %add3A_496 = vector.broadcast %min3A_24 : i32 to vector<16xi32>
    %add3A_497 = arith.addi %mul3A_495, %add3A_496 : vector<16xi32>
    tpu.vector_store_idx %arg7[%add3A_497], %gather3A_465 : memref<4096xf32, #tpu.memory_space<vmem>>[vector<16xi32>], vector<16xf32>,
    %get3A_498 = arith.constant 2 : i32
    %get3A_499 = arith.index_cast %get3A_498 : i32 to index
    %get3A_500 = arith.constant 32 : index
    %get3A_501 = tpu.vector_load %arg5[%get3A_499, %get3A_500] {strides = array<i32>} : memref<16x256xf32, #tpu.memory_space<vmem>>, vector<16xf32>,
    tpu.vector_store_idx %arg7[%mul3A_495], %get3A_501 : memref<4096xf32, #tpu.memory_space<vmem>>[vector<16xi32>], vector<16xf32>,
    %add3A_502 = arith.constant 48 : i32
    %add3A_503 = vector.broadcast %add3A_502 : i32 to vector<16xi32>
    %add3A_504 = arith.addi %iota3A, %add3A_503 : vector<16xi32>
    %mul3A_505 = arith.constant 16 : i32
    %mul3A_506 = vector.broadcast %mul3A_505 : i32 to vector<16xi32>
    %mul3A_507 = arith.muli %add3A_504, %mul3A_506 : vector<16xi32>
    %add3A_508 = vector.broadcast %min3A_24 : i32 to vector<16xi32>
    %add3A_509 = arith.addi %mul3A_507, %add3A_508 : vector<16xi32>
    tpu.vector_store_idx %arg7[%add3A_509], %gather3A_465 : memref<4096xf32, #tpu.memory_space<vmem>>[vector<16xi32>], vector<16xf32>,
    %get3A_510 = arith.constant 2 : i32
    %get3A_511 = arith.index_cast %get3A_510 : i32 to index
    %get3A_512 = arith.constant 48 : index
    %get3A_513 = tpu.vector_load %arg5[%get3A_511, %get3A_512] {strides = array<i32>} : memref<16x256xf32, #tpu.memory_space<vmem>>, vector<16xf32>,
    tpu.vector_store_idx %arg7[%mul3A_507], %get3A_513 : memref<4096xf32, #tpu.memory_space<vmem>>[vector<16xi32>], vector<16xf32>,
    %add3A_514 = arith.constant 64 : i32
    %add3A_515 = vector.broadcast %add3A_514 : i32 to vector<16xi32>
    %add3A_516 = arith.addi %iota3A, %add3A_515 : vector<16xi32>
    %mul3A_517 = arith.constant 16 : i32
    %mul3A_518 = vector.broadcast %mul3A_517 : i32 to vector<16xi32>
    %mul3A_519 = arith.muli %add3A_516, %mul3A_518 : vector<16xi32>
    %add3A_520 = vector.broadcast %min3A_24 : i32 to vector<16xi32>
    %add3A_521 = arith.addi %mul3A_519, %add3A_520 : vector<16xi32>
    tpu.vector_store_idx %arg7[%add3A_521], %gather3A_465 : memref<4096xf32, #tpu.memory_space<vmem>>[vector<16xi32>], vector<16xf32>,
    %get3A_522 = arith.constant 2 : i32
    %get3A_523 = arith.index_cast %get3A_522 : i32 to index
    %get3A_524 = arith.constant 64 : index
    %get3A_525 = tpu.vector_load %arg5[%get3A_523, %get3A_524] {strides = array<i32>} : memref<16x256xf32, #tpu.memory_space<vmem>>, vector<16xf32>,
    tpu.vector_store_idx %arg7[%mul3A_519], %get3A_525 : memref<4096xf32, #tpu.memory_space<vmem>>[vector<16xi32>], vector<16xf32>,
    %add3A_526 = arith.constant 80 : i32
    %add3A_527 = vector.broadcast %add3A_526 : i32 to vector<16xi32>
    %add3A_528 = arith.addi %iota3A, %add3A_527 : vector<16xi32>
    %mul3A_529 = arith.constant 16 : i32
    %mul3A_530 = vector.broadcast %mul3A_529 : i32 to vector<16xi32>
    %mul3A_531 = arith.muli %add3A_528, %mul3A_530 : vector<16xi32>
    %add3A_532 = vector.broadcast %min3A_24 : i32 to vector<16xi32>
    %add3A_533 = arith.addi %mul3A_531, %add3A_532 : vector<16xi32>
    tpu.vector_store_idx %arg7[%add3A_533], %gather3A_465 : memref<4096xf32, #tpu.memory_space<vmem>>[vector<16xi32>], vector<16xf32>,
    %get3A_534 = arith.constant 2 : i32
    %get3A_535 = arith.index_cast %get3A_534 : i32 to index
    %get3A_536 = arith.constant 80 : index
    %get3A_537 = tpu.vector_load %arg5[%get3A_535, %get3A_536] {strides = array<i32>} : memref<16x256xf32, #tpu.memory_space<vmem>>, vector<16xf32>,
    tpu.vector_store_idx %arg7[%mul3A_531], %get3A_537 : memref<4096xf32, #tpu.memory_space<vmem>>[vector<16xi32>], vector<16xf32>,
    %add3A_538 = arith.constant 96 : i32
    %add3A_539 = vector.broadcast %add3A_538 : i32 to vector<16xi32>
    %add3A_540 = arith.addi %iota3A, %add3A_539 : vector<16xi32>
    %mul3A_541 = arith.constant 16 : i32
    %mul3A_542 = vector.broadcast %mul3A_541 : i32 to vector<16xi32>
    %mul3A_543 = arith.muli %add3A_540, %mul3A_542 : vector<16xi32>
    %add3A_544 = vector.broadcast %min3A_24 : i32 to vector<16xi32>
    %add3A_545 = arith.addi %mul3A_543, %add3A_544 : vector<16xi32>
    tpu.vector_store_idx %arg7[%add3A_545], %gather3A_465 : memref<4096xf32, #tpu.memory_space<vmem>>[vector<16xi32>], vector<16xf32>,
    %get3A_546 = arith.constant 2 : i32
    %get3A_547 = arith.index_cast %get3A_546 : i32 to index
    %get3A_548 = arith.constant 96 : index
    %get3A_549 = tpu.vector_load %arg5[%get3A_547, %get3A_548] {strides = array<i32>} : memref<16x256xf32, #tpu.memory_space<vmem>>, vector<16xf32>,
    tpu.vector_store_idx %arg7[%mul3A_543], %get3A_549 : memref<4096xf32, #tpu.memory_space<vmem>>[vector<16xi32>], vector<16xf32>,
    %add3A_550 = arith.constant 112 : i32
    %add3A_551 = vector.broadcast %add3A_550 : i32 to vector<16xi32>
    %add3A_552 = arith.addi %iota3A, %add3A_551 : vector<16xi32>
    %mul3A_553 = arith.constant 16 : i32
    %mul3A_554 = vector.broadcast %mul3A_553 : i32 to vector<16xi32>
    %mul3A_555 = arith.muli %add3A_552, %mul3A_554 : vector<16xi32>
    %add3A_556 = vector.broadcast %min3A_24 : i32 to vector<16xi32>
    %add3A_557 = arith.addi %mul3A_555, %add3A_556 : vector<16xi32>
    tpu.vector_store_idx %arg7[%add3A_557], %gather3A_465 : memref<4096xf32, #tpu.memory_space<vmem>>[vector<16xi32>], vector<16xf32>,
    %get3A_558 = arith.constant 2 : i32
    %get3A_559 = arith.index_cast %get3A_558 : i32 to index
    %get3A_560 = arith.constant 112 : index
    %get3A_561 = tpu.vector_load %arg5[%get3A_559, %get3A_560] {strides = array<i32>} : memref<16x256xf32, #tpu.memory_space<vmem>>, vector<16xf32>,
    tpu.vector_store_idx %arg7[%mul3A_555], %get3A_561 : memref<4096xf32, #tpu.memory_space<vmem>>[vector<16xi32>], vector<16xf32>,
    %add3A_562 = arith.constant 128 : i32
    %add3A_563 = vector.broadcast %add3A_562 : i32 to vector<16xi32>
    %add3A_564 = arith.addi %iota3A, %add3A_563 : vector<16xi32>
    %mul3A_565 = arith.constant 16 : i32
    %mul3A_566 = vector.broadcast %mul3A_565 : i32 to vector<16xi32>
    %mul3A_567 = arith.muli %add3A_564, %mul3A_566 : vector<16xi32>
    %add3A_568 = vector.broadcast %min3A_24 : i32 to vector<16xi32>
    %add3A_569 = arith.addi %mul3A_567, %add3A_568 : vector<16xi32>
    tpu.vector_store_idx %arg7[%add3A_569], %gather3A_465 : memref<4096xf32, #tpu.memory_space<vmem>>[vector<16xi32>], vector<16xf32>,
    %get3A_570 = arith.constant 2 : i32
    %get3A_571 = arith.index_cast %get3A_570 : i32 to index
    %get3A_572 = arith.constant 128 : index
    %get3A_573 = tpu.vector_load %arg5[%get3A_571, %get3A_572] {strides = array<i32>} : memref<16x256xf32, #tpu.memory_space<vmem>>, vector<16xf32>,
    tpu.vector_store_idx %arg7[%mul3A_567], %get3A_573 : memref<4096xf32, #tpu.memory_space<vmem>>[vector<16xi32>], vector<16xf32>,
    %add3A_574 = arith.constant 144 : i32
    %add3A_575 = vector.broadcast %add3A_574 : i32 to vector<16xi32>
    %add3A_576 = arith.addi %iota3A, %add3A_575 : vector<16xi32>
    %mul3A_577 = arith.constant 16 : i32
    %mul3A_578 = vector.broadcast %mul3A_577 : i32 to vector<16xi32>
    %mul3A_579 = arith.muli %add3A_576, %mul3A_578 : vector<16xi32>
    %add3A_580 = vector.broadcast %min3A_24 : i32 to vector<16xi32>
    %add3A_581 = arith.addi %mul3A_579, %add3A_580 : vector<16xi32>
    tpu.vector_store_idx %arg7[%add3A_581], %gather3A_465 : memref<4096xf32, #tpu.memory_space<vmem>>[vector<16xi32>], vector<16xf32>,
    %get3A_582 = arith.constant 2 : i32
    %get3A_583 = arith.index_cast %get3A_582 : i32 to index
    %get3A_584 = arith.constant 144 : index
    %get3A_585 = tpu.vector_load %arg5[%get3A_583, %get3A_584] {strides = array<i32>} : memref<16x256xf32, #tpu.memory_space<vmem>>, vector<16xf32>,
    tpu.vector_store_idx %arg7[%mul3A_579], %get3A_585 : memref<4096xf32, #tpu.memory_space<vmem>>[vector<16xi32>], vector<16xf32>,
    %add3A_586 = arith.constant 160 : i32
    %add3A_587 = vector.broadcast %add3A_586 : i32 to vector<16xi32>
    %add3A_588 = arith.addi %iota3A, %add3A_587 : vector<16xi32>
    %mul3A_589 = arith.constant 16 : i32
    %mul3A_590 = vector.broadcast %mul3A_589 : i32 to vector<16xi32>
    %mul3A_591 = arith.muli %add3A_588, %mul3A_590 : vector<16xi32>
    %add3A_592 = vector.broadcast %min3A_24 : i32 to vector<16xi32>
    %add3A_593 = arith.addi %mul3A_591, %add3A_592 : vector<16xi32>
    tpu.vector_store_idx %arg7[%add3A_593], %gather3A_465 : memref<4096xf32, #tpu.memory_space<vmem>>[vector<16xi32>], vector<16xf32>,
    %get3A_594 = arith.constant 2 : i32
    %get3A_595 = arith.index_cast %get3A_594 : i32 to index
    %get3A_596 = arith.constant 160 : index
    %get3A_597 = tpu.vector_load %arg5[%get3A_595, %get3A_596] {strides = array<i32>} : memref<16x256xf32, #tpu.memory_space<vmem>>, vector<16xf32>,
    tpu.vector_store_idx %arg7[%mul3A_591], %get3A_597 : memref<4096xf32, #tpu.memory_space<vmem>>[vector<16xi32>], vector<16xf32>,
    %add3A_598 = arith.constant 176 : i32
    %add3A_599 = vector.broadcast %add3A_598 : i32 to vector<16xi32>
    %add3A_600 = arith.addi %iota3A, %add3A_599 : vector<16xi32>
    %mul3A_601 = arith.constant 16 : i32
    %mul3A_602 = vector.broadcast %mul3A_601 : i32 to vector<16xi32>
    %mul3A_603 = arith.muli %add3A_600, %mul3A_602 : vector<16xi32>
    %add3A_604 = vector.broadcast %min3A_24 : i32 to vector<16xi32>
    %add3A_605 = arith.addi %mul3A_603, %add3A_604 : vector<16xi32>
    tpu.vector_store_idx %arg7[%add3A_605], %gather3A_465 : memref<4096xf32, #tpu.memory_space<vmem>>[vector<16xi32>], vector<16xf32>,
    %get3A_606 = arith.constant 2 : i32
    %get3A_607 = arith.index_cast %get3A_606 : i32 to index
    %get3A_608 = arith.constant 176 : index
    %get3A_609 = tpu.vector_load %arg5[%get3A_607, %get3A_608] {strides = array<i32>} : memref<16x256xf32, #tpu.memory_space<vmem>>, vector<16xf32>,
    tpu.vector_store_idx %arg7[%mul3A_603], %get3A_609 : memref<4096xf32, #tpu.memory_space<vmem>>[vector<16xi32>], vector<16xf32>,
    %add3A_610 = arith.constant 192 : i32
    %add3A_611 = vector.broadcast %add3A_610 : i32 to vector<16xi32>
    %add3A_612 = arith.addi %iota3A, %add3A_611 : vector<16xi32>
    %mul3A_613 = arith.constant 16 : i32
    %mul3A_614 = vector.broadcast %mul3A_613 : i32 to vector<16xi32>
    %mul3A_615 = arith.muli %add3A_612, %mul3A_614 : vector<16xi32>
    %add3A_616 = vector.broadcast %min3A_24 : i32 to vector<16xi32>
    %add3A_617 = arith.addi %mul3A_615, %add3A_616 : vector<16xi32>
    tpu.vector_store_idx %arg7[%add3A_617], %gather3A_465 : memref<4096xf32, #tpu.memory_space<vmem>>[vector<16xi32>], vector<16xf32>,
    %get3A_618 = arith.constant 2 : i32
    %get3A_619 = arith.index_cast %get3A_618 : i32 to index
    %get3A_620 = arith.constant 192 : index
    %get3A_621 = tpu.vector_load %arg5[%get3A_619, %get3A_620] {strides = array<i32>} : memref<16x256xf32, #tpu.memory_space<vmem>>, vector<16xf32>,
    tpu.vector_store_idx %arg7[%mul3A_615], %get3A_621 : memref<4096xf32, #tpu.memory_space<vmem>>[vector<16xi32>], vector<16xf32>,
    %add3A_622 = arith.constant 208 : i32
    %add3A_623 = vector.broadcast %add3A_622 : i32 to vector<16xi32>
    %add3A_624 = arith.addi %iota3A, %add3A_623 : vector<16xi32>
    %mul3A_625 = arith.constant 16 : i32
    %mul3A_626 = vector.broadcast %mul3A_625 : i32 to vector<16xi32>
    %mul3A_627 = arith.muli %add3A_624, %mul3A_626 : vector<16xi32>
    %add3A_628 = vector.broadcast %min3A_24 : i32 to vector<16xi32>
    %add3A_629 = arith.addi %mul3A_627, %add3A_628 : vector<16xi32>
    tpu.vector_store_idx %arg7[%add3A_629], %gather3A_465 : memref<4096xf32, #tpu.memory_space<vmem>>[vector<16xi32>], vector<16xf32>,
    %get3A_630 = arith.constant 2 : i32
    %get3A_631 = arith.index_cast %get3A_630 : i32 to index
    %get3A_632 = arith.constant 208 : index
    %get3A_633 = tpu.vector_load %arg5[%get3A_631, %get3A_632] {strides = array<i32>} : memref<16x256xf32, #tpu.memory_space<vmem>>, vector<16xf32>,
    tpu.vector_store_idx %arg7[%mul3A_627], %get3A_633 : memref<4096xf32, #tpu.memory_space<vmem>>[vector<16xi32>], vector<16xf32>,
    %add3A_634 = arith.constant 224 : i32
    %add3A_635 = vector.broadcast %add3A_634 : i32 to vector<16xi32>
    %add3A_636 = arith.addi %iota3A, %add3A_635 : vector<16xi32>
    %mul3A_637 = arith.constant 16 : i32
    %mul3A_638 = vector.broadcast %mul3A_637 : i32 to vector<16xi32>
    %mul3A_639 = arith.muli %add3A_636, %mul3A_638 : vector<16xi32>
    %add3A_640 = vector.broadcast %min3A_24 : i32 to vector<16xi32>
    %add3A_641 = arith.addi %mul3A_639, %add3A_640 : vector<16xi32>
    tpu.vector_store_idx %arg7[%add3A_641], %gather3A_465 : memref<4096xf32, #tpu.memory_space<vmem>>[vector<16xi32>], vector<16xf32>,
    %get3A_642 = arith.constant 2 : i32
    %get3A_643 = arith.index_cast %get3A_642 : i32 to index
    %get3A_644 = arith.constant 224 : index
    %get3A_645 = tpu.vector_load %arg5[%get3A_643, %get3A_644] {strides = array<i32>} : memref<16x256xf32, #tpu.memory_space<vmem>>, vector<16xf32>,
    tpu.vector_store_idx %arg7[%mul3A_639], %get3A_645 : memref<4096xf32, #tpu.memory_space<vmem>>[vector<16xi32>], vector<16xf32>,
    %add3A_646 = arith.constant 240 : i32
    %add3A_647 = vector.broadcast %add3A_646 : i32 to vector<16xi32>
    %add3A_648 = arith.addi %iota3A, %add3A_647 : vector<16xi32>
    %mul3A_649 = arith.constant 16 : i32
    %mul3A_650 = vector.broadcast %mul3A_649 : i32 to vector<16xi32>
    %mul3A_651 = arith.muli %add3A_648, %mul3A_650 : vector<16xi32>
    %add3A_652 = vector.broadcast %min3A_24 : i32 to vector<16xi32>
    %add3A_653 = arith.addi %mul3A_651, %add3A_652 : vector<16xi32>
    tpu.vector_store_idx %arg7[%add3A_653], %gather3A_465 : memref<4096xf32, #tpu.memory_space<vmem>>[vector<16xi32>], vector<16xf32>,
    %get3A_654 = arith.constant 2 : i32
    %get3A_655 = arith.index_cast %get3A_654 : i32 to index
    %get3A_656 = arith.constant 240 : index
    %get3A_657 = tpu.vector_load %arg5[%get3A_655, %get3A_656] {strides = array<i32>} : memref<16x256xf32, #tpu.memory_space<vmem>>, vector<16xf32>,
    tpu.vector_store_idx %arg7[%mul3A_651], %get3A_657 : memref<4096xf32, #tpu.memory_space<vmem>>[vector<16xi32>], vector<16xf32>,
    %add3A_658 = arith.constant 2 : i32
    %add3A_659 = arith.addi %mul3A_2, %add3A_658 : i32
    %dma_start3A_660 = arith.constant 0 : i32
    %dma_start3A_661 = tpu.memref_slice %arg4[%add3A_659, %dma_start3A_660] : memref<512x4096xf32, #tpu.memory_space<hbm>> -> memref<1x4096xf32, #tpu.memory_space<hbm>>
    %dma_start3A_662 = tpu.memref_squeeze %dma_start3A_661 : memref<1x4096xf32, #tpu.memory_space<hbm>> -> memref<4096xf32, #tpu.memory_space<hbm>>
    %dma_start3A_663 = arith.constant 0 : i32
    %dma_start3A_664 = tpu.memref_slice %arg4[%add3A_659, %dma_start3A_663] : memref<512x4096xf32, #tpu.memory_space<hbm>> -> memref<1x4096xf32, #tpu.memory_space<hbm>>
    %dma_start3A_665 = tpu.memref_squeeze %dma_start3A_664 : memref<1x4096xf32, #tpu.memory_space<hbm>> -> memref<4096xf32, #tpu.memory_space<hbm>>
    tpu.enqueue_dma source(%arg7 : memref<4096xf32, #tpu.memory_space<vmem>>) target(%dma_start3A_665 : memref<4096xf32, #tpu.memory_space<hbm>>) target_semaphore(%arg10 : memref<!tpu.dma_semaphore, #tpu.memory_space<semaphore_mem>>)
    %dma_wait3A_666 = arith.constant 0 : i32
    %dma_wait3A_667 = tpu.memref_slice %arg4[%add3A_446, %dma_wait3A_666] : memref<512x4096xf32, #tpu.memory_space<hbm>> -> memref<1x4096xf32, #tpu.memory_space<hbm>>
    %dma_wait3A_668 = tpu.memref_squeeze %dma_wait3A_667 : memref<1x4096xf32, #tpu.memory_space<hbm>> -> memref<4096xf32, #tpu.memory_space<hbm>>
    %dma_wait3A_669 = arith.constant 0 : i32
    %dma_wait3A_670 = tpu.memref_slice %arg4[%add3A_446, %dma_wait3A_669] : memref<512x4096xf32, #tpu.memory_space<hbm>> -> memref<1x4096xf32, #tpu.memory_space<hbm>>
    %dma_wait3A_671 = tpu.memref_squeeze %dma_wait3A_670 : memref<1x4096xf32, #tpu.memory_space<hbm>> -> memref<4096xf32, #tpu.memory_space<hbm>>
    tpu.wait_dma2 semaphore(%arg11 : memref<!tpu.dma_semaphore, #tpu.memory_space<semaphore_mem>>) src(%arg8 : memref<4096xf32, #tpu.memory_space<vmem>>) dst(%dma_wait3A_671 : memref<4096xf32, #tpu.memory_space<hbm>>)
    %get3A_672 = arith.constant 3 : i32
    %get3A_673 = arith.index_cast %get3A_672 : i32 to index
    %get3A_674 = arith.constant 0 : index
    %get3A_675 = tpu.vector_load %arg6[%get3A_673, %get3A_674] {strides = array<i32>} : memref<16x16xf32, #tpu.memory_space<vmem>>, vector<16xf32>,
    %broadcast_in_dim3A_676 = vector.shape_cast %broadcast_in_dim3A_40 : vector<16xi32> to vector<16x1xi32>
    %gather3A_677 = vector.shape_cast %broadcast_in_dim3A_676 : vector<16x1xi32> to vector<16xi32>
    %gather3A_678 = tpu.dynamic_gather %get3A_675[%gather3A_677] in [0] : vector<16xf32>, vector<16xi32> -> vector<16xf32>
    %add3A_679 = arith.constant 0 : i32
    %add3A_680 = vector.broadcast %add3A_679 : i32 to vector<16xi32>
    %add3A_681 = arith.addi %iota3A, %add3A_680 : vector<16xi32>
    %mul3A_682 = arith.constant 16 : i32
    %mul3A_683 = vector.broadcast %mul3A_682 : i32 to vector<16xi32>
    %mul3A_684 = arith.muli %add3A_681, %mul3A_683 : vector<16xi32>
    %add3A_685 = vector.broadcast %min3A_24 : i32 to vector<16xi32>
    %add3A_686 = arith.addi %mul3A_684, %add3A_685 : vector<16xi32>
    tpu.vector_store_idx %arg8[%add3A_686], %gather3A_678 : memref<4096xf32, #tpu.memory_space<vmem>>[vector<16xi32>], vector<16xf32>,
    %get3A_687 = arith.constant 3 : i32
    %get3A_688 = arith.index_cast %get3A_687 : i32 to index
    %get3A_689 = arith.constant 0 : index
    %get3A_690 = tpu.vector_load %arg5[%get3A_688, %get3A_689] {strides = array<i32>} : memref<16x256xf32, #tpu.memory_space<vmem>>, vector<16xf32>,
    tpu.vector_store_idx %arg8[%mul3A_684], %get3A_690 : memref<4096xf32, #tpu.memory_space<vmem>>[vector<16xi32>], vector<16xf32>,
    %add3A_691 = arith.constant 16 : i32
    %add3A_692 = vector.broadcast %add3A_691 : i32 to vector<16xi32>
    %add3A_693 = arith.addi %iota3A, %add3A_692 : vector<16xi32>
    %mul3A_694 = arith.constant 16 : i32
    %mul3A_695 = vector.broadcast %mul3A_694 : i32 to vector<16xi32>
    %mul3A_696 = arith.muli %add3A_693, %mul3A_695 : vector<16xi32>
    %add3A_697 = vector.broadcast %min3A_24 : i32 to vector<16xi32>
    %add3A_698 = arith.addi %mul3A_696, %add3A_697 : vector<16xi32>
    tpu.vector_store_idx %arg8[%add3A_698], %gather3A_678 : memref<4096xf32, #tpu.memory_space<vmem>>[vector<16xi32>], vector<16xf32>,
    %get3A_699 = arith.constant 3 : i32
    %get3A_700 = arith.index_cast %get3A_699 : i32 to index
    %get3A_701 = arith.constant 16 : index
    %get3A_702 = tpu.vector_load %arg5[%get3A_700, %get3A_701] {strides = array<i32>} : memref<16x256xf32, #tpu.memory_space<vmem>>, vector<16xf32>,
    tpu.vector_store_idx %arg8[%mul3A_696], %get3A_702 : memref<4096xf32, #tpu.memory_space<vmem>>[vector<16xi32>], vector<16xf32>,
    %add3A_703 = arith.constant 32 : i32
    %add3A_704 = vector.broadcast %add3A_703 : i32 to vector<16xi32>
    %add3A_705 = arith.addi %iota3A, %add3A_704 : vector<16xi32>
    %mul3A_706 = arith.constant 16 : i32
    %mul3A_707 = vector.broadcast %mul3A_706 : i32 to vector<16xi32>
    %mul3A_708 = arith.muli %add3A_705, %mul3A_707 : vector<16xi32>
    %add3A_709 = vector.broadcast %min3A_24 : i32 to vector<16xi32>
    %add3A_710 = arith.addi %mul3A_708, %add3A_709 : vector<16xi32>
    tpu.vector_store_idx %arg8[%add3A_710], %gather3A_678 : memref<4096xf32, #tpu.memory_space<vmem>>[vector<16xi32>], vector<16xf32>,
    %get3A_711 = arith.constant 3 : i32
    %get3A_712 = arith.index_cast %get3A_711 : i32 to index
    %get3A_713 = arith.constant 32 : index
    %get3A_714 = tpu.vector_load %arg5[%get3A_712, %get3A_713] {strides = array<i32>} : memref<16x256xf32, #tpu.memory_space<vmem>>, vector<16xf32>,
    tpu.vector_store_idx %arg8[%mul3A_708], %get3A_714 : memref<4096xf32, #tpu.memory_space<vmem>>[vector<16xi32>], vector<16xf32>,
    %add3A_715 = arith.constant 48 : i32
    %add3A_716 = vector.broadcast %add3A_715 : i32 to vector<16xi32>
    %add3A_717 = arith.addi %iota3A, %add3A_716 : vector<16xi32>
    %mul3A_718 = arith.constant 16 : i32
    %mul3A_719 = vector.broadcast %mul3A_718 : i32 to vector<16xi32>
    %mul3A_720 = arith.muli %add3A_717, %mul3A_719 : vector<16xi32>
    %add3A_721 = vector.broadcast %min3A_24 : i32 to vector<16xi32>
    %add3A_722 = arith.addi %mul3A_720, %add3A_721 : vector<16xi32>
    tpu.vector_store_idx %arg8[%add3A_722], %gather3A_678 : memref<4096xf32, #tpu.memory_space<vmem>>[vector<16xi32>], vector<16xf32>,
    %get3A_723 = arith.constant 3 : i32
    %get3A_724 = arith.index_cast %get3A_723 : i32 to index
    %get3A_725 = arith.constant 48 : index
    %get3A_726 = tpu.vector_load %arg5[%get3A_724, %get3A_725] {strides = array<i32>} : memref<16x256xf32, #tpu.memory_space<vmem>>, vector<16xf32>,
    tpu.vector_store_idx %arg8[%mul3A_720], %get3A_726 : memref<4096xf32, #tpu.memory_space<vmem>>[vector<16xi32>], vector<16xf32>,
    %add3A_727 = arith.constant 64 : i32
    %add3A_728 = vector.broadcast %add3A_727 : i32 to vector<16xi32>
    %add3A_729 = arith.addi %iota3A, %add3A_728 : vector<16xi32>
    %mul3A_730 = arith.constant 16 : i32
    %mul3A_731 = vector.broadcast %mul3A_730 : i32 to vector<16xi32>
    %mul3A_732 = arith.muli %add3A_729, %mul3A_731 : vector<16xi32>
    %add3A_733 = vector.broadcast %min3A_24 : i32 to vector<16xi32>
    %add3A_734 = arith.addi %mul3A_732, %add3A_733 : vector<16xi32>
    tpu.vector_store_idx %arg8[%add3A_734], %gather3A_678 : memref<4096xf32, #tpu.memory_space<vmem>>[vector<16xi32>], vector<16xf32>,
    %get3A_735 = arith.constant 3 : i32
    %get3A_736 = arith.index_cast %get3A_735 : i32 to index
    %get3A_737 = arith.constant 64 : index
    %get3A_738 = tpu.vector_load %arg5[%get3A_736, %get3A_737] {strides = array<i32>} : memref<16x256xf32, #tpu.memory_space<vmem>>, vector<16xf32>,
    tpu.vector_store_idx %arg8[%mul3A_732], %get3A_738 : memref<4096xf32, #tpu.memory_space<vmem>>[vector<16xi32>], vector<16xf32>,
    %add3A_739 = arith.constant 80 : i32
    %add3A_740 = vector.broadcast %add3A_739 : i32 to vector<16xi32>
    %add3A_741 = arith.addi %iota3A, %add3A_740 : vector<16xi32>
    %mul3A_742 = arith.constant 16 : i32
    %mul3A_743 = vector.broadcast %mul3A_742 : i32 to vector<16xi32>
    %mul3A_744 = arith.muli %add3A_741, %mul3A_743 : vector<16xi32>
    %add3A_745 = vector.broadcast %min3A_24 : i32 to vector<16xi32>
    %add3A_746 = arith.addi %mul3A_744, %add3A_745 : vector<16xi32>
    tpu.vector_store_idx %arg8[%add3A_746], %gather3A_678 : memref<4096xf32, #tpu.memory_space<vmem>>[vector<16xi32>], vector<16xf32>,
    %get3A_747 = arith.constant 3 : i32
    %get3A_748 = arith.index_cast %get3A_747 : i32 to index
    %get3A_749 = arith.constant 80 : index
    %get3A_750 = tpu.vector_load %arg5[%get3A_748, %get3A_749] {strides = array<i32>} : memref<16x256xf32, #tpu.memory_space<vmem>>, vector<16xf32>,
    tpu.vector_store_idx %arg8[%mul3A_744], %get3A_750 : memref<4096xf32, #tpu.memory_space<vmem>>[vector<16xi32>], vector<16xf32>,
    %add3A_751 = arith.constant 96 : i32
    %add3A_752 = vector.broadcast %add3A_751 : i32 to vector<16xi32>
    %add3A_753 = arith.addi %iota3A, %add3A_752 : vector<16xi32>
    %mul3A_754 = arith.constant 16 : i32
    %mul3A_755 = vector.broadcast %mul3A_754 : i32 to vector<16xi32>
    %mul3A_756 = arith.muli %add3A_753, %mul3A_755 : vector<16xi32>
    %add3A_757 = vector.broadcast %min3A_24 : i32 to vector<16xi32>
    %add3A_758 = arith.addi %mul3A_756, %add3A_757 : vector<16xi32>
    tpu.vector_store_idx %arg8[%add3A_758], %gather3A_678 : memref<4096xf32, #tpu.memory_space<vmem>>[vector<16xi32>], vector<16xf32>,
    %get3A_759 = arith.constant 3 : i32
    %get3A_760 = arith.index_cast %get3A_759 : i32 to index
    %get3A_761 = arith.constant 96 : index
    %get3A_762 = tpu.vector_load %arg5[%get3A_760, %get3A_761] {strides = array<i32>} : memref<16x256xf32, #tpu.memory_space<vmem>>, vector<16xf32>,
    tpu.vector_store_idx %arg8[%mul3A_756], %get3A_762 : memref<4096xf32, #tpu.memory_space<vmem>>[vector<16xi32>], vector<16xf32>,
    %add3A_763 = arith.constant 112 : i32
    %add3A_764 = vector.broadcast %add3A_763 : i32 to vector<16xi32>
    %add3A_765 = arith.addi %iota3A, %add3A_764 : vector<16xi32>
    %mul3A_766 = arith.constant 16 : i32
    %mul3A_767 = vector.broadcast %mul3A_766 : i32 to vector<16xi32>
    %mul3A_768 = arith.muli %add3A_765, %mul3A_767 : vector<16xi32>
    %add3A_769 = vector.broadcast %min3A_24 : i32 to vector<16xi32>
    %add3A_770 = arith.addi %mul3A_768, %add3A_769 : vector<16xi32>
    tpu.vector_store_idx %arg8[%add3A_770], %gather3A_678 : memref<4096xf32, #tpu.memory_space<vmem>>[vector<16xi32>], vector<16xf32>,
    %get3A_771 = arith.constant 3 : i32
    %get3A_772 = arith.index_cast %get3A_771 : i32 to index
    %get3A_773 = arith.constant 112 : index
    %get3A_774 = tpu.vector_load %arg5[%get3A_772, %get3A_773] {strides = array<i32>} : memref<16x256xf32, #tpu.memory_space<vmem>>, vector<16xf32>,
    tpu.vector_store_idx %arg8[%mul3A_768], %get3A_774 : memref<4096xf32, #tpu.memory_space<vmem>>[vector<16xi32>], vector<16xf32>,
    %add3A_775 = arith.constant 128 : i32
    %add3A_776 = vector.broadcast %add3A_775 : i32 to vector<16xi32>
    %add3A_777 = arith.addi %iota3A, %add3A_776 : vector<16xi32>
    %mul3A_778 = arith.constant 16 : i32
    %mul3A_779 = vector.broadcast %mul3A_778 : i32 to vector<16xi32>
    %mul3A_780 = arith.muli %add3A_777, %mul3A_779 : vector<16xi32>
    %add3A_781 = vector.broadcast %min3A_24 : i32 to vector<16xi32>
    %add3A_782 = arith.addi %mul3A_780, %add3A_781 : vector<16xi32>
    tpu.vector_store_idx %arg8[%add3A_782], %gather3A_678 : memref<4096xf32, #tpu.memory_space<vmem>>[vector<16xi32>], vector<16xf32>,
    %get3A_783 = arith.constant 3 : i32
    %get3A_784 = arith.index_cast %get3A_783 : i32 to index
    %get3A_785 = arith.constant 128 : index
    %get3A_786 = tpu.vector_load %arg5[%get3A_784, %get3A_785] {strides = array<i32>} : memref<16x256xf32, #tpu.memory_space<vmem>>, vector<16xf32>,
    tpu.vector_store_idx %arg8[%mul3A_780], %get3A_786 : memref<4096xf32, #tpu.memory_space<vmem>>[vector<16xi32>], vector<16xf32>,
    %add3A_787 = arith.constant 144 : i32
    %add3A_788 = vector.broadcast %add3A_787 : i32 to vector<16xi32>
    %add3A_789 = arith.addi %iota3A, %add3A_788 : vector<16xi32>
    %mul3A_790 = arith.constant 16 : i32
    %mul3A_791 = vector.broadcast %mul3A_790 : i32 to vector<16xi32>
    %mul3A_792 = arith.muli %add3A_789, %mul3A_791 : vector<16xi32>
    %add3A_793 = vector.broadcast %min3A_24 : i32 to vector<16xi32>
    %add3A_794 = arith.addi %mul3A_792, %add3A_793 : vector<16xi32>
    tpu.vector_store_idx %arg8[%add3A_794], %gather3A_678 : memref<4096xf32, #tpu.memory_space<vmem>>[vector<16xi32>], vector<16xf32>,
    %get3A_795 = arith.constant 3 : i32
    %get3A_796 = arith.index_cast %get3A_795 : i32 to index
    %get3A_797 = arith.constant 144 : index
    %get3A_798 = tpu.vector_load %arg5[%get3A_796, %get3A_797] {strides = array<i32>} : memref<16x256xf32, #tpu.memory_space<vmem>>, vector<16xf32>,
    tpu.vector_store_idx %arg8[%mul3A_792], %get3A_798 : memref<4096xf32, #tpu.memory_space<vmem>>[vector<16xi32>], vector<16xf32>,
    %add3A_799 = arith.constant 160 : i32
    %add3A_800 = vector.broadcast %add3A_799 : i32 to vector<16xi32>
    %add3A_801 = arith.addi %iota3A, %add3A_800 : vector<16xi32>
    %mul3A_802 = arith.constant 16 : i32
    %mul3A_803 = vector.broadcast %mul3A_802 : i32 to vector<16xi32>
    %mul3A_804 = arith.muli %add3A_801, %mul3A_803 : vector<16xi32>
    %add3A_805 = vector.broadcast %min3A_24 : i32 to vector<16xi32>
    %add3A_806 = arith.addi %mul3A_804, %add3A_805 : vector<16xi32>
    tpu.vector_store_idx %arg8[%add3A_806], %gather3A_678 : memref<4096xf32, #tpu.memory_space<vmem>>[vector<16xi32>], vector<16xf32>,
    %get3A_807 = arith.constant 3 : i32
    %get3A_808 = arith.index_cast %get3A_807 : i32 to index
    %get3A_809 = arith.constant 160 : index
    %get3A_810 = tpu.vector_load %arg5[%get3A_808, %get3A_809] {strides = array<i32>} : memref<16x256xf32, #tpu.memory_space<vmem>>, vector<16xf32>,
    tpu.vector_store_idx %arg8[%mul3A_804], %get3A_810 : memref<4096xf32, #tpu.memory_space<vmem>>[vector<16xi32>], vector<16xf32>,
    %add3A_811 = arith.constant 176 : i32
    %add3A_812 = vector.broadcast %add3A_811 : i32 to vector<16xi32>
    %add3A_813 = arith.addi %iota3A, %add3A_812 : vector<16xi32>
    %mul3A_814 = arith.constant 16 : i32
    %mul3A_815 = vector.broadcast %mul3A_814 : i32 to vector<16xi32>
    %mul3A_816 = arith.muli %add3A_813, %mul3A_815 : vector<16xi32>
    %add3A_817 = vector.broadcast %min3A_24 : i32 to vector<16xi32>
    %add3A_818 = arith.addi %mul3A_816, %add3A_817 : vector<16xi32>
    tpu.vector_store_idx %arg8[%add3A_818], %gather3A_678 : memref<4096xf32, #tpu.memory_space<vmem>>[vector<16xi32>], vector<16xf32>,
    %get3A_819 = arith.constant 3 : i32
    %get3A_820 = arith.index_cast %get3A_819 : i32 to index
    %get3A_821 = arith.constant 176 : index
    %get3A_822 = tpu.vector_load %arg5[%get3A_820, %get3A_821] {strides = array<i32>} : memref<16x256xf32, #tpu.memory_space<vmem>>, vector<16xf32>,
    tpu.vector_store_idx %arg8[%mul3A_816], %get3A_822 : memref<4096xf32, #tpu.memory_space<vmem>>[vector<16xi32>], vector<16xf32>,
    %add3A_823 = arith.constant 192 : i32
    %add3A_824 = vector.broadcast %add3A_823 : i32 to vector<16xi32>
    %add3A_825 = arith.addi %iota3A, %add3A_824 : vector<16xi32>
    %mul3A_826 = arith.constant 16 : i32
    %mul3A_827 = vector.broadcast %mul3A_826 : i32 to vector<16xi32>
    %mul3A_828 = arith.muli %add3A_825, %mul3A_827 : vector<16xi32>
    %add3A_829 = vector.broadcast %min3A_24 : i32 to vector<16xi32>
    %add3A_830 = arith.addi %mul3A_828, %add3A_829 : vector<16xi32>
    tpu.vector_store_idx %arg8[%add3A_830], %gather3A_678 : memref<4096xf32, #tpu.memory_space<vmem>>[vector<16xi32>], vector<16xf32>,
    %get3A_831 = arith.constant 3 : i32
    %get3A_832 = arith.index_cast %get3A_831 : i32 to index
    %get3A_833 = arith.constant 192 : index
    %get3A_834 = tpu.vector_load %arg5[%get3A_832, %get3A_833] {strides = array<i32>} : memref<16x256xf32, #tpu.memory_space<vmem>>, vector<16xf32>,
    tpu.vector_store_idx %arg8[%mul3A_828], %get3A_834 : memref<4096xf32, #tpu.memory_space<vmem>>[vector<16xi32>], vector<16xf32>,
    %add3A_835 = arith.constant 208 : i32
    %add3A_836 = vector.broadcast %add3A_835 : i32 to vector<16xi32>
    %add3A_837 = arith.addi %iota3A, %add3A_836 : vector<16xi32>
    %mul3A_838 = arith.constant 16 : i32
    %mul3A_839 = vector.broadcast %mul3A_838 : i32 to vector<16xi32>
    %mul3A_840 = arith.muli %add3A_837, %mul3A_839 : vector<16xi32>
    %add3A_841 = vector.broadcast %min3A_24 : i32 to vector<16xi32>
    %add3A_842 = arith.addi %mul3A_840, %add3A_841 : vector<16xi32>
    tpu.vector_store_idx %arg8[%add3A_842], %gather3A_678 : memref<4096xf32, #tpu.memory_space<vmem>>[vector<16xi32>], vector<16xf32>,
    %get3A_843 = arith.constant 3 : i32
    %get3A_844 = arith.index_cast %get3A_843 : i32 to index
    %get3A_845 = arith.constant 208 : index
    %get3A_846 = tpu.vector_load %arg5[%get3A_844, %get3A_845] {strides = array<i32>} : memref<16x256xf32, #tpu.memory_space<vmem>>, vector<16xf32>,
    tpu.vector_store_idx %arg8[%mul3A_840], %get3A_846 : memref<4096xf32, #tpu.memory_space<vmem>>[vector<16xi32>], vector<16xf32>,
    %add3A_847 = arith.constant 224 : i32
    %add3A_848 = vector.broadcast %add3A_847 : i32 to vector<16xi32>
    %add3A_849 = arith.addi %iota3A, %add3A_848 : vector<16xi32>
    %mul3A_850 = arith.constant 16 : i32
    %mul3A_851 = vector.broadcast %mul3A_850 : i32 to vector<16xi32>
    %mul3A_852 = arith.muli %add3A_849, %mul3A_851 : vector<16xi32>
    %add3A_853 = vector.broadcast %min3A_24 : i32 to vector<16xi32>
    %add3A_854 = arith.addi %mul3A_852, %add3A_853 : vector<16xi32>
    tpu.vector_store_idx %arg8[%add3A_854], %gather3A_678 : memref<4096xf32, #tpu.memory_space<vmem>>[vector<16xi32>], vector<16xf32>,
    %get3A_855 = arith.constant 3 : i32
    %get3A_856 = arith.index_cast %get3A_855 : i32 to index
    %get3A_857 = arith.constant 224 : index
    %get3A_858 = tpu.vector_load %arg5[%get3A_856, %get3A_857] {strides = array<i32>} : memref<16x256xf32, #tpu.memory_space<vmem>>, vector<16xf32>,
    tpu.vector_store_idx %arg8[%mul3A_852], %get3A_858 : memref<4096xf32, #tpu.memory_space<vmem>>[vector<16xi32>], vector<16xf32>,
    %add3A_859 = arith.constant 240 : i32
    %add3A_860 = vector.broadcast %add3A_859 : i32 to vector<16xi32>
    %add3A_861 = arith.addi %iota3A, %add3A_860 : vector<16xi32>
    %mul3A_862 = arith.constant 16 : i32
    %mul3A_863 = vector.broadcast %mul3A_862 : i32 to vector<16xi32>
    %mul3A_864 = arith.muli %add3A_861, %mul3A_863 : vector<16xi32>
    %add3A_865 = vector.broadcast %min3A_24 : i32 to vector<16xi32>
    %add3A_866 = arith.addi %mul3A_864, %add3A_865 : vector<16xi32>
    tpu.vector_store_idx %arg8[%add3A_866], %gather3A_678 : memref<4096xf32, #tpu.memory_space<vmem>>[vector<16xi32>], vector<16xf32>,
    %get3A_867 = arith.constant 3 : i32
    %get3A_868 = arith.index_cast %get3A_867 : i32 to index
    %get3A_869 = arith.constant 240 : index
    %get3A_870 = tpu.vector_load %arg5[%get3A_868, %get3A_869] {strides = array<i32>} : memref<16x256xf32, #tpu.memory_space<vmem>>, vector<16xf32>,
    tpu.vector_store_idx %arg8[%mul3A_864], %get3A_870 : memref<4096xf32, #tpu.memory_space<vmem>>[vector<16xi32>], vector<16xf32>,
    %add3A_871 = arith.constant 3 : i32
    %add3A_872 = arith.addi %mul3A_2, %add3A_871 : i32
    %dma_start3A_873 = arith.constant 0 : i32
    %dma_start3A_874 = tpu.memref_slice %arg4[%add3A_872, %dma_start3A_873] : memref<512x4096xf32, #tpu.memory_space<hbm>> -> memref<1x4096xf32, #tpu.memory_space<hbm>>
    %dma_start3A_875 = tpu.memref_squeeze %dma_start3A_874 : memref<1x4096xf32, #tpu.memory_space<hbm>> -> memref<4096xf32, #tpu.memory_space<hbm>>
    %dma_start3A_876 = arith.constant 0 : i32
    %dma_start3A_877 = tpu.memref_slice %arg4[%add3A_872, %dma_start3A_876] : memref<512x4096xf32, #tpu.memory_space<hbm>> -> memref<1x4096xf32, #tpu.memory_space<hbm>>
    %dma_start3A_878 = tpu.memref_squeeze %dma_start3A_877 : memref<1x4096xf32, #tpu.memory_space<hbm>> -> memref<4096xf32, #tpu.memory_space<hbm>>
    tpu.enqueue_dma source(%arg8 : memref<4096xf32, #tpu.memory_space<vmem>>) target(%dma_start3A_878 : memref<4096xf32, #tpu.memory_space<hbm>>) target_semaphore(%arg11 : memref<!tpu.dma_semaphore, #tpu.memory_space<semaphore_mem>>)
    %dma_wait3A_879 = arith.constant 0 : i32
    %dma_wait3A_880 = tpu.memref_slice %arg4[%add3A_659, %dma_wait3A_879] : memref<512x4096xf32, #tpu.memory_space<hbm>> -> memref<1x4096xf32, #tpu.memory_space<hbm>>
    %dma_wait3A_881 = tpu.memref_squeeze %dma_wait3A_880 : memref<1x4096xf32, #tpu.memory_space<hbm>> -> memref<4096xf32, #tpu.memory_space<hbm>>
    %dma_wait3A_882 = arith.constant 0 : i32
    %dma_wait3A_883 = tpu.memref_slice %arg4[%add3A_659, %dma_wait3A_882] : memref<512x4096xf32, #tpu.memory_space<hbm>> -> memref<1x4096xf32, #tpu.memory_space<hbm>>
    %dma_wait3A_884 = tpu.memref_squeeze %dma_wait3A_883 : memref<1x4096xf32, #tpu.memory_space<hbm>> -> memref<4096xf32, #tpu.memory_space<hbm>>
    tpu.wait_dma2 semaphore(%arg10 : memref<!tpu.dma_semaphore, #tpu.memory_space<semaphore_mem>>) src(%arg7 : memref<4096xf32, #tpu.memory_space<vmem>>) dst(%dma_wait3A_884 : memref<4096xf32, #tpu.memory_space<hbm>>)
    %get3A_885 = arith.constant 4 : i32
    %get3A_886 = arith.index_cast %get3A_885 : i32 to index
    %get3A_887 = arith.constant 0 : index
    %get3A_888 = tpu.vector_load %arg6[%get3A_886, %get3A_887] {strides = array<i32>} : memref<16x16xf32, #tpu.memory_space<vmem>>, vector<16xf32>,
    %broadcast_in_dim3A_889 = vector.shape_cast %broadcast_in_dim3A_40 : vector<16xi32> to vector<16x1xi32>
    %gather3A_890 = vector.shape_cast %broadcast_in_dim3A_889 : vector<16x1xi32> to vector<16xi32>
    %gather3A_891 = tpu.dynamic_gather %get3A_888[%gather3A_890] in [0] : vector<16xf32>, vector<16xi32> -> vector<16xf32>
    %add3A_892 = arith.constant 0 : i32
    %add3A_893 = vector.broadcast %add3A_892 : i32 to vector<16xi32>
    %add3A_894 = arith.addi %iota3A, %add3A_893 : vector<16xi32>
    %mul3A_895 = arith.constant 16 : i32
    %mul3A_896 = vector.broadcast %mul3A_895 : i32 to vector<16xi32>
    %mul3A_897 = arith.muli %add3A_894, %mul3A_896 : vector<16xi32>
    %add3A_898 = vector.broadcast %min3A_24 : i32 to vector<16xi32>
    %add3A_899 = arith.addi %mul3A_897, %add3A_898 : vector<16xi32>
    tpu.vector_store_idx %arg7[%add3A_899], %gather3A_891 : memref<4096xf32, #tpu.memory_space<vmem>>[vector<16xi32>], vector<16xf32>,
    %get3A_900 = arith.constant 4 : i32
    %get3A_901 = arith.index_cast %get3A_900 : i32 to index
    %get3A_902 = arith.constant 0 : index
    %get3A_903 = tpu.vector_load %arg5[%get3A_901, %get3A_902] {strides = array<i32>} : memref<16x256xf32, #tpu.memory_space<vmem>>, vector<16xf32>,
    tpu.vector_store_idx %arg7[%mul3A_897], %get3A_903 : memref<4096xf32, #tpu.memory_space<vmem>>[vector<16xi32>], vector<16xf32>,
    %add3A_904 = arith.constant 16 : i32
    %add3A_905 = vector.broadcast %add3A_904 : i32 to vector<16xi32>
    %add3A_906 = arith.addi %iota3A, %add3A_905 : vector<16xi32>
    %mul3A_907 = arith.constant 16 : i32
    %mul3A_908 = vector.broadcast %mul3A_907 : i32 to vector<16xi32>
    %mul3A_909 = arith.muli %add3A_906, %mul3A_908 : vector<16xi32>
    %add3A_910 = vector.broadcast %min3A_24 : i32 to vector<16xi32>
    %add3A_911 = arith.addi %mul3A_909, %add3A_910 : vector<16xi32>
    tpu.vector_store_idx %arg7[%add3A_911], %gather3A_891 : memref<4096xf32, #tpu.memory_space<vmem>>[vector<16xi32>], vector<16xf32>,
    %get3A_912 = arith.constant 4 : i32
    %get3A_913 = arith.index_cast %get3A_912 : i32 to index
    %get3A_914 = arith.constant 16 : index
    %get3A_915 = tpu.vector_load %arg5[%get3A_913, %get3A_914] {strides = array<i32>} : memref<16x256xf32, #tpu.memory_space<vmem>>, vector<16xf32>,
    tpu.vector_store_idx %arg7[%mul3A_909], %get3A_915 : memref<4096xf32, #tpu.memory_space<vmem>>[vector<16xi32>], vector<16xf32>,
    %add3A_916 = arith.constant 32 : i32
    %add3A_917 = vector.broadcast %add3A_916 : i32 to vector<16xi32>
    %add3A_918 = arith.addi %iota3A, %add3A_917 : vector<16xi32>
    %mul3A_919 = arith.constant 16 : i32
    %mul3A_920 = vector.broadcast %mul3A_919 : i32 to vector<16xi32>
    %mul3A_921 = arith.muli %add3A_918, %mul3A_920 : vector<16xi32>
    %add3A_922 = vector.broadcast %min3A_24 : i32 to vector<16xi32>
    %add3A_923 = arith.addi %mul3A_921, %add3A_922 : vector<16xi32>
    tpu.vector_store_idx %arg7[%add3A_923], %gather3A_891 : memref<4096xf32, #tpu.memory_space<vmem>>[vector<16xi32>], vector<16xf32>,
    %get3A_924 = arith.constant 4 : i32
    %get3A_925 = arith.index_cast %get3A_924 : i32 to index
    %get3A_926 = arith.constant 32 : index
    %get3A_927 = tpu.vector_load %arg5[%get3A_925, %get3A_926] {strides = array<i32>} : memref<16x256xf32, #tpu.memory_space<vmem>>, vector<16xf32>,
    tpu.vector_store_idx %arg7[%mul3A_921], %get3A_927 : memref<4096xf32, #tpu.memory_space<vmem>>[vector<16xi32>], vector<16xf32>,
    %add3A_928 = arith.constant 48 : i32
    %add3A_929 = vector.broadcast %add3A_928 : i32 to vector<16xi32>
    %add3A_930 = arith.addi %iota3A, %add3A_929 : vector<16xi32>
    %mul3A_931 = arith.constant 16 : i32
    %mul3A_932 = vector.broadcast %mul3A_931 : i32 to vector<16xi32>
    %mul3A_933 = arith.muli %add3A_930, %mul3A_932 : vector<16xi32>
    %add3A_934 = vector.broadcast %min3A_24 : i32 to vector<16xi32>
    %add3A_935 = arith.addi %mul3A_933, %add3A_934 : vector<16xi32>
    tpu.vector_store_idx %arg7[%add3A_935], %gather3A_891 : memref<4096xf32, #tpu.memory_space<vmem>>[vector<16xi32>], vector<16xf32>,
    %get3A_936 = arith.constant 4 : i32
    %get3A_937 = arith.index_cast %get3A_936 : i32 to index
    %get3A_938 = arith.constant 48 : index
    %get3A_939 = tpu.vector_load %arg5[%get3A_937, %get3A_938] {strides = array<i32>} : memref<16x256xf32, #tpu.memory_space<vmem>>, vector<16xf32>,
    tpu.vector_store_idx %arg7[%mul3A_933], %get3A_939 : memref<4096xf32, #tpu.memory_space<vmem>>[vector<16xi32>], vector<16xf32>,
    %add3A_940 = arith.constant 64 : i32
    %add3A_941 = vector.broadcast %add3A_940 : i32 to vector<16xi32>
    %add3A_942 = arith.addi %iota3A, %add3A_941 : vector<16xi32>
    %mul3A_943 = arith.constant 16 : i32
    %mul3A_944 = vector.broadcast %mul3A_943 : i32 to vector<16xi32>
    %mul3A_945 = arith.muli %add3A_942, %mul3A_944 : vector<16xi32>
    %add3A_946 = vector.broadcast %min3A_24 : i32 to vector<16xi32>
    %add3A_947 = arith.addi %mul3A_945, %add3A_946 : vector<16xi32>
    tpu.vector_store_idx %arg7[%add3A_947], %gather3A_891 : memref<4096xf32, #tpu.memory_space<vmem>>[vector<16xi32>], vector<16xf32>,
    %get3A_948 = arith.constant 4 : i32
    %get3A_949 = arith.index_cast %get3A_948 : i32 to index
    %get3A_950 = arith.constant 64 : index
    %get3A_951 = tpu.vector_load %arg5[%get3A_949, %get3A_950] {strides = array<i32>} : memref<16x256xf32, #tpu.memory_space<vmem>>, vector<16xf32>,
    tpu.vector_store_idx %arg7[%mul3A_945], %get3A_951 : memref<4096xf32, #tpu.memory_space<vmem>>[vector<16xi32>], vector<16xf32>,
    %add3A_952 = arith.constant 80 : i32
    %add3A_953 = vector.broadcast %add3A_952 : i32 to vector<16xi32>
    %add3A_954 = arith.addi %iota3A, %add3A_953 : vector<16xi32>
    %mul3A_955 = arith.constant 16 : i32
    %mul3A_956 = vector.broadcast %mul3A_955 : i32 to vector<16xi32>
    %mul3A_957 = arith.muli %add3A_954, %mul3A_956 : vector<16xi32>
    %add3A_958 = vector.broadcast %min3A_24 : i32 to vector<16xi32>
    %add3A_959 = arith.addi %mul3A_957, %add3A_958 : vector<16xi32>
    tpu.vector_store_idx %arg7[%add3A_959], %gather3A_891 : memref<4096xf32, #tpu.memory_space<vmem>>[vector<16xi32>], vector<16xf32>,
    %get3A_960 = arith.constant 4 : i32
    %get3A_961 = arith.index_cast %get3A_960 : i32 to index
    %get3A_962 = arith.constant 80 : index
    %get3A_963 = tpu.vector_load %arg5[%get3A_961, %get3A_962] {strides = array<i32>} : memref<16x256xf32, #tpu.memory_space<vmem>>, vector<16xf32>,
    tpu.vector_store_idx %arg7[%mul3A_957], %get3A_963 : memref<4096xf32, #tpu.memory_space<vmem>>[vector<16xi32>], vector<16xf32>,
    %add3A_964 = arith.constant 96 : i32
    %add3A_965 = vector.broadcast %add3A_964 : i32 to vector<16xi32>
    %add3A_966 = arith.addi %iota3A, %add3A_965 : vector<16xi32>
    %mul3A_967 = arith.constant 16 : i32
    %mul3A_968 = vector.broadcast %mul3A_967 : i32 to vector<16xi32>
    %mul3A_969 = arith.muli %add3A_966, %mul3A_968 : vector<16xi32>
    %add3A_970 = vector.broadcast %min3A_24 : i32 to vector<16xi32>
    %add3A_971 = arith.addi %mul3A_969, %add3A_970 : vector<16xi32>
    tpu.vector_store_idx %arg7[%add3A_971], %gather3A_891 : memref<4096xf32, #tpu.memory_space<vmem>>[vector<16xi32>], vector<16xf32>,
    %get3A_972 = arith.constant 4 : i32
    %get3A_973 = arith.index_cast %get3A_972 : i32 to index
    %get3A_974 = arith.constant 96 : index
    %get3A_975 = tpu.vector_load %arg5[%get3A_973, %get3A_974] {strides = array<i32>} : memref<16x256xf32, #tpu.memory_space<vmem>>, vector<16xf32>,
    tpu.vector_store_idx %arg7[%mul3A_969], %get3A_975 : memref<4096xf32, #tpu.memory_space<vmem>>[vector<16xi32>], vector<16xf32>,
    %add3A_976 = arith.constant 112 : i32
    %add3A_977 = vector.broadcast %add3A_976 : i32 to vector<16xi32>
    %add3A_978 = arith.addi %iota3A, %add3A_977 : vector<16xi32>
    %mul3A_979 = arith.constant 16 : i32
    %mul3A_980 = vector.broadcast %mul3A_979 : i32 to vector<16xi32>
    %mul3A_981 = arith.muli %add3A_978, %mul3A_980 : vector<16xi32>
    %add3A_982 = vector.broadcast %min3A_24 : i32 to vector<16xi32>
    %add3A_983 = arith.addi %mul3A_981, %add3A_982 : vector<16xi32>
    tpu.vector_store_idx %arg7[%add3A_983], %gather3A_891 : memref<4096xf32, #tpu.memory_space<vmem>>[vector<16xi32>], vector<16xf32>,
    %get3A_984 = arith.constant 4 : i32
    %get3A_985 = arith.index_cast %get3A_984 : i32 to index
    %get3A_986 = arith.constant 112 : index
    %get3A_987 = tpu.vector_load %arg5[%get3A_985, %get3A_986] {strides = array<i32>} : memref<16x256xf32, #tpu.memory_space<vmem>>, vector<16xf32>,
    tpu.vector_store_idx %arg7[%mul3A_981], %get3A_987 : memref<4096xf32, #tpu.memory_space<vmem>>[vector<16xi32>], vector<16xf32>,
    %add3A_988 = arith.constant 128 : i32
    %add3A_989 = vector.broadcast %add3A_988 : i32 to vector<16xi32>
    %add3A_990 = arith.addi %iota3A, %add3A_989 : vector<16xi32>
    %mul3A_991 = arith.constant 16 : i32
    %mul3A_992 = vector.broadcast %mul3A_991 : i32 to vector<16xi32>
    %mul3A_993 = arith.muli %add3A_990, %mul3A_992 : vector<16xi32>
    %add3A_994 = vector.broadcast %min3A_24 : i32 to vector<16xi32>
    %add3A_995 = arith.addi %mul3A_993, %add3A_994 : vector<16xi32>
    tpu.vector_store_idx %arg7[%add3A_995], %gather3A_891 : memref<4096xf32, #tpu.memory_space<vmem>>[vector<16xi32>], vector<16xf32>,
    %get3A_996 = arith.constant 4 : i32
    %get3A_997 = arith.index_cast %get3A_996 : i32 to index
    %get3A_998 = arith.constant 128 : index
    %get3A_999 = tpu.vector_load %arg5[%get3A_997, %get3A_998] {strides = array<i32>} : memref<16x256xf32, #tpu.memory_space<vmem>>, vector<16xf32>,
    tpu.vector_store_idx %arg7[%mul3A_993], %get3A_999 : memref<4096xf32, #tpu.memory_space<vmem>>[vector<16xi32>], vector<16xf32>,
    %add3A_1000 = arith.constant 144 : i32
    %add3A_1001 = vector.broadcast %add3A_1000 : i32 to vector<16xi32>
    %add3A_1002 = arith.addi %iota3A, %add3A_1001 : vector<16xi32>
    %mul3A_1003 = arith.constant 16 : i32
    %mul3A_1004 = vector.broadcast %mul3A_1003 : i32 to vector<16xi32>
    %mul3A_1005 = arith.muli %add3A_1002, %mul3A_1004 : vector<16xi32>
    %add3A_1006 = vector.broadcast %min3A_24 : i32 to vector<16xi32>
    %add3A_1007 = arith.addi %mul3A_1005, %add3A_1006 : vector<16xi32>
    tpu.vector_store_idx %arg7[%add3A_1007], %gather3A_891 : memref<4096xf32, #tpu.memory_space<vmem>>[vector<16xi32>], vector<16xf32>,
    %get3A_1008 = arith.constant 4 : i32
    %get3A_1009 = arith.index_cast %get3A_1008 : i32 to index
    %get3A_1010 = arith.constant 144 : index
    %get3A_1011 = tpu.vector_load %arg5[%get3A_1009, %get3A_1010] {strides = array<i32>} : memref<16x256xf32, #tpu.memory_space<vmem>>, vector<16xf32>,
    tpu.vector_store_idx %arg7[%mul3A_1005], %get3A_1011 : memref<4096xf32, #tpu.memory_space<vmem>>[vector<16xi32>], vector<16xf32>,
    %add3A_1012 = arith.constant 160 : i32
    %add3A_1013 = vector.broadcast %add3A_1012 : i32 to vector<16xi32>
    %add3A_1014 = arith.addi %iota3A, %add3A_1013 : vector<16xi32>
    %mul3A_1015 = arith.constant 16 : i32
    %mul3A_1016 = vector.broadcast %mul3A_1015 : i32 to vector<16xi32>
    %mul3A_1017 = arith.muli %add3A_1014, %mul3A_1016 : vector<16xi32>
    %add3A_1018 = vector.broadcast %min3A_24 : i32 to vector<16xi32>
    %add3A_1019 = arith.addi %mul3A_1017, %add3A_1018 : vector<16xi32>
    tpu.vector_store_idx %arg7[%add3A_1019], %gather3A_891 : memref<4096xf32, #tpu.memory_space<vmem>>[vector<16xi32>], vector<16xf32>,
    %get3A_1020 = arith.constant 4 : i32
    %get3A_1021 = arith.index_cast %get3A_1020 : i32 to index
    %get3A_1022 = arith.constant 160 : index
    %get3A_1023 = tpu.vector_load %arg5[%get3A_1021, %get3A_1022] {strides = array<i32>} : memref<16x256xf32, #tpu.memory_space<vmem>>, vector<16xf32>,
    tpu.vector_store_idx %arg7[%mul3A_1017], %get3A_1023 : memref<4096xf32, #tpu.memory_space<vmem>>[vector<16xi32>], vector<16xf32>,
    %add3A_1024 = arith.constant 176 : i32
    %add3A_1025 = vector.broadcast %add3A_1024 : i32 to vector<16xi32>
    %add3A_1026 = arith.addi %iota3A, %add3A_1025 : vector<16xi32>
    %mul3A_1027 = arith.constant 16 : i32
    %mul3A_1028 = vector.broadcast %mul3A_1027 : i32 to vector<16xi32>
    %mul3A_1029 = arith.muli %add3A_1026, %mul3A_1028 : vector<16xi32>
    %add3A_1030 = vector.broadcast %min3A_24 : i32 to vector<16xi32>
    %add3A_1031 = arith.addi %mul3A_1029, %add3A_1030 : vector<16xi32>
    tpu.vector_store_idx %arg7[%add3A_1031], %gather3A_891 : memref<4096xf32, #tpu.memory_space<vmem>>[vector<16xi32>], vector<16xf32>,
    %get3A_1032 = arith.constant 4 : i32
    %get3A_1033 = arith.index_cast %get3A_1032 : i32 to index
    %get3A_1034 = arith.constant 176 : index
    %get3A_1035 = tpu.vector_load %arg5[%get3A_1033, %get3A_1034] {strides = array<i32>} : memref<16x256xf32, #tpu.memory_space<vmem>>, vector<16xf32>,
    tpu.vector_store_idx %arg7[%mul3A_1029], %get3A_1035 : memref<4096xf32, #tpu.memory_space<vmem>>[vector<16xi32>], vector<16xf32>,
    %add3A_1036 = arith.constant 192 : i32
    %add3A_1037 = vector.broadcast %add3A_1036 : i32 to vector<16xi32>
    %add3A_1038 = arith.addi %iota3A, %add3A_1037 : vector<16xi32>
    %mul3A_1039 = arith.constant 16 : i32
    %mul3A_1040 = vector.broadcast %mul3A_1039 : i32 to vector<16xi32>
    %mul3A_1041 = arith.muli %add3A_1038, %mul3A_1040 : vector<16xi32>
    %add3A_1042 = vector.broadcast %min3A_24 : i32 to vector<16xi32>
    %add3A_1043 = arith.addi %mul3A_1041, %add3A_1042 : vector<16xi32>
    tpu.vector_store_idx %arg7[%add3A_1043], %gather3A_891 : memref<4096xf32, #tpu.memory_space<vmem>>[vector<16xi32>], vector<16xf32>,
    %get3A_1044 = arith.constant 4 : i32
    %get3A_1045 = arith.index_cast %get3A_1044 : i32 to index
    %get3A_1046 = arith.constant 192 : index
    %get3A_1047 = tpu.vector_load %arg5[%get3A_1045, %get3A_1046] {strides = array<i32>} : memref<16x256xf32, #tpu.memory_space<vmem>>, vector<16xf32>,
    tpu.vector_store_idx %arg7[%mul3A_1041], %get3A_1047 : memref<4096xf32, #tpu.memory_space<vmem>>[vector<16xi32>], vector<16xf32>,
    %add3A_1048 = arith.constant 208 : i32
    %add3A_1049 = vector.broadcast %add3A_1048 : i32 to vector<16xi32>
    %add3A_1050 = arith.addi %iota3A, %add3A_1049 : vector<16xi32>
    %mul3A_1051 = arith.constant 16 : i32
    %mul3A_1052 = vector.broadcast %mul3A_1051 : i32 to vector<16xi32>
    %mul3A_1053 = arith.muli %add3A_1050, %mul3A_1052 : vector<16xi32>
    %add3A_1054 = vector.broadcast %min3A_24 : i32 to vector<16xi32>
    %add3A_1055 = arith.addi %mul3A_1053, %add3A_1054 : vector<16xi32>
    tpu.vector_store_idx %arg7[%add3A_1055], %gather3A_891 : memref<4096xf32, #tpu.memory_space<vmem>>[vector<16xi32>], vector<16xf32>,
    %get3A_1056 = arith.constant 4 : i32
    %get3A_1057 = arith.index_cast %get3A_1056 : i32 to index
    %get3A_1058 = arith.constant 208 : index
    %get3A_1059 = tpu.vector_load %arg5[%get3A_1057, %get3A_1058] {strides = array<i32>} : memref<16x256xf32, #tpu.memory_space<vmem>>, vector<16xf32>,
    tpu.vector_store_idx %arg7[%mul3A_1053], %get3A_1059 : memref<4096xf32, #tpu.memory_space<vmem>>[vector<16xi32>], vector<16xf32>,
    %add3A_1060 = arith.constant 224 : i32
    %add3A_1061 = vector.broadcast %add3A_1060 : i32 to vector<16xi32>
    %add3A_1062 = arith.addi %iota3A, %add3A_1061 : vector<16xi32>
    %mul3A_1063 = arith.constant 16 : i32
    %mul3A_1064 = vector.broadcast %mul3A_1063 : i32 to vector<16xi32>
    %mul3A_1065 = arith.muli %add3A_1062, %mul3A_1064 : vector<16xi32>
    %add3A_1066 = vector.broadcast %min3A_24 : i32 to vector<16xi32>
    %add3A_1067 = arith.addi %mul3A_1065, %add3A_1066 : vector<16xi32>
    tpu.vector_store_idx %arg7[%add3A_1067], %gather3A_891 : memref<4096xf32, #tpu.memory_space<vmem>>[vector<16xi32>], vector<16xf32>,
    %get3A_1068 = arith.constant 4 : i32
    %get3A_1069 = arith.index_cast %get3A_1068 : i32 to index
    %get3A_1070 = arith.constant 224 : index
    %get3A_1071 = tpu.vector_load %arg5[%get3A_1069, %get3A_1070] {strides = array<i32>} : memref<16x256xf32, #tpu.memory_space<vmem>>, vector<16xf32>,
    tpu.vector_store_idx %arg7[%mul3A_1065], %get3A_1071 : memref<4096xf32, #tpu.memory_space<vmem>>[vector<16xi32>], vector<16xf32>,
    %add3A_1072 = arith.constant 240 : i32
    %add3A_1073 = vector.broadcast %add3A_1072 : i32 to vector<16xi32>
    %add3A_1074 = arith.addi %iota3A, %add3A_1073 : vector<16xi32>
    %mul3A_1075 = arith.constant 16 : i32
    %mul3A_1076 = vector.broadcast %mul3A_1075 : i32 to vector<16xi32>
    %mul3A_1077 = arith.muli %add3A_1074, %mul3A_1076 : vector<16xi32>
    %add3A_1078 = vector.broadcast %min3A_24 : i32 to vector<16xi32>
    %add3A_1079 = arith.addi %mul3A_1077, %add3A_1078 : vector<16xi32>
    tpu.vector_store_idx %arg7[%add3A_1079], %gather3A_891 : memref<4096xf32, #tpu.memory_space<vmem>>[vector<16xi32>], vector<16xf32>,
    %get3A_1080 = arith.constant 4 : i32
    %get3A_1081 = arith.index_cast %get3A_1080 : i32 to index
    %get3A_1082 = arith.constant 240 : index
    %get3A_1083 = tpu.vector_load %arg5[%get3A_1081, %get3A_1082] {strides = array<i32>} : memref<16x256xf32, #tpu.memory_space<vmem>>, vector<16xf32>,
    tpu.vector_store_idx %arg7[%mul3A_1077], %get3A_1083 : memref<4096xf32, #tpu.memory_space<vmem>>[vector<16xi32>], vector<16xf32>,
    %add3A_1084 = arith.constant 4 : i32
    %add3A_1085 = arith.addi %mul3A_2, %add3A_1084 : i32
    %dma_start3A_1086 = arith.constant 0 : i32
    %dma_start3A_1087 = tpu.memref_slice %arg4[%add3A_1085, %dma_start3A_1086] : memref<512x4096xf32, #tpu.memory_space<hbm>> -> memref<1x4096xf32, #tpu.memory_space<hbm>>
    %dma_start3A_1088 = tpu.memref_squeeze %dma_start3A_1087 : memref<1x4096xf32, #tpu.memory_space<hbm>> -> memref<4096xf32, #tpu.memory_space<hbm>>
    %dma_start3A_1089 = arith.constant 0 : i32
    %dma_start3A_1090 = tpu.memref_slice %arg4[%add3A_1085, %dma_start3A_1089] : memref<512x4096xf32, #tpu.memory_space<hbm>> -> memref<1x4096xf32, #tpu.memory_space<hbm>>
    %dma_start3A_1091 = tpu.memref_squeeze %dma_start3A_1090 : memref<1x4096xf32, #tpu.memory_space<hbm>> -> memref<4096xf32, #tpu.memory_space<hbm>>
    tpu.enqueue_dma source(%arg7 : memref<4096xf32, #tpu.memory_space<vmem>>) target(%dma_start3A_1091 : memref<4096xf32, #tpu.memory_space<hbm>>) target_semaphore(%arg10 : memref<!tpu.dma_semaphore, #tpu.memory_space<semaphore_mem>>)
    %dma_wait3A_1092 = arith.constant 0 : i32
    %dma_wait3A_1093 = tpu.memref_slice %arg4[%add3A_872, %dma_wait3A_1092] : memref<512x4096xf32, #tpu.memory_space<hbm>> -> memref<1x4096xf32, #tpu.memory_space<hbm>>
    %dma_wait3A_1094 = tpu.memref_squeeze %dma_wait3A_1093 : memref<1x4096xf32, #tpu.memory_space<hbm>> -> memref<4096xf32, #tpu.memory_space<hbm>>
    %dma_wait3A_1095 = arith.constant 0 : i32
    %dma_wait3A_1096 = tpu.memref_slice %arg4[%add3A_872, %dma_wait3A_1095] : memref<512x4096xf32, #tpu.memory_space<hbm>> -> memref<1x4096xf32, #tpu.memory_space<hbm>>
    %dma_wait3A_1097 = tpu.memref_squeeze %dma_wait3A_1096 : memref<1x4096xf32, #tpu.memory_space<hbm>> -> memref<4096xf32, #tpu.memory_space<hbm>>
    tpu.wait_dma2 semaphore(%arg11 : memref<!tpu.dma_semaphore, #tpu.memory_space<semaphore_mem>>) src(%arg8 : memref<4096xf32, #tpu.memory_space<vmem>>) dst(%dma_wait3A_1097 : memref<4096xf32, #tpu.memory_space<hbm>>)
    %get3A_1098 = arith.constant 5 : i32
    %get3A_1099 = arith.index_cast %get3A_1098 : i32 to index
    %get3A_1100 = arith.constant 0 : index
    %get3A_1101 = tpu.vector_load %arg6[%get3A_1099, %get3A_1100] {strides = array<i32>} : memref<16x16xf32, #tpu.memory_space<vmem>>, vector<16xf32>,
    %broadcast_in_dim3A_1102 = vector.shape_cast %broadcast_in_dim3A_40 : vector<16xi32> to vector<16x1xi32>
    %gather3A_1103 = vector.shape_cast %broadcast_in_dim3A_1102 : vector<16x1xi32> to vector<16xi32>
    %gather3A_1104 = tpu.dynamic_gather %get3A_1101[%gather3A_1103] in [0] : vector<16xf32>, vector<16xi32> -> vector<16xf32>
    %add3A_1105 = arith.constant 0 : i32
    %add3A_1106 = vector.broadcast %add3A_1105 : i32 to vector<16xi32>
    %add3A_1107 = arith.addi %iota3A, %add3A_1106 : vector<16xi32>
    %mul3A_1108 = arith.constant 16 : i32
    %mul3A_1109 = vector.broadcast %mul3A_1108 : i32 to vector<16xi32>
    %mul3A_1110 = arith.muli %add3A_1107, %mul3A_1109 : vector<16xi32>
    %add3A_1111 = vector.broadcast %min3A_24 : i32 to vector<16xi32>
    %add3A_1112 = arith.addi %mul3A_1110, %add3A_1111 : vector<16xi32>
    tpu.vector_store_idx %arg8[%add3A_1112], %gather3A_1104 : memref<4096xf32, #tpu.memory_space<vmem>>[vector<16xi32>], vector<16xf32>,
    %get3A_1113 = arith.constant 5 : i32
    %get3A_1114 = arith.index_cast %get3A_1113 : i32 to index
    %get3A_1115 = arith.constant 0 : index
    %get3A_1116 = tpu.vector_load %arg5[%get3A_1114, %get3A_1115] {strides = array<i32>} : memref<16x256xf32, #tpu.memory_space<vmem>>, vector<16xf32>,
    tpu.vector_store_idx %arg8[%mul3A_1110], %get3A_1116 : memref<4096xf32, #tpu.memory_space<vmem>>[vector<16xi32>], vector<16xf32>,
    %add3A_1117 = arith.constant 16 : i32
    %add3A_1118 = vector.broadcast %add3A_1117 : i32 to vector<16xi32>
    %add3A_1119 = arith.addi %iota3A, %add3A_1118 : vector<16xi32>
    %mul3A_1120 = arith.constant 16 : i32
    %mul3A_1121 = vector.broadcast %mul3A_1120 : i32 to vector<16xi32>
    %mul3A_1122 = arith.muli %add3A_1119, %mul3A_1121 : vector<16xi32>
    %add3A_1123 = vector.broadcast %min3A_24 : i32 to vector<16xi32>
    %add3A_1124 = arith.addi %mul3A_1122, %add3A_1123 : vector<16xi32>
    tpu.vector_store_idx %arg8[%add3A_1124], %gather3A_1104 : memref<4096xf32, #tpu.memory_space<vmem>>[vector<16xi32>], vector<16xf32>,
    %get3A_1125 = arith.constant 5 : i32
    %get3A_1126 = arith.index_cast %get3A_1125 : i32 to index
    %get3A_1127 = arith.constant 16 : index
    %get3A_1128 = tpu.vector_load %arg5[%get3A_1126, %get3A_1127] {strides = array<i32>} : memref<16x256xf32, #tpu.memory_space<vmem>>, vector<16xf32>,
    tpu.vector_store_idx %arg8[%mul3A_1122], %get3A_1128 : memref<4096xf32, #tpu.memory_space<vmem>>[vector<16xi32>], vector<16xf32>,
    %add3A_1129 = arith.constant 32 : i32
    %add3A_1130 = vector.broadcast %add3A_1129 : i32 to vector<16xi32>
    %add3A_1131 = arith.addi %iota3A, %add3A_1130 : vector<16xi32>
    %mul3A_1132 = arith.constant 16 : i32
    %mul3A_1133 = vector.broadcast %mul3A_1132 : i32 to vector<16xi32>
    %mul3A_1134 = arith.muli %add3A_1131, %mul3A_1133 : vector<16xi32>
    %add3A_1135 = vector.broadcast %min3A_24 : i32 to vector<16xi32>
    %add3A_1136 = arith.addi %mul3A_1134, %add3A_1135 : vector<16xi32>
    tpu.vector_store_idx %arg8[%add3A_1136], %gather3A_1104 : memref<4096xf32, #tpu.memory_space<vmem>>[vector<16xi32>], vector<16xf32>,
    %get3A_1137 = arith.constant 5 : i32
    %get3A_1138 = arith.index_cast %get3A_1137 : i32 to index
    %get3A_1139 = arith.constant 32 : index
    %get3A_1140 = tpu.vector_load %arg5[%get3A_1138, %get3A_1139] {strides = array<i32>} : memref<16x256xf32, #tpu.memory_space<vmem>>, vector<16xf32>,
    tpu.vector_store_idx %arg8[%mul3A_1134], %get3A_1140 : memref<4096xf32, #tpu.memory_space<vmem>>[vector<16xi32>], vector<16xf32>,
    %add3A_1141 = arith.constant 48 : i32
    %add3A_1142 = vector.broadcast %add3A_1141 : i32 to vector<16xi32>
    %add3A_1143 = arith.addi %iota3A, %add3A_1142 : vector<16xi32>
    %mul3A_1144 = arith.constant 16 : i32
    %mul3A_1145 = vector.broadcast %mul3A_1144 : i32 to vector<16xi32>
    %mul3A_1146 = arith.muli %add3A_1143, %mul3A_1145 : vector<16xi32>
    %add3A_1147 = vector.broadcast %min3A_24 : i32 to vector<16xi32>
    %add3A_1148 = arith.addi %mul3A_1146, %add3A_1147 : vector<16xi32>
    tpu.vector_store_idx %arg8[%add3A_1148], %gather3A_1104 : memref<4096xf32, #tpu.memory_space<vmem>>[vector<16xi32>], vector<16xf32>,
    %get3A_1149 = arith.constant 5 : i32
    %get3A_1150 = arith.index_cast %get3A_1149 : i32 to index
    %get3A_1151 = arith.constant 48 : index
    %get3A_1152 = tpu.vector_load %arg5[%get3A_1150, %get3A_1151] {strides = array<i32>} : memref<16x256xf32, #tpu.memory_space<vmem>>, vector<16xf32>,
    tpu.vector_store_idx %arg8[%mul3A_1146], %get3A_1152 : memref<4096xf32, #tpu.memory_space<vmem>>[vector<16xi32>], vector<16xf32>,
    %add3A_1153 = arith.constant 64 : i32
    %add3A_1154 = vector.broadcast %add3A_1153 : i32 to vector<16xi32>
    %add3A_1155 = arith.addi %iota3A, %add3A_1154 : vector<16xi32>
    %mul3A_1156 = arith.constant 16 : i32
    %mul3A_1157 = vector.broadcast %mul3A_1156 : i32 to vector<16xi32>
    %mul3A_1158 = arith.muli %add3A_1155, %mul3A_1157 : vector<16xi32>
    %add3A_1159 = vector.broadcast %min3A_24 : i32 to vector<16xi32>
    %add3A_1160 = arith.addi %mul3A_1158, %add3A_1159 : vector<16xi32>
    tpu.vector_store_idx %arg8[%add3A_1160], %gather3A_1104 : memref<4096xf32, #tpu.memory_space<vmem>>[vector<16xi32>], vector<16xf32>,
    %get3A_1161 = arith.constant 5 : i32
    %get3A_1162 = arith.index_cast %get3A_1161 : i32 to index
    %get3A_1163 = arith.constant 64 : index
    %get3A_1164 = tpu.vector_load %arg5[%get3A_1162, %get3A_1163] {strides = array<i32>} : memref<16x256xf32, #tpu.memory_space<vmem>>, vector<16xf32>,
    tpu.vector_store_idx %arg8[%mul3A_1158], %get3A_1164 : memref<4096xf32, #tpu.memory_space<vmem>>[vector<16xi32>], vector<16xf32>,
    %add3A_1165 = arith.constant 80 : i32
    %add3A_1166 = vector.broadcast %add3A_1165 : i32 to vector<16xi32>
    %add3A_1167 = arith.addi %iota3A, %add3A_1166 : vector<16xi32>
    %mul3A_1168 = arith.constant 16 : i32
    %mul3A_1169 = vector.broadcast %mul3A_1168 : i32 to vector<16xi32>
    %mul3A_1170 = arith.muli %add3A_1167, %mul3A_1169 : vector<16xi32>
    %add3A_1171 = vector.broadcast %min3A_24 : i32 to vector<16xi32>
    %add3A_1172 = arith.addi %mul3A_1170, %add3A_1171 : vector<16xi32>
    tpu.vector_store_idx %arg8[%add3A_1172], %gather3A_1104 : memref<4096xf32, #tpu.memory_space<vmem>>[vector<16xi32>], vector<16xf32>,
    %get3A_1173 = arith.constant 5 : i32
    %get3A_1174 = arith.index_cast %get3A_1173 : i32 to index
    %get3A_1175 = arith.constant 80 : index
    %get3A_1176 = tpu.vector_load %arg5[%get3A_1174, %get3A_1175] {strides = array<i32>} : memref<16x256xf32, #tpu.memory_space<vmem>>, vector<16xf32>,
    tpu.vector_store_idx %arg8[%mul3A_1170], %get3A_1176 : memref<4096xf32, #tpu.memory_space<vmem>>[vector<16xi32>], vector<16xf32>,
    %add3A_1177 = arith.constant 96 : i32
    %add3A_1178 = vector.broadcast %add3A_1177 : i32 to vector<16xi32>
    %add3A_1179 = arith.addi %iota3A, %add3A_1178 : vector<16xi32>
    %mul3A_1180 = arith.constant 16 : i32
    %mul3A_1181 = vector.broadcast %mul3A_1180 : i32 to vector<16xi32>
    %mul3A_1182 = arith.muli %add3A_1179, %mul3A_1181 : vector<16xi32>
    %add3A_1183 = vector.broadcast %min3A_24 : i32 to vector<16xi32>
    %add3A_1184 = arith.addi %mul3A_1182, %add3A_1183 : vector<16xi32>
    tpu.vector_store_idx %arg8[%add3A_1184], %gather3A_1104 : memref<4096xf32, #tpu.memory_space<vmem>>[vector<16xi32>], vector<16xf32>,
    %get3A_1185 = arith.constant 5 : i32
    %get3A_1186 = arith.index_cast %get3A_1185 : i32 to index
    %get3A_1187 = arith.constant 96 : index
    %get3A_1188 = tpu.vector_load %arg5[%get3A_1186, %get3A_1187] {strides = array<i32>} : memref<16x256xf32, #tpu.memory_space<vmem>>, vector<16xf32>,
    tpu.vector_store_idx %arg8[%mul3A_1182], %get3A_1188 : memref<4096xf32, #tpu.memory_space<vmem>>[vector<16xi32>], vector<16xf32>,
    %add3A_1189 = arith.constant 112 : i32
    %add3A_1190 = vector.broadcast %add3A_1189 : i32 to vector<16xi32>
    %add3A_1191 = arith.addi %iota3A, %add3A_1190 : vector<16xi32>
    %mul3A_1192 = arith.constant 16 : i32
    %mul3A_1193 = vector.broadcast %mul3A_1192 : i32 to vector<16xi32>
    %mul3A_1194 = arith.muli %add3A_1191, %mul3A_1193 : vector<16xi32>
    %add3A_1195 = vector.broadcast %min3A_24 : i32 to vector<16xi32>
    %add3A_1196 = arith.addi %mul3A_1194, %add3A_1195 : vector<16xi32>
    tpu.vector_store_idx %arg8[%add3A_1196], %gather3A_1104 : memref<4096xf32, #tpu.memory_space<vmem>>[vector<16xi32>], vector<16xf32>,
    %get3A_1197 = arith.constant 5 : i32
    %get3A_1198 = arith.index_cast %get3A_1197 : i32 to index
    %get3A_1199 = arith.constant 112 : index
    %get3A_1200 = tpu.vector_load %arg5[%get3A_1198, %get3A_1199] {strides = array<i32>} : memref<16x256xf32, #tpu.memory_space<vmem>>, vector<16xf32>,
    tpu.vector_store_idx %arg8[%mul3A_1194], %get3A_1200 : memref<4096xf32, #tpu.memory_space<vmem>>[vector<16xi32>], vector<16xf32>,
    %add3A_1201 = arith.constant 128 : i32
    %add3A_1202 = vector.broadcast %add3A_1201 : i32 to vector<16xi32>
    %add3A_1203 = arith.addi %iota3A, %add3A_1202 : vector<16xi32>
    %mul3A_1204 = arith.constant 16 : i32
    %mul3A_1205 = vector.broadcast %mul3A_1204 : i32 to vector<16xi32>
    %mul3A_1206 = arith.muli %add3A_1203, %mul3A_1205 : vector<16xi32>
    %add3A_1207 = vector.broadcast %min3A_24 : i32 to vector<16xi32>
    %add3A_1208 = arith.addi %mul3A_1206, %add3A_1207 : vector<16xi32>
    tpu.vector_store_idx %arg8[%add3A_1208], %gather3A_1104 : memref<4096xf32, #tpu.memory_space<vmem>>[vector<16xi32>], vector<16xf32>,
    %get3A_1209 = arith.constant 5 : i32
    %get3A_1210 = arith.index_cast %get3A_1209 : i32 to index
    %get3A_1211 = arith.constant 128 : index
    %get3A_1212 = tpu.vector_load %arg5[%get3A_1210, %get3A_1211] {strides = array<i32>} : memref<16x256xf32, #tpu.memory_space<vmem>>, vector<16xf32>,
    tpu.vector_store_idx %arg8[%mul3A_1206], %get3A_1212 : memref<4096xf32, #tpu.memory_space<vmem>>[vector<16xi32>], vector<16xf32>,
    %add3A_1213 = arith.constant 144 : i32
    %add3A_1214 = vector.broadcast %add3A_1213 : i32 to vector<16xi32>
    %add3A_1215 = arith.addi %iota3A, %add3A_1214 : vector<16xi32>
    %mul3A_1216 = arith.constant 16 : i32
    %mul3A_1217 = vector.broadcast %mul3A_1216 : i32 to vector<16xi32>
    %mul3A_1218 = arith.muli %add3A_1215, %mul3A_1217 : vector<16xi32>
    %add3A_1219 = vector.broadcast %min3A_24 : i32 to vector<16xi32>
    %add3A_1220 = arith.addi %mul3A_1218, %add3A_1219 : vector<16xi32>
    tpu.vector_store_idx %arg8[%add3A_1220], %gather3A_1104 : memref<4096xf32, #tpu.memory_space<vmem>>[vector<16xi32>], vector<16xf32>,
    %get3A_1221 = arith.constant 5 : i32
    %get3A_1222 = arith.index_cast %get3A_1221 : i32 to index
    %get3A_1223 = arith.constant 144 : index
    %get3A_1224 = tpu.vector_load %arg5[%get3A_1222, %get3A_1223] {strides = array<i32>} : memref<16x256xf32, #tpu.memory_space<vmem>>, vector<16xf32>,
    tpu.vector_store_idx %arg8[%mul3A_1218], %get3A_1224 : memref<4096xf32, #tpu.memory_space<vmem>>[vector<16xi32>], vector<16xf32>,
    %add3A_1225 = arith.constant 160 : i32
    %add3A_1226 = vector.broadcast %add3A_1225 : i32 to vector<16xi32>
    %add3A_1227 = arith.addi %iota3A, %add3A_1226 : vector<16xi32>
    %mul3A_1228 = arith.constant 16 : i32
    %mul3A_1229 = vector.broadcast %mul3A_1228 : i32 to vector<16xi32>
    %mul3A_1230 = arith.muli %add3A_1227, %mul3A_1229 : vector<16xi32>
    %add3A_1231 = vector.broadcast %min3A_24 : i32 to vector<16xi32>
    %add3A_1232 = arith.addi %mul3A_1230, %add3A_1231 : vector<16xi32>
    tpu.vector_store_idx %arg8[%add3A_1232], %gather3A_1104 : memref<4096xf32, #tpu.memory_space<vmem>>[vector<16xi32>], vector<16xf32>,
    %get3A_1233 = arith.constant 5 : i32
    %get3A_1234 = arith.index_cast %get3A_1233 : i32 to index
    %get3A_1235 = arith.constant 160 : index
    %get3A_1236 = tpu.vector_load %arg5[%get3A_1234, %get3A_1235] {strides = array<i32>} : memref<16x256xf32, #tpu.memory_space<vmem>>, vector<16xf32>,
    tpu.vector_store_idx %arg8[%mul3A_1230], %get3A_1236 : memref<4096xf32, #tpu.memory_space<vmem>>[vector<16xi32>], vector<16xf32>,
    %add3A_1237 = arith.constant 176 : i32
    %add3A_1238 = vector.broadcast %add3A_1237 : i32 to vector<16xi32>
    %add3A_1239 = arith.addi %iota3A, %add3A_1238 : vector<16xi32>
    %mul3A_1240 = arith.constant 16 : i32
    %mul3A_1241 = vector.broadcast %mul3A_1240 : i32 to vector<16xi32>
    %mul3A_1242 = arith.muli %add3A_1239, %mul3A_1241 : vector<16xi32>
    %add3A_1243 = vector.broadcast %min3A_24 : i32 to vector<16xi32>
    %add3A_1244 = arith.addi %mul3A_1242, %add3A_1243 : vector<16xi32>
    tpu.vector_store_idx %arg8[%add3A_1244], %gather3A_1104 : memref<4096xf32, #tpu.memory_space<vmem>>[vector<16xi32>], vector<16xf32>,
    %get3A_1245 = arith.constant 5 : i32
    %get3A_1246 = arith.index_cast %get3A_1245 : i32 to index
    %get3A_1247 = arith.constant 176 : index
    %get3A_1248 = tpu.vector_load %arg5[%get3A_1246, %get3A_1247] {strides = array<i32>} : memref<16x256xf32, #tpu.memory_space<vmem>>, vector<16xf32>,
    tpu.vector_store_idx %arg8[%mul3A_1242], %get3A_1248 : memref<4096xf32, #tpu.memory_space<vmem>>[vector<16xi32>], vector<16xf32>,
    %add3A_1249 = arith.constant 192 : i32
    %add3A_1250 = vector.broadcast %add3A_1249 : i32 to vector<16xi32>
    %add3A_1251 = arith.addi %iota3A, %add3A_1250 : vector<16xi32>
    %mul3A_1252 = arith.constant 16 : i32
    %mul3A_1253 = vector.broadcast %mul3A_1252 : i32 to vector<16xi32>
    %mul3A_1254 = arith.muli %add3A_1251, %mul3A_1253 : vector<16xi32>
    %add3A_1255 = vector.broadcast %min3A_24 : i32 to vector<16xi32>
    %add3A_1256 = arith.addi %mul3A_1254, %add3A_1255 : vector<16xi32>
    tpu.vector_store_idx %arg8[%add3A_1256], %gather3A_1104 : memref<4096xf32, #tpu.memory_space<vmem>>[vector<16xi32>], vector<16xf32>,
    %get3A_1257 = arith.constant 5 : i32
    %get3A_1258 = arith.index_cast %get3A_1257 : i32 to index
    %get3A_1259 = arith.constant 192 : index
    %get3A_1260 = tpu.vector_load %arg5[%get3A_1258, %get3A_1259] {strides = array<i32>} : memref<16x256xf32, #tpu.memory_space<vmem>>, vector<16xf32>,
    tpu.vector_store_idx %arg8[%mul3A_1254], %get3A_1260 : memref<4096xf32, #tpu.memory_space<vmem>>[vector<16xi32>], vector<16xf32>,
    %add3A_1261 = arith.constant 208 : i32
    %add3A_1262 = vector.broadcast %add3A_1261 : i32 to vector<16xi32>
    %add3A_1263 = arith.addi %iota3A, %add3A_1262 : vector<16xi32>
    %mul3A_1264 = arith.constant 16 : i32
    %mul3A_1265 = vector.broadcast %mul3A_1264 : i32 to vector<16xi32>
    %mul3A_1266 = arith.muli %add3A_1263, %mul3A_1265 : vector<16xi32>
    %add3A_1267 = vector.broadcast %min3A_24 : i32 to vector<16xi32>
    %add3A_1268 = arith.addi %mul3A_1266, %add3A_1267 : vector<16xi32>
    tpu.vector_store_idx %arg8[%add3A_1268], %gather3A_1104 : memref<4096xf32, #tpu.memory_space<vmem>>[vector<16xi32>], vector<16xf32>,
    %get3A_1269 = arith.constant 5 : i32
    %get3A_1270 = arith.index_cast %get3A_1269 : i32 to index
    %get3A_1271 = arith.constant 208 : index
    %get3A_1272 = tpu.vector_load %arg5[%get3A_1270, %get3A_1271] {strides = array<i32>} : memref<16x256xf32, #tpu.memory_space<vmem>>, vector<16xf32>,
    tpu.vector_store_idx %arg8[%mul3A_1266], %get3A_1272 : memref<4096xf32, #tpu.memory_space<vmem>>[vector<16xi32>], vector<16xf32>,
    %add3A_1273 = arith.constant 224 : i32
    %add3A_1274 = vector.broadcast %add3A_1273 : i32 to vector<16xi32>
    %add3A_1275 = arith.addi %iota3A, %add3A_1274 : vector<16xi32>
    %mul3A_1276 = arith.constant 16 : i32
    %mul3A_1277 = vector.broadcast %mul3A_1276 : i32 to vector<16xi32>
    %mul3A_1278 = arith.muli %add3A_1275, %mul3A_1277 : vector<16xi32>
    %add3A_1279 = vector.broadcast %min3A_24 : i32 to vector<16xi32>
    %add3A_1280 = arith.addi %mul3A_1278, %add3A_1279 : vector<16xi32>
    tpu.vector_store_idx %arg8[%add3A_1280], %gather3A_1104 : memref<4096xf32, #tpu.memory_space<vmem>>[vector<16xi32>], vector<16xf32>,
    %get3A_1281 = arith.constant 5 : i32
    %get3A_1282 = arith.index_cast %get3A_1281 : i32 to index
    %get3A_1283 = arith.constant 224 : index
    %get3A_1284 = tpu.vector_load %arg5[%get3A_1282, %get3A_1283] {strides = array<i32>} : memref<16x256xf32, #tpu.memory_space<vmem>>, vector<16xf32>,
    tpu.vector_store_idx %arg8[%mul3A_1278], %get3A_1284 : memref<4096xf32, #tpu.memory_space<vmem>>[vector<16xi32>], vector<16xf32>,
    %add3A_1285 = arith.constant 240 : i32
    %add3A_1286 = vector.broadcast %add3A_1285 : i32 to vector<16xi32>
    %add3A_1287 = arith.addi %iota3A, %add3A_1286 : vector<16xi32>
    %mul3A_1288 = arith.constant 16 : i32
    %mul3A_1289 = vector.broadcast %mul3A_1288 : i32 to vector<16xi32>
    %mul3A_1290 = arith.muli %add3A_1287, %mul3A_1289 : vector<16xi32>
    %add3A_1291 = vector.broadcast %min3A_24 : i32 to vector<16xi32>
    %add3A_1292 = arith.addi %mul3A_1290, %add3A_1291 : vector<16xi32>
    tpu.vector_store_idx %arg8[%add3A_1292], %gather3A_1104 : memref<4096xf32, #tpu.memory_space<vmem>>[vector<16xi32>], vector<16xf32>,
    %get3A_1293 = arith.constant 5 : i32
    %get3A_1294 = arith.index_cast %get3A_1293 : i32 to index
    %get3A_1295 = arith.constant 240 : index
    %get3A_1296 = tpu.vector_load %arg5[%get3A_1294, %get3A_1295] {strides = array<i32>} : memref<16x256xf32, #tpu.memory_space<vmem>>, vector<16xf32>,
    tpu.vector_store_idx %arg8[%mul3A_1290], %get3A_1296 : memref<4096xf32, #tpu.memory_space<vmem>>[vector<16xi32>], vector<16xf32>,
    %add3A_1297 = arith.constant 5 : i32
    %add3A_1298 = arith.addi %mul3A_2, %add3A_1297 : i32
    %dma_start3A_1299 = arith.constant 0 : i32
    %dma_start3A_1300 = tpu.memref_slice %arg4[%add3A_1298, %dma_start3A_1299] : memref<512x4096xf32, #tpu.memory_space<hbm>> -> memref<1x4096xf32, #tpu.memory_space<hbm>>
    %dma_start3A_1301 = tpu.memref_squeeze %dma_start3A_1300 : memref<1x4096xf32, #tpu.memory_space<hbm>> -> memref<4096xf32, #tpu.memory_space<hbm>>
    %dma_start3A_1302 = arith.constant 0 : i32
    %dma_start3A_1303 = tpu.memref_slice %arg4[%add3A_1298, %dma_start3A_1302] : memref<512x4096xf32, #tpu.memory_space<hbm>> -> memref<1x4096xf32, #tpu.memory_space<hbm>>
    %dma_start3A_1304 = tpu.memref_squeeze %dma_start3A_1303 : memref<1x4096xf32, #tpu.memory_space<hbm>> -> memref<4096xf32, #tpu.memory_space<hbm>>
    tpu.enqueue_dma source(%arg8 : memref<4096xf32, #tpu.memory_space<vmem>>) target(%dma_start3A_1304 : memref<4096xf32, #tpu.memory_space<hbm>>) target_semaphore(%arg11 : memref<!tpu.dma_semaphore, #tpu.memory_space<semaphore_mem>>)
    %dma_wait3A_1305 = arith.constant 0 : i32
    %dma_wait3A_1306 = tpu.memref_slice %arg4[%add3A_1085, %dma_wait3A_1305] : memref<512x4096xf32, #tpu.memory_space<hbm>> -> memref<1x4096xf32, #tpu.memory_space<hbm>>
    %dma_wait3A_1307 = tpu.memref_squeeze %dma_wait3A_1306 : memref<1x4096xf32, #tpu.memory_space<hbm>> -> memref<4096xf32, #tpu.memory_space<hbm>>
    %dma_wait3A_1308 = arith.constant 0 : i32
    %dma_wait3A_1309 = tpu.memref_slice %arg4[%add3A_1085, %dma_wait3A_1308] : memref<512x4096xf32, #tpu.memory_space<hbm>> -> memref<1x4096xf32, #tpu.memory_space<hbm>>
    %dma_wait3A_1310 = tpu.memref_squeeze %dma_wait3A_1309 : memref<1x4096xf32, #tpu.memory_space<hbm>> -> memref<4096xf32, #tpu.memory_space<hbm>>
    tpu.wait_dma2 semaphore(%arg10 : memref<!tpu.dma_semaphore, #tpu.memory_space<semaphore_mem>>) src(%arg7 : memref<4096xf32, #tpu.memory_space<vmem>>) dst(%dma_wait3A_1310 : memref<4096xf32, #tpu.memory_space<hbm>>)
    %get3A_1311 = arith.constant 6 : i32
    %get3A_1312 = arith.index_cast %get3A_1311 : i32 to index
    %get3A_1313 = arith.constant 0 : index
    %get3A_1314 = tpu.vector_load %arg6[%get3A_1312, %get3A_1313] {strides = array<i32>} : memref<16x16xf32, #tpu.memory_space<vmem>>, vector<16xf32>,
    %broadcast_in_dim3A_1315 = vector.shape_cast %broadcast_in_dim3A_40 : vector<16xi32> to vector<16x1xi32>
    %gather3A_1316 = vector.shape_cast %broadcast_in_dim3A_1315 : vector<16x1xi32> to vector<16xi32>
    %gather3A_1317 = tpu.dynamic_gather %get3A_1314[%gather3A_1316] in [0] : vector<16xf32>, vector<16xi32> -> vector<16xf32>
    %add3A_1318 = arith.constant 0 : i32
    %add3A_1319 = vector.broadcast %add3A_1318 : i32 to vector<16xi32>
    %add3A_1320 = arith.addi %iota3A, %add3A_1319 : vector<16xi32>
    %mul3A_1321 = arith.constant 16 : i32
    %mul3A_1322 = vector.broadcast %mul3A_1321 : i32 to vector<16xi32>
    %mul3A_1323 = arith.muli %add3A_1320, %mul3A_1322 : vector<16xi32>
    %add3A_1324 = vector.broadcast %min3A_24 : i32 to vector<16xi32>
    %add3A_1325 = arith.addi %mul3A_1323, %add3A_1324 : vector<16xi32>
    tpu.vector_store_idx %arg7[%add3A_1325], %gather3A_1317 : memref<4096xf32, #tpu.memory_space<vmem>>[vector<16xi32>], vector<16xf32>,
    %get3A_1326 = arith.constant 6 : i32
    %get3A_1327 = arith.index_cast %get3A_1326 : i32 to index
    %get3A_1328 = arith.constant 0 : index
    %get3A_1329 = tpu.vector_load %arg5[%get3A_1327, %get3A_1328] {strides = array<i32>} : memref<16x256xf32, #tpu.memory_space<vmem>>, vector<16xf32>,
    tpu.vector_store_idx %arg7[%mul3A_1323], %get3A_1329 : memref<4096xf32, #tpu.memory_space<vmem>>[vector<16xi32>], vector<16xf32>,
    %add3A_1330 = arith.constant 16 : i32
    %add3A_1331 = vector.broadcast %add3A_1330 : i32 to vector<16xi32>
    %add3A_1332 = arith.addi %iota3A, %add3A_1331 : vector<16xi32>
    %mul3A_1333 = arith.constant 16 : i32
    %mul3A_1334 = vector.broadcast %mul3A_1333 : i32 to vector<16xi32>
    %mul3A_1335 = arith.muli %add3A_1332, %mul3A_1334 : vector<16xi32>
    %add3A_1336 = vector.broadcast %min3A_24 : i32 to vector<16xi32>
    %add3A_1337 = arith.addi %mul3A_1335, %add3A_1336 : vector<16xi32>
    tpu.vector_store_idx %arg7[%add3A_1337], %gather3A_1317 : memref<4096xf32, #tpu.memory_space<vmem>>[vector<16xi32>], vector<16xf32>,
    %get3A_1338 = arith.constant 6 : i32
    %get3A_1339 = arith.index_cast %get3A_1338 : i32 to index
    %get3A_1340 = arith.constant 16 : index
    %get3A_1341 = tpu.vector_load %arg5[%get3A_1339, %get3A_1340] {strides = array<i32>} : memref<16x256xf32, #tpu.memory_space<vmem>>, vector<16xf32>,
    tpu.vector_store_idx %arg7[%mul3A_1335], %get3A_1341 : memref<4096xf32, #tpu.memory_space<vmem>>[vector<16xi32>], vector<16xf32>,
    %add3A_1342 = arith.constant 32 : i32
    %add3A_1343 = vector.broadcast %add3A_1342 : i32 to vector<16xi32>
    %add3A_1344 = arith.addi %iota3A, %add3A_1343 : vector<16xi32>
    %mul3A_1345 = arith.constant 16 : i32
    %mul3A_1346 = vector.broadcast %mul3A_1345 : i32 to vector<16xi32>
    %mul3A_1347 = arith.muli %add3A_1344, %mul3A_1346 : vector<16xi32>
    %add3A_1348 = vector.broadcast %min3A_24 : i32 to vector<16xi32>
    %add3A_1349 = arith.addi %mul3A_1347, %add3A_1348 : vector<16xi32>
    tpu.vector_store_idx %arg7[%add3A_1349], %gather3A_1317 : memref<4096xf32, #tpu.memory_space<vmem>>[vector<16xi32>], vector<16xf32>,
    %get3A_1350 = arith.constant 6 : i32
    %get3A_1351 = arith.index_cast %get3A_1350 : i32 to index
    %get3A_1352 = arith.constant 32 : index
    %get3A_1353 = tpu.vector_load %arg5[%get3A_1351, %get3A_1352] {strides = array<i32>} : memref<16x256xf32, #tpu.memory_space<vmem>>, vector<16xf32>,
    tpu.vector_store_idx %arg7[%mul3A_1347], %get3A_1353 : memref<4096xf32, #tpu.memory_space<vmem>>[vector<16xi32>], vector<16xf32>,
    %add3A_1354 = arith.constant 48 : i32
    %add3A_1355 = vector.broadcast %add3A_1354 : i32 to vector<16xi32>
    %add3A_1356 = arith.addi %iota3A, %add3A_1355 : vector<16xi32>
    %mul3A_1357 = arith.constant 16 : i32
    %mul3A_1358 = vector.broadcast %mul3A_1357 : i32 to vector<16xi32>
    %mul3A_1359 = arith.muli %add3A_1356, %mul3A_1358 : vector<16xi32>
    %add3A_1360 = vector.broadcast %min3A_24 : i32 to vector<16xi32>
    %add3A_1361 = arith.addi %mul3A_1359, %add3A_1360 : vector<16xi32>
    tpu.vector_store_idx %arg7[%add3A_1361], %gather3A_1317 : memref<4096xf32, #tpu.memory_space<vmem>>[vector<16xi32>], vector<16xf32>,
    %get3A_1362 = arith.constant 6 : i32
    %get3A_1363 = arith.index_cast %get3A_1362 : i32 to index
    %get3A_1364 = arith.constant 48 : index
    %get3A_1365 = tpu.vector_load %arg5[%get3A_1363, %get3A_1364] {strides = array<i32>} : memref<16x256xf32, #tpu.memory_space<vmem>>, vector<16xf32>,
    tpu.vector_store_idx %arg7[%mul3A_1359], %get3A_1365 : memref<4096xf32, #tpu.memory_space<vmem>>[vector<16xi32>], vector<16xf32>,
    %add3A_1366 = arith.constant 64 : i32
    %add3A_1367 = vector.broadcast %add3A_1366 : i32 to vector<16xi32>
    %add3A_1368 = arith.addi %iota3A, %add3A_1367 : vector<16xi32>
    %mul3A_1369 = arith.constant 16 : i32
    %mul3A_1370 = vector.broadcast %mul3A_1369 : i32 to vector<16xi32>
    %mul3A_1371 = arith.muli %add3A_1368, %mul3A_1370 : vector<16xi32>
    %add3A_1372 = vector.broadcast %min3A_24 : i32 to vector<16xi32>
    %add3A_1373 = arith.addi %mul3A_1371, %add3A_1372 : vector<16xi32>
    tpu.vector_store_idx %arg7[%add3A_1373], %gather3A_1317 : memref<4096xf32, #tpu.memory_space<vmem>>[vector<16xi32>], vector<16xf32>,
    %get3A_1374 = arith.constant 6 : i32
    %get3A_1375 = arith.index_cast %get3A_1374 : i32 to index
    %get3A_1376 = arith.constant 64 : index
    %get3A_1377 = tpu.vector_load %arg5[%get3A_1375, %get3A_1376] {strides = array<i32>} : memref<16x256xf32, #tpu.memory_space<vmem>>, vector<16xf32>,
    tpu.vector_store_idx %arg7[%mul3A_1371], %get3A_1377 : memref<4096xf32, #tpu.memory_space<vmem>>[vector<16xi32>], vector<16xf32>,
    %add3A_1378 = arith.constant 80 : i32
    %add3A_1379 = vector.broadcast %add3A_1378 : i32 to vector<16xi32>
    %add3A_1380 = arith.addi %iota3A, %add3A_1379 : vector<16xi32>
    %mul3A_1381 = arith.constant 16 : i32
    %mul3A_1382 = vector.broadcast %mul3A_1381 : i32 to vector<16xi32>
    %mul3A_1383 = arith.muli %add3A_1380, %mul3A_1382 : vector<16xi32>
    %add3A_1384 = vector.broadcast %min3A_24 : i32 to vector<16xi32>
    %add3A_1385 = arith.addi %mul3A_1383, %add3A_1384 : vector<16xi32>
    tpu.vector_store_idx %arg7[%add3A_1385], %gather3A_1317 : memref<4096xf32, #tpu.memory_space<vmem>>[vector<16xi32>], vector<16xf32>,
    %get3A_1386 = arith.constant 6 : i32
    %get3A_1387 = arith.index_cast %get3A_1386 : i32 to index
    %get3A_1388 = arith.constant 80 : index
    %get3A_1389 = tpu.vector_load %arg5[%get3A_1387, %get3A_1388] {strides = array<i32>} : memref<16x256xf32, #tpu.memory_space<vmem>>, vector<16xf32>,
    tpu.vector_store_idx %arg7[%mul3A_1383], %get3A_1389 : memref<4096xf32, #tpu.memory_space<vmem>>[vector<16xi32>], vector<16xf32>,
    %add3A_1390 = arith.constant 96 : i32
    %add3A_1391 = vector.broadcast %add3A_1390 : i32 to vector<16xi32>
    %add3A_1392 = arith.addi %iota3A, %add3A_1391 : vector<16xi32>
    %mul3A_1393 = arith.constant 16 : i32
    %mul3A_1394 = vector.broadcast %mul3A_1393 : i32 to vector<16xi32>
    %mul3A_1395 = arith.muli %add3A_1392, %mul3A_1394 : vector<16xi32>
    %add3A_1396 = vector.broadcast %min3A_24 : i32 to vector<16xi32>
    %add3A_1397 = arith.addi %mul3A_1395, %add3A_1396 : vector<16xi32>
    tpu.vector_store_idx %arg7[%add3A_1397], %gather3A_1317 : memref<4096xf32, #tpu.memory_space<vmem>>[vector<16xi32>], vector<16xf32>,
    %get3A_1398 = arith.constant 6 : i32
    %get3A_1399 = arith.index_cast %get3A_1398 : i32 to index
    %get3A_1400 = arith.constant 96 : index
    %get3A_1401 = tpu.vector_load %arg5[%get3A_1399, %get3A_1400] {strides = array<i32>} : memref<16x256xf32, #tpu.memory_space<vmem>>, vector<16xf32>,
    tpu.vector_store_idx %arg7[%mul3A_1395], %get3A_1401 : memref<4096xf32, #tpu.memory_space<vmem>>[vector<16xi32>], vector<16xf32>,
    %add3A_1402 = arith.constant 112 : i32
    %add3A_1403 = vector.broadcast %add3A_1402 : i32 to vector<16xi32>
    %add3A_1404 = arith.addi %iota3A, %add3A_1403 : vector<16xi32>
    %mul3A_1405 = arith.constant 16 : i32
    %mul3A_1406 = vector.broadcast %mul3A_1405 : i32 to vector<16xi32>
    %mul3A_1407 = arith.muli %add3A_1404, %mul3A_1406 : vector<16xi32>
    %add3A_1408 = vector.broadcast %min3A_24 : i32 to vector<16xi32>
    %add3A_1409 = arith.addi %mul3A_1407, %add3A_1408 : vector<16xi32>
    tpu.vector_store_idx %arg7[%add3A_1409], %gather3A_1317 : memref<4096xf32, #tpu.memory_space<vmem>>[vector<16xi32>], vector<16xf32>,
    %get3A_1410 = arith.constant 6 : i32
    %get3A_1411 = arith.index_cast %get3A_1410 : i32 to index
    %get3A_1412 = arith.constant 112 : index
    %get3A_1413 = tpu.vector_load %arg5[%get3A_1411, %get3A_1412] {strides = array<i32>} : memref<16x256xf32, #tpu.memory_space<vmem>>, vector<16xf32>,
    tpu.vector_store_idx %arg7[%mul3A_1407], %get3A_1413 : memref<4096xf32, #tpu.memory_space<vmem>>[vector<16xi32>], vector<16xf32>,
    %add3A_1414 = arith.constant 128 : i32
    %add3A_1415 = vector.broadcast %add3A_1414 : i32 to vector<16xi32>
    %add3A_1416 = arith.addi %iota3A, %add3A_1415 : vector<16xi32>
    %mul3A_1417 = arith.constant 16 : i32
    %mul3A_1418 = vector.broadcast %mul3A_1417 : i32 to vector<16xi32>
    %mul3A_1419 = arith.muli %add3A_1416, %mul3A_1418 : vector<16xi32>
    %add3A_1420 = vector.broadcast %min3A_24 : i32 to vector<16xi32>
    %add3A_1421 = arith.addi %mul3A_1419, %add3A_1420 : vector<16xi32>
    tpu.vector_store_idx %arg7[%add3A_1421], %gather3A_1317 : memref<4096xf32, #tpu.memory_space<vmem>>[vector<16xi32>], vector<16xf32>,
    %get3A_1422 = arith.constant 6 : i32
    %get3A_1423 = arith.index_cast %get3A_1422 : i32 to index
    %get3A_1424 = arith.constant 128 : index
    %get3A_1425 = tpu.vector_load %arg5[%get3A_1423, %get3A_1424] {strides = array<i32>} : memref<16x256xf32, #tpu.memory_space<vmem>>, vector<16xf32>,
    tpu.vector_store_idx %arg7[%mul3A_1419], %get3A_1425 : memref<4096xf32, #tpu.memory_space<vmem>>[vector<16xi32>], vector<16xf32>,
    %add3A_1426 = arith.constant 144 : i32
    %add3A_1427 = vector.broadcast %add3A_1426 : i32 to vector<16xi32>
    %add3A_1428 = arith.addi %iota3A, %add3A_1427 : vector<16xi32>
    %mul3A_1429 = arith.constant 16 : i32
    %mul3A_1430 = vector.broadcast %mul3A_1429 : i32 to vector<16xi32>
    %mul3A_1431 = arith.muli %add3A_1428, %mul3A_1430 : vector<16xi32>
    %add3A_1432 = vector.broadcast %min3A_24 : i32 to vector<16xi32>
    %add3A_1433 = arith.addi %mul3A_1431, %add3A_1432 : vector<16xi32>
    tpu.vector_store_idx %arg7[%add3A_1433], %gather3A_1317 : memref<4096xf32, #tpu.memory_space<vmem>>[vector<16xi32>], vector<16xf32>,
    %get3A_1434 = arith.constant 6 : i32
    %get3A_1435 = arith.index_cast %get3A_1434 : i32 to index
    %get3A_1436 = arith.constant 144 : index
    %get3A_1437 = tpu.vector_load %arg5[%get3A_1435, %get3A_1436] {strides = array<i32>} : memref<16x256xf32, #tpu.memory_space<vmem>>, vector<16xf32>,
    tpu.vector_store_idx %arg7[%mul3A_1431], %get3A_1437 : memref<4096xf32, #tpu.memory_space<vmem>>[vector<16xi32>], vector<16xf32>,
    %add3A_1438 = arith.constant 160 : i32
    %add3A_1439 = vector.broadcast %add3A_1438 : i32 to vector<16xi32>
    %add3A_1440 = arith.addi %iota3A, %add3A_1439 : vector<16xi32>
    %mul3A_1441 = arith.constant 16 : i32
    %mul3A_1442 = vector.broadcast %mul3A_1441 : i32 to vector<16xi32>
    %mul3A_1443 = arith.muli %add3A_1440, %mul3A_1442 : vector<16xi32>
    %add3A_1444 = vector.broadcast %min3A_24 : i32 to vector<16xi32>
    %add3A_1445 = arith.addi %mul3A_1443, %add3A_1444 : vector<16xi32>
    tpu.vector_store_idx %arg7[%add3A_1445], %gather3A_1317 : memref<4096xf32, #tpu.memory_space<vmem>>[vector<16xi32>], vector<16xf32>,
    %get3A_1446 = arith.constant 6 : i32
    %get3A_1447 = arith.index_cast %get3A_1446 : i32 to index
    %get3A_1448 = arith.constant 160 : index
    %get3A_1449 = tpu.vector_load %arg5[%get3A_1447, %get3A_1448] {strides = array<i32>} : memref<16x256xf32, #tpu.memory_space<vmem>>, vector<16xf32>,
    tpu.vector_store_idx %arg7[%mul3A_1443], %get3A_1449 : memref<4096xf32, #tpu.memory_space<vmem>>[vector<16xi32>], vector<16xf32>,
    %add3A_1450 = arith.constant 176 : i32
    %add3A_1451 = vector.broadcast %add3A_1450 : i32 to vector<16xi32>
    %add3A_1452 = arith.addi %iota3A, %add3A_1451 : vector<16xi32>
    %mul3A_1453 = arith.constant 16 : i32
    %mul3A_1454 = vector.broadcast %mul3A_1453 : i32 to vector<16xi32>
    %mul3A_1455 = arith.muli %add3A_1452, %mul3A_1454 : vector<16xi32>
    %add3A_1456 = vector.broadcast %min3A_24 : i32 to vector<16xi32>
    %add3A_1457 = arith.addi %mul3A_1455, %add3A_1456 : vector<16xi32>
    tpu.vector_store_idx %arg7[%add3A_1457], %gather3A_1317 : memref<4096xf32, #tpu.memory_space<vmem>>[vector<16xi32>], vector<16xf32>,
    %get3A_1458 = arith.constant 6 : i32
    %get3A_1459 = arith.index_cast %get3A_1458 : i32 to index
    %get3A_1460 = arith.constant 176 : index
    %get3A_1461 = tpu.vector_load %arg5[%get3A_1459, %get3A_1460] {strides = array<i32>} : memref<16x256xf32, #tpu.memory_space<vmem>>, vector<16xf32>,
    tpu.vector_store_idx %arg7[%mul3A_1455], %get3A_1461 : memref<4096xf32, #tpu.memory_space<vmem>>[vector<16xi32>], vector<16xf32>,
    %add3A_1462 = arith.constant 192 : i32
    %add3A_1463 = vector.broadcast %add3A_1462 : i32 to vector<16xi32>
    %add3A_1464 = arith.addi %iota3A, %add3A_1463 : vector<16xi32>
    %mul3A_1465 = arith.constant 16 : i32
    %mul3A_1466 = vector.broadcast %mul3A_1465 : i32 to vector<16xi32>
    %mul3A_1467 = arith.muli %add3A_1464, %mul3A_1466 : vector<16xi32>
    %add3A_1468 = vector.broadcast %min3A_24 : i32 to vector<16xi32>
    %add3A_1469 = arith.addi %mul3A_1467, %add3A_1468 : vector<16xi32>
    tpu.vector_store_idx %arg7[%add3A_1469], %gather3A_1317 : memref<4096xf32, #tpu.memory_space<vmem>>[vector<16xi32>], vector<16xf32>,
    %get3A_1470 = arith.constant 6 : i32
    %get3A_1471 = arith.index_cast %get3A_1470 : i32 to index
    %get3A_1472 = arith.constant 192 : index
    %get3A_1473 = tpu.vector_load %arg5[%get3A_1471, %get3A_1472] {strides = array<i32>} : memref<16x256xf32, #tpu.memory_space<vmem>>, vector<16xf32>,
    tpu.vector_store_idx %arg7[%mul3A_1467], %get3A_1473 : memref<4096xf32, #tpu.memory_space<vmem>>[vector<16xi32>], vector<16xf32>,
    %add3A_1474 = arith.constant 208 : i32
    %add3A_1475 = vector.broadcast %add3A_1474 : i32 to vector<16xi32>
    %add3A_1476 = arith.addi %iota3A, %add3A_1475 : vector<16xi32>
    %mul3A_1477 = arith.constant 16 : i32
    %mul3A_1478 = vector.broadcast %mul3A_1477 : i32 to vector<16xi32>
    %mul3A_1479 = arith.muli %add3A_1476, %mul3A_1478 : vector<16xi32>
    %add3A_1480 = vector.broadcast %min3A_24 : i32 to vector<16xi32>
    %add3A_1481 = arith.addi %mul3A_1479, %add3A_1480 : vector<16xi32>
    tpu.vector_store_idx %arg7[%add3A_1481], %gather3A_1317 : memref<4096xf32, #tpu.memory_space<vmem>>[vector<16xi32>], vector<16xf32>,
    %get3A_1482 = arith.constant 6 : i32
    %get3A_1483 = arith.index_cast %get3A_1482 : i32 to index
    %get3A_1484 = arith.constant 208 : index
    %get3A_1485 = tpu.vector_load %arg5[%get3A_1483, %get3A_1484] {strides = array<i32>} : memref<16x256xf32, #tpu.memory_space<vmem>>, vector<16xf32>,
    tpu.vector_store_idx %arg7[%mul3A_1479], %get3A_1485 : memref<4096xf32, #tpu.memory_space<vmem>>[vector<16xi32>], vector<16xf32>,
    %add3A_1486 = arith.constant 224 : i32
    %add3A_1487 = vector.broadcast %add3A_1486 : i32 to vector<16xi32>
    %add3A_1488 = arith.addi %iota3A, %add3A_1487 : vector<16xi32>
    %mul3A_1489 = arith.constant 16 : i32
    %mul3A_1490 = vector.broadcast %mul3A_1489 : i32 to vector<16xi32>
    %mul3A_1491 = arith.muli %add3A_1488, %mul3A_1490 : vector<16xi32>
    %add3A_1492 = vector.broadcast %min3A_24 : i32 to vector<16xi32>
    %add3A_1493 = arith.addi %mul3A_1491, %add3A_1492 : vector<16xi32>
    tpu.vector_store_idx %arg7[%add3A_1493], %gather3A_1317 : memref<4096xf32, #tpu.memory_space<vmem>>[vector<16xi32>], vector<16xf32>,
    %get3A_1494 = arith.constant 6 : i32
    %get3A_1495 = arith.index_cast %get3A_1494 : i32 to index
    %get3A_1496 = arith.constant 224 : index
    %get3A_1497 = tpu.vector_load %arg5[%get3A_1495, %get3A_1496] {strides = array<i32>} : memref<16x256xf32, #tpu.memory_space<vmem>>, vector<16xf32>,
    tpu.vector_store_idx %arg7[%mul3A_1491], %get3A_1497 : memref<4096xf32, #tpu.memory_space<vmem>>[vector<16xi32>], vector<16xf32>,
    %add3A_1498 = arith.constant 240 : i32
    %add3A_1499 = vector.broadcast %add3A_1498 : i32 to vector<16xi32>
    %add3A_1500 = arith.addi %iota3A, %add3A_1499 : vector<16xi32>
    %mul3A_1501 = arith.constant 16 : i32
    %mul3A_1502 = vector.broadcast %mul3A_1501 : i32 to vector<16xi32>
    %mul3A_1503 = arith.muli %add3A_1500, %mul3A_1502 : vector<16xi32>
    %add3A_1504 = vector.broadcast %min3A_24 : i32 to vector<16xi32>
    %add3A_1505 = arith.addi %mul3A_1503, %add3A_1504 : vector<16xi32>
    tpu.vector_store_idx %arg7[%add3A_1505], %gather3A_1317 : memref<4096xf32, #tpu.memory_space<vmem>>[vector<16xi32>], vector<16xf32>,
    %get3A_1506 = arith.constant 6 : i32
    %get3A_1507 = arith.index_cast %get3A_1506 : i32 to index
    %get3A_1508 = arith.constant 240 : index
    %get3A_1509 = tpu.vector_load %arg5[%get3A_1507, %get3A_1508] {strides = array<i32>} : memref<16x256xf32, #tpu.memory_space<vmem>>, vector<16xf32>,
    tpu.vector_store_idx %arg7[%mul3A_1503], %get3A_1509 : memref<4096xf32, #tpu.memory_space<vmem>>[vector<16xi32>], vector<16xf32>,
    %add3A_1510 = arith.constant 6 : i32
    %add3A_1511 = arith.addi %mul3A_2, %add3A_1510 : i32
    %dma_start3A_1512 = arith.constant 0 : i32
    %dma_start3A_1513 = tpu.memref_slice %arg4[%add3A_1511, %dma_start3A_1512] : memref<512x4096xf32, #tpu.memory_space<hbm>> -> memref<1x4096xf32, #tpu.memory_space<hbm>>
    %dma_start3A_1514 = tpu.memref_squeeze %dma_start3A_1513 : memref<1x4096xf32, #tpu.memory_space<hbm>> -> memref<4096xf32, #tpu.memory_space<hbm>>
    %dma_start3A_1515 = arith.constant 0 : i32
    %dma_start3A_1516 = tpu.memref_slice %arg4[%add3A_1511, %dma_start3A_1515] : memref<512x4096xf32, #tpu.memory_space<hbm>> -> memref<1x4096xf32, #tpu.memory_space<hbm>>
    %dma_start3A_1517 = tpu.memref_squeeze %dma_start3A_1516 : memref<1x4096xf32, #tpu.memory_space<hbm>> -> memref<4096xf32, #tpu.memory_space<hbm>>
    tpu.enqueue_dma source(%arg7 : memref<4096xf32, #tpu.memory_space<vmem>>) target(%dma_start3A_1517 : memref<4096xf32, #tpu.memory_space<hbm>>) target_semaphore(%arg10 : memref<!tpu.dma_semaphore, #tpu.memory_space<semaphore_mem>>)
    %dma_wait3A_1518 = arith.constant 0 : i32
    %dma_wait3A_1519 = tpu.memref_slice %arg4[%add3A_1298, %dma_wait3A_1518] : memref<512x4096xf32, #tpu.memory_space<hbm>> -> memref<1x4096xf32, #tpu.memory_space<hbm>>
    %dma_wait3A_1520 = tpu.memref_squeeze %dma_wait3A_1519 : memref<1x4096xf32, #tpu.memory_space<hbm>> -> memref<4096xf32, #tpu.memory_space<hbm>>
    %dma_wait3A_1521 = arith.constant 0 : i32
    %dma_wait3A_1522 = tpu.memref_slice %arg4[%add3A_1298, %dma_wait3A_1521] : memref<512x4096xf32, #tpu.memory_space<hbm>> -> memref<1x4096xf32, #tpu.memory_space<hbm>>
    %dma_wait3A_1523 = tpu.memref_squeeze %dma_wait3A_1522 : memref<1x4096xf32, #tpu.memory_space<hbm>> -> memref<4096xf32, #tpu.memory_space<hbm>>
    tpu.wait_dma2 semaphore(%arg11 : memref<!tpu.dma_semaphore, #tpu.memory_space<semaphore_mem>>) src(%arg8 : memref<4096xf32, #tpu.memory_space<vmem>>) dst(%dma_wait3A_1523 : memref<4096xf32, #tpu.memory_space<hbm>>)
    %get3A_1524 = arith.constant 7 : i32
    %get3A_1525 = arith.index_cast %get3A_1524 : i32 to index
    %get3A_1526 = arith.constant 0 : index
    %get3A_1527 = tpu.vector_load %arg6[%get3A_1525, %get3A_1526] {strides = array<i32>} : memref<16x16xf32, #tpu.memory_space<vmem>>, vector<16xf32>,
    %broadcast_in_dim3A_1528 = vector.shape_cast %broadcast_in_dim3A_40 : vector<16xi32> to vector<16x1xi32>
    %gather3A_1529 = vector.shape_cast %broadcast_in_dim3A_1528 : vector<16x1xi32> to vector<16xi32>
    %gather3A_1530 = tpu.dynamic_gather %get3A_1527[%gather3A_1529] in [0] : vector<16xf32>, vector<16xi32> -> vector<16xf32>
    %add3A_1531 = arith.constant 0 : i32
    %add3A_1532 = vector.broadcast %add3A_1531 : i32 to vector<16xi32>
    %add3A_1533 = arith.addi %iota3A, %add3A_1532 : vector<16xi32>
    %mul3A_1534 = arith.constant 16 : i32
    %mul3A_1535 = vector.broadcast %mul3A_1534 : i32 to vector<16xi32>
    %mul3A_1536 = arith.muli %add3A_1533, %mul3A_1535 : vector<16xi32>
    %add3A_1537 = vector.broadcast %min3A_24 : i32 to vector<16xi32>
    %add3A_1538 = arith.addi %mul3A_1536, %add3A_1537 : vector<16xi32>
    tpu.vector_store_idx %arg8[%add3A_1538], %gather3A_1530 : memref<4096xf32, #tpu.memory_space<vmem>>[vector<16xi32>], vector<16xf32>,
    %get3A_1539 = arith.constant 7 : i32
    %get3A_1540 = arith.index_cast %get3A_1539 : i32 to index
    %get3A_1541 = arith.constant 0 : index
    %get3A_1542 = tpu.vector_load %arg5[%get3A_1540, %get3A_1541] {strides = array<i32>} : memref<16x256xf32, #tpu.memory_space<vmem>>, vector<16xf32>,
    tpu.vector_store_idx %arg8[%mul3A_1536], %get3A_1542 : memref<4096xf32, #tpu.memory_space<vmem>>[vector<16xi32>], vector<16xf32>,
    %add3A_1543 = arith.constant 16 : i32
    %add3A_1544 = vector.broadcast %add3A_1543 : i32 to vector<16xi32>
    %add3A_1545 = arith.addi %iota3A, %add3A_1544 : vector<16xi32>
    %mul3A_1546 = arith.constant 16 : i32
    %mul3A_1547 = vector.broadcast %mul3A_1546 : i32 to vector<16xi32>
    %mul3A_1548 = arith.muli %add3A_1545, %mul3A_1547 : vector<16xi32>
    %add3A_1549 = vector.broadcast %min3A_24 : i32 to vector<16xi32>
    %add3A_1550 = arith.addi %mul3A_1548, %add3A_1549 : vector<16xi32>
    tpu.vector_store_idx %arg8[%add3A_1550], %gather3A_1530 : memref<4096xf32, #tpu.memory_space<vmem>>[vector<16xi32>], vector<16xf32>,
    %get3A_1551 = arith.constant 7 : i32
    %get3A_1552 = arith.index_cast %get3A_1551 : i32 to index
    %get3A_1553 = arith.constant 16 : index
    %get3A_1554 = tpu.vector_load %arg5[%get3A_1552, %get3A_1553] {strides = array<i32>} : memref<16x256xf32, #tpu.memory_space<vmem>>, vector<16xf32>,
    tpu.vector_store_idx %arg8[%mul3A_1548], %get3A_1554 : memref<4096xf32, #tpu.memory_space<vmem>>[vector<16xi32>], vector<16xf32>,
    %add3A_1555 = arith.constant 32 : i32
    %add3A_1556 = vector.broadcast %add3A_1555 : i32 to vector<16xi32>
    %add3A_1557 = arith.addi %iota3A, %add3A_1556 : vector<16xi32>
    %mul3A_1558 = arith.constant 16 : i32
    %mul3A_1559 = vector.broadcast %mul3A_1558 : i32 to vector<16xi32>
    %mul3A_1560 = arith.muli %add3A_1557, %mul3A_1559 : vector<16xi32>
    %add3A_1561 = vector.broadcast %min3A_24 : i32 to vector<16xi32>
    %add3A_1562 = arith.addi %mul3A_1560, %add3A_1561 : vector<16xi32>
    tpu.vector_store_idx %arg8[%add3A_1562], %gather3A_1530 : memref<4096xf32, #tpu.memory_space<vmem>>[vector<16xi32>], vector<16xf32>,
    %get3A_1563 = arith.constant 7 : i32
    %get3A_1564 = arith.index_cast %get3A_1563 : i32 to index
    %get3A_1565 = arith.constant 32 : index
    %get3A_1566 = tpu.vector_load %arg5[%get3A_1564, %get3A_1565] {strides = array<i32>} : memref<16x256xf32, #tpu.memory_space<vmem>>, vector<16xf32>,
    tpu.vector_store_idx %arg8[%mul3A_1560], %get3A_1566 : memref<4096xf32, #tpu.memory_space<vmem>>[vector<16xi32>], vector<16xf32>,
    %add3A_1567 = arith.constant 48 : i32
    %add3A_1568 = vector.broadcast %add3A_1567 : i32 to vector<16xi32>
    %add3A_1569 = arith.addi %iota3A, %add3A_1568 : vector<16xi32>
    %mul3A_1570 = arith.constant 16 : i32
    %mul3A_1571 = vector.broadcast %mul3A_1570 : i32 to vector<16xi32>
    %mul3A_1572 = arith.muli %add3A_1569, %mul3A_1571 : vector<16xi32>
    %add3A_1573 = vector.broadcast %min3A_24 : i32 to vector<16xi32>
    %add3A_1574 = arith.addi %mul3A_1572, %add3A_1573 : vector<16xi32>
    tpu.vector_store_idx %arg8[%add3A_1574], %gather3A_1530 : memref<4096xf32, #tpu.memory_space<vmem>>[vector<16xi32>], vector<16xf32>,
    %get3A_1575 = arith.constant 7 : i32
    %get3A_1576 = arith.index_cast %get3A_1575 : i32 to index
    %get3A_1577 = arith.constant 48 : index
    %get3A_1578 = tpu.vector_load %arg5[%get3A_1576, %get3A_1577] {strides = array<i32>} : memref<16x256xf32, #tpu.memory_space<vmem>>, vector<16xf32>,
    tpu.vector_store_idx %arg8[%mul3A_1572], %get3A_1578 : memref<4096xf32, #tpu.memory_space<vmem>>[vector<16xi32>], vector<16xf32>,
    %add3A_1579 = arith.constant 64 : i32
    %add3A_1580 = vector.broadcast %add3A_1579 : i32 to vector<16xi32>
    %add3A_1581 = arith.addi %iota3A, %add3A_1580 : vector<16xi32>
    %mul3A_1582 = arith.constant 16 : i32
    %mul3A_1583 = vector.broadcast %mul3A_1582 : i32 to vector<16xi32>
    %mul3A_1584 = arith.muli %add3A_1581, %mul3A_1583 : vector<16xi32>
    %add3A_1585 = vector.broadcast %min3A_24 : i32 to vector<16xi32>
    %add3A_1586 = arith.addi %mul3A_1584, %add3A_1585 : vector<16xi32>
    tpu.vector_store_idx %arg8[%add3A_1586], %gather3A_1530 : memref<4096xf32, #tpu.memory_space<vmem>>[vector<16xi32>], vector<16xf32>,
    %get3A_1587 = arith.constant 7 : i32
    %get3A_1588 = arith.index_cast %get3A_1587 : i32 to index
    %get3A_1589 = arith.constant 64 : index
    %get3A_1590 = tpu.vector_load %arg5[%get3A_1588, %get3A_1589] {strides = array<i32>} : memref<16x256xf32, #tpu.memory_space<vmem>>, vector<16xf32>,
    tpu.vector_store_idx %arg8[%mul3A_1584], %get3A_1590 : memref<4096xf32, #tpu.memory_space<vmem>>[vector<16xi32>], vector<16xf32>,
    %add3A_1591 = arith.constant 80 : i32
    %add3A_1592 = vector.broadcast %add3A_1591 : i32 to vector<16xi32>
    %add3A_1593 = arith.addi %iota3A, %add3A_1592 : vector<16xi32>
    %mul3A_1594 = arith.constant 16 : i32
    %mul3A_1595 = vector.broadcast %mul3A_1594 : i32 to vector<16xi32>
    %mul3A_1596 = arith.muli %add3A_1593, %mul3A_1595 : vector<16xi32>
    %add3A_1597 = vector.broadcast %min3A_24 : i32 to vector<16xi32>
    %add3A_1598 = arith.addi %mul3A_1596, %add3A_1597 : vector<16xi32>
    tpu.vector_store_idx %arg8[%add3A_1598], %gather3A_1530 : memref<4096xf32, #tpu.memory_space<vmem>>[vector<16xi32>], vector<16xf32>,
    %get3A_1599 = arith.constant 7 : i32
    %get3A_1600 = arith.index_cast %get3A_1599 : i32 to index
    %get3A_1601 = arith.constant 80 : index
    %get3A_1602 = tpu.vector_load %arg5[%get3A_1600, %get3A_1601] {strides = array<i32>} : memref<16x256xf32, #tpu.memory_space<vmem>>, vector<16xf32>,
    tpu.vector_store_idx %arg8[%mul3A_1596], %get3A_1602 : memref<4096xf32, #tpu.memory_space<vmem>>[vector<16xi32>], vector<16xf32>,
    %add3A_1603 = arith.constant 96 : i32
    %add3A_1604 = vector.broadcast %add3A_1603 : i32 to vector<16xi32>
    %add3A_1605 = arith.addi %iota3A, %add3A_1604 : vector<16xi32>
    %mul3A_1606 = arith.constant 16 : i32
    %mul3A_1607 = vector.broadcast %mul3A_1606 : i32 to vector<16xi32>
    %mul3A_1608 = arith.muli %add3A_1605, %mul3A_1607 : vector<16xi32>
    %add3A_1609 = vector.broadcast %min3A_24 : i32 to vector<16xi32>
    %add3A_1610 = arith.addi %mul3A_1608, %add3A_1609 : vector<16xi32>
    tpu.vector_store_idx %arg8[%add3A_1610], %gather3A_1530 : memref<4096xf32, #tpu.memory_space<vmem>>[vector<16xi32>], vector<16xf32>,
    %get3A_1611 = arith.constant 7 : i32
    %get3A_1612 = arith.index_cast %get3A_1611 : i32 to index
    %get3A_1613 = arith.constant 96 : index
    %get3A_1614 = tpu.vector_load %arg5[%get3A_1612, %get3A_1613] {strides = array<i32>} : memref<16x256xf32, #tpu.memory_space<vmem>>, vector<16xf32>,
    tpu.vector_store_idx %arg8[%mul3A_1608], %get3A_1614 : memref<4096xf32, #tpu.memory_space<vmem>>[vector<16xi32>], vector<16xf32>,
    %add3A_1615 = arith.constant 112 : i32
    %add3A_1616 = vector.broadcast %add3A_1615 : i32 to vector<16xi32>
    %add3A_1617 = arith.addi %iota3A, %add3A_1616 : vector<16xi32>
    %mul3A_1618 = arith.constant 16 : i32
    %mul3A_1619 = vector.broadcast %mul3A_1618 : i32 to vector<16xi32>
    %mul3A_1620 = arith.muli %add3A_1617, %mul3A_1619 : vector<16xi32>
    %add3A_1621 = vector.broadcast %min3A_24 : i32 to vector<16xi32>
    %add3A_1622 = arith.addi %mul3A_1620, %add3A_1621 : vector<16xi32>
    tpu.vector_store_idx %arg8[%add3A_1622], %gather3A_1530 : memref<4096xf32, #tpu.memory_space<vmem>>[vector<16xi32>], vector<16xf32>,
    %get3A_1623 = arith.constant 7 : i32
    %get3A_1624 = arith.index_cast %get3A_1623 : i32 to index
    %get3A_1625 = arith.constant 112 : index
    %get3A_1626 = tpu.vector_load %arg5[%get3A_1624, %get3A_1625] {strides = array<i32>} : memref<16x256xf32, #tpu.memory_space<vmem>>, vector<16xf32>,
    tpu.vector_store_idx %arg8[%mul3A_1620], %get3A_1626 : memref<4096xf32, #tpu.memory_space<vmem>>[vector<16xi32>], vector<16xf32>,
    %add3A_1627 = arith.constant 128 : i32
    %add3A_1628 = vector.broadcast %add3A_1627 : i32 to vector<16xi32>
    %add3A_1629 = arith.addi %iota3A, %add3A_1628 : vector<16xi32>
    %mul3A_1630 = arith.constant 16 : i32
    %mul3A_1631 = vector.broadcast %mul3A_1630 : i32 to vector<16xi32>
    %mul3A_1632 = arith.muli %add3A_1629, %mul3A_1631 : vector<16xi32>
    %add3A_1633 = vector.broadcast %min3A_24 : i32 to vector<16xi32>
    %add3A_1634 = arith.addi %mul3A_1632, %add3A_1633 : vector<16xi32>
    tpu.vector_store_idx %arg8[%add3A_1634], %gather3A_1530 : memref<4096xf32, #tpu.memory_space<vmem>>[vector<16xi32>], vector<16xf32>,
    %get3A_1635 = arith.constant 7 : i32
    %get3A_1636 = arith.index_cast %get3A_1635 : i32 to index
    %get3A_1637 = arith.constant 128 : index
    %get3A_1638 = tpu.vector_load %arg5[%get3A_1636, %get3A_1637] {strides = array<i32>} : memref<16x256xf32, #tpu.memory_space<vmem>>, vector<16xf32>,
    tpu.vector_store_idx %arg8[%mul3A_1632], %get3A_1638 : memref<4096xf32, #tpu.memory_space<vmem>>[vector<16xi32>], vector<16xf32>,
    %add3A_1639 = arith.constant 144 : i32
    %add3A_1640 = vector.broadcast %add3A_1639 : i32 to vector<16xi32>
    %add3A_1641 = arith.addi %iota3A, %add3A_1640 : vector<16xi32>
    %mul3A_1642 = arith.constant 16 : i32
    %mul3A_1643 = vector.broadcast %mul3A_1642 : i32 to vector<16xi32>
    %mul3A_1644 = arith.muli %add3A_1641, %mul3A_1643 : vector<16xi32>
    %add3A_1645 = vector.broadcast %min3A_24 : i32 to vector<16xi32>
    %add3A_1646 = arith.addi %mul3A_1644, %add3A_1645 : vector<16xi32>
    tpu.vector_store_idx %arg8[%add3A_1646], %gather3A_1530 : memref<4096xf32, #tpu.memory_space<vmem>>[vector<16xi32>], vector<16xf32>,
    %get3A_1647 = arith.constant 7 : i32
    %get3A_1648 = arith.index_cast %get3A_1647 : i32 to index
    %get3A_1649 = arith.constant 144 : index
    %get3A_1650 = tpu.vector_load %arg5[%get3A_1648, %get3A_1649] {strides = array<i32>} : memref<16x256xf32, #tpu.memory_space<vmem>>, vector<16xf32>,
    tpu.vector_store_idx %arg8[%mul3A_1644], %get3A_1650 : memref<4096xf32, #tpu.memory_space<vmem>>[vector<16xi32>], vector<16xf32>,
    %add3A_1651 = arith.constant 160 : i32
    %add3A_1652 = vector.broadcast %add3A_1651 : i32 to vector<16xi32>
    %add3A_1653 = arith.addi %iota3A, %add3A_1652 : vector<16xi32>
    %mul3A_1654 = arith.constant 16 : i32
    %mul3A_1655 = vector.broadcast %mul3A_1654 : i32 to vector<16xi32>
    %mul3A_1656 = arith.muli %add3A_1653, %mul3A_1655 : vector<16xi32>
    %add3A_1657 = vector.broadcast %min3A_24 : i32 to vector<16xi32>
    %add3A_1658 = arith.addi %mul3A_1656, %add3A_1657 : vector<16xi32>
    tpu.vector_store_idx %arg8[%add3A_1658], %gather3A_1530 : memref<4096xf32, #tpu.memory_space<vmem>>[vector<16xi32>], vector<16xf32>,
    %get3A_1659 = arith.constant 7 : i32
    %get3A_1660 = arith.index_cast %get3A_1659 : i32 to index
    %get3A_1661 = arith.constant 160 : index
    %get3A_1662 = tpu.vector_load %arg5[%get3A_1660, %get3A_1661] {strides = array<i32>} : memref<16x256xf32, #tpu.memory_space<vmem>>, vector<16xf32>,
    tpu.vector_store_idx %arg8[%mul3A_1656], %get3A_1662 : memref<4096xf32, #tpu.memory_space<vmem>>[vector<16xi32>], vector<16xf32>,
    %add3A_1663 = arith.constant 176 : i32
    %add3A_1664 = vector.broadcast %add3A_1663 : i32 to vector<16xi32>
    %add3A_1665 = arith.addi %iota3A, %add3A_1664 : vector<16xi32>
    %mul3A_1666 = arith.constant 16 : i32
    %mul3A_1667 = vector.broadcast %mul3A_1666 : i32 to vector<16xi32>
    %mul3A_1668 = arith.muli %add3A_1665, %mul3A_1667 : vector<16xi32>
    %add3A_1669 = vector.broadcast %min3A_24 : i32 to vector<16xi32>
    %add3A_1670 = arith.addi %mul3A_1668, %add3A_1669 : vector<16xi32>
    tpu.vector_store_idx %arg8[%add3A_1670], %gather3A_1530 : memref<4096xf32, #tpu.memory_space<vmem>>[vector<16xi32>], vector<16xf32>,
    %get3A_1671 = arith.constant 7 : i32
    %get3A_1672 = arith.index_cast %get3A_1671 : i32 to index
    %get3A_1673 = arith.constant 176 : index
    %get3A_1674 = tpu.vector_load %arg5[%get3A_1672, %get3A_1673] {strides = array<i32>} : memref<16x256xf32, #tpu.memory_space<vmem>>, vector<16xf32>,
    tpu.vector_store_idx %arg8[%mul3A_1668], %get3A_1674 : memref<4096xf32, #tpu.memory_space<vmem>>[vector<16xi32>], vector<16xf32>,
    %add3A_1675 = arith.constant 192 : i32
    %add3A_1676 = vector.broadcast %add3A_1675 : i32 to vector<16xi32>
    %add3A_1677 = arith.addi %iota3A, %add3A_1676 : vector<16xi32>
    %mul3A_1678 = arith.constant 16 : i32
    %mul3A_1679 = vector.broadcast %mul3A_1678 : i32 to vector<16xi32>
    %mul3A_1680 = arith.muli %add3A_1677, %mul3A_1679 : vector<16xi32>
    %add3A_1681 = vector.broadcast %min3A_24 : i32 to vector<16xi32>
    %add3A_1682 = arith.addi %mul3A_1680, %add3A_1681 : vector<16xi32>
    tpu.vector_store_idx %arg8[%add3A_1682], %gather3A_1530 : memref<4096xf32, #tpu.memory_space<vmem>>[vector<16xi32>], vector<16xf32>,
    %get3A_1683 = arith.constant 7 : i32
    %get3A_1684 = arith.index_cast %get3A_1683 : i32 to index
    %get3A_1685 = arith.constant 192 : index
    %get3A_1686 = tpu.vector_load %arg5[%get3A_1684, %get3A_1685] {strides = array<i32>} : memref<16x256xf32, #tpu.memory_space<vmem>>, vector<16xf32>,
    tpu.vector_store_idx %arg8[%mul3A_1680], %get3A_1686 : memref<4096xf32, #tpu.memory_space<vmem>>[vector<16xi32>], vector<16xf32>,
    %add3A_1687 = arith.constant 208 : i32
    %add3A_1688 = vector.broadcast %add3A_1687 : i32 to vector<16xi32>
    %add3A_1689 = arith.addi %iota3A, %add3A_1688 : vector<16xi32>
    %mul3A_1690 = arith.constant 16 : i32
    %mul3A_1691 = vector.broadcast %mul3A_1690 : i32 to vector<16xi32>
    %mul3A_1692 = arith.muli %add3A_1689, %mul3A_1691 : vector<16xi32>
    %add3A_1693 = vector.broadcast %min3A_24 : i32 to vector<16xi32>
    %add3A_1694 = arith.addi %mul3A_1692, %add3A_1693 : vector<16xi32>
    tpu.vector_store_idx %arg8[%add3A_1694], %gather3A_1530 : memref<4096xf32, #tpu.memory_space<vmem>>[vector<16xi32>], vector<16xf32>,
    %get3A_1695 = arith.constant 7 : i32
    %get3A_1696 = arith.index_cast %get3A_1695 : i32 to index
    %get3A_1697 = arith.constant 208 : index
    %get3A_1698 = tpu.vector_load %arg5[%get3A_1696, %get3A_1697] {strides = array<i32>} : memref<16x256xf32, #tpu.memory_space<vmem>>, vector<16xf32>,
    tpu.vector_store_idx %arg8[%mul3A_1692], %get3A_1698 : memref<4096xf32, #tpu.memory_space<vmem>>[vector<16xi32>], vector<16xf32>,
    %add3A_1699 = arith.constant 224 : i32
    %add3A_1700 = vector.broadcast %add3A_1699 : i32 to vector<16xi32>
    %add3A_1701 = arith.addi %iota3A, %add3A_1700 : vector<16xi32>
    %mul3A_1702 = arith.constant 16 : i32
    %mul3A_1703 = vector.broadcast %mul3A_1702 : i32 to vector<16xi32>
    %mul3A_1704 = arith.muli %add3A_1701, %mul3A_1703 : vector<16xi32>
    %add3A_1705 = vector.broadcast %min3A_24 : i32 to vector<16xi32>
    %add3A_1706 = arith.addi %mul3A_1704, %add3A_1705 : vector<16xi32>
    tpu.vector_store_idx %arg8[%add3A_1706], %gather3A_1530 : memref<4096xf32, #tpu.memory_space<vmem>>[vector<16xi32>], vector<16xf32>,
    %get3A_1707 = arith.constant 7 : i32
    %get3A_1708 = arith.index_cast %get3A_1707 : i32 to index
    %get3A_1709 = arith.constant 224 : index
    %get3A_1710 = tpu.vector_load %arg5[%get3A_1708, %get3A_1709] {strides = array<i32>} : memref<16x256xf32, #tpu.memory_space<vmem>>, vector<16xf32>,
    tpu.vector_store_idx %arg8[%mul3A_1704], %get3A_1710 : memref<4096xf32, #tpu.memory_space<vmem>>[vector<16xi32>], vector<16xf32>,
    %add3A_1711 = arith.constant 240 : i32
    %add3A_1712 = vector.broadcast %add3A_1711 : i32 to vector<16xi32>
    %add3A_1713 = arith.addi %iota3A, %add3A_1712 : vector<16xi32>
    %mul3A_1714 = arith.constant 16 : i32
    %mul3A_1715 = vector.broadcast %mul3A_1714 : i32 to vector<16xi32>
    %mul3A_1716 = arith.muli %add3A_1713, %mul3A_1715 : vector<16xi32>
    %add3A_1717 = vector.broadcast %min3A_24 : i32 to vector<16xi32>
    %add3A_1718 = arith.addi %mul3A_1716, %add3A_1717 : vector<16xi32>
    tpu.vector_store_idx %arg8[%add3A_1718], %gather3A_1530 : memref<4096xf32, #tpu.memory_space<vmem>>[vector<16xi32>], vector<16xf32>,
    %get3A_1719 = arith.constant 7 : i32
    %get3A_1720 = arith.index_cast %get3A_1719 : i32 to index
    %get3A_1721 = arith.constant 240 : index
    %get3A_1722 = tpu.vector_load %arg5[%get3A_1720, %get3A_1721] {strides = array<i32>} : memref<16x256xf32, #tpu.memory_space<vmem>>, vector<16xf32>,
    tpu.vector_store_idx %arg8[%mul3A_1716], %get3A_1722 : memref<4096xf32, #tpu.memory_space<vmem>>[vector<16xi32>], vector<16xf32>,
    %add3A_1723 = arith.constant 7 : i32
    %add3A_1724 = arith.addi %mul3A_2, %add3A_1723 : i32
    %dma_start3A_1725 = arith.constant 0 : i32
    %dma_start3A_1726 = tpu.memref_slice %arg4[%add3A_1724, %dma_start3A_1725] : memref<512x4096xf32, #tpu.memory_space<hbm>> -> memref<1x4096xf32, #tpu.memory_space<hbm>>
    %dma_start3A_1727 = tpu.memref_squeeze %dma_start3A_1726 : memref<1x4096xf32, #tpu.memory_space<hbm>> -> memref<4096xf32, #tpu.memory_space<hbm>>
    %dma_start3A_1728 = arith.constant 0 : i32
    %dma_start3A_1729 = tpu.memref_slice %arg4[%add3A_1724, %dma_start3A_1728] : memref<512x4096xf32, #tpu.memory_space<hbm>> -> memref<1x4096xf32, #tpu.memory_space<hbm>>
    %dma_start3A_1730 = tpu.memref_squeeze %dma_start3A_1729 : memref<1x4096xf32, #tpu.memory_space<hbm>> -> memref<4096xf32, #tpu.memory_space<hbm>>
    tpu.enqueue_dma source(%arg8 : memref<4096xf32, #tpu.memory_space<vmem>>) target(%dma_start3A_1730 : memref<4096xf32, #tpu.memory_space<hbm>>) target_semaphore(%arg11 : memref<!tpu.dma_semaphore, #tpu.memory_space<semaphore_mem>>)
    %dma_wait3A_1731 = arith.constant 0 : i32
    %dma_wait3A_1732 = tpu.memref_slice %arg4[%add3A_1511, %dma_wait3A_1731] : memref<512x4096xf32, #tpu.memory_space<hbm>> -> memref<1x4096xf32, #tpu.memory_space<hbm>>
    %dma_wait3A_1733 = tpu.memref_squeeze %dma_wait3A_1732 : memref<1x4096xf32, #tpu.memory_space<hbm>> -> memref<4096xf32, #tpu.memory_space<hbm>>
    %dma_wait3A_1734 = arith.constant 0 : i32
    %dma_wait3A_1735 = tpu.memref_slice %arg4[%add3A_1511, %dma_wait3A_1734] : memref<512x4096xf32, #tpu.memory_space<hbm>> -> memref<1x4096xf32, #tpu.memory_space<hbm>>
    %dma_wait3A_1736 = tpu.memref_squeeze %dma_wait3A_1735 : memref<1x4096xf32, #tpu.memory_space<hbm>> -> memref<4096xf32, #tpu.memory_space<hbm>>
    tpu.wait_dma2 semaphore(%arg10 : memref<!tpu.dma_semaphore, #tpu.memory_space<semaphore_mem>>) src(%arg7 : memref<4096xf32, #tpu.memory_space<vmem>>) dst(%dma_wait3A_1736 : memref<4096xf32, #tpu.memory_space<hbm>>)
    %get3A_1737 = arith.constant 8 : i32
    %get3A_1738 = arith.index_cast %get3A_1737 : i32 to index
    %get3A_1739 = arith.constant 0 : index
    %get3A_1740 = tpu.vector_load %arg6[%get3A_1738, %get3A_1739] {strides = array<i32>} : memref<16x16xf32, #tpu.memory_space<vmem>>, vector<16xf32>,
    %broadcast_in_dim3A_1741 = vector.shape_cast %broadcast_in_dim3A_40 : vector<16xi32> to vector<16x1xi32>
    %gather3A_1742 = vector.shape_cast %broadcast_in_dim3A_1741 : vector<16x1xi32> to vector<16xi32>
    %gather3A_1743 = tpu.dynamic_gather %get3A_1740[%gather3A_1742] in [0] : vector<16xf32>, vector<16xi32> -> vector<16xf32>
    %add3A_1744 = arith.constant 0 : i32
    %add3A_1745 = vector.broadcast %add3A_1744 : i32 to vector<16xi32>
    %add3A_1746 = arith.addi %iota3A, %add3A_1745 : vector<16xi32>
    %mul3A_1747 = arith.constant 16 : i32
    %mul3A_1748 = vector.broadcast %mul3A_1747 : i32 to vector<16xi32>
    %mul3A_1749 = arith.muli %add3A_1746, %mul3A_1748 : vector<16xi32>
    %add3A_1750 = vector.broadcast %min3A_24 : i32 to vector<16xi32>
    %add3A_1751 = arith.addi %mul3A_1749, %add3A_1750 : vector<16xi32>
    tpu.vector_store_idx %arg7[%add3A_1751], %gather3A_1743 : memref<4096xf32, #tpu.memory_space<vmem>>[vector<16xi32>], vector<16xf32>,
    %get3A_1752 = arith.constant 8 : i32
    %get3A_1753 = arith.index_cast %get3A_1752 : i32 to index
    %get3A_1754 = arith.constant 0 : index
    %get3A_1755 = tpu.vector_load %arg5[%get3A_1753, %get3A_1754] {strides = array<i32>} : memref<16x256xf32, #tpu.memory_space<vmem>>, vector<16xf32>,
    tpu.vector_store_idx %arg7[%mul3A_1749], %get3A_1755 : memref<4096xf32, #tpu.memory_space<vmem>>[vector<16xi32>], vector<16xf32>,
    %add3A_1756 = arith.constant 16 : i32
    %add3A_1757 = vector.broadcast %add3A_1756 : i32 to vector<16xi32>
    %add3A_1758 = arith.addi %iota3A, %add3A_1757 : vector<16xi32>
    %mul3A_1759 = arith.constant 16 : i32
    %mul3A_1760 = vector.broadcast %mul3A_1759 : i32 to vector<16xi32>
    %mul3A_1761 = arith.muli %add3A_1758, %mul3A_1760 : vector<16xi32>
    %add3A_1762 = vector.broadcast %min3A_24 : i32 to vector<16xi32>
    %add3A_1763 = arith.addi %mul3A_1761, %add3A_1762 : vector<16xi32>
    tpu.vector_store_idx %arg7[%add3A_1763], %gather3A_1743 : memref<4096xf32, #tpu.memory_space<vmem>>[vector<16xi32>], vector<16xf32>,
    %get3A_1764 = arith.constant 8 : i32
    %get3A_1765 = arith.index_cast %get3A_1764 : i32 to index
    %get3A_1766 = arith.constant 16 : index
    %get3A_1767 = tpu.vector_load %arg5[%get3A_1765, %get3A_1766] {strides = array<i32>} : memref<16x256xf32, #tpu.memory_space<vmem>>, vector<16xf32>,
    tpu.vector_store_idx %arg7[%mul3A_1761], %get3A_1767 : memref<4096xf32, #tpu.memory_space<vmem>>[vector<16xi32>], vector<16xf32>,
    %add3A_1768 = arith.constant 32 : i32
    %add3A_1769 = vector.broadcast %add3A_1768 : i32 to vector<16xi32>
    %add3A_1770 = arith.addi %iota3A, %add3A_1769 : vector<16xi32>
    %mul3A_1771 = arith.constant 16 : i32
    %mul3A_1772 = vector.broadcast %mul3A_1771 : i32 to vector<16xi32>
    %mul3A_1773 = arith.muli %add3A_1770, %mul3A_1772 : vector<16xi32>
    %add3A_1774 = vector.broadcast %min3A_24 : i32 to vector<16xi32>
    %add3A_1775 = arith.addi %mul3A_1773, %add3A_1774 : vector<16xi32>
    tpu.vector_store_idx %arg7[%add3A_1775], %gather3A_1743 : memref<4096xf32, #tpu.memory_space<vmem>>[vector<16xi32>], vector<16xf32>,
    %get3A_1776 = arith.constant 8 : i32
    %get3A_1777 = arith.index_cast %get3A_1776 : i32 to index
    %get3A_1778 = arith.constant 32 : index
    %get3A_1779 = tpu.vector_load %arg5[%get3A_1777, %get3A_1778] {strides = array<i32>} : memref<16x256xf32, #tpu.memory_space<vmem>>, vector<16xf32>,
    tpu.vector_store_idx %arg7[%mul3A_1773], %get3A_1779 : memref<4096xf32, #tpu.memory_space<vmem>>[vector<16xi32>], vector<16xf32>,
    %add3A_1780 = arith.constant 48 : i32
    %add3A_1781 = vector.broadcast %add3A_1780 : i32 to vector<16xi32>
    %add3A_1782 = arith.addi %iota3A, %add3A_1781 : vector<16xi32>
    %mul3A_1783 = arith.constant 16 : i32
    %mul3A_1784 = vector.broadcast %mul3A_1783 : i32 to vector<16xi32>
    %mul3A_1785 = arith.muli %add3A_1782, %mul3A_1784 : vector<16xi32>
    %add3A_1786 = vector.broadcast %min3A_24 : i32 to vector<16xi32>
    %add3A_1787 = arith.addi %mul3A_1785, %add3A_1786 : vector<16xi32>
    tpu.vector_store_idx %arg7[%add3A_1787], %gather3A_1743 : memref<4096xf32, #tpu.memory_space<vmem>>[vector<16xi32>], vector<16xf32>,
    %get3A_1788 = arith.constant 8 : i32
    %get3A_1789 = arith.index_cast %get3A_1788 : i32 to index
    %get3A_1790 = arith.constant 48 : index
    %get3A_1791 = tpu.vector_load %arg5[%get3A_1789, %get3A_1790] {strides = array<i32>} : memref<16x256xf32, #tpu.memory_space<vmem>>, vector<16xf32>,
    tpu.vector_store_idx %arg7[%mul3A_1785], %get3A_1791 : memref<4096xf32, #tpu.memory_space<vmem>>[vector<16xi32>], vector<16xf32>,
    %add3A_1792 = arith.constant 64 : i32
    %add3A_1793 = vector.broadcast %add3A_1792 : i32 to vector<16xi32>
    %add3A_1794 = arith.addi %iota3A, %add3A_1793 : vector<16xi32>
    %mul3A_1795 = arith.constant 16 : i32
    %mul3A_1796 = vector.broadcast %mul3A_1795 : i32 to vector<16xi32>
    %mul3A_1797 = arith.muli %add3A_1794, %mul3A_1796 : vector<16xi32>
    %add3A_1798 = vector.broadcast %min3A_24 : i32 to vector<16xi32>
    %add3A_1799 = arith.addi %mul3A_1797, %add3A_1798 : vector<16xi32>
    tpu.vector_store_idx %arg7[%add3A_1799], %gather3A_1743 : memref<4096xf32, #tpu.memory_space<vmem>>[vector<16xi32>], vector<16xf32>,
    %get3A_1800 = arith.constant 8 : i32
    %get3A_1801 = arith.index_cast %get3A_1800 : i32 to index
    %get3A_1802 = arith.constant 64 : index
    %get3A_1803 = tpu.vector_load %arg5[%get3A_1801, %get3A_1802] {strides = array<i32>} : memref<16x256xf32, #tpu.memory_space<vmem>>, vector<16xf32>,
    tpu.vector_store_idx %arg7[%mul3A_1797], %get3A_1803 : memref<4096xf32, #tpu.memory_space<vmem>>[vector<16xi32>], vector<16xf32>,
    %add3A_1804 = arith.constant 80 : i32
    %add3A_1805 = vector.broadcast %add3A_1804 : i32 to vector<16xi32>
    %add3A_1806 = arith.addi %iota3A, %add3A_1805 : vector<16xi32>
    %mul3A_1807 = arith.constant 16 : i32
    %mul3A_1808 = vector.broadcast %mul3A_1807 : i32 to vector<16xi32>
    %mul3A_1809 = arith.muli %add3A_1806, %mul3A_1808 : vector<16xi32>
    %add3A_1810 = vector.broadcast %min3A_24 : i32 to vector<16xi32>
    %add3A_1811 = arith.addi %mul3A_1809, %add3A_1810 : vector<16xi32>
    tpu.vector_store_idx %arg7[%add3A_1811], %gather3A_1743 : memref<4096xf32, #tpu.memory_space<vmem>>[vector<16xi32>], vector<16xf32>,
    %get3A_1812 = arith.constant 8 : i32
    %get3A_1813 = arith.index_cast %get3A_1812 : i32 to index
    %get3A_1814 = arith.constant 80 : index
    %get3A_1815 = tpu.vector_load %arg5[%get3A_1813, %get3A_1814] {strides = array<i32>} : memref<16x256xf32, #tpu.memory_space<vmem>>, vector<16xf32>,
    tpu.vector_store_idx %arg7[%mul3A_1809], %get3A_1815 : memref<4096xf32, #tpu.memory_space<vmem>>[vector<16xi32>], vector<16xf32>,
    %add3A_1816 = arith.constant 96 : i32
    %add3A_1817 = vector.broadcast %add3A_1816 : i32 to vector<16xi32>
    %add3A_1818 = arith.addi %iota3A, %add3A_1817 : vector<16xi32>
    %mul3A_1819 = arith.constant 16 : i32
    %mul3A_1820 = vector.broadcast %mul3A_1819 : i32 to vector<16xi32>
    %mul3A_1821 = arith.muli %add3A_1818, %mul3A_1820 : vector<16xi32>
    %add3A_1822 = vector.broadcast %min3A_24 : i32 to vector<16xi32>
    %add3A_1823 = arith.addi %mul3A_1821, %add3A_1822 : vector<16xi32>
    tpu.vector_store_idx %arg7[%add3A_1823], %gather3A_1743 : memref<4096xf32, #tpu.memory_space<vmem>>[vector<16xi32>], vector<16xf32>,
    %get3A_1824 = arith.constant 8 : i32
    %get3A_1825 = arith.index_cast %get3A_1824 : i32 to index
    %get3A_1826 = arith.constant 96 : index
    %get3A_1827 = tpu.vector_load %arg5[%get3A_1825, %get3A_1826] {strides = array<i32>} : memref<16x256xf32, #tpu.memory_space<vmem>>, vector<16xf32>,
    tpu.vector_store_idx %arg7[%mul3A_1821], %get3A_1827 : memref<4096xf32, #tpu.memory_space<vmem>>[vector<16xi32>], vector<16xf32>,
    %add3A_1828 = arith.constant 112 : i32
    %add3A_1829 = vector.broadcast %add3A_1828 : i32 to vector<16xi32>
    %add3A_1830 = arith.addi %iota3A, %add3A_1829 : vector<16xi32>
    %mul3A_1831 = arith.constant 16 : i32
    %mul3A_1832 = vector.broadcast %mul3A_1831 : i32 to vector<16xi32>
    %mul3A_1833 = arith.muli %add3A_1830, %mul3A_1832 : vector<16xi32>
    %add3A_1834 = vector.broadcast %min3A_24 : i32 to vector<16xi32>
    %add3A_1835 = arith.addi %mul3A_1833, %add3A_1834 : vector<16xi32>
    tpu.vector_store_idx %arg7[%add3A_1835], %gather3A_1743 : memref<4096xf32, #tpu.memory_space<vmem>>[vector<16xi32>], vector<16xf32>,
    %get3A_1836 = arith.constant 8 : i32
    %get3A_1837 = arith.index_cast %get3A_1836 : i32 to index
    %get3A_1838 = arith.constant 112 : index
    %get3A_1839 = tpu.vector_load %arg5[%get3A_1837, %get3A_1838] {strides = array<i32>} : memref<16x256xf32, #tpu.memory_space<vmem>>, vector<16xf32>,
    tpu.vector_store_idx %arg7[%mul3A_1833], %get3A_1839 : memref<4096xf32, #tpu.memory_space<vmem>>[vector<16xi32>], vector<16xf32>,
    %add3A_1840 = arith.constant 128 : i32
    %add3A_1841 = vector.broadcast %add3A_1840 : i32 to vector<16xi32>
    %add3A_1842 = arith.addi %iota3A, %add3A_1841 : vector<16xi32>
    %mul3A_1843 = arith.constant 16 : i32
    %mul3A_1844 = vector.broadcast %mul3A_1843 : i32 to vector<16xi32>
    %mul3A_1845 = arith.muli %add3A_1842, %mul3A_1844 : vector<16xi32>
    %add3A_1846 = vector.broadcast %min3A_24 : i32 to vector<16xi32>
    %add3A_1847 = arith.addi %mul3A_1845, %add3A_1846 : vector<16xi32>
    tpu.vector_store_idx %arg7[%add3A_1847], %gather3A_1743 : memref<4096xf32, #tpu.memory_space<vmem>>[vector<16xi32>], vector<16xf32>,
    %get3A_1848 = arith.constant 8 : i32
    %get3A_1849 = arith.index_cast %get3A_1848 : i32 to index
    %get3A_1850 = arith.constant 128 : index
    %get3A_1851 = tpu.vector_load %arg5[%get3A_1849, %get3A_1850] {strides = array<i32>} : memref<16x256xf32, #tpu.memory_space<vmem>>, vector<16xf32>,
    tpu.vector_store_idx %arg7[%mul3A_1845], %get3A_1851 : memref<4096xf32, #tpu.memory_space<vmem>>[vector<16xi32>], vector<16xf32>,
    %add3A_1852 = arith.constant 144 : i32
    %add3A_1853 = vector.broadcast %add3A_1852 : i32 to vector<16xi32>
    %add3A_1854 = arith.addi %iota3A, %add3A_1853 : vector<16xi32>
    %mul3A_1855 = arith.constant 16 : i32
    %mul3A_1856 = vector.broadcast %mul3A_1855 : i32 to vector<16xi32>
    %mul3A_1857 = arith.muli %add3A_1854, %mul3A_1856 : vector<16xi32>
    %add3A_1858 = vector.broadcast %min3A_24 : i32 to vector<16xi32>
    %add3A_1859 = arith.addi %mul3A_1857, %add3A_1858 : vector<16xi32>
    tpu.vector_store_idx %arg7[%add3A_1859], %gather3A_1743 : memref<4096xf32, #tpu.memory_space<vmem>>[vector<16xi32>], vector<16xf32>,
    %get3A_1860 = arith.constant 8 : i32
    %get3A_1861 = arith.index_cast %get3A_1860 : i32 to index
    %get3A_1862 = arith.constant 144 : index
    %get3A_1863 = tpu.vector_load %arg5[%get3A_1861, %get3A_1862] {strides = array<i32>} : memref<16x256xf32, #tpu.memory_space<vmem>>, vector<16xf32>,
    tpu.vector_store_idx %arg7[%mul3A_1857], %get3A_1863 : memref<4096xf32, #tpu.memory_space<vmem>>[vector<16xi32>], vector<16xf32>,
    %add3A_1864 = arith.constant 160 : i32
    %add3A_1865 = vector.broadcast %add3A_1864 : i32 to vector<16xi32>
    %add3A_1866 = arith.addi %iota3A, %add3A_1865 : vector<16xi32>
    %mul3A_1867 = arith.constant 16 : i32
    %mul3A_1868 = vector.broadcast %mul3A_1867 : i32 to vector<16xi32>
    %mul3A_1869 = arith.muli %add3A_1866, %mul3A_1868 : vector<16xi32>
    %add3A_1870 = vector.broadcast %min3A_24 : i32 to vector<16xi32>
    %add3A_1871 = arith.addi %mul3A_1869, %add3A_1870 : vector<16xi32>
    tpu.vector_store_idx %arg7[%add3A_1871], %gather3A_1743 : memref<4096xf32, #tpu.memory_space<vmem>>[vector<16xi32>], vector<16xf32>,
    %get3A_1872 = arith.constant 8 : i32
    %get3A_1873 = arith.index_cast %get3A_1872 : i32 to index
    %get3A_1874 = arith.constant 160 : index
    %get3A_1875 = tpu.vector_load %arg5[%get3A_1873, %get3A_1874] {strides = array<i32>} : memref<16x256xf32, #tpu.memory_space<vmem>>, vector<16xf32>,
    tpu.vector_store_idx %arg7[%mul3A_1869], %get3A_1875 : memref<4096xf32, #tpu.memory_space<vmem>>[vector<16xi32>], vector<16xf32>,
    %add3A_1876 = arith.constant 176 : i32
    %add3A_1877 = vector.broadcast %add3A_1876 : i32 to vector<16xi32>
    %add3A_1878 = arith.addi %iota3A, %add3A_1877 : vector<16xi32>
    %mul3A_1879 = arith.constant 16 : i32
    %mul3A_1880 = vector.broadcast %mul3A_1879 : i32 to vector<16xi32>
    %mul3A_1881 = arith.muli %add3A_1878, %mul3A_1880 : vector<16xi32>
    %add3A_1882 = vector.broadcast %min3A_24 : i32 to vector<16xi32>
    %add3A_1883 = arith.addi %mul3A_1881, %add3A_1882 : vector<16xi32>
    tpu.vector_store_idx %arg7[%add3A_1883], %gather3A_1743 : memref<4096xf32, #tpu.memory_space<vmem>>[vector<16xi32>], vector<16xf32>,
    %get3A_1884 = arith.constant 8 : i32
    %get3A_1885 = arith.index_cast %get3A_1884 : i32 to index
    %get3A_1886 = arith.constant 176 : index
    %get3A_1887 = tpu.vector_load %arg5[%get3A_1885, %get3A_1886] {strides = array<i32>} : memref<16x256xf32, #tpu.memory_space<vmem>>, vector<16xf32>,
    tpu.vector_store_idx %arg7[%mul3A_1881], %get3A_1887 : memref<4096xf32, #tpu.memory_space<vmem>>[vector<16xi32>], vector<16xf32>,
    %add3A_1888 = arith.constant 192 : i32
    %add3A_1889 = vector.broadcast %add3A_1888 : i32 to vector<16xi32>
    %add3A_1890 = arith.addi %iota3A, %add3A_1889 : vector<16xi32>
    %mul3A_1891 = arith.constant 16 : i32
    %mul3A_1892 = vector.broadcast %mul3A_1891 : i32 to vector<16xi32>
    %mul3A_1893 = arith.muli %add3A_1890, %mul3A_1892 : vector<16xi32>
    %add3A_1894 = vector.broadcast %min3A_24 : i32 to vector<16xi32>
    %add3A_1895 = arith.addi %mul3A_1893, %add3A_1894 : vector<16xi32>
    tpu.vector_store_idx %arg7[%add3A_1895], %gather3A_1743 : memref<4096xf32, #tpu.memory_space<vmem>>[vector<16xi32>], vector<16xf32>,
    %get3A_1896 = arith.constant 8 : i32
    %get3A_1897 = arith.index_cast %get3A_1896 : i32 to index
    %get3A_1898 = arith.constant 192 : index
    %get3A_1899 = tpu.vector_load %arg5[%get3A_1897, %get3A_1898] {strides = array<i32>} : memref<16x256xf32, #tpu.memory_space<vmem>>, vector<16xf32>,
    tpu.vector_store_idx %arg7[%mul3A_1893], %get3A_1899 : memref<4096xf32, #tpu.memory_space<vmem>>[vector<16xi32>], vector<16xf32>,
    %add3A_1900 = arith.constant 208 : i32
    %add3A_1901 = vector.broadcast %add3A_1900 : i32 to vector<16xi32>
    %add3A_1902 = arith.addi %iota3A, %add3A_1901 : vector<16xi32>
    %mul3A_1903 = arith.constant 16 : i32
    %mul3A_1904 = vector.broadcast %mul3A_1903 : i32 to vector<16xi32>
    %mul3A_1905 = arith.muli %add3A_1902, %mul3A_1904 : vector<16xi32>
    %add3A_1906 = vector.broadcast %min3A_24 : i32 to vector<16xi32>
    %add3A_1907 = arith.addi %mul3A_1905, %add3A_1906 : vector<16xi32>
    tpu.vector_store_idx %arg7[%add3A_1907], %gather3A_1743 : memref<4096xf32, #tpu.memory_space<vmem>>[vector<16xi32>], vector<16xf32>,
    %get3A_1908 = arith.constant 8 : i32
    %get3A_1909 = arith.index_cast %get3A_1908 : i32 to index
    %get3A_1910 = arith.constant 208 : index
    %get3A_1911 = tpu.vector_load %arg5[%get3A_1909, %get3A_1910] {strides = array<i32>} : memref<16x256xf32, #tpu.memory_space<vmem>>, vector<16xf32>,
    tpu.vector_store_idx %arg7[%mul3A_1905], %get3A_1911 : memref<4096xf32, #tpu.memory_space<vmem>>[vector<16xi32>], vector<16xf32>,
    %add3A_1912 = arith.constant 224 : i32
    %add3A_1913 = vector.broadcast %add3A_1912 : i32 to vector<16xi32>
    %add3A_1914 = arith.addi %iota3A, %add3A_1913 : vector<16xi32>
    %mul3A_1915 = arith.constant 16 : i32
    %mul3A_1916 = vector.broadcast %mul3A_1915 : i32 to vector<16xi32>
    %mul3A_1917 = arith.muli %add3A_1914, %mul3A_1916 : vector<16xi32>
    %add3A_1918 = vector.broadcast %min3A_24 : i32 to vector<16xi32>
    %add3A_1919 = arith.addi %mul3A_1917, %add3A_1918 : vector<16xi32>
    tpu.vector_store_idx %arg7[%add3A_1919], %gather3A_1743 : memref<4096xf32, #tpu.memory_space<vmem>>[vector<16xi32>], vector<16xf32>,
    %get3A_1920 = arith.constant 8 : i32
    %get3A_1921 = arith.index_cast %get3A_1920 : i32 to index
    %get3A_1922 = arith.constant 224 : index
    %get3A_1923 = tpu.vector_load %arg5[%get3A_1921, %get3A_1922] {strides = array<i32>} : memref<16x256xf32, #tpu.memory_space<vmem>>, vector<16xf32>,
    tpu.vector_store_idx %arg7[%mul3A_1917], %get3A_1923 : memref<4096xf32, #tpu.memory_space<vmem>>[vector<16xi32>], vector<16xf32>,
    %add3A_1924 = arith.constant 240 : i32
    %add3A_1925 = vector.broadcast %add3A_1924 : i32 to vector<16xi32>
    %add3A_1926 = arith.addi %iota3A, %add3A_1925 : vector<16xi32>
    %mul3A_1927 = arith.constant 16 : i32
    %mul3A_1928 = vector.broadcast %mul3A_1927 : i32 to vector<16xi32>
    %mul3A_1929 = arith.muli %add3A_1926, %mul3A_1928 : vector<16xi32>
    %add3A_1930 = vector.broadcast %min3A_24 : i32 to vector<16xi32>
    %add3A_1931 = arith.addi %mul3A_1929, %add3A_1930 : vector<16xi32>
    tpu.vector_store_idx %arg7[%add3A_1931], %gather3A_1743 : memref<4096xf32, #tpu.memory_space<vmem>>[vector<16xi32>], vector<16xf32>,
    %get3A_1932 = arith.constant 8 : i32
    %get3A_1933 = arith.index_cast %get3A_1932 : i32 to index
    %get3A_1934 = arith.constant 240 : index
    %get3A_1935 = tpu.vector_load %arg5[%get3A_1933, %get3A_1934] {strides = array<i32>} : memref<16x256xf32, #tpu.memory_space<vmem>>, vector<16xf32>,
    tpu.vector_store_idx %arg7[%mul3A_1929], %get3A_1935 : memref<4096xf32, #tpu.memory_space<vmem>>[vector<16xi32>], vector<16xf32>,
    %add3A_1936 = arith.constant 8 : i32
    %add3A_1937 = arith.addi %mul3A_2, %add3A_1936 : i32
    %dma_start3A_1938 = arith.constant 0 : i32
    %dma_start3A_1939 = tpu.memref_slice %arg4[%add3A_1937, %dma_start3A_1938] : memref<512x4096xf32, #tpu.memory_space<hbm>> -> memref<1x4096xf32, #tpu.memory_space<hbm>>
    %dma_start3A_1940 = tpu.memref_squeeze %dma_start3A_1939 : memref<1x4096xf32, #tpu.memory_space<hbm>> -> memref<4096xf32, #tpu.memory_space<hbm>>
    %dma_start3A_1941 = arith.constant 0 : i32
    %dma_start3A_1942 = tpu.memref_slice %arg4[%add3A_1937, %dma_start3A_1941] : memref<512x4096xf32, #tpu.memory_space<hbm>> -> memref<1x4096xf32, #tpu.memory_space<hbm>>
    %dma_start3A_1943 = tpu.memref_squeeze %dma_start3A_1942 : memref<1x4096xf32, #tpu.memory_space<hbm>> -> memref<4096xf32, #tpu.memory_space<hbm>>
    tpu.enqueue_dma source(%arg7 : memref<4096xf32, #tpu.memory_space<vmem>>) target(%dma_start3A_1943 : memref<4096xf32, #tpu.memory_space<hbm>>) target_semaphore(%arg10 : memref<!tpu.dma_semaphore, #tpu.memory_space<semaphore_mem>>)
    %dma_wait3A_1944 = arith.constant 0 : i32
    %dma_wait3A_1945 = tpu.memref_slice %arg4[%add3A_1724, %dma_wait3A_1944] : memref<512x4096xf32, #tpu.memory_space<hbm>> -> memref<1x4096xf32, #tpu.memory_space<hbm>>
    %dma_wait3A_1946 = tpu.memref_squeeze %dma_wait3A_1945 : memref<1x4096xf32, #tpu.memory_space<hbm>> -> memref<4096xf32, #tpu.memory_space<hbm>>
    %dma_wait3A_1947 = arith.constant 0 : i32
    %dma_wait3A_1948 = tpu.memref_slice %arg4[%add3A_1724, %dma_wait3A_1947] : memref<512x4096xf32, #tpu.memory_space<hbm>> -> memref<1x4096xf32, #tpu.memory_space<hbm>>
    %dma_wait3A_1949 = tpu.memref_squeeze %dma_wait3A_1948 : memref<1x4096xf32, #tpu.memory_space<hbm>> -> memref<4096xf32, #tpu.memory_space<hbm>>
    tpu.wait_dma2 semaphore(%arg11 : memref<!tpu.dma_semaphore, #tpu.memory_space<semaphore_mem>>) src(%arg8 : memref<4096xf32, #tpu.memory_space<vmem>>) dst(%dma_wait3A_1949 : memref<4096xf32, #tpu.memory_space<hbm>>)
    %get3A_1950 = arith.constant 9 : i32
    %get3A_1951 = arith.index_cast %get3A_1950 : i32 to index
    %get3A_1952 = arith.constant 0 : index
    %get3A_1953 = tpu.vector_load %arg6[%get3A_1951, %get3A_1952] {strides = array<i32>} : memref<16x16xf32, #tpu.memory_space<vmem>>, vector<16xf32>,
    %broadcast_in_dim3A_1954 = vector.shape_cast %broadcast_in_dim3A_40 : vector<16xi32> to vector<16x1xi32>
    %gather3A_1955 = vector.shape_cast %broadcast_in_dim3A_1954 : vector<16x1xi32> to vector<16xi32>
    %gather3A_1956 = tpu.dynamic_gather %get3A_1953[%gather3A_1955] in [0] : vector<16xf32>, vector<16xi32> -> vector<16xf32>
    %add3A_1957 = arith.constant 0 : i32
    %add3A_1958 = vector.broadcast %add3A_1957 : i32 to vector<16xi32>
    %add3A_1959 = arith.addi %iota3A, %add3A_1958 : vector<16xi32>
    %mul3A_1960 = arith.constant 16 : i32
    %mul3A_1961 = vector.broadcast %mul3A_1960 : i32 to vector<16xi32>
    %mul3A_1962 = arith.muli %add3A_1959, %mul3A_1961 : vector<16xi32>
    %add3A_1963 = vector.broadcast %min3A_24 : i32 to vector<16xi32>
    %add3A_1964 = arith.addi %mul3A_1962, %add3A_1963 : vector<16xi32>
    tpu.vector_store_idx %arg8[%add3A_1964], %gather3A_1956 : memref<4096xf32, #tpu.memory_space<vmem>>[vector<16xi32>], vector<16xf32>,
    %get3A_1965 = arith.constant 9 : i32
    %get3A_1966 = arith.index_cast %get3A_1965 : i32 to index
    %get3A_1967 = arith.constant 0 : index
    %get3A_1968 = tpu.vector_load %arg5[%get3A_1966, %get3A_1967] {strides = array<i32>} : memref<16x256xf32, #tpu.memory_space<vmem>>, vector<16xf32>,
    tpu.vector_store_idx %arg8[%mul3A_1962], %get3A_1968 : memref<4096xf32, #tpu.memory_space<vmem>>[vector<16xi32>], vector<16xf32>,
    %add3A_1969 = arith.constant 16 : i32
    %add3A_1970 = vector.broadcast %add3A_1969 : i32 to vector<16xi32>
    %add3A_1971 = arith.addi %iota3A, %add3A_1970 : vector<16xi32>
    %mul3A_1972 = arith.constant 16 : i32
    %mul3A_1973 = vector.broadcast %mul3A_1972 : i32 to vector<16xi32>
    %mul3A_1974 = arith.muli %add3A_1971, %mul3A_1973 : vector<16xi32>
    %add3A_1975 = vector.broadcast %min3A_24 : i32 to vector<16xi32>
    %add3A_1976 = arith.addi %mul3A_1974, %add3A_1975 : vector<16xi32>
    tpu.vector_store_idx %arg8[%add3A_1976], %gather3A_1956 : memref<4096xf32, #tpu.memory_space<vmem>>[vector<16xi32>], vector<16xf32>,
    %get3A_1977 = arith.constant 9 : i32
    %get3A_1978 = arith.index_cast %get3A_1977 : i32 to index
    %get3A_1979 = arith.constant 16 : index
    %get3A_1980 = tpu.vector_load %arg5[%get3A_1978, %get3A_1979] {strides = array<i32>} : memref<16x256xf32, #tpu.memory_space<vmem>>, vector<16xf32>,
    tpu.vector_store_idx %arg8[%mul3A_1974], %get3A_1980 : memref<4096xf32, #tpu.memory_space<vmem>>[vector<16xi32>], vector<16xf32>,
    %add3A_1981 = arith.constant 32 : i32
    %add3A_1982 = vector.broadcast %add3A_1981 : i32 to vector<16xi32>
    %add3A_1983 = arith.addi %iota3A, %add3A_1982 : vector<16xi32>
    %mul3A_1984 = arith.constant 16 : i32
    %mul3A_1985 = vector.broadcast %mul3A_1984 : i32 to vector<16xi32>
    %mul3A_1986 = arith.muli %add3A_1983, %mul3A_1985 : vector<16xi32>
    %add3A_1987 = vector.broadcast %min3A_24 : i32 to vector<16xi32>
    %add3A_1988 = arith.addi %mul3A_1986, %add3A_1987 : vector<16xi32>
    tpu.vector_store_idx %arg8[%add3A_1988], %gather3A_1956 : memref<4096xf32, #tpu.memory_space<vmem>>[vector<16xi32>], vector<16xf32>,
    %get3A_1989 = arith.constant 9 : i32
    %get3A_1990 = arith.index_cast %get3A_1989 : i32 to index
    %get3A_1991 = arith.constant 32 : index
    %get3A_1992 = tpu.vector_load %arg5[%get3A_1990, %get3A_1991] {strides = array<i32>} : memref<16x256xf32, #tpu.memory_space<vmem>>, vector<16xf32>,
    tpu.vector_store_idx %arg8[%mul3A_1986], %get3A_1992 : memref<4096xf32, #tpu.memory_space<vmem>>[vector<16xi32>], vector<16xf32>,
    %add3A_1993 = arith.constant 48 : i32
    %add3A_1994 = vector.broadcast %add3A_1993 : i32 to vector<16xi32>
    %add3A_1995 = arith.addi %iota3A, %add3A_1994 : vector<16xi32>
    %mul3A_1996 = arith.constant 16 : i32
    %mul3A_1997 = vector.broadcast %mul3A_1996 : i32 to vector<16xi32>
    %mul3A_1998 = arith.muli %add3A_1995, %mul3A_1997 : vector<16xi32>
    %add3A_1999 = vector.broadcast %min3A_24 : i32 to vector<16xi32>
    %add3A_2000 = arith.addi %mul3A_1998, %add3A_1999 : vector<16xi32>
    tpu.vector_store_idx %arg8[%add3A_2000], %gather3A_1956 : memref<4096xf32, #tpu.memory_space<vmem>>[vector<16xi32>], vector<16xf32>,
    %get3A_2001 = arith.constant 9 : i32
    %get3A_2002 = arith.index_cast %get3A_2001 : i32 to index
    %get3A_2003 = arith.constant 48 : index
    %get3A_2004 = tpu.vector_load %arg5[%get3A_2002, %get3A_2003] {strides = array<i32>} : memref<16x256xf32, #tpu.memory_space<vmem>>, vector<16xf32>,
    tpu.vector_store_idx %arg8[%mul3A_1998], %get3A_2004 : memref<4096xf32, #tpu.memory_space<vmem>>[vector<16xi32>], vector<16xf32>,
    %add3A_2005 = arith.constant 64 : i32
    %add3A_2006 = vector.broadcast %add3A_2005 : i32 to vector<16xi32>
    %add3A_2007 = arith.addi %iota3A, %add3A_2006 : vector<16xi32>
    %mul3A_2008 = arith.constant 16 : i32
    %mul3A_2009 = vector.broadcast %mul3A_2008 : i32 to vector<16xi32>
    %mul3A_2010 = arith.muli %add3A_2007, %mul3A_2009 : vector<16xi32>
    %add3A_2011 = vector.broadcast %min3A_24 : i32 to vector<16xi32>
    %add3A_2012 = arith.addi %mul3A_2010, %add3A_2011 : vector<16xi32>
    tpu.vector_store_idx %arg8[%add3A_2012], %gather3A_1956 : memref<4096xf32, #tpu.memory_space<vmem>>[vector<16xi32>], vector<16xf32>,
    %get3A_2013 = arith.constant 9 : i32
    %get3A_2014 = arith.index_cast %get3A_2013 : i32 to index
    %get3A_2015 = arith.constant 64 : index
    %get3A_2016 = tpu.vector_load %arg5[%get3A_2014, %get3A_2015] {strides = array<i32>} : memref<16x256xf32, #tpu.memory_space<vmem>>, vector<16xf32>,
    tpu.vector_store_idx %arg8[%mul3A_2010], %get3A_2016 : memref<4096xf32, #tpu.memory_space<vmem>>[vector<16xi32>], vector<16xf32>,
    %add3A_2017 = arith.constant 80 : i32
    %add3A_2018 = vector.broadcast %add3A_2017 : i32 to vector<16xi32>
    %add3A_2019 = arith.addi %iota3A, %add3A_2018 : vector<16xi32>
    %mul3A_2020 = arith.constant 16 : i32
    %mul3A_2021 = vector.broadcast %mul3A_2020 : i32 to vector<16xi32>
    %mul3A_2022 = arith.muli %add3A_2019, %mul3A_2021 : vector<16xi32>
    %add3A_2023 = vector.broadcast %min3A_24 : i32 to vector<16xi32>
    %add3A_2024 = arith.addi %mul3A_2022, %add3A_2023 : vector<16xi32>
    tpu.vector_store_idx %arg8[%add3A_2024], %gather3A_1956 : memref<4096xf32, #tpu.memory_space<vmem>>[vector<16xi32>], vector<16xf32>,
    %get3A_2025 = arith.constant 9 : i32
    %get3A_2026 = arith.index_cast %get3A_2025 : i32 to index
    %get3A_2027 = arith.constant 80 : index
    %get3A_2028 = tpu.vector_load %arg5[%get3A_2026, %get3A_2027] {strides = array<i32>} : memref<16x256xf32, #tpu.memory_space<vmem>>, vector<16xf32>,
    tpu.vector_store_idx %arg8[%mul3A_2022], %get3A_2028 : memref<4096xf32, #tpu.memory_space<vmem>>[vector<16xi32>], vector<16xf32>,
    %add3A_2029 = arith.constant 96 : i32
    %add3A_2030 = vector.broadcast %add3A_2029 : i32 to vector<16xi32>
    %add3A_2031 = arith.addi %iota3A, %add3A_2030 : vector<16xi32>
    %mul3A_2032 = arith.constant 16 : i32
    %mul3A_2033 = vector.broadcast %mul3A_2032 : i32 to vector<16xi32>
    %mul3A_2034 = arith.muli %add3A_2031, %mul3A_2033 : vector<16xi32>
    %add3A_2035 = vector.broadcast %min3A_24 : i32 to vector<16xi32>
    %add3A_2036 = arith.addi %mul3A_2034, %add3A_2035 : vector<16xi32>
    tpu.vector_store_idx %arg8[%add3A_2036], %gather3A_1956 : memref<4096xf32, #tpu.memory_space<vmem>>[vector<16xi32>], vector<16xf32>,
    %get3A_2037 = arith.constant 9 : i32
    %get3A_2038 = arith.index_cast %get3A_2037 : i32 to index
    %get3A_2039 = arith.constant 96 : index
    %get3A_2040 = tpu.vector_load %arg5[%get3A_2038, %get3A_2039] {strides = array<i32>} : memref<16x256xf32, #tpu.memory_space<vmem>>, vector<16xf32>,
    tpu.vector_store_idx %arg8[%mul3A_2034], %get3A_2040 : memref<4096xf32, #tpu.memory_space<vmem>>[vector<16xi32>], vector<16xf32>,
    %add3A_2041 = arith.constant 112 : i32
    %add3A_2042 = vector.broadcast %add3A_2041 : i32 to vector<16xi32>
    %add3A_2043 = arith.addi %iota3A, %add3A_2042 : vector<16xi32>
    %mul3A_2044 = arith.constant 16 : i32
    %mul3A_2045 = vector.broadcast %mul3A_2044 : i32 to vector<16xi32>
    %mul3A_2046 = arith.muli %add3A_2043, %mul3A_2045 : vector<16xi32>
    %add3A_2047 = vector.broadcast %min3A_24 : i32 to vector<16xi32>
    %add3A_2048 = arith.addi %mul3A_2046, %add3A_2047 : vector<16xi32>
    tpu.vector_store_idx %arg8[%add3A_2048], %gather3A_1956 : memref<4096xf32, #tpu.memory_space<vmem>>[vector<16xi32>], vector<16xf32>,
    %get3A_2049 = arith.constant 9 : i32
    %get3A_2050 = arith.index_cast %get3A_2049 : i32 to index
    %get3A_2051 = arith.constant 112 : index
    %get3A_2052 = tpu.vector_load %arg5[%get3A_2050, %get3A_2051] {strides = array<i32>} : memref<16x256xf32, #tpu.memory_space<vmem>>, vector<16xf32>,
    tpu.vector_store_idx %arg8[%mul3A_2046], %get3A_2052 : memref<4096xf32, #tpu.memory_space<vmem>>[vector<16xi32>], vector<16xf32>,
    %add3A_2053 = arith.constant 128 : i32
    %add3A_2054 = vector.broadcast %add3A_2053 : i32 to vector<16xi32>
    %add3A_2055 = arith.addi %iota3A, %add3A_2054 : vector<16xi32>
    %mul3A_2056 = arith.constant 16 : i32
    %mul3A_2057 = vector.broadcast %mul3A_2056 : i32 to vector<16xi32>
    %mul3A_2058 = arith.muli %add3A_2055, %mul3A_2057 : vector<16xi32>
    %add3A_2059 = vector.broadcast %min3A_24 : i32 to vector<16xi32>
    %add3A_2060 = arith.addi %mul3A_2058, %add3A_2059 : vector<16xi32>
    tpu.vector_store_idx %arg8[%add3A_2060], %gather3A_1956 : memref<4096xf32, #tpu.memory_space<vmem>>[vector<16xi32>], vector<16xf32>,
    %get3A_2061 = arith.constant 9 : i32
    %get3A_2062 = arith.index_cast %get3A_2061 : i32 to index
    %get3A_2063 = arith.constant 128 : index
    %get3A_2064 = tpu.vector_load %arg5[%get3A_2062, %get3A_2063] {strides = array<i32>} : memref<16x256xf32, #tpu.memory_space<vmem>>, vector<16xf32>,
    tpu.vector_store_idx %arg8[%mul3A_2058], %get3A_2064 : memref<4096xf32, #tpu.memory_space<vmem>>[vector<16xi32>], vector<16xf32>,
    %add3A_2065 = arith.constant 144 : i32
    %add3A_2066 = vector.broadcast %add3A_2065 : i32 to vector<16xi32>
    %add3A_2067 = arith.addi %iota3A, %add3A_2066 : vector<16xi32>
    %mul3A_2068 = arith.constant 16 : i32
    %mul3A_2069 = vector.broadcast %mul3A_2068 : i32 to vector<16xi32>
    %mul3A_2070 = arith.muli %add3A_2067, %mul3A_2069 : vector<16xi32>
    %add3A_2071 = vector.broadcast %min3A_24 : i32 to vector<16xi32>
    %add3A_2072 = arith.addi %mul3A_2070, %add3A_2071 : vector<16xi32>
    tpu.vector_store_idx %arg8[%add3A_2072], %gather3A_1956 : memref<4096xf32, #tpu.memory_space<vmem>>[vector<16xi32>], vector<16xf32>,
    %get3A_2073 = arith.constant 9 : i32
    %get3A_2074 = arith.index_cast %get3A_2073 : i32 to index
    %get3A_2075 = arith.constant 144 : index
    %get3A_2076 = tpu.vector_load %arg5[%get3A_2074, %get3A_2075] {strides = array<i32>} : memref<16x256xf32, #tpu.memory_space<vmem>>, vector<16xf32>,
    tpu.vector_store_idx %arg8[%mul3A_2070], %get3A_2076 : memref<4096xf32, #tpu.memory_space<vmem>>[vector<16xi32>], vector<16xf32>,
    %add3A_2077 = arith.constant 160 : i32
    %add3A_2078 = vector.broadcast %add3A_2077 : i32 to vector<16xi32>
    %add3A_2079 = arith.addi %iota3A, %add3A_2078 : vector<16xi32>
    %mul3A_2080 = arith.constant 16 : i32
    %mul3A_2081 = vector.broadcast %mul3A_2080 : i32 to vector<16xi32>
    %mul3A_2082 = arith.muli %add3A_2079, %mul3A_2081 : vector<16xi32>
    %add3A_2083 = vector.broadcast %min3A_24 : i32 to vector<16xi32>
    %add3A_2084 = arith.addi %mul3A_2082, %add3A_2083 : vector<16xi32>
    tpu.vector_store_idx %arg8[%add3A_2084], %gather3A_1956 : memref<4096xf32, #tpu.memory_space<vmem>>[vector<16xi32>], vector<16xf32>,
    %get3A_2085 = arith.constant 9 : i32
    %get3A_2086 = arith.index_cast %get3A_2085 : i32 to index
    %get3A_2087 = arith.constant 160 : index
    %get3A_2088 = tpu.vector_load %arg5[%get3A_2086, %get3A_2087] {strides = array<i32>} : memref<16x256xf32, #tpu.memory_space<vmem>>, vector<16xf32>,
    tpu.vector_store_idx %arg8[%mul3A_2082], %get3A_2088 : memref<4096xf32, #tpu.memory_space<vmem>>[vector<16xi32>], vector<16xf32>,
    %add3A_2089 = arith.constant 176 : i32
    %add3A_2090 = vector.broadcast %add3A_2089 : i32 to vector<16xi32>
    %add3A_2091 = arith.addi %iota3A, %add3A_2090 : vector<16xi32>
    %mul3A_2092 = arith.constant 16 : i32
    %mul3A_2093 = vector.broadcast %mul3A_2092 : i32 to vector<16xi32>
    %mul3A_2094 = arith.muli %add3A_2091, %mul3A_2093 : vector<16xi32>
    %add3A_2095 = vector.broadcast %min3A_24 : i32 to vector<16xi32>
    %add3A_2096 = arith.addi %mul3A_2094, %add3A_2095 : vector<16xi32>
    tpu.vector_store_idx %arg8[%add3A_2096], %gather3A_1956 : memref<4096xf32, #tpu.memory_space<vmem>>[vector<16xi32>], vector<16xf32>,
    %get3A_2097 = arith.constant 9 : i32
    %get3A_2098 = arith.index_cast %get3A_2097 : i32 to index
    %get3A_2099 = arith.constant 176 : index
    %get3A_2100 = tpu.vector_load %arg5[%get3A_2098, %get3A_2099] {strides = array<i32>} : memref<16x256xf32, #tpu.memory_space<vmem>>, vector<16xf32>,
    tpu.vector_store_idx %arg8[%mul3A_2094], %get3A_2100 : memref<4096xf32, #tpu.memory_space<vmem>>[vector<16xi32>], vector<16xf32>,
    %add3A_2101 = arith.constant 192 : i32
    %add3A_2102 = vector.broadcast %add3A_2101 : i32 to vector<16xi32>
    %add3A_2103 = arith.addi %iota3A, %add3A_2102 : vector<16xi32>
    %mul3A_2104 = arith.constant 16 : i32
    %mul3A_2105 = vector.broadcast %mul3A_2104 : i32 to vector<16xi32>
    %mul3A_2106 = arith.muli %add3A_2103, %mul3A_2105 : vector<16xi32>
    %add3A_2107 = vector.broadcast %min3A_24 : i32 to vector<16xi32>
    %add3A_2108 = arith.addi %mul3A_2106, %add3A_2107 : vector<16xi32>
    tpu.vector_store_idx %arg8[%add3A_2108], %gather3A_1956 : memref<4096xf32, #tpu.memory_space<vmem>>[vector<16xi32>], vector<16xf32>,
    %get3A_2109 = arith.constant 9 : i32
    %get3A_2110 = arith.index_cast %get3A_2109 : i32 to index
    %get3A_2111 = arith.constant 192 : index
    %get3A_2112 = tpu.vector_load %arg5[%get3A_2110, %get3A_2111] {strides = array<i32>} : memref<16x256xf32, #tpu.memory_space<vmem>>, vector<16xf32>,
    tpu.vector_store_idx %arg8[%mul3A_2106], %get3A_2112 : memref<4096xf32, #tpu.memory_space<vmem>>[vector<16xi32>], vector<16xf32>,
    %add3A_2113 = arith.constant 208 : i32
    %add3A_2114 = vector.broadcast %add3A_2113 : i32 to vector<16xi32>
    %add3A_2115 = arith.addi %iota3A, %add3A_2114 : vector<16xi32>
    %mul3A_2116 = arith.constant 16 : i32
    %mul3A_2117 = vector.broadcast %mul3A_2116 : i32 to vector<16xi32>
    %mul3A_2118 = arith.muli %add3A_2115, %mul3A_2117 : vector<16xi32>
    %add3A_2119 = vector.broadcast %min3A_24 : i32 to vector<16xi32>
    %add3A_2120 = arith.addi %mul3A_2118, %add3A_2119 : vector<16xi32>
    tpu.vector_store_idx %arg8[%add3A_2120], %gather3A_1956 : memref<4096xf32, #tpu.memory_space<vmem>>[vector<16xi32>], vector<16xf32>,
    %get3A_2121 = arith.constant 9 : i32
    %get3A_2122 = arith.index_cast %get3A_2121 : i32 to index
    %get3A_2123 = arith.constant 208 : index
    %get3A_2124 = tpu.vector_load %arg5[%get3A_2122, %get3A_2123] {strides = array<i32>} : memref<16x256xf32, #tpu.memory_space<vmem>>, vector<16xf32>,
    tpu.vector_store_idx %arg8[%mul3A_2118], %get3A_2124 : memref<4096xf32, #tpu.memory_space<vmem>>[vector<16xi32>], vector<16xf32>,
    %add3A_2125 = arith.constant 224 : i32
    %add3A_2126 = vector.broadcast %add3A_2125 : i32 to vector<16xi32>
    %add3A_2127 = arith.addi %iota3A, %add3A_2126 : vector<16xi32>
    %mul3A_2128 = arith.constant 16 : i32
    %mul3A_2129 = vector.broadcast %mul3A_2128 : i32 to vector<16xi32>
    %mul3A_2130 = arith.muli %add3A_2127, %mul3A_2129 : vector<16xi32>
    %add3A_2131 = vector.broadcast %min3A_24 : i32 to vector<16xi32>
    %add3A_2132 = arith.addi %mul3A_2130, %add3A_2131 : vector<16xi32>
    tpu.vector_store_idx %arg8[%add3A_2132], %gather3A_1956 : memref<4096xf32, #tpu.memory_space<vmem>>[vector<16xi32>], vector<16xf32>,
    %get3A_2133 = arith.constant 9 : i32
    %get3A_2134 = arith.index_cast %get3A_2133 : i32 to index
    %get3A_2135 = arith.constant 224 : index
    %get3A_2136 = tpu.vector_load %arg5[%get3A_2134, %get3A_2135] {strides = array<i32>} : memref<16x256xf32, #tpu.memory_space<vmem>>, vector<16xf32>,
    tpu.vector_store_idx %arg8[%mul3A_2130], %get3A_2136 : memref<4096xf32, #tpu.memory_space<vmem>>[vector<16xi32>], vector<16xf32>,
    %add3A_2137 = arith.constant 240 : i32
    %add3A_2138 = vector.broadcast %add3A_2137 : i32 to vector<16xi32>
    %add3A_2139 = arith.addi %iota3A, %add3A_2138 : vector<16xi32>
    %mul3A_2140 = arith.constant 16 : i32
    %mul3A_2141 = vector.broadcast %mul3A_2140 : i32 to vector<16xi32>
    %mul3A_2142 = arith.muli %add3A_2139, %mul3A_2141 : vector<16xi32>
    %add3A_2143 = vector.broadcast %min3A_24 : i32 to vector<16xi32>
    %add3A_2144 = arith.addi %mul3A_2142, %add3A_2143 : vector<16xi32>
    tpu.vector_store_idx %arg8[%add3A_2144], %gather3A_1956 : memref<4096xf32, #tpu.memory_space<vmem>>[vector<16xi32>], vector<16xf32>,
    %get3A_2145 = arith.constant 9 : i32
    %get3A_2146 = arith.index_cast %get3A_2145 : i32 to index
    %get3A_2147 = arith.constant 240 : index
    %get3A_2148 = tpu.vector_load %arg5[%get3A_2146, %get3A_2147] {strides = array<i32>} : memref<16x256xf32, #tpu.memory_space<vmem>>, vector<16xf32>,
    tpu.vector_store_idx %arg8[%mul3A_2142], %get3A_2148 : memref<4096xf32, #tpu.memory_space<vmem>>[vector<16xi32>], vector<16xf32>,
    %add3A_2149 = arith.constant 9 : i32
    %add3A_2150 = arith.addi %mul3A_2, %add3A_2149 : i32
    %dma_start3A_2151 = arith.constant 0 : i32
    %dma_start3A_2152 = tpu.memref_slice %arg4[%add3A_2150, %dma_start3A_2151] : memref<512x4096xf32, #tpu.memory_space<hbm>> -> memref<1x4096xf32, #tpu.memory_space<hbm>>
    %dma_start3A_2153 = tpu.memref_squeeze %dma_start3A_2152 : memref<1x4096xf32, #tpu.memory_space<hbm>> -> memref<4096xf32, #tpu.memory_space<hbm>>
    %dma_start3A_2154 = arith.constant 0 : i32
    %dma_start3A_2155 = tpu.memref_slice %arg4[%add3A_2150, %dma_start3A_2154] : memref<512x4096xf32, #tpu.memory_space<hbm>> -> memref<1x4096xf32, #tpu.memory_space<hbm>>
    %dma_start3A_2156 = tpu.memref_squeeze %dma_start3A_2155 : memref<1x4096xf32, #tpu.memory_space<hbm>> -> memref<4096xf32, #tpu.memory_space<hbm>>
    tpu.enqueue_dma source(%arg8 : memref<4096xf32, #tpu.memory_space<vmem>>) target(%dma_start3A_2156 : memref<4096xf32, #tpu.memory_space<hbm>>) target_semaphore(%arg11 : memref<!tpu.dma_semaphore, #tpu.memory_space<semaphore_mem>>)
    %dma_wait3A_2157 = arith.constant 0 : i32
    %dma_wait3A_2158 = tpu.memref_slice %arg4[%add3A_1937, %dma_wait3A_2157] : memref<512x4096xf32, #tpu.memory_space<hbm>> -> memref<1x4096xf32, #tpu.memory_space<hbm>>
    %dma_wait3A_2159 = tpu.memref_squeeze %dma_wait3A_2158 : memref<1x4096xf32, #tpu.memory_space<hbm>> -> memref<4096xf32, #tpu.memory_space<hbm>>
    %dma_wait3A_2160 = arith.constant 0 : i32
    %dma_wait3A_2161 = tpu.memref_slice %arg4[%add3A_1937, %dma_wait3A_2160] : memref<512x4096xf32, #tpu.memory_space<hbm>> -> memref<1x4096xf32, #tpu.memory_space<hbm>>
    %dma_wait3A_2162 = tpu.memref_squeeze %dma_wait3A_2161 : memref<1x4096xf32, #tpu.memory_space<hbm>> -> memref<4096xf32, #tpu.memory_space<hbm>>
    tpu.wait_dma2 semaphore(%arg10 : memref<!tpu.dma_semaphore, #tpu.memory_space<semaphore_mem>>) src(%arg7 : memref<4096xf32, #tpu.memory_space<vmem>>) dst(%dma_wait3A_2162 : memref<4096xf32, #tpu.memory_space<hbm>>)
    %get3A_2163 = arith.constant 10 : i32
    %get3A_2164 = arith.index_cast %get3A_2163 : i32 to index
    %get3A_2165 = arith.constant 0 : index
    %get3A_2166 = tpu.vector_load %arg6[%get3A_2164, %get3A_2165] {strides = array<i32>} : memref<16x16xf32, #tpu.memory_space<vmem>>, vector<16xf32>,
    %broadcast_in_dim3A_2167 = vector.shape_cast %broadcast_in_dim3A_40 : vector<16xi32> to vector<16x1xi32>
    %gather3A_2168 = vector.shape_cast %broadcast_in_dim3A_2167 : vector<16x1xi32> to vector<16xi32>
    %gather3A_2169 = tpu.dynamic_gather %get3A_2166[%gather3A_2168] in [0] : vector<16xf32>, vector<16xi32> -> vector<16xf32>
    %add3A_2170 = arith.constant 0 : i32
    %add3A_2171 = vector.broadcast %add3A_2170 : i32 to vector<16xi32>
    %add3A_2172 = arith.addi %iota3A, %add3A_2171 : vector<16xi32>
    %mul3A_2173 = arith.constant 16 : i32
    %mul3A_2174 = vector.broadcast %mul3A_2173 : i32 to vector<16xi32>
    %mul3A_2175 = arith.muli %add3A_2172, %mul3A_2174 : vector<16xi32>
    %add3A_2176 = vector.broadcast %min3A_24 : i32 to vector<16xi32>
    %add3A_2177 = arith.addi %mul3A_2175, %add3A_2176 : vector<16xi32>
    tpu.vector_store_idx %arg7[%add3A_2177], %gather3A_2169 : memref<4096xf32, #tpu.memory_space<vmem>>[vector<16xi32>], vector<16xf32>,
    %get3A_2178 = arith.constant 10 : i32
    %get3A_2179 = arith.index_cast %get3A_2178 : i32 to index
    %get3A_2180 = arith.constant 0 : index
    %get3A_2181 = tpu.vector_load %arg5[%get3A_2179, %get3A_2180] {strides = array<i32>} : memref<16x256xf32, #tpu.memory_space<vmem>>, vector<16xf32>,
    tpu.vector_store_idx %arg7[%mul3A_2175], %get3A_2181 : memref<4096xf32, #tpu.memory_space<vmem>>[vector<16xi32>], vector<16xf32>,
    %add3A_2182 = arith.constant 16 : i32
    %add3A_2183 = vector.broadcast %add3A_2182 : i32 to vector<16xi32>
    %add3A_2184 = arith.addi %iota3A, %add3A_2183 : vector<16xi32>
    %mul3A_2185 = arith.constant 16 : i32
    %mul3A_2186 = vector.broadcast %mul3A_2185 : i32 to vector<16xi32>
    %mul3A_2187 = arith.muli %add3A_2184, %mul3A_2186 : vector<16xi32>
    %add3A_2188 = vector.broadcast %min3A_24 : i32 to vector<16xi32>
    %add3A_2189 = arith.addi %mul3A_2187, %add3A_2188 : vector<16xi32>
    tpu.vector_store_idx %arg7[%add3A_2189], %gather3A_2169 : memref<4096xf32, #tpu.memory_space<vmem>>[vector<16xi32>], vector<16xf32>,
    %get3A_2190 = arith.constant 10 : i32
    %get3A_2191 = arith.index_cast %get3A_2190 : i32 to index
    %get3A_2192 = arith.constant 16 : index
    %get3A_2193 = tpu.vector_load %arg5[%get3A_2191, %get3A_2192] {strides = array<i32>} : memref<16x256xf32, #tpu.memory_space<vmem>>, vector<16xf32>,
    tpu.vector_store_idx %arg7[%mul3A_2187], %get3A_2193 : memref<4096xf32, #tpu.memory_space<vmem>>[vector<16xi32>], vector<16xf32>,
    %add3A_2194 = arith.constant 32 : i32
    %add3A_2195 = vector.broadcast %add3A_2194 : i32 to vector<16xi32>
    %add3A_2196 = arith.addi %iota3A, %add3A_2195 : vector<16xi32>
    %mul3A_2197 = arith.constant 16 : i32
    %mul3A_2198 = vector.broadcast %mul3A_2197 : i32 to vector<16xi32>
    %mul3A_2199 = arith.muli %add3A_2196, %mul3A_2198 : vector<16xi32>
    %add3A_2200 = vector.broadcast %min3A_24 : i32 to vector<16xi32>
    %add3A_2201 = arith.addi %mul3A_2199, %add3A_2200 : vector<16xi32>
    tpu.vector_store_idx %arg7[%add3A_2201], %gather3A_2169 : memref<4096xf32, #tpu.memory_space<vmem>>[vector<16xi32>], vector<16xf32>,
    %get3A_2202 = arith.constant 10 : i32
    %get3A_2203 = arith.index_cast %get3A_2202 : i32 to index
    %get3A_2204 = arith.constant 32 : index
    %get3A_2205 = tpu.vector_load %arg5[%get3A_2203, %get3A_2204] {strides = array<i32>} : memref<16x256xf32, #tpu.memory_space<vmem>>, vector<16xf32>,
    tpu.vector_store_idx %arg7[%mul3A_2199], %get3A_2205 : memref<4096xf32, #tpu.memory_space<vmem>>[vector<16xi32>], vector<16xf32>,
    %add3A_2206 = arith.constant 48 : i32
    %add3A_2207 = vector.broadcast %add3A_2206 : i32 to vector<16xi32>
    %add3A_2208 = arith.addi %iota3A, %add3A_2207 : vector<16xi32>
    %mul3A_2209 = arith.constant 16 : i32
    %mul3A_2210 = vector.broadcast %mul3A_2209 : i32 to vector<16xi32>
    %mul3A_2211 = arith.muli %add3A_2208, %mul3A_2210 : vector<16xi32>
    %add3A_2212 = vector.broadcast %min3A_24 : i32 to vector<16xi32>
    %add3A_2213 = arith.addi %mul3A_2211, %add3A_2212 : vector<16xi32>
    tpu.vector_store_idx %arg7[%add3A_2213], %gather3A_2169 : memref<4096xf32, #tpu.memory_space<vmem>>[vector<16xi32>], vector<16xf32>,
    %get3A_2214 = arith.constant 10 : i32
    %get3A_2215 = arith.index_cast %get3A_2214 : i32 to index
    %get3A_2216 = arith.constant 48 : index
    %get3A_2217 = tpu.vector_load %arg5[%get3A_2215, %get3A_2216] {strides = array<i32>} : memref<16x256xf32, #tpu.memory_space<vmem>>, vector<16xf32>,
    tpu.vector_store_idx %arg7[%mul3A_2211], %get3A_2217 : memref<4096xf32, #tpu.memory_space<vmem>>[vector<16xi32>], vector<16xf32>,
    %add3A_2218 = arith.constant 64 : i32
    %add3A_2219 = vector.broadcast %add3A_2218 : i32 to vector<16xi32>
    %add3A_2220 = arith.addi %iota3A, %add3A_2219 : vector<16xi32>
    %mul3A_2221 = arith.constant 16 : i32
    %mul3A_2222 = vector.broadcast %mul3A_2221 : i32 to vector<16xi32>
    %mul3A_2223 = arith.muli %add3A_2220, %mul3A_2222 : vector<16xi32>
    %add3A_2224 = vector.broadcast %min3A_24 : i32 to vector<16xi32>
    %add3A_2225 = arith.addi %mul3A_2223, %add3A_2224 : vector<16xi32>
    tpu.vector_store_idx %arg7[%add3A_2225], %gather3A_2169 : memref<4096xf32, #tpu.memory_space<vmem>>[vector<16xi32>], vector<16xf32>,
    %get3A_2226 = arith.constant 10 : i32
    %get3A_2227 = arith.index_cast %get3A_2226 : i32 to index
    %get3A_2228 = arith.constant 64 : index
    %get3A_2229 = tpu.vector_load %arg5[%get3A_2227, %get3A_2228] {strides = array<i32>} : memref<16x256xf32, #tpu.memory_space<vmem>>, vector<16xf32>,
    tpu.vector_store_idx %arg7[%mul3A_2223], %get3A_2229 : memref<4096xf32, #tpu.memory_space<vmem>>[vector<16xi32>], vector<16xf32>,
    %add3A_2230 = arith.constant 80 : i32
    %add3A_2231 = vector.broadcast %add3A_2230 : i32 to vector<16xi32>
    %add3A_2232 = arith.addi %iota3A, %add3A_2231 : vector<16xi32>
    %mul3A_2233 = arith.constant 16 : i32
    %mul3A_2234 = vector.broadcast %mul3A_2233 : i32 to vector<16xi32>
    %mul3A_2235 = arith.muli %add3A_2232, %mul3A_2234 : vector<16xi32>
    %add3A_2236 = vector.broadcast %min3A_24 : i32 to vector<16xi32>
    %add3A_2237 = arith.addi %mul3A_2235, %add3A_2236 : vector<16xi32>
    tpu.vector_store_idx %arg7[%add3A_2237], %gather3A_2169 : memref<4096xf32, #tpu.memory_space<vmem>>[vector<16xi32>], vector<16xf32>,
    %get3A_2238 = arith.constant 10 : i32
    %get3A_2239 = arith.index_cast %get3A_2238 : i32 to index
    %get3A_2240 = arith.constant 80 : index
    %get3A_2241 = tpu.vector_load %arg5[%get3A_2239, %get3A_2240] {strides = array<i32>} : memref<16x256xf32, #tpu.memory_space<vmem>>, vector<16xf32>,
    tpu.vector_store_idx %arg7[%mul3A_2235], %get3A_2241 : memref<4096xf32, #tpu.memory_space<vmem>>[vector<16xi32>], vector<16xf32>,
    %add3A_2242 = arith.constant 96 : i32
    %add3A_2243 = vector.broadcast %add3A_2242 : i32 to vector<16xi32>
    %add3A_2244 = arith.addi %iota3A, %add3A_2243 : vector<16xi32>
    %mul3A_2245 = arith.constant 16 : i32
    %mul3A_2246 = vector.broadcast %mul3A_2245 : i32 to vector<16xi32>
    %mul3A_2247 = arith.muli %add3A_2244, %mul3A_2246 : vector<16xi32>
    %add3A_2248 = vector.broadcast %min3A_24 : i32 to vector<16xi32>
    %add3A_2249 = arith.addi %mul3A_2247, %add3A_2248 : vector<16xi32>
    tpu.vector_store_idx %arg7[%add3A_2249], %gather3A_2169 : memref<4096xf32, #tpu.memory_space<vmem>>[vector<16xi32>], vector<16xf32>,
    %get3A_2250 = arith.constant 10 : i32
    %get3A_2251 = arith.index_cast %get3A_2250 : i32 to index
    %get3A_2252 = arith.constant 96 : index
    %get3A_2253 = tpu.vector_load %arg5[%get3A_2251, %get3A_2252] {strides = array<i32>} : memref<16x256xf32, #tpu.memory_space<vmem>>, vector<16xf32>,
    tpu.vector_store_idx %arg7[%mul3A_2247], %get3A_2253 : memref<4096xf32, #tpu.memory_space<vmem>>[vector<16xi32>], vector<16xf32>,
    %add3A_2254 = arith.constant 112 : i32
    %add3A_2255 = vector.broadcast %add3A_2254 : i32 to vector<16xi32>
    %add3A_2256 = arith.addi %iota3A, %add3A_2255 : vector<16xi32>
    %mul3A_2257 = arith.constant 16 : i32
    %mul3A_2258 = vector.broadcast %mul3A_2257 : i32 to vector<16xi32>
    %mul3A_2259 = arith.muli %add3A_2256, %mul3A_2258 : vector<16xi32>
    %add3A_2260 = vector.broadcast %min3A_24 : i32 to vector<16xi32>
    %add3A_2261 = arith.addi %mul3A_2259, %add3A_2260 : vector<16xi32>
    tpu.vector_store_idx %arg7[%add3A_2261], %gather3A_2169 : memref<4096xf32, #tpu.memory_space<vmem>>[vector<16xi32>], vector<16xf32>,
    %get3A_2262 = arith.constant 10 : i32
    %get3A_2263 = arith.index_cast %get3A_2262 : i32 to index
    %get3A_2264 = arith.constant 112 : index
    %get3A_2265 = tpu.vector_load %arg5[%get3A_2263, %get3A_2264] {strides = array<i32>} : memref<16x256xf32, #tpu.memory_space<vmem>>, vector<16xf32>,
    tpu.vector_store_idx %arg7[%mul3A_2259], %get3A_2265 : memref<4096xf32, #tpu.memory_space<vmem>>[vector<16xi32>], vector<16xf32>,
    %add3A_2266 = arith.constant 128 : i32
    %add3A_2267 = vector.broadcast %add3A_2266 : i32 to vector<16xi32>
    %add3A_2268 = arith.addi %iota3A, %add3A_2267 : vector<16xi32>
    %mul3A_2269 = arith.constant 16 : i32
    %mul3A_2270 = vector.broadcast %mul3A_2269 : i32 to vector<16xi32>
    %mul3A_2271 = arith.muli %add3A_2268, %mul3A_2270 : vector<16xi32>
    %add3A_2272 = vector.broadcast %min3A_24 : i32 to vector<16xi32>
    %add3A_2273 = arith.addi %mul3A_2271, %add3A_2272 : vector<16xi32>
    tpu.vector_store_idx %arg7[%add3A_2273], %gather3A_2169 : memref<4096xf32, #tpu.memory_space<vmem>>[vector<16xi32>], vector<16xf32>,
    %get3A_2274 = arith.constant 10 : i32
    %get3A_2275 = arith.index_cast %get3A_2274 : i32 to index
    %get3A_2276 = arith.constant 128 : index
    %get3A_2277 = tpu.vector_load %arg5[%get3A_2275, %get3A_2276] {strides = array<i32>} : memref<16x256xf32, #tpu.memory_space<vmem>>, vector<16xf32>,
    tpu.vector_store_idx %arg7[%mul3A_2271], %get3A_2277 : memref<4096xf32, #tpu.memory_space<vmem>>[vector<16xi32>], vector<16xf32>,
    %add3A_2278 = arith.constant 144 : i32
    %add3A_2279 = vector.broadcast %add3A_2278 : i32 to vector<16xi32>
    %add3A_2280 = arith.addi %iota3A, %add3A_2279 : vector<16xi32>
    %mul3A_2281 = arith.constant 16 : i32
    %mul3A_2282 = vector.broadcast %mul3A_2281 : i32 to vector<16xi32>
    %mul3A_2283 = arith.muli %add3A_2280, %mul3A_2282 : vector<16xi32>
    %add3A_2284 = vector.broadcast %min3A_24 : i32 to vector<16xi32>
    %add3A_2285 = arith.addi %mul3A_2283, %add3A_2284 : vector<16xi32>
    tpu.vector_store_idx %arg7[%add3A_2285], %gather3A_2169 : memref<4096xf32, #tpu.memory_space<vmem>>[vector<16xi32>], vector<16xf32>,
    %get3A_2286 = arith.constant 10 : i32
    %get3A_2287 = arith.index_cast %get3A_2286 : i32 to index
    %get3A_2288 = arith.constant 144 : index
    %get3A_2289 = tpu.vector_load %arg5[%get3A_2287, %get3A_2288] {strides = array<i32>} : memref<16x256xf32, #tpu.memory_space<vmem>>, vector<16xf32>,
    tpu.vector_store_idx %arg7[%mul3A_2283], %get3A_2289 : memref<4096xf32, #tpu.memory_space<vmem>>[vector<16xi32>], vector<16xf32>,
    %add3A_2290 = arith.constant 160 : i32
    %add3A_2291 = vector.broadcast %add3A_2290 : i32 to vector<16xi32>
    %add3A_2292 = arith.addi %iota3A, %add3A_2291 : vector<16xi32>
    %mul3A_2293 = arith.constant 16 : i32
    %mul3A_2294 = vector.broadcast %mul3A_2293 : i32 to vector<16xi32>
    %mul3A_2295 = arith.muli %add3A_2292, %mul3A_2294 : vector<16xi32>
    %add3A_2296 = vector.broadcast %min3A_24 : i32 to vector<16xi32>
    %add3A_2297 = arith.addi %mul3A_2295, %add3A_2296 : vector<16xi32>
    tpu.vector_store_idx %arg7[%add3A_2297], %gather3A_2169 : memref<4096xf32, #tpu.memory_space<vmem>>[vector<16xi32>], vector<16xf32>,
    %get3A_2298 = arith.constant 10 : i32
    %get3A_2299 = arith.index_cast %get3A_2298 : i32 to index
    %get3A_2300 = arith.constant 160 : index
    %get3A_2301 = tpu.vector_load %arg5[%get3A_2299, %get3A_2300] {strides = array<i32>} : memref<16x256xf32, #tpu.memory_space<vmem>>, vector<16xf32>,
    tpu.vector_store_idx %arg7[%mul3A_2295], %get3A_2301 : memref<4096xf32, #tpu.memory_space<vmem>>[vector<16xi32>], vector<16xf32>,
    %add3A_2302 = arith.constant 176 : i32
    %add3A_2303 = vector.broadcast %add3A_2302 : i32 to vector<16xi32>
    %add3A_2304 = arith.addi %iota3A, %add3A_2303 : vector<16xi32>
    %mul3A_2305 = arith.constant 16 : i32
    %mul3A_2306 = vector.broadcast %mul3A_2305 : i32 to vector<16xi32>
    %mul3A_2307 = arith.muli %add3A_2304, %mul3A_2306 : vector<16xi32>
    %add3A_2308 = vector.broadcast %min3A_24 : i32 to vector<16xi32>
    %add3A_2309 = arith.addi %mul3A_2307, %add3A_2308 : vector<16xi32>
    tpu.vector_store_idx %arg7[%add3A_2309], %gather3A_2169 : memref<4096xf32, #tpu.memory_space<vmem>>[vector<16xi32>], vector<16xf32>,
    %get3A_2310 = arith.constant 10 : i32
    %get3A_2311 = arith.index_cast %get3A_2310 : i32 to index
    %get3A_2312 = arith.constant 176 : index
    %get3A_2313 = tpu.vector_load %arg5[%get3A_2311, %get3A_2312] {strides = array<i32>} : memref<16x256xf32, #tpu.memory_space<vmem>>, vector<16xf32>,
    tpu.vector_store_idx %arg7[%mul3A_2307], %get3A_2313 : memref<4096xf32, #tpu.memory_space<vmem>>[vector<16xi32>], vector<16xf32>,
    %add3A_2314 = arith.constant 192 : i32
    %add3A_2315 = vector.broadcast %add3A_2314 : i32 to vector<16xi32>
    %add3A_2316 = arith.addi %iota3A, %add3A_2315 : vector<16xi32>
    %mul3A_2317 = arith.constant 16 : i32
    %mul3A_2318 = vector.broadcast %mul3A_2317 : i32 to vector<16xi32>
    %mul3A_2319 = arith.muli %add3A_2316, %mul3A_2318 : vector<16xi32>
    %add3A_2320 = vector.broadcast %min3A_24 : i32 to vector<16xi32>
    %add3A_2321 = arith.addi %mul3A_2319, %add3A_2320 : vector<16xi32>
    tpu.vector_store_idx %arg7[%add3A_2321], %gather3A_2169 : memref<4096xf32, #tpu.memory_space<vmem>>[vector<16xi32>], vector<16xf32>,
    %get3A_2322 = arith.constant 10 : i32
    %get3A_2323 = arith.index_cast %get3A_2322 : i32 to index
    %get3A_2324 = arith.constant 192 : index
    %get3A_2325 = tpu.vector_load %arg5[%get3A_2323, %get3A_2324] {strides = array<i32>} : memref<16x256xf32, #tpu.memory_space<vmem>>, vector<16xf32>,
    tpu.vector_store_idx %arg7[%mul3A_2319], %get3A_2325 : memref<4096xf32, #tpu.memory_space<vmem>>[vector<16xi32>], vector<16xf32>,
    %add3A_2326 = arith.constant 208 : i32
    %add3A_2327 = vector.broadcast %add3A_2326 : i32 to vector<16xi32>
    %add3A_2328 = arith.addi %iota3A, %add3A_2327 : vector<16xi32>
    %mul3A_2329 = arith.constant 16 : i32
    %mul3A_2330 = vector.broadcast %mul3A_2329 : i32 to vector<16xi32>
    %mul3A_2331 = arith.muli %add3A_2328, %mul3A_2330 : vector<16xi32>
    %add3A_2332 = vector.broadcast %min3A_24 : i32 to vector<16xi32>
    %add3A_2333 = arith.addi %mul3A_2331, %add3A_2332 : vector<16xi32>
    tpu.vector_store_idx %arg7[%add3A_2333], %gather3A_2169 : memref<4096xf32, #tpu.memory_space<vmem>>[vector<16xi32>], vector<16xf32>,
    %get3A_2334 = arith.constant 10 : i32
    %get3A_2335 = arith.index_cast %get3A_2334 : i32 to index
    %get3A_2336 = arith.constant 208 : index
    %get3A_2337 = tpu.vector_load %arg5[%get3A_2335, %get3A_2336] {strides = array<i32>} : memref<16x256xf32, #tpu.memory_space<vmem>>, vector<16xf32>,
    tpu.vector_store_idx %arg7[%mul3A_2331], %get3A_2337 : memref<4096xf32, #tpu.memory_space<vmem>>[vector<16xi32>], vector<16xf32>,
    %add3A_2338 = arith.constant 224 : i32
    %add3A_2339 = vector.broadcast %add3A_2338 : i32 to vector<16xi32>
    %add3A_2340 = arith.addi %iota3A, %add3A_2339 : vector<16xi32>
    %mul3A_2341 = arith.constant 16 : i32
    %mul3A_2342 = vector.broadcast %mul3A_2341 : i32 to vector<16xi32>
    %mul3A_2343 = arith.muli %add3A_2340, %mul3A_2342 : vector<16xi32>
    %add3A_2344 = vector.broadcast %min3A_24 : i32 to vector<16xi32>
    %add3A_2345 = arith.addi %mul3A_2343, %add3A_2344 : vector<16xi32>
    tpu.vector_store_idx %arg7[%add3A_2345], %gather3A_2169 : memref<4096xf32, #tpu.memory_space<vmem>>[vector<16xi32>], vector<16xf32>,
    %get3A_2346 = arith.constant 10 : i32
    %get3A_2347 = arith.index_cast %get3A_2346 : i32 to index
    %get3A_2348 = arith.constant 224 : index
    %get3A_2349 = tpu.vector_load %arg5[%get3A_2347, %get3A_2348] {strides = array<i32>} : memref<16x256xf32, #tpu.memory_space<vmem>>, vector<16xf32>,
    tpu.vector_store_idx %arg7[%mul3A_2343], %get3A_2349 : memref<4096xf32, #tpu.memory_space<vmem>>[vector<16xi32>], vector<16xf32>,
    %add3A_2350 = arith.constant 240 : i32
    %add3A_2351 = vector.broadcast %add3A_2350 : i32 to vector<16xi32>
    %add3A_2352 = arith.addi %iota3A, %add3A_2351 : vector<16xi32>
    %mul3A_2353 = arith.constant 16 : i32
    %mul3A_2354 = vector.broadcast %mul3A_2353 : i32 to vector<16xi32>
    %mul3A_2355 = arith.muli %add3A_2352, %mul3A_2354 : vector<16xi32>
    %add3A_2356 = vector.broadcast %min3A_24 : i32 to vector<16xi32>
    %add3A_2357 = arith.addi %mul3A_2355, %add3A_2356 : vector<16xi32>
    tpu.vector_store_idx %arg7[%add3A_2357], %gather3A_2169 : memref<4096xf32, #tpu.memory_space<vmem>>[vector<16xi32>], vector<16xf32>,
    %get3A_2358 = arith.constant 10 : i32
    %get3A_2359 = arith.index_cast %get3A_2358 : i32 to index
    %get3A_2360 = arith.constant 240 : index
    %get3A_2361 = tpu.vector_load %arg5[%get3A_2359, %get3A_2360] {strides = array<i32>} : memref<16x256xf32, #tpu.memory_space<vmem>>, vector<16xf32>,
    tpu.vector_store_idx %arg7[%mul3A_2355], %get3A_2361 : memref<4096xf32, #tpu.memory_space<vmem>>[vector<16xi32>], vector<16xf32>,
    %add3A_2362 = arith.constant 10 : i32
    %add3A_2363 = arith.addi %mul3A_2, %add3A_2362 : i32
    %dma_start3A_2364 = arith.constant 0 : i32
    %dma_start3A_2365 = tpu.memref_slice %arg4[%add3A_2363, %dma_start3A_2364] : memref<512x4096xf32, #tpu.memory_space<hbm>> -> memref<1x4096xf32, #tpu.memory_space<hbm>>
    %dma_start3A_2366 = tpu.memref_squeeze %dma_start3A_2365 : memref<1x4096xf32, #tpu.memory_space<hbm>> -> memref<4096xf32, #tpu.memory_space<hbm>>
    %dma_start3A_2367 = arith.constant 0 : i32
    %dma_start3A_2368 = tpu.memref_slice %arg4[%add3A_2363, %dma_start3A_2367] : memref<512x4096xf32, #tpu.memory_space<hbm>> -> memref<1x4096xf32, #tpu.memory_space<hbm>>
    %dma_start3A_2369 = tpu.memref_squeeze %dma_start3A_2368 : memref<1x4096xf32, #tpu.memory_space<hbm>> -> memref<4096xf32, #tpu.memory_space<hbm>>
    tpu.enqueue_dma source(%arg7 : memref<4096xf32, #tpu.memory_space<vmem>>) target(%dma_start3A_2369 : memref<4096xf32, #tpu.memory_space<hbm>>) target_semaphore(%arg10 : memref<!tpu.dma_semaphore, #tpu.memory_space<semaphore_mem>>)
    %dma_wait3A_2370 = arith.constant 0 : i32
    %dma_wait3A_2371 = tpu.memref_slice %arg4[%add3A_2150, %dma_wait3A_2370] : memref<512x4096xf32, #tpu.memory_space<hbm>> -> memref<1x4096xf32, #tpu.memory_space<hbm>>
    %dma_wait3A_2372 = tpu.memref_squeeze %dma_wait3A_2371 : memref<1x4096xf32, #tpu.memory_space<hbm>> -> memref<4096xf32, #tpu.memory_space<hbm>>
    %dma_wait3A_2373 = arith.constant 0 : i32
    %dma_wait3A_2374 = tpu.memref_slice %arg4[%add3A_2150, %dma_wait3A_2373] : memref<512x4096xf32, #tpu.memory_space<hbm>> -> memref<1x4096xf32, #tpu.memory_space<hbm>>
    %dma_wait3A_2375 = tpu.memref_squeeze %dma_wait3A_2374 : memref<1x4096xf32, #tpu.memory_space<hbm>> -> memref<4096xf32, #tpu.memory_space<hbm>>
    tpu.wait_dma2 semaphore(%arg11 : memref<!tpu.dma_semaphore, #tpu.memory_space<semaphore_mem>>) src(%arg8 : memref<4096xf32, #tpu.memory_space<vmem>>) dst(%dma_wait3A_2375 : memref<4096xf32, #tpu.memory_space<hbm>>)
    %get3A_2376 = arith.constant 11 : i32
    %get3A_2377 = arith.index_cast %get3A_2376 : i32 to index
    %get3A_2378 = arith.constant 0 : index
    %get3A_2379 = tpu.vector_load %arg6[%get3A_2377, %get3A_2378] {strides = array<i32>} : memref<16x16xf32, #tpu.memory_space<vmem>>, vector<16xf32>,
    %broadcast_in_dim3A_2380 = vector.shape_cast %broadcast_in_dim3A_40 : vector<16xi32> to vector<16x1xi32>
    %gather3A_2381 = vector.shape_cast %broadcast_in_dim3A_2380 : vector<16x1xi32> to vector<16xi32>
    %gather3A_2382 = tpu.dynamic_gather %get3A_2379[%gather3A_2381] in [0] : vector<16xf32>, vector<16xi32> -> vector<16xf32>
    %add3A_2383 = arith.constant 0 : i32
    %add3A_2384 = vector.broadcast %add3A_2383 : i32 to vector<16xi32>
    %add3A_2385 = arith.addi %iota3A, %add3A_2384 : vector<16xi32>
    %mul3A_2386 = arith.constant 16 : i32
    %mul3A_2387 = vector.broadcast %mul3A_2386 : i32 to vector<16xi32>
    %mul3A_2388 = arith.muli %add3A_2385, %mul3A_2387 : vector<16xi32>
    %add3A_2389 = vector.broadcast %min3A_24 : i32 to vector<16xi32>
    %add3A_2390 = arith.addi %mul3A_2388, %add3A_2389 : vector<16xi32>
    tpu.vector_store_idx %arg8[%add3A_2390], %gather3A_2382 : memref<4096xf32, #tpu.memory_space<vmem>>[vector<16xi32>], vector<16xf32>,
    %get3A_2391 = arith.constant 11 : i32
    %get3A_2392 = arith.index_cast %get3A_2391 : i32 to index
    %get3A_2393 = arith.constant 0 : index
    %get3A_2394 = tpu.vector_load %arg5[%get3A_2392, %get3A_2393] {strides = array<i32>} : memref<16x256xf32, #tpu.memory_space<vmem>>, vector<16xf32>,
    tpu.vector_store_idx %arg8[%mul3A_2388], %get3A_2394 : memref<4096xf32, #tpu.memory_space<vmem>>[vector<16xi32>], vector<16xf32>,
    %add3A_2395 = arith.constant 16 : i32
    %add3A_2396 = vector.broadcast %add3A_2395 : i32 to vector<16xi32>
    %add3A_2397 = arith.addi %iota3A, %add3A_2396 : vector<16xi32>
    %mul3A_2398 = arith.constant 16 : i32
    %mul3A_2399 = vector.broadcast %mul3A_2398 : i32 to vector<16xi32>
    %mul3A_2400 = arith.muli %add3A_2397, %mul3A_2399 : vector<16xi32>
    %add3A_2401 = vector.broadcast %min3A_24 : i32 to vector<16xi32>
    %add3A_2402 = arith.addi %mul3A_2400, %add3A_2401 : vector<16xi32>
    tpu.vector_store_idx %arg8[%add3A_2402], %gather3A_2382 : memref<4096xf32, #tpu.memory_space<vmem>>[vector<16xi32>], vector<16xf32>,
    %get3A_2403 = arith.constant 11 : i32
    %get3A_2404 = arith.index_cast %get3A_2403 : i32 to index
    %get3A_2405 = arith.constant 16 : index
    %get3A_2406 = tpu.vector_load %arg5[%get3A_2404, %get3A_2405] {strides = array<i32>} : memref<16x256xf32, #tpu.memory_space<vmem>>, vector<16xf32>,
    tpu.vector_store_idx %arg8[%mul3A_2400], %get3A_2406 : memref<4096xf32, #tpu.memory_space<vmem>>[vector<16xi32>], vector<16xf32>,
    %add3A_2407 = arith.constant 32 : i32
    %add3A_2408 = vector.broadcast %add3A_2407 : i32 to vector<16xi32>
    %add3A_2409 = arith.addi %iota3A, %add3A_2408 : vector<16xi32>
    %mul3A_2410 = arith.constant 16 : i32
    %mul3A_2411 = vector.broadcast %mul3A_2410 : i32 to vector<16xi32>
    %mul3A_2412 = arith.muli %add3A_2409, %mul3A_2411 : vector<16xi32>
    %add3A_2413 = vector.broadcast %min3A_24 : i32 to vector<16xi32>
    %add3A_2414 = arith.addi %mul3A_2412, %add3A_2413 : vector<16xi32>
    tpu.vector_store_idx %arg8[%add3A_2414], %gather3A_2382 : memref<4096xf32, #tpu.memory_space<vmem>>[vector<16xi32>], vector<16xf32>,
    %get3A_2415 = arith.constant 11 : i32
    %get3A_2416 = arith.index_cast %get3A_2415 : i32 to index
    %get3A_2417 = arith.constant 32 : index
    %get3A_2418 = tpu.vector_load %arg5[%get3A_2416, %get3A_2417] {strides = array<i32>} : memref<16x256xf32, #tpu.memory_space<vmem>>, vector<16xf32>,
    tpu.vector_store_idx %arg8[%mul3A_2412], %get3A_2418 : memref<4096xf32, #tpu.memory_space<vmem>>[vector<16xi32>], vector<16xf32>,
    %add3A_2419 = arith.constant 48 : i32
    %add3A_2420 = vector.broadcast %add3A_2419 : i32 to vector<16xi32>
    %add3A_2421 = arith.addi %iota3A, %add3A_2420 : vector<16xi32>
    %mul3A_2422 = arith.constant 16 : i32
    %mul3A_2423 = vector.broadcast %mul3A_2422 : i32 to vector<16xi32>
    %mul3A_2424 = arith.muli %add3A_2421, %mul3A_2423 : vector<16xi32>
    %add3A_2425 = vector.broadcast %min3A_24 : i32 to vector<16xi32>
    %add3A_2426 = arith.addi %mul3A_2424, %add3A_2425 : vector<16xi32>
    tpu.vector_store_idx %arg8[%add3A_2426], %gather3A_2382 : memref<4096xf32, #tpu.memory_space<vmem>>[vector<16xi32>], vector<16xf32>,
    %get3A_2427 = arith.constant 11 : i32
    %get3A_2428 = arith.index_cast %get3A_2427 : i32 to index
    %get3A_2429 = arith.constant 48 : index
    %get3A_2430 = tpu.vector_load %arg5[%get3A_2428, %get3A_2429] {strides = array<i32>} : memref<16x256xf32, #tpu.memory_space<vmem>>, vector<16xf32>,
    tpu.vector_store_idx %arg8[%mul3A_2424], %get3A_2430 : memref<4096xf32, #tpu.memory_space<vmem>>[vector<16xi32>], vector<16xf32>,
    %add3A_2431 = arith.constant 64 : i32
    %add3A_2432 = vector.broadcast %add3A_2431 : i32 to vector<16xi32>
    %add3A_2433 = arith.addi %iota3A, %add3A_2432 : vector<16xi32>
    %mul3A_2434 = arith.constant 16 : i32
    %mul3A_2435 = vector.broadcast %mul3A_2434 : i32 to vector<16xi32>
    %mul3A_2436 = arith.muli %add3A_2433, %mul3A_2435 : vector<16xi32>
    %add3A_2437 = vector.broadcast %min3A_24 : i32 to vector<16xi32>
    %add3A_2438 = arith.addi %mul3A_2436, %add3A_2437 : vector<16xi32>
    tpu.vector_store_idx %arg8[%add3A_2438], %gather3A_2382 : memref<4096xf32, #tpu.memory_space<vmem>>[vector<16xi32>], vector<16xf32>,
    %get3A_2439 = arith.constant 11 : i32
    %get3A_2440 = arith.index_cast %get3A_2439 : i32 to index
    %get3A_2441 = arith.constant 64 : index
    %get3A_2442 = tpu.vector_load %arg5[%get3A_2440, %get3A_2441] {strides = array<i32>} : memref<16x256xf32, #tpu.memory_space<vmem>>, vector<16xf32>,
    tpu.vector_store_idx %arg8[%mul3A_2436], %get3A_2442 : memref<4096xf32, #tpu.memory_space<vmem>>[vector<16xi32>], vector<16xf32>,
    %add3A_2443 = arith.constant 80 : i32
    %add3A_2444 = vector.broadcast %add3A_2443 : i32 to vector<16xi32>
    %add3A_2445 = arith.addi %iota3A, %add3A_2444 : vector<16xi32>
    %mul3A_2446 = arith.constant 16 : i32
    %mul3A_2447 = vector.broadcast %mul3A_2446 : i32 to vector<16xi32>
    %mul3A_2448 = arith.muli %add3A_2445, %mul3A_2447 : vector<16xi32>
    %add3A_2449 = vector.broadcast %min3A_24 : i32 to vector<16xi32>
    %add3A_2450 = arith.addi %mul3A_2448, %add3A_2449 : vector<16xi32>
    tpu.vector_store_idx %arg8[%add3A_2450], %gather3A_2382 : memref<4096xf32, #tpu.memory_space<vmem>>[vector<16xi32>], vector<16xf32>,
    %get3A_2451 = arith.constant 11 : i32
    %get3A_2452 = arith.index_cast %get3A_2451 : i32 to index
    %get3A_2453 = arith.constant 80 : index
    %get3A_2454 = tpu.vector_load %arg5[%get3A_2452, %get3A_2453] {strides = array<i32>} : memref<16x256xf32, #tpu.memory_space<vmem>>, vector<16xf32>,
    tpu.vector_store_idx %arg8[%mul3A_2448], %get3A_2454 : memref<4096xf32, #tpu.memory_space<vmem>>[vector<16xi32>], vector<16xf32>,
    %add3A_2455 = arith.constant 96 : i32
    %add3A_2456 = vector.broadcast %add3A_2455 : i32 to vector<16xi32>
    %add3A_2457 = arith.addi %iota3A, %add3A_2456 : vector<16xi32>
    %mul3A_2458 = arith.constant 16 : i32
    %mul3A_2459 = vector.broadcast %mul3A_2458 : i32 to vector<16xi32>
    %mul3A_2460 = arith.muli %add3A_2457, %mul3A_2459 : vector<16xi32>
    %add3A_2461 = vector.broadcast %min3A_24 : i32 to vector<16xi32>
    %add3A_2462 = arith.addi %mul3A_2460, %add3A_2461 : vector<16xi32>
    tpu.vector_store_idx %arg8[%add3A_2462], %gather3A_2382 : memref<4096xf32, #tpu.memory_space<vmem>>[vector<16xi32>], vector<16xf32>,
    %get3A_2463 = arith.constant 11 : i32
    %get3A_2464 = arith.index_cast %get3A_2463 : i32 to index
    %get3A_2465 = arith.constant 96 : index
    %get3A_2466 = tpu.vector_load %arg5[%get3A_2464, %get3A_2465] {strides = array<i32>} : memref<16x256xf32, #tpu.memory_space<vmem>>, vector<16xf32>,
    tpu.vector_store_idx %arg8[%mul3A_2460], %get3A_2466 : memref<4096xf32, #tpu.memory_space<vmem>>[vector<16xi32>], vector<16xf32>,
    %add3A_2467 = arith.constant 112 : i32
    %add3A_2468 = vector.broadcast %add3A_2467 : i32 to vector<16xi32>
    %add3A_2469 = arith.addi %iota3A, %add3A_2468 : vector<16xi32>
    %mul3A_2470 = arith.constant 16 : i32
    %mul3A_2471 = vector.broadcast %mul3A_2470 : i32 to vector<16xi32>
    %mul3A_2472 = arith.muli %add3A_2469, %mul3A_2471 : vector<16xi32>
    %add3A_2473 = vector.broadcast %min3A_24 : i32 to vector<16xi32>
    %add3A_2474 = arith.addi %mul3A_2472, %add3A_2473 : vector<16xi32>
    tpu.vector_store_idx %arg8[%add3A_2474], %gather3A_2382 : memref<4096xf32, #tpu.memory_space<vmem>>[vector<16xi32>], vector<16xf32>,
    %get3A_2475 = arith.constant 11 : i32
    %get3A_2476 = arith.index_cast %get3A_2475 : i32 to index
    %get3A_2477 = arith.constant 112 : index
    %get3A_2478 = tpu.vector_load %arg5[%get3A_2476, %get3A_2477] {strides = array<i32>} : memref<16x256xf32, #tpu.memory_space<vmem>>, vector<16xf32>,
    tpu.vector_store_idx %arg8[%mul3A_2472], %get3A_2478 : memref<4096xf32, #tpu.memory_space<vmem>>[vector<16xi32>], vector<16xf32>,
    %add3A_2479 = arith.constant 128 : i32
    %add3A_2480 = vector.broadcast %add3A_2479 : i32 to vector<16xi32>
    %add3A_2481 = arith.addi %iota3A, %add3A_2480 : vector<16xi32>
    %mul3A_2482 = arith.constant 16 : i32
    %mul3A_2483 = vector.broadcast %mul3A_2482 : i32 to vector<16xi32>
    %mul3A_2484 = arith.muli %add3A_2481, %mul3A_2483 : vector<16xi32>
    %add3A_2485 = vector.broadcast %min3A_24 : i32 to vector<16xi32>
    %add3A_2486 = arith.addi %mul3A_2484, %add3A_2485 : vector<16xi32>
    tpu.vector_store_idx %arg8[%add3A_2486], %gather3A_2382 : memref<4096xf32, #tpu.memory_space<vmem>>[vector<16xi32>], vector<16xf32>,
    %get3A_2487 = arith.constant 11 : i32
    %get3A_2488 = arith.index_cast %get3A_2487 : i32 to index
    %get3A_2489 = arith.constant 128 : index
    %get3A_2490 = tpu.vector_load %arg5[%get3A_2488, %get3A_2489] {strides = array<i32>} : memref<16x256xf32, #tpu.memory_space<vmem>>, vector<16xf32>,
    tpu.vector_store_idx %arg8[%mul3A_2484], %get3A_2490 : memref<4096xf32, #tpu.memory_space<vmem>>[vector<16xi32>], vector<16xf32>,
    %add3A_2491 = arith.constant 144 : i32
    %add3A_2492 = vector.broadcast %add3A_2491 : i32 to vector<16xi32>
    %add3A_2493 = arith.addi %iota3A, %add3A_2492 : vector<16xi32>
    %mul3A_2494 = arith.constant 16 : i32
    %mul3A_2495 = vector.broadcast %mul3A_2494 : i32 to vector<16xi32>
    %mul3A_2496 = arith.muli %add3A_2493, %mul3A_2495 : vector<16xi32>
    %add3A_2497 = vector.broadcast %min3A_24 : i32 to vector<16xi32>
    %add3A_2498 = arith.addi %mul3A_2496, %add3A_2497 : vector<16xi32>
    tpu.vector_store_idx %arg8[%add3A_2498], %gather3A_2382 : memref<4096xf32, #tpu.memory_space<vmem>>[vector<16xi32>], vector<16xf32>,
    %get3A_2499 = arith.constant 11 : i32
    %get3A_2500 = arith.index_cast %get3A_2499 : i32 to index
    %get3A_2501 = arith.constant 144 : index
    %get3A_2502 = tpu.vector_load %arg5[%get3A_2500, %get3A_2501] {strides = array<i32>} : memref<16x256xf32, #tpu.memory_space<vmem>>, vector<16xf32>,
    tpu.vector_store_idx %arg8[%mul3A_2496], %get3A_2502 : memref<4096xf32, #tpu.memory_space<vmem>>[vector<16xi32>], vector<16xf32>,
    %add3A_2503 = arith.constant 160 : i32
    %add3A_2504 = vector.broadcast %add3A_2503 : i32 to vector<16xi32>
    %add3A_2505 = arith.addi %iota3A, %add3A_2504 : vector<16xi32>
    %mul3A_2506 = arith.constant 16 : i32
    %mul3A_2507 = vector.broadcast %mul3A_2506 : i32 to vector<16xi32>
    %mul3A_2508 = arith.muli %add3A_2505, %mul3A_2507 : vector<16xi32>
    %add3A_2509 = vector.broadcast %min3A_24 : i32 to vector<16xi32>
    %add3A_2510 = arith.addi %mul3A_2508, %add3A_2509 : vector<16xi32>
    tpu.vector_store_idx %arg8[%add3A_2510], %gather3A_2382 : memref<4096xf32, #tpu.memory_space<vmem>>[vector<16xi32>], vector<16xf32>,
    %get3A_2511 = arith.constant 11 : i32
    %get3A_2512 = arith.index_cast %get3A_2511 : i32 to index
    %get3A_2513 = arith.constant 160 : index
    %get3A_2514 = tpu.vector_load %arg5[%get3A_2512, %get3A_2513] {strides = array<i32>} : memref<16x256xf32, #tpu.memory_space<vmem>>, vector<16xf32>,
    tpu.vector_store_idx %arg8[%mul3A_2508], %get3A_2514 : memref<4096xf32, #tpu.memory_space<vmem>>[vector<16xi32>], vector<16xf32>,
    %add3A_2515 = arith.constant 176 : i32
    %add3A_2516 = vector.broadcast %add3A_2515 : i32 to vector<16xi32>
    %add3A_2517 = arith.addi %iota3A, %add3A_2516 : vector<16xi32>
    %mul3A_2518 = arith.constant 16 : i32
    %mul3A_2519 = vector.broadcast %mul3A_2518 : i32 to vector<16xi32>
    %mul3A_2520 = arith.muli %add3A_2517, %mul3A_2519 : vector<16xi32>
    %add3A_2521 = vector.broadcast %min3A_24 : i32 to vector<16xi32>
    %add3A_2522 = arith.addi %mul3A_2520, %add3A_2521 : vector<16xi32>
    tpu.vector_store_idx %arg8[%add3A_2522], %gather3A_2382 : memref<4096xf32, #tpu.memory_space<vmem>>[vector<16xi32>], vector<16xf32>,
    %get3A_2523 = arith.constant 11 : i32
    %get3A_2524 = arith.index_cast %get3A_2523 : i32 to index
    %get3A_2525 = arith.constant 176 : index
    %get3A_2526 = tpu.vector_load %arg5[%get3A_2524, %get3A_2525] {strides = array<i32>} : memref<16x256xf32, #tpu.memory_space<vmem>>, vector<16xf32>,
    tpu.vector_store_idx %arg8[%mul3A_2520], %get3A_2526 : memref<4096xf32, #tpu.memory_space<vmem>>[vector<16xi32>], vector<16xf32>,
    %add3A_2527 = arith.constant 192 : i32
    %add3A_2528 = vector.broadcast %add3A_2527 : i32 to vector<16xi32>
    %add3A_2529 = arith.addi %iota3A, %add3A_2528 : vector<16xi32>
    %mul3A_2530 = arith.constant 16 : i32
    %mul3A_2531 = vector.broadcast %mul3A_2530 : i32 to vector<16xi32>
    %mul3A_2532 = arith.muli %add3A_2529, %mul3A_2531 : vector<16xi32>
    %add3A_2533 = vector.broadcast %min3A_24 : i32 to vector<16xi32>
    %add3A_2534 = arith.addi %mul3A_2532, %add3A_2533 : vector<16xi32>
    tpu.vector_store_idx %arg8[%add3A_2534], %gather3A_2382 : memref<4096xf32, #tpu.memory_space<vmem>>[vector<16xi32>], vector<16xf32>,
    %get3A_2535 = arith.constant 11 : i32
    %get3A_2536 = arith.index_cast %get3A_2535 : i32 to index
    %get3A_2537 = arith.constant 192 : index
    %get3A_2538 = tpu.vector_load %arg5[%get3A_2536, %get3A_2537] {strides = array<i32>} : memref<16x256xf32, #tpu.memory_space<vmem>>, vector<16xf32>,
    tpu.vector_store_idx %arg8[%mul3A_2532], %get3A_2538 : memref<4096xf32, #tpu.memory_space<vmem>>[vector<16xi32>], vector<16xf32>,
    %add3A_2539 = arith.constant 208 : i32
    %add3A_2540 = vector.broadcast %add3A_2539 : i32 to vector<16xi32>
    %add3A_2541 = arith.addi %iota3A, %add3A_2540 : vector<16xi32>
    %mul3A_2542 = arith.constant 16 : i32
    %mul3A_2543 = vector.broadcast %mul3A_2542 : i32 to vector<16xi32>
    %mul3A_2544 = arith.muli %add3A_2541, %mul3A_2543 : vector<16xi32>
    %add3A_2545 = vector.broadcast %min3A_24 : i32 to vector<16xi32>
    %add3A_2546 = arith.addi %mul3A_2544, %add3A_2545 : vector<16xi32>
    tpu.vector_store_idx %arg8[%add3A_2546], %gather3A_2382 : memref<4096xf32, #tpu.memory_space<vmem>>[vector<16xi32>], vector<16xf32>,
    %get3A_2547 = arith.constant 11 : i32
    %get3A_2548 = arith.index_cast %get3A_2547 : i32 to index
    %get3A_2549 = arith.constant 208 : index
    %get3A_2550 = tpu.vector_load %arg5[%get3A_2548, %get3A_2549] {strides = array<i32>} : memref<16x256xf32, #tpu.memory_space<vmem>>, vector<16xf32>,
    tpu.vector_store_idx %arg8[%mul3A_2544], %get3A_2550 : memref<4096xf32, #tpu.memory_space<vmem>>[vector<16xi32>], vector<16xf32>,
    %add3A_2551 = arith.constant 224 : i32
    %add3A_2552 = vector.broadcast %add3A_2551 : i32 to vector<16xi32>
    %add3A_2553 = arith.addi %iota3A, %add3A_2552 : vector<16xi32>
    %mul3A_2554 = arith.constant 16 : i32
    %mul3A_2555 = vector.broadcast %mul3A_2554 : i32 to vector<16xi32>
    %mul3A_2556 = arith.muli %add3A_2553, %mul3A_2555 : vector<16xi32>
    %add3A_2557 = vector.broadcast %min3A_24 : i32 to vector<16xi32>
    %add3A_2558 = arith.addi %mul3A_2556, %add3A_2557 : vector<16xi32>
    tpu.vector_store_idx %arg8[%add3A_2558], %gather3A_2382 : memref<4096xf32, #tpu.memory_space<vmem>>[vector<16xi32>], vector<16xf32>,
    %get3A_2559 = arith.constant 11 : i32
    %get3A_2560 = arith.index_cast %get3A_2559 : i32 to index
    %get3A_2561 = arith.constant 224 : index
    %get3A_2562 = tpu.vector_load %arg5[%get3A_2560, %get3A_2561] {strides = array<i32>} : memref<16x256xf32, #tpu.memory_space<vmem>>, vector<16xf32>,
    tpu.vector_store_idx %arg8[%mul3A_2556], %get3A_2562 : memref<4096xf32, #tpu.memory_space<vmem>>[vector<16xi32>], vector<16xf32>,
    %add3A_2563 = arith.constant 240 : i32
    %add3A_2564 = vector.broadcast %add3A_2563 : i32 to vector<16xi32>
    %add3A_2565 = arith.addi %iota3A, %add3A_2564 : vector<16xi32>
    %mul3A_2566 = arith.constant 16 : i32
    %mul3A_2567 = vector.broadcast %mul3A_2566 : i32 to vector<16xi32>
    %mul3A_2568 = arith.muli %add3A_2565, %mul3A_2567 : vector<16xi32>
    %add3A_2569 = vector.broadcast %min3A_24 : i32 to vector<16xi32>
    %add3A_2570 = arith.addi %mul3A_2568, %add3A_2569 : vector<16xi32>
    tpu.vector_store_idx %arg8[%add3A_2570], %gather3A_2382 : memref<4096xf32, #tpu.memory_space<vmem>>[vector<16xi32>], vector<16xf32>,
    %get3A_2571 = arith.constant 11 : i32
    %get3A_2572 = arith.index_cast %get3A_2571 : i32 to index
    %get3A_2573 = arith.constant 240 : index
    %get3A_2574 = tpu.vector_load %arg5[%get3A_2572, %get3A_2573] {strides = array<i32>} : memref<16x256xf32, #tpu.memory_space<vmem>>, vector<16xf32>,
    tpu.vector_store_idx %arg8[%mul3A_2568], %get3A_2574 : memref<4096xf32, #tpu.memory_space<vmem>>[vector<16xi32>], vector<16xf32>,
    %add3A_2575 = arith.constant 11 : i32
    %add3A_2576 = arith.addi %mul3A_2, %add3A_2575 : i32
    %dma_start3A_2577 = arith.constant 0 : i32
    %dma_start3A_2578 = tpu.memref_slice %arg4[%add3A_2576, %dma_start3A_2577] : memref<512x4096xf32, #tpu.memory_space<hbm>> -> memref<1x4096xf32, #tpu.memory_space<hbm>>
    %dma_start3A_2579 = tpu.memref_squeeze %dma_start3A_2578 : memref<1x4096xf32, #tpu.memory_space<hbm>> -> memref<4096xf32, #tpu.memory_space<hbm>>
    %dma_start3A_2580 = arith.constant 0 : i32
    %dma_start3A_2581 = tpu.memref_slice %arg4[%add3A_2576, %dma_start3A_2580] : memref<512x4096xf32, #tpu.memory_space<hbm>> -> memref<1x4096xf32, #tpu.memory_space<hbm>>
    %dma_start3A_2582 = tpu.memref_squeeze %dma_start3A_2581 : memref<1x4096xf32, #tpu.memory_space<hbm>> -> memref<4096xf32, #tpu.memory_space<hbm>>
    tpu.enqueue_dma source(%arg8 : memref<4096xf32, #tpu.memory_space<vmem>>) target(%dma_start3A_2582 : memref<4096xf32, #tpu.memory_space<hbm>>) target_semaphore(%arg11 : memref<!tpu.dma_semaphore, #tpu.memory_space<semaphore_mem>>)
    %dma_wait3A_2583 = arith.constant 0 : i32
    %dma_wait3A_2584 = tpu.memref_slice %arg4[%add3A_2363, %dma_wait3A_2583] : memref<512x4096xf32, #tpu.memory_space<hbm>> -> memref<1x4096xf32, #tpu.memory_space<hbm>>
    %dma_wait3A_2585 = tpu.memref_squeeze %dma_wait3A_2584 : memref<1x4096xf32, #tpu.memory_space<hbm>> -> memref<4096xf32, #tpu.memory_space<hbm>>
    %dma_wait3A_2586 = arith.constant 0 : i32
    %dma_wait3A_2587 = tpu.memref_slice %arg4[%add3A_2363, %dma_wait3A_2586] : memref<512x4096xf32, #tpu.memory_space<hbm>> -> memref<1x4096xf32, #tpu.memory_space<hbm>>
    %dma_wait3A_2588 = tpu.memref_squeeze %dma_wait3A_2587 : memref<1x4096xf32, #tpu.memory_space<hbm>> -> memref<4096xf32, #tpu.memory_space<hbm>>
    tpu.wait_dma2 semaphore(%arg10 : memref<!tpu.dma_semaphore, #tpu.memory_space<semaphore_mem>>) src(%arg7 : memref<4096xf32, #tpu.memory_space<vmem>>) dst(%dma_wait3A_2588 : memref<4096xf32, #tpu.memory_space<hbm>>)
    %get3A_2589 = arith.constant 12 : i32
    %get3A_2590 = arith.index_cast %get3A_2589 : i32 to index
    %get3A_2591 = arith.constant 0 : index
    %get3A_2592 = tpu.vector_load %arg6[%get3A_2590, %get3A_2591] {strides = array<i32>} : memref<16x16xf32, #tpu.memory_space<vmem>>, vector<16xf32>,
    %broadcast_in_dim3A_2593 = vector.shape_cast %broadcast_in_dim3A_40 : vector<16xi32> to vector<16x1xi32>
    %gather3A_2594 = vector.shape_cast %broadcast_in_dim3A_2593 : vector<16x1xi32> to vector<16xi32>
    %gather3A_2595 = tpu.dynamic_gather %get3A_2592[%gather3A_2594] in [0] : vector<16xf32>, vector<16xi32> -> vector<16xf32>
    %add3A_2596 = arith.constant 0 : i32
    %add3A_2597 = vector.broadcast %add3A_2596 : i32 to vector<16xi32>
    %add3A_2598 = arith.addi %iota3A, %add3A_2597 : vector<16xi32>
    %mul3A_2599 = arith.constant 16 : i32
    %mul3A_2600 = vector.broadcast %mul3A_2599 : i32 to vector<16xi32>
    %mul3A_2601 = arith.muli %add3A_2598, %mul3A_2600 : vector<16xi32>
    %add3A_2602 = vector.broadcast %min3A_24 : i32 to vector<16xi32>
    %add3A_2603 = arith.addi %mul3A_2601, %add3A_2602 : vector<16xi32>
    tpu.vector_store_idx %arg7[%add3A_2603], %gather3A_2595 : memref<4096xf32, #tpu.memory_space<vmem>>[vector<16xi32>], vector<16xf32>,
    %get3A_2604 = arith.constant 12 : i32
    %get3A_2605 = arith.index_cast %get3A_2604 : i32 to index
    %get3A_2606 = arith.constant 0 : index
    %get3A_2607 = tpu.vector_load %arg5[%get3A_2605, %get3A_2606] {strides = array<i32>} : memref<16x256xf32, #tpu.memory_space<vmem>>, vector<16xf32>,
    tpu.vector_store_idx %arg7[%mul3A_2601], %get3A_2607 : memref<4096xf32, #tpu.memory_space<vmem>>[vector<16xi32>], vector<16xf32>,
    %add3A_2608 = arith.constant 16 : i32
    %add3A_2609 = vector.broadcast %add3A_2608 : i32 to vector<16xi32>
    %add3A_2610 = arith.addi %iota3A, %add3A_2609 : vector<16xi32>
    %mul3A_2611 = arith.constant 16 : i32
    %mul3A_2612 = vector.broadcast %mul3A_2611 : i32 to vector<16xi32>
    %mul3A_2613 = arith.muli %add3A_2610, %mul3A_2612 : vector<16xi32>
    %add3A_2614 = vector.broadcast %min3A_24 : i32 to vector<16xi32>
    %add3A_2615 = arith.addi %mul3A_2613, %add3A_2614 : vector<16xi32>
    tpu.vector_store_idx %arg7[%add3A_2615], %gather3A_2595 : memref<4096xf32, #tpu.memory_space<vmem>>[vector<16xi32>], vector<16xf32>,
    %get3A_2616 = arith.constant 12 : i32
    %get3A_2617 = arith.index_cast %get3A_2616 : i32 to index
    %get3A_2618 = arith.constant 16 : index
    %get3A_2619 = tpu.vector_load %arg5[%get3A_2617, %get3A_2618] {strides = array<i32>} : memref<16x256xf32, #tpu.memory_space<vmem>>, vector<16xf32>,
    tpu.vector_store_idx %arg7[%mul3A_2613], %get3A_2619 : memref<4096xf32, #tpu.memory_space<vmem>>[vector<16xi32>], vector<16xf32>,
    %add3A_2620 = arith.constant 32 : i32
    %add3A_2621 = vector.broadcast %add3A_2620 : i32 to vector<16xi32>
    %add3A_2622 = arith.addi %iota3A, %add3A_2621 : vector<16xi32>
    %mul3A_2623 = arith.constant 16 : i32
    %mul3A_2624 = vector.broadcast %mul3A_2623 : i32 to vector<16xi32>
    %mul3A_2625 = arith.muli %add3A_2622, %mul3A_2624 : vector<16xi32>
    %add3A_2626 = vector.broadcast %min3A_24 : i32 to vector<16xi32>
    %add3A_2627 = arith.addi %mul3A_2625, %add3A_2626 : vector<16xi32>
    tpu.vector_store_idx %arg7[%add3A_2627], %gather3A_2595 : memref<4096xf32, #tpu.memory_space<vmem>>[vector<16xi32>], vector<16xf32>,
    %get3A_2628 = arith.constant 12 : i32
    %get3A_2629 = arith.index_cast %get3A_2628 : i32 to index
    %get3A_2630 = arith.constant 32 : index
    %get3A_2631 = tpu.vector_load %arg5[%get3A_2629, %get3A_2630] {strides = array<i32>} : memref<16x256xf32, #tpu.memory_space<vmem>>, vector<16xf32>,
    tpu.vector_store_idx %arg7[%mul3A_2625], %get3A_2631 : memref<4096xf32, #tpu.memory_space<vmem>>[vector<16xi32>], vector<16xf32>,
    %add3A_2632 = arith.constant 48 : i32
    %add3A_2633 = vector.broadcast %add3A_2632 : i32 to vector<16xi32>
    %add3A_2634 = arith.addi %iota3A, %add3A_2633 : vector<16xi32>
    %mul3A_2635 = arith.constant 16 : i32
    %mul3A_2636 = vector.broadcast %mul3A_2635 : i32 to vector<16xi32>
    %mul3A_2637 = arith.muli %add3A_2634, %mul3A_2636 : vector<16xi32>
    %add3A_2638 = vector.broadcast %min3A_24 : i32 to vector<16xi32>
    %add3A_2639 = arith.addi %mul3A_2637, %add3A_2638 : vector<16xi32>
    tpu.vector_store_idx %arg7[%add3A_2639], %gather3A_2595 : memref<4096xf32, #tpu.memory_space<vmem>>[vector<16xi32>], vector<16xf32>,
    %get3A_2640 = arith.constant 12 : i32
    %get3A_2641 = arith.index_cast %get3A_2640 : i32 to index
    %get3A_2642 = arith.constant 48 : index
    %get3A_2643 = tpu.vector_load %arg5[%get3A_2641, %get3A_2642] {strides = array<i32>} : memref<16x256xf32, #tpu.memory_space<vmem>>, vector<16xf32>,
    tpu.vector_store_idx %arg7[%mul3A_2637], %get3A_2643 : memref<4096xf32, #tpu.memory_space<vmem>>[vector<16xi32>], vector<16xf32>,
    %add3A_2644 = arith.constant 64 : i32
    %add3A_2645 = vector.broadcast %add3A_2644 : i32 to vector<16xi32>
    %add3A_2646 = arith.addi %iota3A, %add3A_2645 : vector<16xi32>
    %mul3A_2647 = arith.constant 16 : i32
    %mul3A_2648 = vector.broadcast %mul3A_2647 : i32 to vector<16xi32>
    %mul3A_2649 = arith.muli %add3A_2646, %mul3A_2648 : vector<16xi32>
    %add3A_2650 = vector.broadcast %min3A_24 : i32 to vector<16xi32>
    %add3A_2651 = arith.addi %mul3A_2649, %add3A_2650 : vector<16xi32>
    tpu.vector_store_idx %arg7[%add3A_2651], %gather3A_2595 : memref<4096xf32, #tpu.memory_space<vmem>>[vector<16xi32>], vector<16xf32>,
    %get3A_2652 = arith.constant 12 : i32
    %get3A_2653 = arith.index_cast %get3A_2652 : i32 to index
    %get3A_2654 = arith.constant 64 : index
    %get3A_2655 = tpu.vector_load %arg5[%get3A_2653, %get3A_2654] {strides = array<i32>} : memref<16x256xf32, #tpu.memory_space<vmem>>, vector<16xf32>,
    tpu.vector_store_idx %arg7[%mul3A_2649], %get3A_2655 : memref<4096xf32, #tpu.memory_space<vmem>>[vector<16xi32>], vector<16xf32>,
    %add3A_2656 = arith.constant 80 : i32
    %add3A_2657 = vector.broadcast %add3A_2656 : i32 to vector<16xi32>
    %add3A_2658 = arith.addi %iota3A, %add3A_2657 : vector<16xi32>
    %mul3A_2659 = arith.constant 16 : i32
    %mul3A_2660 = vector.broadcast %mul3A_2659 : i32 to vector<16xi32>
    %mul3A_2661 = arith.muli %add3A_2658, %mul3A_2660 : vector<16xi32>
    %add3A_2662 = vector.broadcast %min3A_24 : i32 to vector<16xi32>
    %add3A_2663 = arith.addi %mul3A_2661, %add3A_2662 : vector<16xi32>
    tpu.vector_store_idx %arg7[%add3A_2663], %gather3A_2595 : memref<4096xf32, #tpu.memory_space<vmem>>[vector<16xi32>], vector<16xf32>,
    %get3A_2664 = arith.constant 12 : i32
    %get3A_2665 = arith.index_cast %get3A_2664 : i32 to index
    %get3A_2666 = arith.constant 80 : index
    %get3A_2667 = tpu.vector_load %arg5[%get3A_2665, %get3A_2666] {strides = array<i32>} : memref<16x256xf32, #tpu.memory_space<vmem>>, vector<16xf32>,
    tpu.vector_store_idx %arg7[%mul3A_2661], %get3A_2667 : memref<4096xf32, #tpu.memory_space<vmem>>[vector<16xi32>], vector<16xf32>,
    %add3A_2668 = arith.constant 96 : i32
    %add3A_2669 = vector.broadcast %add3A_2668 : i32 to vector<16xi32>
    %add3A_2670 = arith.addi %iota3A, %add3A_2669 : vector<16xi32>
    %mul3A_2671 = arith.constant 16 : i32
    %mul3A_2672 = vector.broadcast %mul3A_2671 : i32 to vector<16xi32>
    %mul3A_2673 = arith.muli %add3A_2670, %mul3A_2672 : vector<16xi32>
    %add3A_2674 = vector.broadcast %min3A_24 : i32 to vector<16xi32>
    %add3A_2675 = arith.addi %mul3A_2673, %add3A_2674 : vector<16xi32>
    tpu.vector_store_idx %arg7[%add3A_2675], %gather3A_2595 : memref<4096xf32, #tpu.memory_space<vmem>>[vector<16xi32>], vector<16xf32>,
    %get3A_2676 = arith.constant 12 : i32
    %get3A_2677 = arith.index_cast %get3A_2676 : i32 to index
    %get3A_2678 = arith.constant 96 : index
    %get3A_2679 = tpu.vector_load %arg5[%get3A_2677, %get3A_2678] {strides = array<i32>} : memref<16x256xf32, #tpu.memory_space<vmem>>, vector<16xf32>,
    tpu.vector_store_idx %arg7[%mul3A_2673], %get3A_2679 : memref<4096xf32, #tpu.memory_space<vmem>>[vector<16xi32>], vector<16xf32>,
    %add3A_2680 = arith.constant 112 : i32
    %add3A_2681 = vector.broadcast %add3A_2680 : i32 to vector<16xi32>
    %add3A_2682 = arith.addi %iota3A, %add3A_2681 : vector<16xi32>
    %mul3A_2683 = arith.constant 16 : i32
    %mul3A_2684 = vector.broadcast %mul3A_2683 : i32 to vector<16xi32>
    %mul3A_2685 = arith.muli %add3A_2682, %mul3A_2684 : vector<16xi32>
    %add3A_2686 = vector.broadcast %min3A_24 : i32 to vector<16xi32>
    %add3A_2687 = arith.addi %mul3A_2685, %add3A_2686 : vector<16xi32>
    tpu.vector_store_idx %arg7[%add3A_2687], %gather3A_2595 : memref<4096xf32, #tpu.memory_space<vmem>>[vector<16xi32>], vector<16xf32>,
    %get3A_2688 = arith.constant 12 : i32
    %get3A_2689 = arith.index_cast %get3A_2688 : i32 to index
    %get3A_2690 = arith.constant 112 : index
    %get3A_2691 = tpu.vector_load %arg5[%get3A_2689, %get3A_2690] {strides = array<i32>} : memref<16x256xf32, #tpu.memory_space<vmem>>, vector<16xf32>,
    tpu.vector_store_idx %arg7[%mul3A_2685], %get3A_2691 : memref<4096xf32, #tpu.memory_space<vmem>>[vector<16xi32>], vector<16xf32>,
    %add3A_2692 = arith.constant 128 : i32
    %add3A_2693 = vector.broadcast %add3A_2692 : i32 to vector<16xi32>
    %add3A_2694 = arith.addi %iota3A, %add3A_2693 : vector<16xi32>
    %mul3A_2695 = arith.constant 16 : i32
    %mul3A_2696 = vector.broadcast %mul3A_2695 : i32 to vector<16xi32>
    %mul3A_2697 = arith.muli %add3A_2694, %mul3A_2696 : vector<16xi32>
    %add3A_2698 = vector.broadcast %min3A_24 : i32 to vector<16xi32>
    %add3A_2699 = arith.addi %mul3A_2697, %add3A_2698 : vector<16xi32>
    tpu.vector_store_idx %arg7[%add3A_2699], %gather3A_2595 : memref<4096xf32, #tpu.memory_space<vmem>>[vector<16xi32>], vector<16xf32>,
    %get3A_2700 = arith.constant 12 : i32
    %get3A_2701 = arith.index_cast %get3A_2700 : i32 to index
    %get3A_2702 = arith.constant 128 : index
    %get3A_2703 = tpu.vector_load %arg5[%get3A_2701, %get3A_2702] {strides = array<i32>} : memref<16x256xf32, #tpu.memory_space<vmem>>, vector<16xf32>,
    tpu.vector_store_idx %arg7[%mul3A_2697], %get3A_2703 : memref<4096xf32, #tpu.memory_space<vmem>>[vector<16xi32>], vector<16xf32>,
    %add3A_2704 = arith.constant 144 : i32
    %add3A_2705 = vector.broadcast %add3A_2704 : i32 to vector<16xi32>
    %add3A_2706 = arith.addi %iota3A, %add3A_2705 : vector<16xi32>
    %mul3A_2707 = arith.constant 16 : i32
    %mul3A_2708 = vector.broadcast %mul3A_2707 : i32 to vector<16xi32>
    %mul3A_2709 = arith.muli %add3A_2706, %mul3A_2708 : vector<16xi32>
    %add3A_2710 = vector.broadcast %min3A_24 : i32 to vector<16xi32>
    %add3A_2711 = arith.addi %mul3A_2709, %add3A_2710 : vector<16xi32>
    tpu.vector_store_idx %arg7[%add3A_2711], %gather3A_2595 : memref<4096xf32, #tpu.memory_space<vmem>>[vector<16xi32>], vector<16xf32>,
    %get3A_2712 = arith.constant 12 : i32
    %get3A_2713 = arith.index_cast %get3A_2712 : i32 to index
    %get3A_2714 = arith.constant 144 : index
    %get3A_2715 = tpu.vector_load %arg5[%get3A_2713, %get3A_2714] {strides = array<i32>} : memref<16x256xf32, #tpu.memory_space<vmem>>, vector<16xf32>,
    tpu.vector_store_idx %arg7[%mul3A_2709], %get3A_2715 : memref<4096xf32, #tpu.memory_space<vmem>>[vector<16xi32>], vector<16xf32>,
    %add3A_2716 = arith.constant 160 : i32
    %add3A_2717 = vector.broadcast %add3A_2716 : i32 to vector<16xi32>
    %add3A_2718 = arith.addi %iota3A, %add3A_2717 : vector<16xi32>
    %mul3A_2719 = arith.constant 16 : i32
    %mul3A_2720 = vector.broadcast %mul3A_2719 : i32 to vector<16xi32>
    %mul3A_2721 = arith.muli %add3A_2718, %mul3A_2720 : vector<16xi32>
    %add3A_2722 = vector.broadcast %min3A_24 : i32 to vector<16xi32>
    %add3A_2723 = arith.addi %mul3A_2721, %add3A_2722 : vector<16xi32>
    tpu.vector_store_idx %arg7[%add3A_2723], %gather3A_2595 : memref<4096xf32, #tpu.memory_space<vmem>>[vector<16xi32>], vector<16xf32>,
    %get3A_2724 = arith.constant 12 : i32
    %get3A_2725 = arith.index_cast %get3A_2724 : i32 to index
    %get3A_2726 = arith.constant 160 : index
    %get3A_2727 = tpu.vector_load %arg5[%get3A_2725, %get3A_2726] {strides = array<i32>} : memref<16x256xf32, #tpu.memory_space<vmem>>, vector<16xf32>,
    tpu.vector_store_idx %arg7[%mul3A_2721], %get3A_2727 : memref<4096xf32, #tpu.memory_space<vmem>>[vector<16xi32>], vector<16xf32>,
    %add3A_2728 = arith.constant 176 : i32
    %add3A_2729 = vector.broadcast %add3A_2728 : i32 to vector<16xi32>
    %add3A_2730 = arith.addi %iota3A, %add3A_2729 : vector<16xi32>
    %mul3A_2731 = arith.constant 16 : i32
    %mul3A_2732 = vector.broadcast %mul3A_2731 : i32 to vector<16xi32>
    %mul3A_2733 = arith.muli %add3A_2730, %mul3A_2732 : vector<16xi32>
    %add3A_2734 = vector.broadcast %min3A_24 : i32 to vector<16xi32>
    %add3A_2735 = arith.addi %mul3A_2733, %add3A_2734 : vector<16xi32>
    tpu.vector_store_idx %arg7[%add3A_2735], %gather3A_2595 : memref<4096xf32, #tpu.memory_space<vmem>>[vector<16xi32>], vector<16xf32>,
    %get3A_2736 = arith.constant 12 : i32
    %get3A_2737 = arith.index_cast %get3A_2736 : i32 to index
    %get3A_2738 = arith.constant 176 : index
    %get3A_2739 = tpu.vector_load %arg5[%get3A_2737, %get3A_2738] {strides = array<i32>} : memref<16x256xf32, #tpu.memory_space<vmem>>, vector<16xf32>,
    tpu.vector_store_idx %arg7[%mul3A_2733], %get3A_2739 : memref<4096xf32, #tpu.memory_space<vmem>>[vector<16xi32>], vector<16xf32>,
    %add3A_2740 = arith.constant 192 : i32
    %add3A_2741 = vector.broadcast %add3A_2740 : i32 to vector<16xi32>
    %add3A_2742 = arith.addi %iota3A, %add3A_2741 : vector<16xi32>
    %mul3A_2743 = arith.constant 16 : i32
    %mul3A_2744 = vector.broadcast %mul3A_2743 : i32 to vector<16xi32>
    %mul3A_2745 = arith.muli %add3A_2742, %mul3A_2744 : vector<16xi32>
    %add3A_2746 = vector.broadcast %min3A_24 : i32 to vector<16xi32>
    %add3A_2747 = arith.addi %mul3A_2745, %add3A_2746 : vector<16xi32>
    tpu.vector_store_idx %arg7[%add3A_2747], %gather3A_2595 : memref<4096xf32, #tpu.memory_space<vmem>>[vector<16xi32>], vector<16xf32>,
    %get3A_2748 = arith.constant 12 : i32
    %get3A_2749 = arith.index_cast %get3A_2748 : i32 to index
    %get3A_2750 = arith.constant 192 : index
    %get3A_2751 = tpu.vector_load %arg5[%get3A_2749, %get3A_2750] {strides = array<i32>} : memref<16x256xf32, #tpu.memory_space<vmem>>, vector<16xf32>,
    tpu.vector_store_idx %arg7[%mul3A_2745], %get3A_2751 : memref<4096xf32, #tpu.memory_space<vmem>>[vector<16xi32>], vector<16xf32>,
    %add3A_2752 = arith.constant 208 : i32
    %add3A_2753 = vector.broadcast %add3A_2752 : i32 to vector<16xi32>
    %add3A_2754 = arith.addi %iota3A, %add3A_2753 : vector<16xi32>
    %mul3A_2755 = arith.constant 16 : i32
    %mul3A_2756 = vector.broadcast %mul3A_2755 : i32 to vector<16xi32>
    %mul3A_2757 = arith.muli %add3A_2754, %mul3A_2756 : vector<16xi32>
    %add3A_2758 = vector.broadcast %min3A_24 : i32 to vector<16xi32>
    %add3A_2759 = arith.addi %mul3A_2757, %add3A_2758 : vector<16xi32>
    tpu.vector_store_idx %arg7[%add3A_2759], %gather3A_2595 : memref<4096xf32, #tpu.memory_space<vmem>>[vector<16xi32>], vector<16xf32>,
    %get3A_2760 = arith.constant 12 : i32
    %get3A_2761 = arith.index_cast %get3A_2760 : i32 to index
    %get3A_2762 = arith.constant 208 : index
    %get3A_2763 = tpu.vector_load %arg5[%get3A_2761, %get3A_2762] {strides = array<i32>} : memref<16x256xf32, #tpu.memory_space<vmem>>, vector<16xf32>,
    tpu.vector_store_idx %arg7[%mul3A_2757], %get3A_2763 : memref<4096xf32, #tpu.memory_space<vmem>>[vector<16xi32>], vector<16xf32>,
    %add3A_2764 = arith.constant 224 : i32
    %add3A_2765 = vector.broadcast %add3A_2764 : i32 to vector<16xi32>
    %add3A_2766 = arith.addi %iota3A, %add3A_2765 : vector<16xi32>
    %mul3A_2767 = arith.constant 16 : i32
    %mul3A_2768 = vector.broadcast %mul3A_2767 : i32 to vector<16xi32>
    %mul3A_2769 = arith.muli %add3A_2766, %mul3A_2768 : vector<16xi32>
    %add3A_2770 = vector.broadcast %min3A_24 : i32 to vector<16xi32>
    %add3A_2771 = arith.addi %mul3A_2769, %add3A_2770 : vector<16xi32>
    tpu.vector_store_idx %arg7[%add3A_2771], %gather3A_2595 : memref<4096xf32, #tpu.memory_space<vmem>>[vector<16xi32>], vector<16xf32>,
    %get3A_2772 = arith.constant 12 : i32
    %get3A_2773 = arith.index_cast %get3A_2772 : i32 to index
    %get3A_2774 = arith.constant 224 : index
    %get3A_2775 = tpu.vector_load %arg5[%get3A_2773, %get3A_2774] {strides = array<i32>} : memref<16x256xf32, #tpu.memory_space<vmem>>, vector<16xf32>,
    tpu.vector_store_idx %arg7[%mul3A_2769], %get3A_2775 : memref<4096xf32, #tpu.memory_space<vmem>>[vector<16xi32>], vector<16xf32>,
    %add3A_2776 = arith.constant 240 : i32
    %add3A_2777 = vector.broadcast %add3A_2776 : i32 to vector<16xi32>
    %add3A_2778 = arith.addi %iota3A, %add3A_2777 : vector<16xi32>
    %mul3A_2779 = arith.constant 16 : i32
    %mul3A_2780 = vector.broadcast %mul3A_2779 : i32 to vector<16xi32>
    %mul3A_2781 = arith.muli %add3A_2778, %mul3A_2780 : vector<16xi32>
    %add3A_2782 = vector.broadcast %min3A_24 : i32 to vector<16xi32>
    %add3A_2783 = arith.addi %mul3A_2781, %add3A_2782 : vector<16xi32>
    tpu.vector_store_idx %arg7[%add3A_2783], %gather3A_2595 : memref<4096xf32, #tpu.memory_space<vmem>>[vector<16xi32>], vector<16xf32>,
    %get3A_2784 = arith.constant 12 : i32
    %get3A_2785 = arith.index_cast %get3A_2784 : i32 to index
    %get3A_2786 = arith.constant 240 : index
    %get3A_2787 = tpu.vector_load %arg5[%get3A_2785, %get3A_2786] {strides = array<i32>} : memref<16x256xf32, #tpu.memory_space<vmem>>, vector<16xf32>,
    tpu.vector_store_idx %arg7[%mul3A_2781], %get3A_2787 : memref<4096xf32, #tpu.memory_space<vmem>>[vector<16xi32>], vector<16xf32>,
    %add3A_2788 = arith.constant 12 : i32
    %add3A_2789 = arith.addi %mul3A_2, %add3A_2788 : i32
    %dma_start3A_2790 = arith.constant 0 : i32
    %dma_start3A_2791 = tpu.memref_slice %arg4[%add3A_2789, %dma_start3A_2790] : memref<512x4096xf32, #tpu.memory_space<hbm>> -> memref<1x4096xf32, #tpu.memory_space<hbm>>
    %dma_start3A_2792 = tpu.memref_squeeze %dma_start3A_2791 : memref<1x4096xf32, #tpu.memory_space<hbm>> -> memref<4096xf32, #tpu.memory_space<hbm>>
    %dma_start3A_2793 = arith.constant 0 : i32
    %dma_start3A_2794 = tpu.memref_slice %arg4[%add3A_2789, %dma_start3A_2793] : memref<512x4096xf32, #tpu.memory_space<hbm>> -> memref<1x4096xf32, #tpu.memory_space<hbm>>
    %dma_start3A_2795 = tpu.memref_squeeze %dma_start3A_2794 : memref<1x4096xf32, #tpu.memory_space<hbm>> -> memref<4096xf32, #tpu.memory_space<hbm>>
    tpu.enqueue_dma source(%arg7 : memref<4096xf32, #tpu.memory_space<vmem>>) target(%dma_start3A_2795 : memref<4096xf32, #tpu.memory_space<hbm>>) target_semaphore(%arg10 : memref<!tpu.dma_semaphore, #tpu.memory_space<semaphore_mem>>)
    %dma_wait3A_2796 = arith.constant 0 : i32
    %dma_wait3A_2797 = tpu.memref_slice %arg4[%add3A_2576, %dma_wait3A_2796] : memref<512x4096xf32, #tpu.memory_space<hbm>> -> memref<1x4096xf32, #tpu.memory_space<hbm>>
    %dma_wait3A_2798 = tpu.memref_squeeze %dma_wait3A_2797 : memref<1x4096xf32, #tpu.memory_space<hbm>> -> memref<4096xf32, #tpu.memory_space<hbm>>
    %dma_wait3A_2799 = arith.constant 0 : i32
    %dma_wait3A_2800 = tpu.memref_slice %arg4[%add3A_2576, %dma_wait3A_2799] : memref<512x4096xf32, #tpu.memory_space<hbm>> -> memref<1x4096xf32, #tpu.memory_space<hbm>>
    %dma_wait3A_2801 = tpu.memref_squeeze %dma_wait3A_2800 : memref<1x4096xf32, #tpu.memory_space<hbm>> -> memref<4096xf32, #tpu.memory_space<hbm>>
    tpu.wait_dma2 semaphore(%arg11 : memref<!tpu.dma_semaphore, #tpu.memory_space<semaphore_mem>>) src(%arg8 : memref<4096xf32, #tpu.memory_space<vmem>>) dst(%dma_wait3A_2801 : memref<4096xf32, #tpu.memory_space<hbm>>)
    %get3A_2802 = arith.constant 13 : i32
    %get3A_2803 = arith.index_cast %get3A_2802 : i32 to index
    %get3A_2804 = arith.constant 0 : index
    %get3A_2805 = tpu.vector_load %arg6[%get3A_2803, %get3A_2804] {strides = array<i32>} : memref<16x16xf32, #tpu.memory_space<vmem>>, vector<16xf32>,
    %broadcast_in_dim3A_2806 = vector.shape_cast %broadcast_in_dim3A_40 : vector<16xi32> to vector<16x1xi32>
    %gather3A_2807 = vector.shape_cast %broadcast_in_dim3A_2806 : vector<16x1xi32> to vector<16xi32>
    %gather3A_2808 = tpu.dynamic_gather %get3A_2805[%gather3A_2807] in [0] : vector<16xf32>, vector<16xi32> -> vector<16xf32>
    %add3A_2809 = arith.constant 0 : i32
    %add3A_2810 = vector.broadcast %add3A_2809 : i32 to vector<16xi32>
    %add3A_2811 = arith.addi %iota3A, %add3A_2810 : vector<16xi32>
    %mul3A_2812 = arith.constant 16 : i32
    %mul3A_2813 = vector.broadcast %mul3A_2812 : i32 to vector<16xi32>
    %mul3A_2814 = arith.muli %add3A_2811, %mul3A_2813 : vector<16xi32>
    %add3A_2815 = vector.broadcast %min3A_24 : i32 to vector<16xi32>
    %add3A_2816 = arith.addi %mul3A_2814, %add3A_2815 : vector<16xi32>
    tpu.vector_store_idx %arg8[%add3A_2816], %gather3A_2808 : memref<4096xf32, #tpu.memory_space<vmem>>[vector<16xi32>], vector<16xf32>,
    %get3A_2817 = arith.constant 13 : i32
    %get3A_2818 = arith.index_cast %get3A_2817 : i32 to index
    %get3A_2819 = arith.constant 0 : index
    %get3A_2820 = tpu.vector_load %arg5[%get3A_2818, %get3A_2819] {strides = array<i32>} : memref<16x256xf32, #tpu.memory_space<vmem>>, vector<16xf32>,
    tpu.vector_store_idx %arg8[%mul3A_2814], %get3A_2820 : memref<4096xf32, #tpu.memory_space<vmem>>[vector<16xi32>], vector<16xf32>,
    %add3A_2821 = arith.constant 16 : i32
    %add3A_2822 = vector.broadcast %add3A_2821 : i32 to vector<16xi32>
    %add3A_2823 = arith.addi %iota3A, %add3A_2822 : vector<16xi32>
    %mul3A_2824 = arith.constant 16 : i32
    %mul3A_2825 = vector.broadcast %mul3A_2824 : i32 to vector<16xi32>
    %mul3A_2826 = arith.muli %add3A_2823, %mul3A_2825 : vector<16xi32>
    %add3A_2827 = vector.broadcast %min3A_24 : i32 to vector<16xi32>
    %add3A_2828 = arith.addi %mul3A_2826, %add3A_2827 : vector<16xi32>
    tpu.vector_store_idx %arg8[%add3A_2828], %gather3A_2808 : memref<4096xf32, #tpu.memory_space<vmem>>[vector<16xi32>], vector<16xf32>,
    %get3A_2829 = arith.constant 13 : i32
    %get3A_2830 = arith.index_cast %get3A_2829 : i32 to index
    %get3A_2831 = arith.constant 16 : index
    %get3A_2832 = tpu.vector_load %arg5[%get3A_2830, %get3A_2831] {strides = array<i32>} : memref<16x256xf32, #tpu.memory_space<vmem>>, vector<16xf32>,
    tpu.vector_store_idx %arg8[%mul3A_2826], %get3A_2832 : memref<4096xf32, #tpu.memory_space<vmem>>[vector<16xi32>], vector<16xf32>,
    %add3A_2833 = arith.constant 32 : i32
    %add3A_2834 = vector.broadcast %add3A_2833 : i32 to vector<16xi32>
    %add3A_2835 = arith.addi %iota3A, %add3A_2834 : vector<16xi32>
    %mul3A_2836 = arith.constant 16 : i32
    %mul3A_2837 = vector.broadcast %mul3A_2836 : i32 to vector<16xi32>
    %mul3A_2838 = arith.muli %add3A_2835, %mul3A_2837 : vector<16xi32>
    %add3A_2839 = vector.broadcast %min3A_24 : i32 to vector<16xi32>
    %add3A_2840 = arith.addi %mul3A_2838, %add3A_2839 : vector<16xi32>
    tpu.vector_store_idx %arg8[%add3A_2840], %gather3A_2808 : memref<4096xf32, #tpu.memory_space<vmem>>[vector<16xi32>], vector<16xf32>,
    %get3A_2841 = arith.constant 13 : i32
    %get3A_2842 = arith.index_cast %get3A_2841 : i32 to index
    %get3A_2843 = arith.constant 32 : index
    %get3A_2844 = tpu.vector_load %arg5[%get3A_2842, %get3A_2843] {strides = array<i32>} : memref<16x256xf32, #tpu.memory_space<vmem>>, vector<16xf32>,
    tpu.vector_store_idx %arg8[%mul3A_2838], %get3A_2844 : memref<4096xf32, #tpu.memory_space<vmem>>[vector<16xi32>], vector<16xf32>,
    %add3A_2845 = arith.constant 48 : i32
    %add3A_2846 = vector.broadcast %add3A_2845 : i32 to vector<16xi32>
    %add3A_2847 = arith.addi %iota3A, %add3A_2846 : vector<16xi32>
    %mul3A_2848 = arith.constant 16 : i32
    %mul3A_2849 = vector.broadcast %mul3A_2848 : i32 to vector<16xi32>
    %mul3A_2850 = arith.muli %add3A_2847, %mul3A_2849 : vector<16xi32>
    %add3A_2851 = vector.broadcast %min3A_24 : i32 to vector<16xi32>
    %add3A_2852 = arith.addi %mul3A_2850, %add3A_2851 : vector<16xi32>
    tpu.vector_store_idx %arg8[%add3A_2852], %gather3A_2808 : memref<4096xf32, #tpu.memory_space<vmem>>[vector<16xi32>], vector<16xf32>,
    %get3A_2853 = arith.constant 13 : i32
    %get3A_2854 = arith.index_cast %get3A_2853 : i32 to index
    %get3A_2855 = arith.constant 48 : index
    %get3A_2856 = tpu.vector_load %arg5[%get3A_2854, %get3A_2855] {strides = array<i32>} : memref<16x256xf32, #tpu.memory_space<vmem>>, vector<16xf32>,
    tpu.vector_store_idx %arg8[%mul3A_2850], %get3A_2856 : memref<4096xf32, #tpu.memory_space<vmem>>[vector<16xi32>], vector<16xf32>,
    %add3A_2857 = arith.constant 64 : i32
    %add3A_2858 = vector.broadcast %add3A_2857 : i32 to vector<16xi32>
    %add3A_2859 = arith.addi %iota3A, %add3A_2858 : vector<16xi32>
    %mul3A_2860 = arith.constant 16 : i32
    %mul3A_2861 = vector.broadcast %mul3A_2860 : i32 to vector<16xi32>
    %mul3A_2862 = arith.muli %add3A_2859, %mul3A_2861 : vector<16xi32>
    %add3A_2863 = vector.broadcast %min3A_24 : i32 to vector<16xi32>
    %add3A_2864 = arith.addi %mul3A_2862, %add3A_2863 : vector<16xi32>
    tpu.vector_store_idx %arg8[%add3A_2864], %gather3A_2808 : memref<4096xf32, #tpu.memory_space<vmem>>[vector<16xi32>], vector<16xf32>,
    %get3A_2865 = arith.constant 13 : i32
    %get3A_2866 = arith.index_cast %get3A_2865 : i32 to index
    %get3A_2867 = arith.constant 64 : index
    %get3A_2868 = tpu.vector_load %arg5[%get3A_2866, %get3A_2867] {strides = array<i32>} : memref<16x256xf32, #tpu.memory_space<vmem>>, vector<16xf32>,
    tpu.vector_store_idx %arg8[%mul3A_2862], %get3A_2868 : memref<4096xf32, #tpu.memory_space<vmem>>[vector<16xi32>], vector<16xf32>,
    %add3A_2869 = arith.constant 80 : i32
    %add3A_2870 = vector.broadcast %add3A_2869 : i32 to vector<16xi32>
    %add3A_2871 = arith.addi %iota3A, %add3A_2870 : vector<16xi32>
    %mul3A_2872 = arith.constant 16 : i32
    %mul3A_2873 = vector.broadcast %mul3A_2872 : i32 to vector<16xi32>
    %mul3A_2874 = arith.muli %add3A_2871, %mul3A_2873 : vector<16xi32>
    %add3A_2875 = vector.broadcast %min3A_24 : i32 to vector<16xi32>
    %add3A_2876 = arith.addi %mul3A_2874, %add3A_2875 : vector<16xi32>
    tpu.vector_store_idx %arg8[%add3A_2876], %gather3A_2808 : memref<4096xf32, #tpu.memory_space<vmem>>[vector<16xi32>], vector<16xf32>,
    %get3A_2877 = arith.constant 13 : i32
    %get3A_2878 = arith.index_cast %get3A_2877 : i32 to index
    %get3A_2879 = arith.constant 80 : index
    %get3A_2880 = tpu.vector_load %arg5[%get3A_2878, %get3A_2879] {strides = array<i32>} : memref<16x256xf32, #tpu.memory_space<vmem>>, vector<16xf32>,
    tpu.vector_store_idx %arg8[%mul3A_2874], %get3A_2880 : memref<4096xf32, #tpu.memory_space<vmem>>[vector<16xi32>], vector<16xf32>,
    %add3A_2881 = arith.constant 96 : i32
    %add3A_2882 = vector.broadcast %add3A_2881 : i32 to vector<16xi32>
    %add3A_2883 = arith.addi %iota3A, %add3A_2882 : vector<16xi32>
    %mul3A_2884 = arith.constant 16 : i32
    %mul3A_2885 = vector.broadcast %mul3A_2884 : i32 to vector<16xi32>
    %mul3A_2886 = arith.muli %add3A_2883, %mul3A_2885 : vector<16xi32>
    %add3A_2887 = vector.broadcast %min3A_24 : i32 to vector<16xi32>
    %add3A_2888 = arith.addi %mul3A_2886, %add3A_2887 : vector<16xi32>
    tpu.vector_store_idx %arg8[%add3A_2888], %gather3A_2808 : memref<4096xf32, #tpu.memory_space<vmem>>[vector<16xi32>], vector<16xf32>,
    %get3A_2889 = arith.constant 13 : i32
    %get3A_2890 = arith.index_cast %get3A_2889 : i32 to index
    %get3A_2891 = arith.constant 96 : index
    %get3A_2892 = tpu.vector_load %arg5[%get3A_2890, %get3A_2891] {strides = array<i32>} : memref<16x256xf32, #tpu.memory_space<vmem>>, vector<16xf32>,
    tpu.vector_store_idx %arg8[%mul3A_2886], %get3A_2892 : memref<4096xf32, #tpu.memory_space<vmem>>[vector<16xi32>], vector<16xf32>,
    %add3A_2893 = arith.constant 112 : i32
    %add3A_2894 = vector.broadcast %add3A_2893 : i32 to vector<16xi32>
    %add3A_2895 = arith.addi %iota3A, %add3A_2894 : vector<16xi32>
    %mul3A_2896 = arith.constant 16 : i32
    %mul3A_2897 = vector.broadcast %mul3A_2896 : i32 to vector<16xi32>
    %mul3A_2898 = arith.muli %add3A_2895, %mul3A_2897 : vector<16xi32>
    %add3A_2899 = vector.broadcast %min3A_24 : i32 to vector<16xi32>
    %add3A_2900 = arith.addi %mul3A_2898, %add3A_2899 : vector<16xi32>
    tpu.vector_store_idx %arg8[%add3A_2900], %gather3A_2808 : memref<4096xf32, #tpu.memory_space<vmem>>[vector<16xi32>], vector<16xf32>,
    %get3A_2901 = arith.constant 13 : i32
    %get3A_2902 = arith.index_cast %get3A_2901 : i32 to index
    %get3A_2903 = arith.constant 112 : index
    %get3A_2904 = tpu.vector_load %arg5[%get3A_2902, %get3A_2903] {strides = array<i32>} : memref<16x256xf32, #tpu.memory_space<vmem>>, vector<16xf32>,
    tpu.vector_store_idx %arg8[%mul3A_2898], %get3A_2904 : memref<4096xf32, #tpu.memory_space<vmem>>[vector<16xi32>], vector<16xf32>,
    %add3A_2905 = arith.constant 128 : i32
    %add3A_2906 = vector.broadcast %add3A_2905 : i32 to vector<16xi32>
    %add3A_2907 = arith.addi %iota3A, %add3A_2906 : vector<16xi32>
    %mul3A_2908 = arith.constant 16 : i32
    %mul3A_2909 = vector.broadcast %mul3A_2908 : i32 to vector<16xi32>
    %mul3A_2910 = arith.muli %add3A_2907, %mul3A_2909 : vector<16xi32>
    %add3A_2911 = vector.broadcast %min3A_24 : i32 to vector<16xi32>
    %add3A_2912 = arith.addi %mul3A_2910, %add3A_2911 : vector<16xi32>
    tpu.vector_store_idx %arg8[%add3A_2912], %gather3A_2808 : memref<4096xf32, #tpu.memory_space<vmem>>[vector<16xi32>], vector<16xf32>,
    %get3A_2913 = arith.constant 13 : i32
    %get3A_2914 = arith.index_cast %get3A_2913 : i32 to index
    %get3A_2915 = arith.constant 128 : index
    %get3A_2916 = tpu.vector_load %arg5[%get3A_2914, %get3A_2915] {strides = array<i32>} : memref<16x256xf32, #tpu.memory_space<vmem>>, vector<16xf32>,
    tpu.vector_store_idx %arg8[%mul3A_2910], %get3A_2916 : memref<4096xf32, #tpu.memory_space<vmem>>[vector<16xi32>], vector<16xf32>,
    %add3A_2917 = arith.constant 144 : i32
    %add3A_2918 = vector.broadcast %add3A_2917 : i32 to vector<16xi32>
    %add3A_2919 = arith.addi %iota3A, %add3A_2918 : vector<16xi32>
    %mul3A_2920 = arith.constant 16 : i32
    %mul3A_2921 = vector.broadcast %mul3A_2920 : i32 to vector<16xi32>
    %mul3A_2922 = arith.muli %add3A_2919, %mul3A_2921 : vector<16xi32>
    %add3A_2923 = vector.broadcast %min3A_24 : i32 to vector<16xi32>
    %add3A_2924 = arith.addi %mul3A_2922, %add3A_2923 : vector<16xi32>
    tpu.vector_store_idx %arg8[%add3A_2924], %gather3A_2808 : memref<4096xf32, #tpu.memory_space<vmem>>[vector<16xi32>], vector<16xf32>,
    %get3A_2925 = arith.constant 13 : i32
    %get3A_2926 = arith.index_cast %get3A_2925 : i32 to index
    %get3A_2927 = arith.constant 144 : index
    %get3A_2928 = tpu.vector_load %arg5[%get3A_2926, %get3A_2927] {strides = array<i32>} : memref<16x256xf32, #tpu.memory_space<vmem>>, vector<16xf32>,
    tpu.vector_store_idx %arg8[%mul3A_2922], %get3A_2928 : memref<4096xf32, #tpu.memory_space<vmem>>[vector<16xi32>], vector<16xf32>,
    %add3A_2929 = arith.constant 160 : i32
    %add3A_2930 = vector.broadcast %add3A_2929 : i32 to vector<16xi32>
    %add3A_2931 = arith.addi %iota3A, %add3A_2930 : vector<16xi32>
    %mul3A_2932 = arith.constant 16 : i32
    %mul3A_2933 = vector.broadcast %mul3A_2932 : i32 to vector<16xi32>
    %mul3A_2934 = arith.muli %add3A_2931, %mul3A_2933 : vector<16xi32>
    %add3A_2935 = vector.broadcast %min3A_24 : i32 to vector<16xi32>
    %add3A_2936 = arith.addi %mul3A_2934, %add3A_2935 : vector<16xi32>
    tpu.vector_store_idx %arg8[%add3A_2936], %gather3A_2808 : memref<4096xf32, #tpu.memory_space<vmem>>[vector<16xi32>], vector<16xf32>,
    %get3A_2937 = arith.constant 13 : i32
    %get3A_2938 = arith.index_cast %get3A_2937 : i32 to index
    %get3A_2939 = arith.constant 160 : index
    %get3A_2940 = tpu.vector_load %arg5[%get3A_2938, %get3A_2939] {strides = array<i32>} : memref<16x256xf32, #tpu.memory_space<vmem>>, vector<16xf32>,
    tpu.vector_store_idx %arg8[%mul3A_2934], %get3A_2940 : memref<4096xf32, #tpu.memory_space<vmem>>[vector<16xi32>], vector<16xf32>,
    %add3A_2941 = arith.constant 176 : i32
    %add3A_2942 = vector.broadcast %add3A_2941 : i32 to vector<16xi32>
    %add3A_2943 = arith.addi %iota3A, %add3A_2942 : vector<16xi32>
    %mul3A_2944 = arith.constant 16 : i32
    %mul3A_2945 = vector.broadcast %mul3A_2944 : i32 to vector<16xi32>
    %mul3A_2946 = arith.muli %add3A_2943, %mul3A_2945 : vector<16xi32>
    %add3A_2947 = vector.broadcast %min3A_24 : i32 to vector<16xi32>
    %add3A_2948 = arith.addi %mul3A_2946, %add3A_2947 : vector<16xi32>
    tpu.vector_store_idx %arg8[%add3A_2948], %gather3A_2808 : memref<4096xf32, #tpu.memory_space<vmem>>[vector<16xi32>], vector<16xf32>,
    %get3A_2949 = arith.constant 13 : i32
    %get3A_2950 = arith.index_cast %get3A_2949 : i32 to index
    %get3A_2951 = arith.constant 176 : index
    %get3A_2952 = tpu.vector_load %arg5[%get3A_2950, %get3A_2951] {strides = array<i32>} : memref<16x256xf32, #tpu.memory_space<vmem>>, vector<16xf32>,
    tpu.vector_store_idx %arg8[%mul3A_2946], %get3A_2952 : memref<4096xf32, #tpu.memory_space<vmem>>[vector<16xi32>], vector<16xf32>,
    %add3A_2953 = arith.constant 192 : i32
    %add3A_2954 = vector.broadcast %add3A_2953 : i32 to vector<16xi32>
    %add3A_2955 = arith.addi %iota3A, %add3A_2954 : vector<16xi32>
    %mul3A_2956 = arith.constant 16 : i32
    %mul3A_2957 = vector.broadcast %mul3A_2956 : i32 to vector<16xi32>
    %mul3A_2958 = arith.muli %add3A_2955, %mul3A_2957 : vector<16xi32>
    %add3A_2959 = vector.broadcast %min3A_24 : i32 to vector<16xi32>
    %add3A_2960 = arith.addi %mul3A_2958, %add3A_2959 : vector<16xi32>
    tpu.vector_store_idx %arg8[%add3A_2960], %gather3A_2808 : memref<4096xf32, #tpu.memory_space<vmem>>[vector<16xi32>], vector<16xf32>,
    %get3A_2961 = arith.constant 13 : i32
    %get3A_2962 = arith.index_cast %get3A_2961 : i32 to index
    %get3A_2963 = arith.constant 192 : index
    %get3A_2964 = tpu.vector_load %arg5[%get3A_2962, %get3A_2963] {strides = array<i32>} : memref<16x256xf32, #tpu.memory_space<vmem>>, vector<16xf32>,
    tpu.vector_store_idx %arg8[%mul3A_2958], %get3A_2964 : memref<4096xf32, #tpu.memory_space<vmem>>[vector<16xi32>], vector<16xf32>,
    %add3A_2965 = arith.constant 208 : i32
    %add3A_2966 = vector.broadcast %add3A_2965 : i32 to vector<16xi32>
    %add3A_2967 = arith.addi %iota3A, %add3A_2966 : vector<16xi32>
    %mul3A_2968 = arith.constant 16 : i32
    %mul3A_2969 = vector.broadcast %mul3A_2968 : i32 to vector<16xi32>
    %mul3A_2970 = arith.muli %add3A_2967, %mul3A_2969 : vector<16xi32>
    %add3A_2971 = vector.broadcast %min3A_24 : i32 to vector<16xi32>
    %add3A_2972 = arith.addi %mul3A_2970, %add3A_2971 : vector<16xi32>
    tpu.vector_store_idx %arg8[%add3A_2972], %gather3A_2808 : memref<4096xf32, #tpu.memory_space<vmem>>[vector<16xi32>], vector<16xf32>,
    %get3A_2973 = arith.constant 13 : i32
    %get3A_2974 = arith.index_cast %get3A_2973 : i32 to index
    %get3A_2975 = arith.constant 208 : index
    %get3A_2976 = tpu.vector_load %arg5[%get3A_2974, %get3A_2975] {strides = array<i32>} : memref<16x256xf32, #tpu.memory_space<vmem>>, vector<16xf32>,
    tpu.vector_store_idx %arg8[%mul3A_2970], %get3A_2976 : memref<4096xf32, #tpu.memory_space<vmem>>[vector<16xi32>], vector<16xf32>,
    %add3A_2977 = arith.constant 224 : i32
    %add3A_2978 = vector.broadcast %add3A_2977 : i32 to vector<16xi32>
    %add3A_2979 = arith.addi %iota3A, %add3A_2978 : vector<16xi32>
    %mul3A_2980 = arith.constant 16 : i32
    %mul3A_2981 = vector.broadcast %mul3A_2980 : i32 to vector<16xi32>
    %mul3A_2982 = arith.muli %add3A_2979, %mul3A_2981 : vector<16xi32>
    %add3A_2983 = vector.broadcast %min3A_24 : i32 to vector<16xi32>
    %add3A_2984 = arith.addi %mul3A_2982, %add3A_2983 : vector<16xi32>
    tpu.vector_store_idx %arg8[%add3A_2984], %gather3A_2808 : memref<4096xf32, #tpu.memory_space<vmem>>[vector<16xi32>], vector<16xf32>,
    %get3A_2985 = arith.constant 13 : i32
    %get3A_2986 = arith.index_cast %get3A_2985 : i32 to index
    %get3A_2987 = arith.constant 224 : index
    %get3A_2988 = tpu.vector_load %arg5[%get3A_2986, %get3A_2987] {strides = array<i32>} : memref<16x256xf32, #tpu.memory_space<vmem>>, vector<16xf32>,
    tpu.vector_store_idx %arg8[%mul3A_2982], %get3A_2988 : memref<4096xf32, #tpu.memory_space<vmem>>[vector<16xi32>], vector<16xf32>,
    %add3A_2989 = arith.constant 240 : i32
    %add3A_2990 = vector.broadcast %add3A_2989 : i32 to vector<16xi32>
    %add3A_2991 = arith.addi %iota3A, %add3A_2990 : vector<16xi32>
    %mul3A_2992 = arith.constant 16 : i32
    %mul3A_2993 = vector.broadcast %mul3A_2992 : i32 to vector<16xi32>
    %mul3A_2994 = arith.muli %add3A_2991, %mul3A_2993 : vector<16xi32>
    %add3A_2995 = vector.broadcast %min3A_24 : i32 to vector<16xi32>
    %add3A_2996 = arith.addi %mul3A_2994, %add3A_2995 : vector<16xi32>
    tpu.vector_store_idx %arg8[%add3A_2996], %gather3A_2808 : memref<4096xf32, #tpu.memory_space<vmem>>[vector<16xi32>], vector<16xf32>,
    %get3A_2997 = arith.constant 13 : i32
    %get3A_2998 = arith.index_cast %get3A_2997 : i32 to index
    %get3A_2999 = arith.constant 240 : index
    %get3A_3000 = tpu.vector_load %arg5[%get3A_2998, %get3A_2999] {strides = array<i32>} : memref<16x256xf32, #tpu.memory_space<vmem>>, vector<16xf32>,
    tpu.vector_store_idx %arg8[%mul3A_2994], %get3A_3000 : memref<4096xf32, #tpu.memory_space<vmem>>[vector<16xi32>], vector<16xf32>,
    %add3A_3001 = arith.constant 13 : i32
    %add3A_3002 = arith.addi %mul3A_2, %add3A_3001 : i32
    %dma_start3A_3003 = arith.constant 0 : i32
    %dma_start3A_3004 = tpu.memref_slice %arg4[%add3A_3002, %dma_start3A_3003] : memref<512x4096xf32, #tpu.memory_space<hbm>> -> memref<1x4096xf32, #tpu.memory_space<hbm>>
    %dma_start3A_3005 = tpu.memref_squeeze %dma_start3A_3004 : memref<1x4096xf32, #tpu.memory_space<hbm>> -> memref<4096xf32, #tpu.memory_space<hbm>>
    %dma_start3A_3006 = arith.constant 0 : i32
    %dma_start3A_3007 = tpu.memref_slice %arg4[%add3A_3002, %dma_start3A_3006] : memref<512x4096xf32, #tpu.memory_space<hbm>> -> memref<1x4096xf32, #tpu.memory_space<hbm>>
    %dma_start3A_3008 = tpu.memref_squeeze %dma_start3A_3007 : memref<1x4096xf32, #tpu.memory_space<hbm>> -> memref<4096xf32, #tpu.memory_space<hbm>>
    tpu.enqueue_dma source(%arg8 : memref<4096xf32, #tpu.memory_space<vmem>>) target(%dma_start3A_3008 : memref<4096xf32, #tpu.memory_space<hbm>>) target_semaphore(%arg11 : memref<!tpu.dma_semaphore, #tpu.memory_space<semaphore_mem>>)
    %dma_wait3A_3009 = arith.constant 0 : i32
    %dma_wait3A_3010 = tpu.memref_slice %arg4[%add3A_2789, %dma_wait3A_3009] : memref<512x4096xf32, #tpu.memory_space<hbm>> -> memref<1x4096xf32, #tpu.memory_space<hbm>>
    %dma_wait3A_3011 = tpu.memref_squeeze %dma_wait3A_3010 : memref<1x4096xf32, #tpu.memory_space<hbm>> -> memref<4096xf32, #tpu.memory_space<hbm>>
    %dma_wait3A_3012 = arith.constant 0 : i32
    %dma_wait3A_3013 = tpu.memref_slice %arg4[%add3A_2789, %dma_wait3A_3012] : memref<512x4096xf32, #tpu.memory_space<hbm>> -> memref<1x4096xf32, #tpu.memory_space<hbm>>
    %dma_wait3A_3014 = tpu.memref_squeeze %dma_wait3A_3013 : memref<1x4096xf32, #tpu.memory_space<hbm>> -> memref<4096xf32, #tpu.memory_space<hbm>>
    tpu.wait_dma2 semaphore(%arg10 : memref<!tpu.dma_semaphore, #tpu.memory_space<semaphore_mem>>) src(%arg7 : memref<4096xf32, #tpu.memory_space<vmem>>) dst(%dma_wait3A_3014 : memref<4096xf32, #tpu.memory_space<hbm>>)
    %get3A_3015 = arith.constant 14 : i32
    %get3A_3016 = arith.index_cast %get3A_3015 : i32 to index
    %get3A_3017 = arith.constant 0 : index
    %get3A_3018 = tpu.vector_load %arg6[%get3A_3016, %get3A_3017] {strides = array<i32>} : memref<16x16xf32, #tpu.memory_space<vmem>>, vector<16xf32>,
    %broadcast_in_dim3A_3019 = vector.shape_cast %broadcast_in_dim3A_40 : vector<16xi32> to vector<16x1xi32>
    %gather3A_3020 = vector.shape_cast %broadcast_in_dim3A_3019 : vector<16x1xi32> to vector<16xi32>
    %gather3A_3021 = tpu.dynamic_gather %get3A_3018[%gather3A_3020] in [0] : vector<16xf32>, vector<16xi32> -> vector<16xf32>
    %add3A_3022 = arith.constant 0 : i32
    %add3A_3023 = vector.broadcast %add3A_3022 : i32 to vector<16xi32>
    %add3A_3024 = arith.addi %iota3A, %add3A_3023 : vector<16xi32>
    %mul3A_3025 = arith.constant 16 : i32
    %mul3A_3026 = vector.broadcast %mul3A_3025 : i32 to vector<16xi32>
    %mul3A_3027 = arith.muli %add3A_3024, %mul3A_3026 : vector<16xi32>
    %add3A_3028 = vector.broadcast %min3A_24 : i32 to vector<16xi32>
    %add3A_3029 = arith.addi %mul3A_3027, %add3A_3028 : vector<16xi32>
    tpu.vector_store_idx %arg7[%add3A_3029], %gather3A_3021 : memref<4096xf32, #tpu.memory_space<vmem>>[vector<16xi32>], vector<16xf32>,
    %get3A_3030 = arith.constant 14 : i32
    %get3A_3031 = arith.index_cast %get3A_3030 : i32 to index
    %get3A_3032 = arith.constant 0 : index
    %get3A_3033 = tpu.vector_load %arg5[%get3A_3031, %get3A_3032] {strides = array<i32>} : memref<16x256xf32, #tpu.memory_space<vmem>>, vector<16xf32>,
    tpu.vector_store_idx %arg7[%mul3A_3027], %get3A_3033 : memref<4096xf32, #tpu.memory_space<vmem>>[vector<16xi32>], vector<16xf32>,
    %add3A_3034 = arith.constant 16 : i32
    %add3A_3035 = vector.broadcast %add3A_3034 : i32 to vector<16xi32>
    %add3A_3036 = arith.addi %iota3A, %add3A_3035 : vector<16xi32>
    %mul3A_3037 = arith.constant 16 : i32
    %mul3A_3038 = vector.broadcast %mul3A_3037 : i32 to vector<16xi32>
    %mul3A_3039 = arith.muli %add3A_3036, %mul3A_3038 : vector<16xi32>
    %add3A_3040 = vector.broadcast %min3A_24 : i32 to vector<16xi32>
    %add3A_3041 = arith.addi %mul3A_3039, %add3A_3040 : vector<16xi32>
    tpu.vector_store_idx %arg7[%add3A_3041], %gather3A_3021 : memref<4096xf32, #tpu.memory_space<vmem>>[vector<16xi32>], vector<16xf32>,
    %get3A_3042 = arith.constant 14 : i32
    %get3A_3043 = arith.index_cast %get3A_3042 : i32 to index
    %get3A_3044 = arith.constant 16 : index
    %get3A_3045 = tpu.vector_load %arg5[%get3A_3043, %get3A_3044] {strides = array<i32>} : memref<16x256xf32, #tpu.memory_space<vmem>>, vector<16xf32>,
    tpu.vector_store_idx %arg7[%mul3A_3039], %get3A_3045 : memref<4096xf32, #tpu.memory_space<vmem>>[vector<16xi32>], vector<16xf32>,
    %add3A_3046 = arith.constant 32 : i32
    %add3A_3047 = vector.broadcast %add3A_3046 : i32 to vector<16xi32>
    %add3A_3048 = arith.addi %iota3A, %add3A_3047 : vector<16xi32>
    %mul3A_3049 = arith.constant 16 : i32
    %mul3A_3050 = vector.broadcast %mul3A_3049 : i32 to vector<16xi32>
    %mul3A_3051 = arith.muli %add3A_3048, %mul3A_3050 : vector<16xi32>
    %add3A_3052 = vector.broadcast %min3A_24 : i32 to vector<16xi32>
    %add3A_3053 = arith.addi %mul3A_3051, %add3A_3052 : vector<16xi32>
    tpu.vector_store_idx %arg7[%add3A_3053], %gather3A_3021 : memref<4096xf32, #tpu.memory_space<vmem>>[vector<16xi32>], vector<16xf32>,
    %get3A_3054 = arith.constant 14 : i32
    %get3A_3055 = arith.index_cast %get3A_3054 : i32 to index
    %get3A_3056 = arith.constant 32 : index
    %get3A_3057 = tpu.vector_load %arg5[%get3A_3055, %get3A_3056] {strides = array<i32>} : memref<16x256xf32, #tpu.memory_space<vmem>>, vector<16xf32>,
    tpu.vector_store_idx %arg7[%mul3A_3051], %get3A_3057 : memref<4096xf32, #tpu.memory_space<vmem>>[vector<16xi32>], vector<16xf32>,
    %add3A_3058 = arith.constant 48 : i32
    %add3A_3059 = vector.broadcast %add3A_3058 : i32 to vector<16xi32>
    %add3A_3060 = arith.addi %iota3A, %add3A_3059 : vector<16xi32>
    %mul3A_3061 = arith.constant 16 : i32
    %mul3A_3062 = vector.broadcast %mul3A_3061 : i32 to vector<16xi32>
    %mul3A_3063 = arith.muli %add3A_3060, %mul3A_3062 : vector<16xi32>
    %add3A_3064 = vector.broadcast %min3A_24 : i32 to vector<16xi32>
    %add3A_3065 = arith.addi %mul3A_3063, %add3A_3064 : vector<16xi32>
    tpu.vector_store_idx %arg7[%add3A_3065], %gather3A_3021 : memref<4096xf32, #tpu.memory_space<vmem>>[vector<16xi32>], vector<16xf32>,
    %get3A_3066 = arith.constant 14 : i32
    %get3A_3067 = arith.index_cast %get3A_3066 : i32 to index
    %get3A_3068 = arith.constant 48 : index
    %get3A_3069 = tpu.vector_load %arg5[%get3A_3067, %get3A_3068] {strides = array<i32>} : memref<16x256xf32, #tpu.memory_space<vmem>>, vector<16xf32>,
    tpu.vector_store_idx %arg7[%mul3A_3063], %get3A_3069 : memref<4096xf32, #tpu.memory_space<vmem>>[vector<16xi32>], vector<16xf32>,
    %add3A_3070 = arith.constant 64 : i32
    %add3A_3071 = vector.broadcast %add3A_3070 : i32 to vector<16xi32>
    %add3A_3072 = arith.addi %iota3A, %add3A_3071 : vector<16xi32>
    %mul3A_3073 = arith.constant 16 : i32
    %mul3A_3074 = vector.broadcast %mul3A_3073 : i32 to vector<16xi32>
    %mul3A_3075 = arith.muli %add3A_3072, %mul3A_3074 : vector<16xi32>
    %add3A_3076 = vector.broadcast %min3A_24 : i32 to vector<16xi32>
    %add3A_3077 = arith.addi %mul3A_3075, %add3A_3076 : vector<16xi32>
    tpu.vector_store_idx %arg7[%add3A_3077], %gather3A_3021 : memref<4096xf32, #tpu.memory_space<vmem>>[vector<16xi32>], vector<16xf32>,
    %get3A_3078 = arith.constant 14 : i32
    %get3A_3079 = arith.index_cast %get3A_3078 : i32 to index
    %get3A_3080 = arith.constant 64 : index
    %get3A_3081 = tpu.vector_load %arg5[%get3A_3079, %get3A_3080] {strides = array<i32>} : memref<16x256xf32, #tpu.memory_space<vmem>>, vector<16xf32>,
    tpu.vector_store_idx %arg7[%mul3A_3075], %get3A_3081 : memref<4096xf32, #tpu.memory_space<vmem>>[vector<16xi32>], vector<16xf32>,
    %add3A_3082 = arith.constant 80 : i32
    %add3A_3083 = vector.broadcast %add3A_3082 : i32 to vector<16xi32>
    %add3A_3084 = arith.addi %iota3A, %add3A_3083 : vector<16xi32>
    %mul3A_3085 = arith.constant 16 : i32
    %mul3A_3086 = vector.broadcast %mul3A_3085 : i32 to vector<16xi32>
    %mul3A_3087 = arith.muli %add3A_3084, %mul3A_3086 : vector<16xi32>
    %add3A_3088 = vector.broadcast %min3A_24 : i32 to vector<16xi32>
    %add3A_3089 = arith.addi %mul3A_3087, %add3A_3088 : vector<16xi32>
    tpu.vector_store_idx %arg7[%add3A_3089], %gather3A_3021 : memref<4096xf32, #tpu.memory_space<vmem>>[vector<16xi32>], vector<16xf32>,
    %get3A_3090 = arith.constant 14 : i32
    %get3A_3091 = arith.index_cast %get3A_3090 : i32 to index
    %get3A_3092 = arith.constant 80 : index
    %get3A_3093 = tpu.vector_load %arg5[%get3A_3091, %get3A_3092] {strides = array<i32>} : memref<16x256xf32, #tpu.memory_space<vmem>>, vector<16xf32>,
    tpu.vector_store_idx %arg7[%mul3A_3087], %get3A_3093 : memref<4096xf32, #tpu.memory_space<vmem>>[vector<16xi32>], vector<16xf32>,
    %add3A_3094 = arith.constant 96 : i32
    %add3A_3095 = vector.broadcast %add3A_3094 : i32 to vector<16xi32>
    %add3A_3096 = arith.addi %iota3A, %add3A_3095 : vector<16xi32>
    %mul3A_3097 = arith.constant 16 : i32
    %mul3A_3098 = vector.broadcast %mul3A_3097 : i32 to vector<16xi32>
    %mul3A_3099 = arith.muli %add3A_3096, %mul3A_3098 : vector<16xi32>
    %add3A_3100 = vector.broadcast %min3A_24 : i32 to vector<16xi32>
    %add3A_3101 = arith.addi %mul3A_3099, %add3A_3100 : vector<16xi32>
    tpu.vector_store_idx %arg7[%add3A_3101], %gather3A_3021 : memref<4096xf32, #tpu.memory_space<vmem>>[vector<16xi32>], vector<16xf32>,
    %get3A_3102 = arith.constant 14 : i32
    %get3A_3103 = arith.index_cast %get3A_3102 : i32 to index
    %get3A_3104 = arith.constant 96 : index
    %get3A_3105 = tpu.vector_load %arg5[%get3A_3103, %get3A_3104] {strides = array<i32>} : memref<16x256xf32, #tpu.memory_space<vmem>>, vector<16xf32>,
    tpu.vector_store_idx %arg7[%mul3A_3099], %get3A_3105 : memref<4096xf32, #tpu.memory_space<vmem>>[vector<16xi32>], vector<16xf32>,
    %add3A_3106 = arith.constant 112 : i32
    %add3A_3107 = vector.broadcast %add3A_3106 : i32 to vector<16xi32>
    %add3A_3108 = arith.addi %iota3A, %add3A_3107 : vector<16xi32>
    %mul3A_3109 = arith.constant 16 : i32
    %mul3A_3110 = vector.broadcast %mul3A_3109 : i32 to vector<16xi32>
    %mul3A_3111 = arith.muli %add3A_3108, %mul3A_3110 : vector<16xi32>
    %add3A_3112 = vector.broadcast %min3A_24 : i32 to vector<16xi32>
    %add3A_3113 = arith.addi %mul3A_3111, %add3A_3112 : vector<16xi32>
    tpu.vector_store_idx %arg7[%add3A_3113], %gather3A_3021 : memref<4096xf32, #tpu.memory_space<vmem>>[vector<16xi32>], vector<16xf32>,
    %get3A_3114 = arith.constant 14 : i32
    %get3A_3115 = arith.index_cast %get3A_3114 : i32 to index
    %get3A_3116 = arith.constant 112 : index
    %get3A_3117 = tpu.vector_load %arg5[%get3A_3115, %get3A_3116] {strides = array<i32>} : memref<16x256xf32, #tpu.memory_space<vmem>>, vector<16xf32>,
    tpu.vector_store_idx %arg7[%mul3A_3111], %get3A_3117 : memref<4096xf32, #tpu.memory_space<vmem>>[vector<16xi32>], vector<16xf32>,
    %add3A_3118 = arith.constant 128 : i32
    %add3A_3119 = vector.broadcast %add3A_3118 : i32 to vector<16xi32>
    %add3A_3120 = arith.addi %iota3A, %add3A_3119 : vector<16xi32>
    %mul3A_3121 = arith.constant 16 : i32
    %mul3A_3122 = vector.broadcast %mul3A_3121 : i32 to vector<16xi32>
    %mul3A_3123 = arith.muli %add3A_3120, %mul3A_3122 : vector<16xi32>
    %add3A_3124 = vector.broadcast %min3A_24 : i32 to vector<16xi32>
    %add3A_3125 = arith.addi %mul3A_3123, %add3A_3124 : vector<16xi32>
    tpu.vector_store_idx %arg7[%add3A_3125], %gather3A_3021 : memref<4096xf32, #tpu.memory_space<vmem>>[vector<16xi32>], vector<16xf32>,
    %get3A_3126 = arith.constant 14 : i32
    %get3A_3127 = arith.index_cast %get3A_3126 : i32 to index
    %get3A_3128 = arith.constant 128 : index
    %get3A_3129 = tpu.vector_load %arg5[%get3A_3127, %get3A_3128] {strides = array<i32>} : memref<16x256xf32, #tpu.memory_space<vmem>>, vector<16xf32>,
    tpu.vector_store_idx %arg7[%mul3A_3123], %get3A_3129 : memref<4096xf32, #tpu.memory_space<vmem>>[vector<16xi32>], vector<16xf32>,
    %add3A_3130 = arith.constant 144 : i32
    %add3A_3131 = vector.broadcast %add3A_3130 : i32 to vector<16xi32>
    %add3A_3132 = arith.addi %iota3A, %add3A_3131 : vector<16xi32>
    %mul3A_3133 = arith.constant 16 : i32
    %mul3A_3134 = vector.broadcast %mul3A_3133 : i32 to vector<16xi32>
    %mul3A_3135 = arith.muli %add3A_3132, %mul3A_3134 : vector<16xi32>
    %add3A_3136 = vector.broadcast %min3A_24 : i32 to vector<16xi32>
    %add3A_3137 = arith.addi %mul3A_3135, %add3A_3136 : vector<16xi32>
    tpu.vector_store_idx %arg7[%add3A_3137], %gather3A_3021 : memref<4096xf32, #tpu.memory_space<vmem>>[vector<16xi32>], vector<16xf32>,
    %get3A_3138 = arith.constant 14 : i32
    %get3A_3139 = arith.index_cast %get3A_3138 : i32 to index
    %get3A_3140 = arith.constant 144 : index
    %get3A_3141 = tpu.vector_load %arg5[%get3A_3139, %get3A_3140] {strides = array<i32>} : memref<16x256xf32, #tpu.memory_space<vmem>>, vector<16xf32>,
    tpu.vector_store_idx %arg7[%mul3A_3135], %get3A_3141 : memref<4096xf32, #tpu.memory_space<vmem>>[vector<16xi32>], vector<16xf32>,
    %add3A_3142 = arith.constant 160 : i32
    %add3A_3143 = vector.broadcast %add3A_3142 : i32 to vector<16xi32>
    %add3A_3144 = arith.addi %iota3A, %add3A_3143 : vector<16xi32>
    %mul3A_3145 = arith.constant 16 : i32
    %mul3A_3146 = vector.broadcast %mul3A_3145 : i32 to vector<16xi32>
    %mul3A_3147 = arith.muli %add3A_3144, %mul3A_3146 : vector<16xi32>
    %add3A_3148 = vector.broadcast %min3A_24 : i32 to vector<16xi32>
    %add3A_3149 = arith.addi %mul3A_3147, %add3A_3148 : vector<16xi32>
    tpu.vector_store_idx %arg7[%add3A_3149], %gather3A_3021 : memref<4096xf32, #tpu.memory_space<vmem>>[vector<16xi32>], vector<16xf32>,
    %get3A_3150 = arith.constant 14 : i32
    %get3A_3151 = arith.index_cast %get3A_3150 : i32 to index
    %get3A_3152 = arith.constant 160 : index
    %get3A_3153 = tpu.vector_load %arg5[%get3A_3151, %get3A_3152] {strides = array<i32>} : memref<16x256xf32, #tpu.memory_space<vmem>>, vector<16xf32>,
    tpu.vector_store_idx %arg7[%mul3A_3147], %get3A_3153 : memref<4096xf32, #tpu.memory_space<vmem>>[vector<16xi32>], vector<16xf32>,
    %add3A_3154 = arith.constant 176 : i32
    %add3A_3155 = vector.broadcast %add3A_3154 : i32 to vector<16xi32>
    %add3A_3156 = arith.addi %iota3A, %add3A_3155 : vector<16xi32>
    %mul3A_3157 = arith.constant 16 : i32
    %mul3A_3158 = vector.broadcast %mul3A_3157 : i32 to vector<16xi32>
    %mul3A_3159 = arith.muli %add3A_3156, %mul3A_3158 : vector<16xi32>
    %add3A_3160 = vector.broadcast %min3A_24 : i32 to vector<16xi32>
    %add3A_3161 = arith.addi %mul3A_3159, %add3A_3160 : vector<16xi32>
    tpu.vector_store_idx %arg7[%add3A_3161], %gather3A_3021 : memref<4096xf32, #tpu.memory_space<vmem>>[vector<16xi32>], vector<16xf32>,
    %get3A_3162 = arith.constant 14 : i32
    %get3A_3163 = arith.index_cast %get3A_3162 : i32 to index
    %get3A_3164 = arith.constant 176 : index
    %get3A_3165 = tpu.vector_load %arg5[%get3A_3163, %get3A_3164] {strides = array<i32>} : memref<16x256xf32, #tpu.memory_space<vmem>>, vector<16xf32>,
    tpu.vector_store_idx %arg7[%mul3A_3159], %get3A_3165 : memref<4096xf32, #tpu.memory_space<vmem>>[vector<16xi32>], vector<16xf32>,
    %add3A_3166 = arith.constant 192 : i32
    %add3A_3167 = vector.broadcast %add3A_3166 : i32 to vector<16xi32>
    %add3A_3168 = arith.addi %iota3A, %add3A_3167 : vector<16xi32>
    %mul3A_3169 = arith.constant 16 : i32
    %mul3A_3170 = vector.broadcast %mul3A_3169 : i32 to vector<16xi32>
    %mul3A_3171 = arith.muli %add3A_3168, %mul3A_3170 : vector<16xi32>
    %add3A_3172 = vector.broadcast %min3A_24 : i32 to vector<16xi32>
    %add3A_3173 = arith.addi %mul3A_3171, %add3A_3172 : vector<16xi32>
    tpu.vector_store_idx %arg7[%add3A_3173], %gather3A_3021 : memref<4096xf32, #tpu.memory_space<vmem>>[vector<16xi32>], vector<16xf32>,
    %get3A_3174 = arith.constant 14 : i32
    %get3A_3175 = arith.index_cast %get3A_3174 : i32 to index
    %get3A_3176 = arith.constant 192 : index
    %get3A_3177 = tpu.vector_load %arg5[%get3A_3175, %get3A_3176] {strides = array<i32>} : memref<16x256xf32, #tpu.memory_space<vmem>>, vector<16xf32>,
    tpu.vector_store_idx %arg7[%mul3A_3171], %get3A_3177 : memref<4096xf32, #tpu.memory_space<vmem>>[vector<16xi32>], vector<16xf32>,
    %add3A_3178 = arith.constant 208 : i32
    %add3A_3179 = vector.broadcast %add3A_3178 : i32 to vector<16xi32>
    %add3A_3180 = arith.addi %iota3A, %add3A_3179 : vector<16xi32>
    %mul3A_3181 = arith.constant 16 : i32
    %mul3A_3182 = vector.broadcast %mul3A_3181 : i32 to vector<16xi32>
    %mul3A_3183 = arith.muli %add3A_3180, %mul3A_3182 : vector<16xi32>
    %add3A_3184 = vector.broadcast %min3A_24 : i32 to vector<16xi32>
    %add3A_3185 = arith.addi %mul3A_3183, %add3A_3184 : vector<16xi32>
    tpu.vector_store_idx %arg7[%add3A_3185], %gather3A_3021 : memref<4096xf32, #tpu.memory_space<vmem>>[vector<16xi32>], vector<16xf32>,
    %get3A_3186 = arith.constant 14 : i32
    %get3A_3187 = arith.index_cast %get3A_3186 : i32 to index
    %get3A_3188 = arith.constant 208 : index
    %get3A_3189 = tpu.vector_load %arg5[%get3A_3187, %get3A_3188] {strides = array<i32>} : memref<16x256xf32, #tpu.memory_space<vmem>>, vector<16xf32>,
    tpu.vector_store_idx %arg7[%mul3A_3183], %get3A_3189 : memref<4096xf32, #tpu.memory_space<vmem>>[vector<16xi32>], vector<16xf32>,
    %add3A_3190 = arith.constant 224 : i32
    %add3A_3191 = vector.broadcast %add3A_3190 : i32 to vector<16xi32>
    %add3A_3192 = arith.addi %iota3A, %add3A_3191 : vector<16xi32>
    %mul3A_3193 = arith.constant 16 : i32
    %mul3A_3194 = vector.broadcast %mul3A_3193 : i32 to vector<16xi32>
    %mul3A_3195 = arith.muli %add3A_3192, %mul3A_3194 : vector<16xi32>
    %add3A_3196 = vector.broadcast %min3A_24 : i32 to vector<16xi32>
    %add3A_3197 = arith.addi %mul3A_3195, %add3A_3196 : vector<16xi32>
    tpu.vector_store_idx %arg7[%add3A_3197], %gather3A_3021 : memref<4096xf32, #tpu.memory_space<vmem>>[vector<16xi32>], vector<16xf32>,
    %get3A_3198 = arith.constant 14 : i32
    %get3A_3199 = arith.index_cast %get3A_3198 : i32 to index
    %get3A_3200 = arith.constant 224 : index
    %get3A_3201 = tpu.vector_load %arg5[%get3A_3199, %get3A_3200] {strides = array<i32>} : memref<16x256xf32, #tpu.memory_space<vmem>>, vector<16xf32>,
    tpu.vector_store_idx %arg7[%mul3A_3195], %get3A_3201 : memref<4096xf32, #tpu.memory_space<vmem>>[vector<16xi32>], vector<16xf32>,
    %add3A_3202 = arith.constant 240 : i32
    %add3A_3203 = vector.broadcast %add3A_3202 : i32 to vector<16xi32>
    %add3A_3204 = arith.addi %iota3A, %add3A_3203 : vector<16xi32>
    %mul3A_3205 = arith.constant 16 : i32
    %mul3A_3206 = vector.broadcast %mul3A_3205 : i32 to vector<16xi32>
    %mul3A_3207 = arith.muli %add3A_3204, %mul3A_3206 : vector<16xi32>
    %add3A_3208 = vector.broadcast %min3A_24 : i32 to vector<16xi32>
    %add3A_3209 = arith.addi %mul3A_3207, %add3A_3208 : vector<16xi32>
    tpu.vector_store_idx %arg7[%add3A_3209], %gather3A_3021 : memref<4096xf32, #tpu.memory_space<vmem>>[vector<16xi32>], vector<16xf32>,
    %get3A_3210 = arith.constant 14 : i32
    %get3A_3211 = arith.index_cast %get3A_3210 : i32 to index
    %get3A_3212 = arith.constant 240 : index
    %get3A_3213 = tpu.vector_load %arg5[%get3A_3211, %get3A_3212] {strides = array<i32>} : memref<16x256xf32, #tpu.memory_space<vmem>>, vector<16xf32>,
    tpu.vector_store_idx %arg7[%mul3A_3207], %get3A_3213 : memref<4096xf32, #tpu.memory_space<vmem>>[vector<16xi32>], vector<16xf32>,
    %add3A_3214 = arith.constant 14 : i32
    %add3A_3215 = arith.addi %mul3A_2, %add3A_3214 : i32
    %dma_start3A_3216 = arith.constant 0 : i32
    %dma_start3A_3217 = tpu.memref_slice %arg4[%add3A_3215, %dma_start3A_3216] : memref<512x4096xf32, #tpu.memory_space<hbm>> -> memref<1x4096xf32, #tpu.memory_space<hbm>>
    %dma_start3A_3218 = tpu.memref_squeeze %dma_start3A_3217 : memref<1x4096xf32, #tpu.memory_space<hbm>> -> memref<4096xf32, #tpu.memory_space<hbm>>
    %dma_start3A_3219 = arith.constant 0 : i32
    %dma_start3A_3220 = tpu.memref_slice %arg4[%add3A_3215, %dma_start3A_3219] : memref<512x4096xf32, #tpu.memory_space<hbm>> -> memref<1x4096xf32, #tpu.memory_space<hbm>>
    %dma_start3A_3221 = tpu.memref_squeeze %dma_start3A_3220 : memref<1x4096xf32, #tpu.memory_space<hbm>> -> memref<4096xf32, #tpu.memory_space<hbm>>
    tpu.enqueue_dma source(%arg7 : memref<4096xf32, #tpu.memory_space<vmem>>) target(%dma_start3A_3221 : memref<4096xf32, #tpu.memory_space<hbm>>) target_semaphore(%arg10 : memref<!tpu.dma_semaphore, #tpu.memory_space<semaphore_mem>>)
    %dma_wait3A_3222 = arith.constant 0 : i32
    %dma_wait3A_3223 = tpu.memref_slice %arg4[%add3A_3002, %dma_wait3A_3222] : memref<512x4096xf32, #tpu.memory_space<hbm>> -> memref<1x4096xf32, #tpu.memory_space<hbm>>
    %dma_wait3A_3224 = tpu.memref_squeeze %dma_wait3A_3223 : memref<1x4096xf32, #tpu.memory_space<hbm>> -> memref<4096xf32, #tpu.memory_space<hbm>>
    %dma_wait3A_3225 = arith.constant 0 : i32
    %dma_wait3A_3226 = tpu.memref_slice %arg4[%add3A_3002, %dma_wait3A_3225] : memref<512x4096xf32, #tpu.memory_space<hbm>> -> memref<1x4096xf32, #tpu.memory_space<hbm>>
    %dma_wait3A_3227 = tpu.memref_squeeze %dma_wait3A_3226 : memref<1x4096xf32, #tpu.memory_space<hbm>> -> memref<4096xf32, #tpu.memory_space<hbm>>
    tpu.wait_dma2 semaphore(%arg11 : memref<!tpu.dma_semaphore, #tpu.memory_space<semaphore_mem>>) src(%arg8 : memref<4096xf32, #tpu.memory_space<vmem>>) dst(%dma_wait3A_3227 : memref<4096xf32, #tpu.memory_space<hbm>>)
    %get3A_3228 = arith.constant 15 : i32
    %get3A_3229 = arith.index_cast %get3A_3228 : i32 to index
    %get3A_3230 = arith.constant 0 : index
    %get3A_3231 = tpu.vector_load %arg6[%get3A_3229, %get3A_3230] {strides = array<i32>} : memref<16x16xf32, #tpu.memory_space<vmem>>, vector<16xf32>,
    %broadcast_in_dim3A_3232 = vector.shape_cast %broadcast_in_dim3A_40 : vector<16xi32> to vector<16x1xi32>
    %gather3A_3233 = vector.shape_cast %broadcast_in_dim3A_3232 : vector<16x1xi32> to vector<16xi32>
    %gather3A_3234 = tpu.dynamic_gather %get3A_3231[%gather3A_3233] in [0] : vector<16xf32>, vector<16xi32> -> vector<16xf32>
    %add3A_3235 = arith.constant 0 : i32
    %add3A_3236 = vector.broadcast %add3A_3235 : i32 to vector<16xi32>
    %add3A_3237 = arith.addi %iota3A, %add3A_3236 : vector<16xi32>
    %mul3A_3238 = arith.constant 16 : i32
    %mul3A_3239 = vector.broadcast %mul3A_3238 : i32 to vector<16xi32>
    %mul3A_3240 = arith.muli %add3A_3237, %mul3A_3239 : vector<16xi32>
    %add3A_3241 = vector.broadcast %min3A_24 : i32 to vector<16xi32>
    %add3A_3242 = arith.addi %mul3A_3240, %add3A_3241 : vector<16xi32>
    tpu.vector_store_idx %arg8[%add3A_3242], %gather3A_3234 : memref<4096xf32, #tpu.memory_space<vmem>>[vector<16xi32>], vector<16xf32>,
    %get3A_3243 = arith.constant 15 : i32
    %get3A_3244 = arith.index_cast %get3A_3243 : i32 to index
    %get3A_3245 = arith.constant 0 : index
    %get3A_3246 = tpu.vector_load %arg5[%get3A_3244, %get3A_3245] {strides = array<i32>} : memref<16x256xf32, #tpu.memory_space<vmem>>, vector<16xf32>,
    tpu.vector_store_idx %arg8[%mul3A_3240], %get3A_3246 : memref<4096xf32, #tpu.memory_space<vmem>>[vector<16xi32>], vector<16xf32>,
    %add3A_3247 = arith.constant 16 : i32
    %add3A_3248 = vector.broadcast %add3A_3247 : i32 to vector<16xi32>
    %add3A_3249 = arith.addi %iota3A, %add3A_3248 : vector<16xi32>
    %mul3A_3250 = arith.constant 16 : i32
    %mul3A_3251 = vector.broadcast %mul3A_3250 : i32 to vector<16xi32>
    %mul3A_3252 = arith.muli %add3A_3249, %mul3A_3251 : vector<16xi32>
    %add3A_3253 = vector.broadcast %min3A_24 : i32 to vector<16xi32>
    %add3A_3254 = arith.addi %mul3A_3252, %add3A_3253 : vector<16xi32>
    tpu.vector_store_idx %arg8[%add3A_3254], %gather3A_3234 : memref<4096xf32, #tpu.memory_space<vmem>>[vector<16xi32>], vector<16xf32>,
    %get3A_3255 = arith.constant 15 : i32
    %get3A_3256 = arith.index_cast %get3A_3255 : i32 to index
    %get3A_3257 = arith.constant 16 : index
    %get3A_3258 = tpu.vector_load %arg5[%get3A_3256, %get3A_3257] {strides = array<i32>} : memref<16x256xf32, #tpu.memory_space<vmem>>, vector<16xf32>,
    tpu.vector_store_idx %arg8[%mul3A_3252], %get3A_3258 : memref<4096xf32, #tpu.memory_space<vmem>>[vector<16xi32>], vector<16xf32>,
    %add3A_3259 = arith.constant 32 : i32
    %add3A_3260 = vector.broadcast %add3A_3259 : i32 to vector<16xi32>
    %add3A_3261 = arith.addi %iota3A, %add3A_3260 : vector<16xi32>
    %mul3A_3262 = arith.constant 16 : i32
    %mul3A_3263 = vector.broadcast %mul3A_3262 : i32 to vector<16xi32>
    %mul3A_3264 = arith.muli %add3A_3261, %mul3A_3263 : vector<16xi32>
    %add3A_3265 = vector.broadcast %min3A_24 : i32 to vector<16xi32>
    %add3A_3266 = arith.addi %mul3A_3264, %add3A_3265 : vector<16xi32>
    tpu.vector_store_idx %arg8[%add3A_3266], %gather3A_3234 : memref<4096xf32, #tpu.memory_space<vmem>>[vector<16xi32>], vector<16xf32>,
    %get3A_3267 = arith.constant 15 : i32
    %get3A_3268 = arith.index_cast %get3A_3267 : i32 to index
    %get3A_3269 = arith.constant 32 : index
    %get3A_3270 = tpu.vector_load %arg5[%get3A_3268, %get3A_3269] {strides = array<i32>} : memref<16x256xf32, #tpu.memory_space<vmem>>, vector<16xf32>,
    tpu.vector_store_idx %arg8[%mul3A_3264], %get3A_3270 : memref<4096xf32, #tpu.memory_space<vmem>>[vector<16xi32>], vector<16xf32>,
    %add3A_3271 = arith.constant 48 : i32
    %add3A_3272 = vector.broadcast %add3A_3271 : i32 to vector<16xi32>
    %add3A_3273 = arith.addi %iota3A, %add3A_3272 : vector<16xi32>
    %mul3A_3274 = arith.constant 16 : i32
    %mul3A_3275 = vector.broadcast %mul3A_3274 : i32 to vector<16xi32>
    %mul3A_3276 = arith.muli %add3A_3273, %mul3A_3275 : vector<16xi32>
    %add3A_3277 = vector.broadcast %min3A_24 : i32 to vector<16xi32>
    %add3A_3278 = arith.addi %mul3A_3276, %add3A_3277 : vector<16xi32>
    tpu.vector_store_idx %arg8[%add3A_3278], %gather3A_3234 : memref<4096xf32, #tpu.memory_space<vmem>>[vector<16xi32>], vector<16xf32>,
    %get3A_3279 = arith.constant 15 : i32
    %get3A_3280 = arith.index_cast %get3A_3279 : i32 to index
    %get3A_3281 = arith.constant 48 : index
    %get3A_3282 = tpu.vector_load %arg5[%get3A_3280, %get3A_3281] {strides = array<i32>} : memref<16x256xf32, #tpu.memory_space<vmem>>, vector<16xf32>,
    tpu.vector_store_idx %arg8[%mul3A_3276], %get3A_3282 : memref<4096xf32, #tpu.memory_space<vmem>>[vector<16xi32>], vector<16xf32>,
    %add3A_3283 = arith.constant 64 : i32
    %add3A_3284 = vector.broadcast %add3A_3283 : i32 to vector<16xi32>
    %add3A_3285 = arith.addi %iota3A, %add3A_3284 : vector<16xi32>
    %mul3A_3286 = arith.constant 16 : i32
    %mul3A_3287 = vector.broadcast %mul3A_3286 : i32 to vector<16xi32>
    %mul3A_3288 = arith.muli %add3A_3285, %mul3A_3287 : vector<16xi32>
    %add3A_3289 = vector.broadcast %min3A_24 : i32 to vector<16xi32>
    %add3A_3290 = arith.addi %mul3A_3288, %add3A_3289 : vector<16xi32>
    tpu.vector_store_idx %arg8[%add3A_3290], %gather3A_3234 : memref<4096xf32, #tpu.memory_space<vmem>>[vector<16xi32>], vector<16xf32>,
    %get3A_3291 = arith.constant 15 : i32
    %get3A_3292 = arith.index_cast %get3A_3291 : i32 to index
    %get3A_3293 = arith.constant 64 : index
    %get3A_3294 = tpu.vector_load %arg5[%get3A_3292, %get3A_3293] {strides = array<i32>} : memref<16x256xf32, #tpu.memory_space<vmem>>, vector<16xf32>,
    tpu.vector_store_idx %arg8[%mul3A_3288], %get3A_3294 : memref<4096xf32, #tpu.memory_space<vmem>>[vector<16xi32>], vector<16xf32>,
    %add3A_3295 = arith.constant 80 : i32
    %add3A_3296 = vector.broadcast %add3A_3295 : i32 to vector<16xi32>
    %add3A_3297 = arith.addi %iota3A, %add3A_3296 : vector<16xi32>
    %mul3A_3298 = arith.constant 16 : i32
    %mul3A_3299 = vector.broadcast %mul3A_3298 : i32 to vector<16xi32>
    %mul3A_3300 = arith.muli %add3A_3297, %mul3A_3299 : vector<16xi32>
    %add3A_3301 = vector.broadcast %min3A_24 : i32 to vector<16xi32>
    %add3A_3302 = arith.addi %mul3A_3300, %add3A_3301 : vector<16xi32>
    tpu.vector_store_idx %arg8[%add3A_3302], %gather3A_3234 : memref<4096xf32, #tpu.memory_space<vmem>>[vector<16xi32>], vector<16xf32>,
    %get3A_3303 = arith.constant 15 : i32
    %get3A_3304 = arith.index_cast %get3A_3303 : i32 to index
    %get3A_3305 = arith.constant 80 : index
    %get3A_3306 = tpu.vector_load %arg5[%get3A_3304, %get3A_3305] {strides = array<i32>} : memref<16x256xf32, #tpu.memory_space<vmem>>, vector<16xf32>,
    tpu.vector_store_idx %arg8[%mul3A_3300], %get3A_3306 : memref<4096xf32, #tpu.memory_space<vmem>>[vector<16xi32>], vector<16xf32>,
    %add3A_3307 = arith.constant 96 : i32
    %add3A_3308 = vector.broadcast %add3A_3307 : i32 to vector<16xi32>
    %add3A_3309 = arith.addi %iota3A, %add3A_3308 : vector<16xi32>
    %mul3A_3310 = arith.constant 16 : i32
    %mul3A_3311 = vector.broadcast %mul3A_3310 : i32 to vector<16xi32>
    %mul3A_3312 = arith.muli %add3A_3309, %mul3A_3311 : vector<16xi32>
    %add3A_3313 = vector.broadcast %min3A_24 : i32 to vector<16xi32>
    %add3A_3314 = arith.addi %mul3A_3312, %add3A_3313 : vector<16xi32>
    tpu.vector_store_idx %arg8[%add3A_3314], %gather3A_3234 : memref<4096xf32, #tpu.memory_space<vmem>>[vector<16xi32>], vector<16xf32>,
    %get3A_3315 = arith.constant 15 : i32
    %get3A_3316 = arith.index_cast %get3A_3315 : i32 to index
    %get3A_3317 = arith.constant 96 : index
    %get3A_3318 = tpu.vector_load %arg5[%get3A_3316, %get3A_3317] {strides = array<i32>} : memref<16x256xf32, #tpu.memory_space<vmem>>, vector<16xf32>,
    tpu.vector_store_idx %arg8[%mul3A_3312], %get3A_3318 : memref<4096xf32, #tpu.memory_space<vmem>>[vector<16xi32>], vector<16xf32>,
    %add3A_3319 = arith.constant 112 : i32
    %add3A_3320 = vector.broadcast %add3A_3319 : i32 to vector<16xi32>
    %add3A_3321 = arith.addi %iota3A, %add3A_3320 : vector<16xi32>
    %mul3A_3322 = arith.constant 16 : i32
    %mul3A_3323 = vector.broadcast %mul3A_3322 : i32 to vector<16xi32>
    %mul3A_3324 = arith.muli %add3A_3321, %mul3A_3323 : vector<16xi32>
    %add3A_3325 = vector.broadcast %min3A_24 : i32 to vector<16xi32>
    %add3A_3326 = arith.addi %mul3A_3324, %add3A_3325 : vector<16xi32>
    tpu.vector_store_idx %arg8[%add3A_3326], %gather3A_3234 : memref<4096xf32, #tpu.memory_space<vmem>>[vector<16xi32>], vector<16xf32>,
    %get3A_3327 = arith.constant 15 : i32
    %get3A_3328 = arith.index_cast %get3A_3327 : i32 to index
    %get3A_3329 = arith.constant 112 : index
    %get3A_3330 = tpu.vector_load %arg5[%get3A_3328, %get3A_3329] {strides = array<i32>} : memref<16x256xf32, #tpu.memory_space<vmem>>, vector<16xf32>,
    tpu.vector_store_idx %arg8[%mul3A_3324], %get3A_3330 : memref<4096xf32, #tpu.memory_space<vmem>>[vector<16xi32>], vector<16xf32>,
    %add3A_3331 = arith.constant 128 : i32
    %add3A_3332 = vector.broadcast %add3A_3331 : i32 to vector<16xi32>
    %add3A_3333 = arith.addi %iota3A, %add3A_3332 : vector<16xi32>
    %mul3A_3334 = arith.constant 16 : i32
    %mul3A_3335 = vector.broadcast %mul3A_3334 : i32 to vector<16xi32>
    %mul3A_3336 = arith.muli %add3A_3333, %mul3A_3335 : vector<16xi32>
    %add3A_3337 = vector.broadcast %min3A_24 : i32 to vector<16xi32>
    %add3A_3338 = arith.addi %mul3A_3336, %add3A_3337 : vector<16xi32>
    tpu.vector_store_idx %arg8[%add3A_3338], %gather3A_3234 : memref<4096xf32, #tpu.memory_space<vmem>>[vector<16xi32>], vector<16xf32>,
    %get3A_3339 = arith.constant 15 : i32
    %get3A_3340 = arith.index_cast %get3A_3339 : i32 to index
    %get3A_3341 = arith.constant 128 : index
    %get3A_3342 = tpu.vector_load %arg5[%get3A_3340, %get3A_3341] {strides = array<i32>} : memref<16x256xf32, #tpu.memory_space<vmem>>, vector<16xf32>,
    tpu.vector_store_idx %arg8[%mul3A_3336], %get3A_3342 : memref<4096xf32, #tpu.memory_space<vmem>>[vector<16xi32>], vector<16xf32>,
    %add3A_3343 = arith.constant 144 : i32
    %add3A_3344 = vector.broadcast %add3A_3343 : i32 to vector<16xi32>
    %add3A_3345 = arith.addi %iota3A, %add3A_3344 : vector<16xi32>
    %mul3A_3346 = arith.constant 16 : i32
    %mul3A_3347 = vector.broadcast %mul3A_3346 : i32 to vector<16xi32>
    %mul3A_3348 = arith.muli %add3A_3345, %mul3A_3347 : vector<16xi32>
    %add3A_3349 = vector.broadcast %min3A_24 : i32 to vector<16xi32>
    %add3A_3350 = arith.addi %mul3A_3348, %add3A_3349 : vector<16xi32>
    tpu.vector_store_idx %arg8[%add3A_3350], %gather3A_3234 : memref<4096xf32, #tpu.memory_space<vmem>>[vector<16xi32>], vector<16xf32>,
    %get3A_3351 = arith.constant 15 : i32
    %get3A_3352 = arith.index_cast %get3A_3351 : i32 to index
    %get3A_3353 = arith.constant 144 : index
    %get3A_3354 = tpu.vector_load %arg5[%get3A_3352, %get3A_3353] {strides = array<i32>} : memref<16x256xf32, #tpu.memory_space<vmem>>, vector<16xf32>,
    tpu.vector_store_idx %arg8[%mul3A_3348], %get3A_3354 : memref<4096xf32, #tpu.memory_space<vmem>>[vector<16xi32>], vector<16xf32>,
    %add3A_3355 = arith.constant 160 : i32
    %add3A_3356 = vector.broadcast %add3A_3355 : i32 to vector<16xi32>
    %add3A_3357 = arith.addi %iota3A, %add3A_3356 : vector<16xi32>
    %mul3A_3358 = arith.constant 16 : i32
    %mul3A_3359 = vector.broadcast %mul3A_3358 : i32 to vector<16xi32>
    %mul3A_3360 = arith.muli %add3A_3357, %mul3A_3359 : vector<16xi32>
    %add3A_3361 = vector.broadcast %min3A_24 : i32 to vector<16xi32>
    %add3A_3362 = arith.addi %mul3A_3360, %add3A_3361 : vector<16xi32>
    tpu.vector_store_idx %arg8[%add3A_3362], %gather3A_3234 : memref<4096xf32, #tpu.memory_space<vmem>>[vector<16xi32>], vector<16xf32>,
    %get3A_3363 = arith.constant 15 : i32
    %get3A_3364 = arith.index_cast %get3A_3363 : i32 to index
    %get3A_3365 = arith.constant 160 : index
    %get3A_3366 = tpu.vector_load %arg5[%get3A_3364, %get3A_3365] {strides = array<i32>} : memref<16x256xf32, #tpu.memory_space<vmem>>, vector<16xf32>,
    tpu.vector_store_idx %arg8[%mul3A_3360], %get3A_3366 : memref<4096xf32, #tpu.memory_space<vmem>>[vector<16xi32>], vector<16xf32>,
    %add3A_3367 = arith.constant 176 : i32
    %add3A_3368 = vector.broadcast %add3A_3367 : i32 to vector<16xi32>
    %add3A_3369 = arith.addi %iota3A, %add3A_3368 : vector<16xi32>
    %mul3A_3370 = arith.constant 16 : i32
    %mul3A_3371 = vector.broadcast %mul3A_3370 : i32 to vector<16xi32>
    %mul3A_3372 = arith.muli %add3A_3369, %mul3A_3371 : vector<16xi32>
    %add3A_3373 = vector.broadcast %min3A_24 : i32 to vector<16xi32>
    %add3A_3374 = arith.addi %mul3A_3372, %add3A_3373 : vector<16xi32>
    tpu.vector_store_idx %arg8[%add3A_3374], %gather3A_3234 : memref<4096xf32, #tpu.memory_space<vmem>>[vector<16xi32>], vector<16xf32>,
    %get3A_3375 = arith.constant 15 : i32
    %get3A_3376 = arith.index_cast %get3A_3375 : i32 to index
    %get3A_3377 = arith.constant 176 : index
    %get3A_3378 = tpu.vector_load %arg5[%get3A_3376, %get3A_3377] {strides = array<i32>} : memref<16x256xf32, #tpu.memory_space<vmem>>, vector<16xf32>,
    tpu.vector_store_idx %arg8[%mul3A_3372], %get3A_3378 : memref<4096xf32, #tpu.memory_space<vmem>>[vector<16xi32>], vector<16xf32>,
    %add3A_3379 = arith.constant 192 : i32
    %add3A_3380 = vector.broadcast %add3A_3379 : i32 to vector<16xi32>
    %add3A_3381 = arith.addi %iota3A, %add3A_3380 : vector<16xi32>
    %mul3A_3382 = arith.constant 16 : i32
    %mul3A_3383 = vector.broadcast %mul3A_3382 : i32 to vector<16xi32>
    %mul3A_3384 = arith.muli %add3A_3381, %mul3A_3383 : vector<16xi32>
    %add3A_3385 = vector.broadcast %min3A_24 : i32 to vector<16xi32>
    %add3A_3386 = arith.addi %mul3A_3384, %add3A_3385 : vector<16xi32>
    tpu.vector_store_idx %arg8[%add3A_3386], %gather3A_3234 : memref<4096xf32, #tpu.memory_space<vmem>>[vector<16xi32>], vector<16xf32>,
    %get3A_3387 = arith.constant 15 : i32
    %get3A_3388 = arith.index_cast %get3A_3387 : i32 to index
    %get3A_3389 = arith.constant 192 : index
    %get3A_3390 = tpu.vector_load %arg5[%get3A_3388, %get3A_3389] {strides = array<i32>} : memref<16x256xf32, #tpu.memory_space<vmem>>, vector<16xf32>,
    tpu.vector_store_idx %arg8[%mul3A_3384], %get3A_3390 : memref<4096xf32, #tpu.memory_space<vmem>>[vector<16xi32>], vector<16xf32>,
    %add3A_3391 = arith.constant 208 : i32
    %add3A_3392 = vector.broadcast %add3A_3391 : i32 to vector<16xi32>
    %add3A_3393 = arith.addi %iota3A, %add3A_3392 : vector<16xi32>
    %mul3A_3394 = arith.constant 16 : i32
    %mul3A_3395 = vector.broadcast %mul3A_3394 : i32 to vector<16xi32>
    %mul3A_3396 = arith.muli %add3A_3393, %mul3A_3395 : vector<16xi32>
    %add3A_3397 = vector.broadcast %min3A_24 : i32 to vector<16xi32>
    %add3A_3398 = arith.addi %mul3A_3396, %add3A_3397 : vector<16xi32>
    tpu.vector_store_idx %arg8[%add3A_3398], %gather3A_3234 : memref<4096xf32, #tpu.memory_space<vmem>>[vector<16xi32>], vector<16xf32>,
    %get3A_3399 = arith.constant 15 : i32
    %get3A_3400 = arith.index_cast %get3A_3399 : i32 to index
    %get3A_3401 = arith.constant 208 : index
    %get3A_3402 = tpu.vector_load %arg5[%get3A_3400, %get3A_3401] {strides = array<i32>} : memref<16x256xf32, #tpu.memory_space<vmem>>, vector<16xf32>,
    tpu.vector_store_idx %arg8[%mul3A_3396], %get3A_3402 : memref<4096xf32, #tpu.memory_space<vmem>>[vector<16xi32>], vector<16xf32>,
    %add3A_3403 = arith.constant 224 : i32
    %add3A_3404 = vector.broadcast %add3A_3403 : i32 to vector<16xi32>
    %add3A_3405 = arith.addi %iota3A, %add3A_3404 : vector<16xi32>
    %mul3A_3406 = arith.constant 16 : i32
    %mul3A_3407 = vector.broadcast %mul3A_3406 : i32 to vector<16xi32>
    %mul3A_3408 = arith.muli %add3A_3405, %mul3A_3407 : vector<16xi32>
    %add3A_3409 = vector.broadcast %min3A_24 : i32 to vector<16xi32>
    %add3A_3410 = arith.addi %mul3A_3408, %add3A_3409 : vector<16xi32>
    tpu.vector_store_idx %arg8[%add3A_3410], %gather3A_3234 : memref<4096xf32, #tpu.memory_space<vmem>>[vector<16xi32>], vector<16xf32>,
    %get3A_3411 = arith.constant 15 : i32
    %get3A_3412 = arith.index_cast %get3A_3411 : i32 to index
    %get3A_3413 = arith.constant 224 : index
    %get3A_3414 = tpu.vector_load %arg5[%get3A_3412, %get3A_3413] {strides = array<i32>} : memref<16x256xf32, #tpu.memory_space<vmem>>, vector<16xf32>,
    tpu.vector_store_idx %arg8[%mul3A_3408], %get3A_3414 : memref<4096xf32, #tpu.memory_space<vmem>>[vector<16xi32>], vector<16xf32>,
    %add3A_3415 = arith.constant 240 : i32
    %add3A_3416 = vector.broadcast %add3A_3415 : i32 to vector<16xi32>
    %add3A_3417 = arith.addi %iota3A, %add3A_3416 : vector<16xi32>
    %mul3A_3418 = arith.constant 16 : i32
    %mul3A_3419 = vector.broadcast %mul3A_3418 : i32 to vector<16xi32>
    %mul3A_3420 = arith.muli %add3A_3417, %mul3A_3419 : vector<16xi32>
    %add3A_3421 = vector.broadcast %min3A_24 : i32 to vector<16xi32>
    %add3A_3422 = arith.addi %mul3A_3420, %add3A_3421 : vector<16xi32>
    tpu.vector_store_idx %arg8[%add3A_3422], %gather3A_3234 : memref<4096xf32, #tpu.memory_space<vmem>>[vector<16xi32>], vector<16xf32>,
    %get3A_3423 = arith.constant 15 : i32
    %get3A_3424 = arith.index_cast %get3A_3423 : i32 to index
    %get3A_3425 = arith.constant 240 : index
    %get3A_3426 = tpu.vector_load %arg5[%get3A_3424, %get3A_3425] {strides = array<i32>} : memref<16x256xf32, #tpu.memory_space<vmem>>, vector<16xf32>,
    tpu.vector_store_idx %arg8[%mul3A_3420], %get3A_3426 : memref<4096xf32, #tpu.memory_space<vmem>>[vector<16xi32>], vector<16xf32>,
    %add3A_3427 = arith.constant 15 : i32
    %add3A_3428 = arith.addi %mul3A_2, %add3A_3427 : i32
    %dma_start3A_3429 = arith.constant 0 : i32
    %dma_start3A_3430 = tpu.memref_slice %arg4[%add3A_3428, %dma_start3A_3429] : memref<512x4096xf32, #tpu.memory_space<hbm>> -> memref<1x4096xf32, #tpu.memory_space<hbm>>
    %dma_start3A_3431 = tpu.memref_squeeze %dma_start3A_3430 : memref<1x4096xf32, #tpu.memory_space<hbm>> -> memref<4096xf32, #tpu.memory_space<hbm>>
    %dma_start3A_3432 = arith.constant 0 : i32
    %dma_start3A_3433 = tpu.memref_slice %arg4[%add3A_3428, %dma_start3A_3432] : memref<512x4096xf32, #tpu.memory_space<hbm>> -> memref<1x4096xf32, #tpu.memory_space<hbm>>
    %dma_start3A_3434 = tpu.memref_squeeze %dma_start3A_3433 : memref<1x4096xf32, #tpu.memory_space<hbm>> -> memref<4096xf32, #tpu.memory_space<hbm>>
    tpu.enqueue_dma source(%arg8 : memref<4096xf32, #tpu.memory_space<vmem>>) target(%dma_start3A_3434 : memref<4096xf32, #tpu.memory_space<hbm>>) target_semaphore(%arg11 : memref<!tpu.dma_semaphore, #tpu.memory_space<semaphore_mem>>)
    %dma_wait3A_3435 = arith.constant 0 : i32
    %dma_wait3A_3436 = tpu.memref_slice %arg4[%add3A_3215, %dma_wait3A_3435] : memref<512x4096xf32, #tpu.memory_space<hbm>> -> memref<1x4096xf32, #tpu.memory_space<hbm>>
    %dma_wait3A_3437 = tpu.memref_squeeze %dma_wait3A_3436 : memref<1x4096xf32, #tpu.memory_space<hbm>> -> memref<4096xf32, #tpu.memory_space<hbm>>
    %dma_wait3A_3438 = arith.constant 0 : i32
    %dma_wait3A_3439 = tpu.memref_slice %arg4[%add3A_3215, %dma_wait3A_3438] : memref<512x4096xf32, #tpu.memory_space<hbm>> -> memref<1x4096xf32, #tpu.memory_space<hbm>>
    %dma_wait3A_3440 = tpu.memref_squeeze %dma_wait3A_3439 : memref<1x4096xf32, #tpu.memory_space<hbm>> -> memref<4096xf32, #tpu.memory_space<hbm>>
    tpu.wait_dma2 semaphore(%arg10 : memref<!tpu.dma_semaphore, #tpu.memory_space<semaphore_mem>>) src(%arg7 : memref<4096xf32, #tpu.memory_space<vmem>>) dst(%dma_wait3A_3440 : memref<4096xf32, #tpu.memory_space<hbm>>)
    %dma_wait3A_3441 = arith.constant 0 : i32
    %dma_wait3A_3442 = tpu.memref_slice %arg4[%add3A_3428, %dma_wait3A_3441] : memref<512x4096xf32, #tpu.memory_space<hbm>> -> memref<1x4096xf32, #tpu.memory_space<hbm>>
    %dma_wait3A_3443 = tpu.memref_squeeze %dma_wait3A_3442 : memref<1x4096xf32, #tpu.memory_space<hbm>> -> memref<4096xf32, #tpu.memory_space<hbm>>
    %dma_wait3A_3444 = arith.constant 0 : i32
    %dma_wait3A_3445 = tpu.memref_slice %arg4[%add3A_3428, %dma_wait3A_3444] : memref<512x4096xf32, #tpu.memory_space<hbm>> -> memref<1x4096xf32, #tpu.memory_space<hbm>>
    %dma_wait3A_3446 = tpu.memref_squeeze %dma_wait3A_3445 : memref<1x4096xf32, #tpu.memory_space<hbm>> -> memref<4096xf32, #tpu.memory_space<hbm>>
    tpu.wait_dma2 semaphore(%arg11 : memref<!tpu.dma_semaphore, #tpu.memory_space<semaphore_mem>>) src(%arg8 : memref<4096xf32, #tpu.memory_space<vmem>>) dst(%dma_wait3A_3446 : memref<4096xf32, #tpu.memory_space<hbm>>)
    return
  }
}

module attributes {stable_mosaic.version = 14 : i64} {
  func.func @_prep_body(%arg0: i32, %arg1: memref<1x15xf32, #tpu.memory_space<smem>>, %arg2: memref<256x512xf32, #tpu.memory_space<vmem>>, %arg3: memref<512x256xf32, #tpu.memory_space<vmem>>, %arg4: memref<512x16xf32, #tpu.memory_space<vmem>>) attributes {dimension_semantics = [#tpu.dimension_semantics<arbitrary>], iteration_bounds = array<i64: 1>, scalar_prefetch = 0 : i64, scratch_operands = 0 : i64, tpu.core_type = #tpu.core_type<tc>, window_params = [{transform_indices = @transform_0, window_bounds = array<i64: 1, 15>}, {transform_indices = @transform_1, window_bounds = array<i64: 256, 512>}, {pipeline_mode = #tpu.pipeline_mode<synchronous>, transform_indices = @transform_2, window_bounds = array<i64: 512, 256>}, {pipeline_mode = #tpu.pipeline_mode<synchronous>, transform_indices = @transform_3, window_bounds = array<i64: 512, 16>}]} {
    %get3A = arith.constant 0 : index
    %get3A_0 = arith.constant 0 : index
    %get3A_1 = vector.load %arg2[%get3A, %get3A_0] : memref<256x512xf32, #tpu.memory_space<vmem>>, vector<256x512xf32>
    %mul3A = arith.mulf %get3A_1, %get3A_1 : vector<256x512xf32>
    %reduce_sum3A = arith.constant dense<0.000000e+00> : vector<256xf32>
    %reduce_sum3A_2 = vector.multi_reduction <add>, %mul3A, %reduce_sum3A [1] : vector<256x512xf32> to vector<256xf32>
    %sqrt3A = math.sqrt %reduce_sum3A_2 : vector<256xf32>
    %max3A = arith.constant 9.99999996E-13 : f32
    %max3A_3 = vector.broadcast %max3A : f32 to vector<256xf32>
    %max3A_4 = arith.maximumf %sqrt3A, %max3A_3 : vector<256xf32>
    %div3A = arith.constant 1.000000e+00 : f32
    %div3A_5 = vector.broadcast %div3A : f32 to vector<256xf32>
    %div3A_6 = arith.divf %div3A_5, %max3A_4 : vector<256xf32>
    %iota3A = tpu.iota {dimensions = array<i32: 1>} : vector<256x256xi32>
    %iota3A_7 = tpu.iota {dimensions = array<i32: 0>} : vector<256x256xi32>
    %eq3A = arith.cmpi eq, %iota3A, %iota3A_7 : vector<256x256xi32>
    %broadcast_in_dim3A = vector.shape_cast %div3A_6 : vector<256xf32> to vector<256x1xf32>
    %jit3A = arith.constant 0.000000e+00 : f32
    %broadcast_in_dim3A_8 = vector.shape_cast %broadcast_in_dim3A : vector<256x1xf32> to vector<256x1xf32>
    %broadcast_in_dim3A_9 = vector.broadcast %broadcast_in_dim3A_8 : vector<256x1xf32> to vector<256x256xf32>
    %broadcast_in_dim3A_10 = vector.broadcast %jit3A : f32 to vector<256x256xf32>
    %select_n3A = arith.select %eq3A, %broadcast_in_dim3A_9, %broadcast_in_dim3A_10 : vector<256x256xi1>, vector<256x256xf32>
    %dot_general3A = arith.constant dense<0.000000e+00> : vector<512x256xf32>
    %dot_general3A_11 = tpu.matmul %get3A_1, %select_n3A, %dot_general3A {dimension_numbers = #tpu.dot_dimension_numbers<[0], [0], [1], [1], [0, 1, 1, 1], [], []>, transpose_lhs_hint = false} : vector<256x512xf32>, vector<256x256xf32>, vector<512x256xf32> -> vector<512x256xf32>
    %swap3A = arith.constant 0 : index
    %swap3A_12 = arith.constant 0 : index
    %swap3A_13 = vector.load %arg3[%swap3A, %swap3A_12] : memref<512x256xf32, #tpu.memory_space<vmem>>, vector<512x256xf32>
    tpu.vector_store %arg3[%swap3A, %swap3A_12], %dot_general3A_11 {strides = array<i32>} : memref<512x256xf32, #tpu.memory_space<vmem>>, vector<512x256xf32>,
    %iota3A_14 = tpu.iota {dimensions = array<i32: 0>} : vector<512x16xi32>
    %iota3A_15 = tpu.iota {dimensions = array<i32: 1>} : vector<512x16xi32>
    %broadcast_in_dim3A_16 = arith.constant 0.000000e+00 : f32
    %broadcast_in_dim3A_17 = vector.broadcast %broadcast_in_dim3A_16 : f32 to vector<512x16xf32>
    %get3A_18 = arith.constant 0 : index
    %get3A_19 = arith.constant 0 : index
    %get3A_20 = memref.load %arg1[%get3A_18, %get3A_19] : memref<1x15xf32, #tpu.memory_space<smem>>
    %abs3A = math.absf %get3A_20 : f32
    %mul3A_21 = arith.constant 2.82842708 : f32
    %mul3A_22 = arith.mulf %abs3A, %mul3A_21 : f32
    %max3A_23 = arith.constant 9.99999996E-13 : f32
    %max3A_24 = arith.maximumf %mul3A_22, %max3A_23 : f32
    %div3A_25 = arith.divf %get3A_20, %max3A_24 : f32
    %eq3A_26 = arith.constant 2 : i32
    %eq3A_27 = vector.broadcast %eq3A_26 : i32 to vector<512x16xi32>
    %eq3A_28 = arith.cmpi eq, %iota3A_15, %eq3A_27 : vector<512x16xi32>
    %broadcast_in_dim3A_29 = vector.broadcast %div3A_25 : f32 to vector<512x16xf32>
    %select_n3A_30 = arith.select %eq3A_28, %broadcast_in_dim3A_29, %broadcast_in_dim3A_17 : vector<512x16xi1>, vector<512x16xf32>
    %get3A_31 = arith.constant 0 : index
    %get3A_32 = arith.constant 1 : index
    %get3A_33 = memref.load %arg1[%get3A_31, %get3A_32] : memref<1x15xf32, #tpu.memory_space<smem>>
    %abs3A_34 = math.absf %get3A_33 : f32
    %mul3A_35 = arith.constant 2.82842708 : f32
    %mul3A_36 = arith.mulf %abs3A_34, %mul3A_35 : f32
    %max3A_37 = arith.constant 9.99999996E-13 : f32
    %max3A_38 = arith.maximumf %mul3A_36, %max3A_37 : f32
    %div3A_39 = arith.divf %get3A_33, %max3A_38 : f32
    %eq3A_40 = arith.constant 3 : i32
    %eq3A_41 = vector.broadcast %eq3A_40 : i32 to vector<512x16xi32>
    %eq3A_42 = arith.cmpi eq, %iota3A_15, %eq3A_41 : vector<512x16xi32>
    %broadcast_in_dim3A_43 = vector.broadcast %div3A_39 : f32 to vector<512x16xf32>
    %select_n3A_44 = arith.select %eq3A_42, %broadcast_in_dim3A_43, %select_n3A_30 : vector<512x16xi1>, vector<512x16xf32>
    %get3A_45 = arith.constant 0 : index
    %get3A_46 = arith.constant 2 : index
    %get3A_47 = memref.load %arg1[%get3A_45, %get3A_46] : memref<1x15xf32, #tpu.memory_space<smem>>
    %abs3A_48 = math.absf %get3A_47 : f32
    %mul3A_49 = arith.constant 2.82842708 : f32
    %mul3A_50 = arith.mulf %abs3A_48, %mul3A_49 : f32
    %max3A_51 = arith.constant 9.99999996E-13 : f32
    %max3A_52 = arith.maximumf %mul3A_50, %max3A_51 : f32
    %div3A_53 = arith.divf %get3A_47, %max3A_52 : f32
    %eq3A_54 = arith.constant 4 : i32
    %eq3A_55 = vector.broadcast %eq3A_54 : i32 to vector<512x16xi32>
    %eq3A_56 = arith.cmpi eq, %iota3A_15, %eq3A_55 : vector<512x16xi32>
    %broadcast_in_dim3A_57 = vector.broadcast %div3A_53 : f32 to vector<512x16xf32>
    %select_n3A_58 = arith.select %eq3A_56, %broadcast_in_dim3A_57, %select_n3A_44 : vector<512x16xi1>, vector<512x16xf32>
    %get3A_59 = arith.constant 0 : index
    %get3A_60 = arith.constant 3 : index
    %get3A_61 = memref.load %arg1[%get3A_59, %get3A_60] : memref<1x15xf32, #tpu.memory_space<smem>>
    %abs3A_62 = math.absf %get3A_61 : f32
    %mul3A_63 = arith.constant 2.82842708 : f32
    %mul3A_64 = arith.mulf %abs3A_62, %mul3A_63 : f32
    %max3A_65 = arith.constant 9.99999996E-13 : f32
    %max3A_66 = arith.maximumf %mul3A_64, %max3A_65 : f32
    %div3A_67 = arith.divf %get3A_61, %max3A_66 : f32
    %eq3A_68 = arith.constant 5 : i32
    %eq3A_69 = vector.broadcast %eq3A_68 : i32 to vector<512x16xi32>
    %eq3A_70 = arith.cmpi eq, %iota3A_15, %eq3A_69 : vector<512x16xi32>
    %broadcast_in_dim3A_71 = vector.broadcast %div3A_67 : f32 to vector<512x16xf32>
    %select_n3A_72 = arith.select %eq3A_70, %broadcast_in_dim3A_71, %select_n3A_58 : vector<512x16xi1>, vector<512x16xf32>
    %get3A_73 = arith.constant 0 : index
    %get3A_74 = arith.constant 4 : index
    %get3A_75 = memref.load %arg1[%get3A_73, %get3A_74] : memref<1x15xf32, #tpu.memory_space<smem>>
    %abs3A_76 = math.absf %get3A_75 : f32
    %mul3A_77 = arith.constant 2.82842708 : f32
    %mul3A_78 = arith.mulf %abs3A_76, %mul3A_77 : f32
    %max3A_79 = arith.constant 9.99999996E-13 : f32
    %max3A_80 = arith.maximumf %mul3A_78, %max3A_79 : f32
    %div3A_81 = arith.divf %get3A_75, %max3A_80 : f32
    %eq3A_82 = arith.constant 6 : i32
    %eq3A_83 = vector.broadcast %eq3A_82 : i32 to vector<512x16xi32>
    %eq3A_84 = arith.cmpi eq, %iota3A_15, %eq3A_83 : vector<512x16xi32>
    %broadcast_in_dim3A_85 = vector.broadcast %div3A_81 : f32 to vector<512x16xf32>
    %select_n3A_86 = arith.select %eq3A_84, %broadcast_in_dim3A_85, %select_n3A_72 : vector<512x16xi1>, vector<512x16xf32>
    %get3A_87 = arith.constant 0 : index
    %get3A_88 = arith.constant 5 : index
    %get3A_89 = memref.load %arg1[%get3A_87, %get3A_88] : memref<1x15xf32, #tpu.memory_space<smem>>
    %abs3A_90 = math.absf %get3A_89 : f32
    %mul3A_91 = arith.constant 2.82842708 : f32
    %mul3A_92 = arith.mulf %abs3A_90, %mul3A_91 : f32
    %max3A_93 = arith.constant 9.99999996E-13 : f32
    %max3A_94 = arith.maximumf %mul3A_92, %max3A_93 : f32
    %div3A_95 = arith.divf %get3A_89, %max3A_94 : f32
    %eq3A_96 = arith.constant 7 : i32
    %eq3A_97 = vector.broadcast %eq3A_96 : i32 to vector<512x16xi32>
    %eq3A_98 = arith.cmpi eq, %iota3A_15, %eq3A_97 : vector<512x16xi32>
    %broadcast_in_dim3A_99 = vector.broadcast %div3A_95 : f32 to vector<512x16xf32>
    %select_n3A_100 = arith.select %eq3A_98, %broadcast_in_dim3A_99, %select_n3A_86 : vector<512x16xi1>, vector<512x16xf32>
    %get3A_101 = arith.constant 0 : index
    %get3A_102 = arith.constant 6 : index
    %get3A_103 = memref.load %arg1[%get3A_101, %get3A_102] : memref<1x15xf32, #tpu.memory_space<smem>>
    %abs3A_104 = math.absf %get3A_103 : f32
    %mul3A_105 = arith.constant 2.82842708 : f32
    %mul3A_106 = arith.mulf %abs3A_104, %mul3A_105 : f32
    %max3A_107 = arith.constant 9.99999996E-13 : f32
    %max3A_108 = arith.maximumf %mul3A_106, %max3A_107 : f32
    %div3A_109 = arith.divf %get3A_103, %max3A_108 : f32
    %eq3A_110 = arith.constant 8 : i32
    %eq3A_111 = vector.broadcast %eq3A_110 : i32 to vector<512x16xi32>
    %eq3A_112 = arith.cmpi eq, %iota3A_15, %eq3A_111 : vector<512x16xi32>
    %broadcast_in_dim3A_113 = vector.broadcast %div3A_109 : f32 to vector<512x16xf32>
    %select_n3A_114 = arith.select %eq3A_112, %broadcast_in_dim3A_113, %select_n3A_100 : vector<512x16xi1>, vector<512x16xf32>
    %get3A_115 = arith.constant 0 : index
    %get3A_116 = arith.constant 7 : index
    %get3A_117 = memref.load %arg1[%get3A_115, %get3A_116] : memref<1x15xf32, #tpu.memory_space<smem>>
    %abs3A_118 = math.absf %get3A_117 : f32
    %mul3A_119 = arith.constant 2.82842708 : f32
    %mul3A_120 = arith.mulf %abs3A_118, %mul3A_119 : f32
    %max3A_121 = arith.constant 9.99999996E-13 : f32
    %max3A_122 = arith.maximumf %mul3A_120, %max3A_121 : f32
    %div3A_123 = arith.divf %get3A_117, %max3A_122 : f32
    %eq3A_124 = arith.constant 9 : i32
    %eq3A_125 = vector.broadcast %eq3A_124 : i32 to vector<512x16xi32>
    %eq3A_126 = arith.cmpi eq, %iota3A_15, %eq3A_125 : vector<512x16xi32>
    %broadcast_in_dim3A_127 = vector.broadcast %div3A_123 : f32 to vector<512x16xf32>
    %select_n3A_128 = arith.select %eq3A_126, %broadcast_in_dim3A_127, %select_n3A_114 : vector<512x16xi1>, vector<512x16xf32>
    %get3A_129 = arith.constant 0 : index
    %get3A_130 = arith.constant 8 : index
    %get3A_131 = memref.load %arg1[%get3A_129, %get3A_130] : memref<1x15xf32, #tpu.memory_space<smem>>
    %abs3A_132 = math.absf %get3A_131 : f32
    %mul3A_133 = arith.constant 2.82842708 : f32
    %mul3A_134 = arith.mulf %abs3A_132, %mul3A_133 : f32
    %max3A_135 = arith.constant 9.99999996E-13 : f32
    %max3A_136 = arith.maximumf %mul3A_134, %max3A_135 : f32
    %div3A_137 = arith.divf %get3A_131, %max3A_136 : f32
    %eq3A_138 = arith.constant 10 : i32
    %eq3A_139 = vector.broadcast %eq3A_138 : i32 to vector<512x16xi32>
    %eq3A_140 = arith.cmpi eq, %iota3A_15, %eq3A_139 : vector<512x16xi32>
    %broadcast_in_dim3A_141 = vector.broadcast %div3A_137 : f32 to vector<512x16xf32>
    %select_n3A_142 = arith.select %eq3A_140, %broadcast_in_dim3A_141, %select_n3A_128 : vector<512x16xi1>, vector<512x16xf32>
    %get3A_143 = arith.constant 0 : index
    %get3A_144 = arith.constant 9 : index
    %get3A_145 = memref.load %arg1[%get3A_143, %get3A_144] : memref<1x15xf32, #tpu.memory_space<smem>>
    %abs3A_146 = math.absf %get3A_145 : f32
    %mul3A_147 = arith.constant 2.82842708 : f32
    %mul3A_148 = arith.mulf %abs3A_146, %mul3A_147 : f32
    %max3A_149 = arith.constant 9.99999996E-13 : f32
    %max3A_150 = arith.maximumf %mul3A_148, %max3A_149 : f32
    %div3A_151 = arith.divf %get3A_145, %max3A_150 : f32
    %eq3A_152 = arith.constant 11 : i32
    %eq3A_153 = vector.broadcast %eq3A_152 : i32 to vector<512x16xi32>
    %eq3A_154 = arith.cmpi eq, %iota3A_15, %eq3A_153 : vector<512x16xi32>
    %broadcast_in_dim3A_155 = vector.broadcast %div3A_151 : f32 to vector<512x16xf32>
    %select_n3A_156 = arith.select %eq3A_154, %broadcast_in_dim3A_155, %select_n3A_142 : vector<512x16xi1>, vector<512x16xf32>
    %get3A_157 = arith.constant 0 : index
    %get3A_158 = arith.constant 10 : index
    %get3A_159 = memref.load %arg1[%get3A_157, %get3A_158] : memref<1x15xf32, #tpu.memory_space<smem>>
    %abs3A_160 = math.absf %get3A_159 : f32
    %mul3A_161 = arith.constant 2.82842708 : f32
    %mul3A_162 = arith.mulf %abs3A_160, %mul3A_161 : f32
    %max3A_163 = arith.constant 9.99999996E-13 : f32
    %max3A_164 = arith.maximumf %mul3A_162, %max3A_163 : f32
    %div3A_165 = arith.divf %get3A_159, %max3A_164 : f32
    %eq3A_166 = arith.constant 12 : i32
    %eq3A_167 = vector.broadcast %eq3A_166 : i32 to vector<512x16xi32>
    %eq3A_168 = arith.cmpi eq, %iota3A_15, %eq3A_167 : vector<512x16xi32>
    %broadcast_in_dim3A_169 = vector.broadcast %div3A_165 : f32 to vector<512x16xf32>
    %select_n3A_170 = arith.select %eq3A_168, %broadcast_in_dim3A_169, %select_n3A_156 : vector<512x16xi1>, vector<512x16xf32>
    %get3A_171 = arith.constant 0 : index
    %get3A_172 = arith.constant 11 : index
    %get3A_173 = memref.load %arg1[%get3A_171, %get3A_172] : memref<1x15xf32, #tpu.memory_space<smem>>
    %abs3A_174 = math.absf %get3A_173 : f32
    %mul3A_175 = arith.constant 2.82842708 : f32
    %mul3A_176 = arith.mulf %abs3A_174, %mul3A_175 : f32
    %max3A_177 = arith.constant 9.99999996E-13 : f32
    %max3A_178 = arith.maximumf %mul3A_176, %max3A_177 : f32
    %div3A_179 = arith.divf %get3A_173, %max3A_178 : f32
    %eq3A_180 = arith.constant 13 : i32
    %eq3A_181 = vector.broadcast %eq3A_180 : i32 to vector<512x16xi32>
    %eq3A_182 = arith.cmpi eq, %iota3A_15, %eq3A_181 : vector<512x16xi32>
    %broadcast_in_dim3A_183 = vector.broadcast %div3A_179 : f32 to vector<512x16xf32>
    %select_n3A_184 = arith.select %eq3A_182, %broadcast_in_dim3A_183, %select_n3A_170 : vector<512x16xi1>, vector<512x16xf32>
    %get3A_185 = arith.constant 0 : index
    %get3A_186 = arith.constant 12 : index
    %get3A_187 = memref.load %arg1[%get3A_185, %get3A_186] : memref<1x15xf32, #tpu.memory_space<smem>>
    %abs3A_188 = math.absf %get3A_187 : f32
    %mul3A_189 = arith.constant 2.82842708 : f32
    %mul3A_190 = arith.mulf %abs3A_188, %mul3A_189 : f32
    %max3A_191 = arith.constant 9.99999996E-13 : f32
    %max3A_192 = arith.maximumf %mul3A_190, %max3A_191 : f32
    %div3A_193 = arith.divf %get3A_187, %max3A_192 : f32
    %eq3A_194 = arith.constant 14 : i32
    %eq3A_195 = vector.broadcast %eq3A_194 : i32 to vector<512x16xi32>
    %eq3A_196 = arith.cmpi eq, %iota3A_15, %eq3A_195 : vector<512x16xi32>
    %broadcast_in_dim3A_197 = vector.broadcast %div3A_193 : f32 to vector<512x16xf32>
    %select_n3A_198 = arith.select %eq3A_196, %broadcast_in_dim3A_197, %select_n3A_184 : vector<512x16xi1>, vector<512x16xf32>
    %get3A_199 = arith.constant 0 : index
    %get3A_200 = arith.constant 13 : index
    %get3A_201 = memref.load %arg1[%get3A_199, %get3A_200] : memref<1x15xf32, #tpu.memory_space<smem>>
    %abs3A_202 = math.absf %get3A_201 : f32
    %mul3A_203 = arith.constant 2.82842708 : f32
    %mul3A_204 = arith.mulf %abs3A_202, %mul3A_203 : f32
    %max3A_205 = arith.constant 9.99999996E-13 : f32
    %max3A_206 = arith.maximumf %mul3A_204, %max3A_205 : f32
    %div3A_207 = arith.divf %get3A_201, %max3A_206 : f32
    %eq3A_208 = arith.constant 15 : i32
    %eq3A_209 = vector.broadcast %eq3A_208 : i32 to vector<512x16xi32>
    %eq3A_210 = arith.cmpi eq, %iota3A_15, %eq3A_209 : vector<512x16xi32>
    %broadcast_in_dim3A_211 = vector.broadcast %div3A_207 : f32 to vector<512x16xf32>
    %select_n3A_212 = arith.select %eq3A_210, %broadcast_in_dim3A_211, %select_n3A_198 : vector<512x16xi1>, vector<512x16xf32>
    %sub3A = arith.constant 1 : i32
    %sub3A_213 = vector.broadcast %sub3A : i32 to vector<512x16xi32>
    %sub3A_214 = arith.subi %iota3A_15, %sub3A_213 : vector<512x16xi32>
    %mul3A_215 = arith.constant 32 : i32
    %mul3A_216 = vector.broadcast %mul3A_215 : i32 to vector<512x16xi32>
    %mul3A_217 = arith.muli %sub3A_214, %mul3A_216 : vector<512x16xi32>
    %ge3A = arith.cmpi sge, %iota3A_14, %mul3A_217 : vector<512x16xi32>
    %add3A = arith.constant 8 : i32
    %add3A_218 = vector.broadcast %add3A : i32 to vector<512x16xi32>
    %add3A_219 = arith.addi %mul3A_217, %add3A_218 : vector<512x16xi32>
    %lt3A = arith.cmpi slt, %iota3A_14, %add3A_219 : vector<512x16xi32>
    %and3A = arith.andi %ge3A, %lt3A : vector<512x16xi1>
    %ge3A_220 = arith.constant 2 : i32
    %ge3A_221 = vector.broadcast %ge3A_220 : i32 to vector<512x16xi32>
    %ge3A_222 = arith.cmpi sge, %iota3A_15, %ge3A_221 : vector<512x16xi32>
    %and3A_223 = arith.andi %and3A, %ge3A_222 : vector<512x16xi1>
    %jit3A_224 = arith.constant 0.000000e+00 : f32
    %broadcast_in_dim3A_225 = vector.broadcast %jit3A_224 : f32 to vector<512x16xf32>
    %select_n3A_226 = arith.select %and3A_223, %select_n3A_212, %broadcast_in_dim3A_225 : vector<512x16xi1>, vector<512x16xf32>
    %swap3A_227 = arith.constant 0 : index
    %swap3A_228 = arith.constant 0 : index
    %swap3A_229 = vector.load %arg4[%swap3A_227, %swap3A_228] : memref<512x16xf32, #tpu.memory_space<vmem>>, vector<512x16xf32>
    tpu.vector_store %arg4[%swap3A_227, %swap3A_228], %select_n3A_226 {strides = array<i32>} : memref<512x16xf32, #tpu.memory_space<vmem>>, vector<512x16xf32>,
    return
  }
  func.func @transform_0(%arg0: i32) -> (i32, i32) {
    %c0_i32 = arith.constant 0 : i32
    %c0_i32_0 = arith.constant 0 : i32
    %c0_i32_1 = arith.constant 0 : i32
    return %c0_i32, %c0_i32_0 : i32, i32
  }
  func.func @transform_1(%arg0: i32) -> (i32, i32) {
    %c3_i32 = arith.constant 3 : i32
    %c0_i32 = arith.constant 0 : i32
    %c0_i32_0 = arith.constant 0 : i32
    return %c3_i32, %c0_i32 : i32, i32
  }
  func.func @transform_2(%arg0: i32) -> (i32, i32) {
    %c0_i32 = arith.constant 0 : i32
    %c0_i32_0 = arith.constant 0 : i32
    %c0_i32_1 = arith.constant 0 : i32
    return %c0_i32, %c0_i32_0 : i32, i32
  }
  func.func @transform_3(%arg0: i32) -> (i32, i32) {
    %c0_i32 = arith.constant 0 : i32
    %c0_i32_0 = arith.constant 0 : i32
    %c0_i32_1 = arith.constant 0 : i32
    return %c0_i32, %c0_i32_0 : i32, i32
  }
}

module attributes {stable_mosaic.version = 14 : i64} {
  func.func @_gz_body(%arg0: i32, %arg1: memref<1x15xf32, #tpu.memory_space<smem>>, %arg2: memref<64x512xf32, #tpu.memory_space<vmem>>, %arg3: memref<512x1024xf32, #tpu.memory_space<vmem>>, %arg4: memref<512x1024xf32, #tpu.memory_space<vmem>>) attributes {dimension_semantics = [#tpu.dimension_semantics<arbitrary>], iteration_bounds = array<i64: 16>, scalar_prefetch = 0 : i64, scratch_operands = 0 : i64, tpu.core_type = #tpu.core_type<tc>, window_params = [{transform_indices = @transform_0, window_bounds = array<i64: 1, 15>}, {transform_indices = @transform_1, window_bounds = array<i64: 64, 512>}, {transform_indices = @transform_2, window_bounds = array<i64: 512, 1024>}, {transform_indices = @transform_3, window_bounds = array<i64: 512, 1024>}]} {
    %get3A = arith.constant 0 : index
    %get3A_0 = arith.constant 0 : index
    %get3A_1 = vector.load %arg2[%get3A, %get3A_0] : memref<64x512xf32, #tpu.memory_space<vmem>>, vector<64x512xf32>
    %mul3A = arith.mulf %get3A_1, %get3A_1 : vector<64x512xf32>
    %reduce_sum3A = arith.constant dense<0.000000e+00> : vector<64xf32>
    %reduce_sum3A_2 = vector.multi_reduction <add>, %mul3A, %reduce_sum3A [1] : vector<64x512xf32> to vector<64xf32>
    %sqrt3A = math.sqrt %reduce_sum3A_2 : vector<64xf32>
    %max3A = arith.constant 9.99999996E-13 : f32
    %max3A_3 = vector.broadcast %max3A : f32 to vector<64xf32>
    %max3A_4 = arith.maximumf %sqrt3A, %max3A_3 : vector<64xf32>
    %div3A = arith.constant 1.000000e+00 : f32
    %div3A_5 = vector.broadcast %div3A : f32 to vector<64xf32>
    %div3A_6 = arith.divf %div3A_5, %max3A_4 : vector<64xf32>
    %iota3A = tpu.iota {dimensions = array<i32: 1>} : vector<64x1024xi32>
    %iota3A_7 = tpu.iota {dimensions = array<i32: 0>} : vector<64x1024xi32>
    %mul3A_8 = arith.constant 16 : i32
    %mul3A_9 = vector.broadcast %mul3A_8 : i32 to vector<64x1024xi32>
    %mul3A_10 = arith.muli %iota3A_7, %mul3A_9 : vector<64x1024xi32>
    %eq3A = arith.cmpi eq, %iota3A, %mul3A_10 : vector<64x1024xi32>
    %broadcast_in_dim3A = vector.shape_cast %div3A_6 : vector<64xf32> to vector<64x1xf32>
    %jit3A = arith.constant 0.000000e+00 : f32
    %broadcast_in_dim3A_11 = vector.shape_cast %broadcast_in_dim3A : vector<64x1xf32> to vector<64x1xf32>
    %broadcast_in_dim3A_12 = vector.broadcast %broadcast_in_dim3A_11 : vector<64x1xf32> to vector<64x1024xf32>
    %broadcast_in_dim3A_13 = vector.broadcast %jit3A : f32 to vector<64x1024xf32>
    %select_n3A = arith.select %eq3A, %broadcast_in_dim3A_12, %broadcast_in_dim3A_13 : vector<64x1024xi1>, vector<64x1024xf32>
    %dot_general3A = arith.constant dense<0.000000e+00> : vector<512x1024xf32>
    %dot_general3A_14 = tpu.matmul %get3A_1, %select_n3A, %dot_general3A {dimension_numbers = #tpu.dot_dimension_numbers<[0], [0], [1], [1], [0, 1, 1, 1], [], []>, transpose_lhs_hint = false} : vector<64x512xf32>, vector<64x1024xf32>, vector<512x1024xf32> -> vector<512x1024xf32>
    %iota3A_15 = tpu.iota {dimensions = array<i32: 0>} : vector<512x16xi32>
    %iota3A_16 = tpu.iota {dimensions = array<i32: 1>} : vector<512x16xi32>
    %broadcast_in_dim3A_17 = arith.constant 0.000000e+00 : f32
    %broadcast_in_dim3A_18 = vector.broadcast %broadcast_in_dim3A_17 : f32 to vector<512x16xf32>
    %get3A_19 = arith.constant 0 : index
    %get3A_20 = arith.constant 0 : index
    %get3A_21 = memref.load %arg1[%get3A_19, %get3A_20] : memref<1x15xf32, #tpu.memory_space<smem>>
    %abs3A = math.absf %get3A_21 : f32
    %mul3A_22 = arith.constant 2.82842708 : f32
    %mul3A_23 = arith.mulf %abs3A, %mul3A_22 : f32
    %max3A_24 = arith.constant 9.99999996E-13 : f32
    %max3A_25 = arith.maximumf %mul3A_23, %max3A_24 : f32
    %div3A_26 = arith.divf %get3A_21, %max3A_25 : f32
    %eq3A_27 = arith.constant 2 : i32
    %eq3A_28 = vector.broadcast %eq3A_27 : i32 to vector<512x16xi32>
    %eq3A_29 = arith.cmpi eq, %iota3A_16, %eq3A_28 : vector<512x16xi32>
    %broadcast_in_dim3A_30 = vector.broadcast %div3A_26 : f32 to vector<512x16xf32>
    %select_n3A_31 = arith.select %eq3A_29, %broadcast_in_dim3A_30, %broadcast_in_dim3A_18 : vector<512x16xi1>, vector<512x16xf32>
    %get3A_32 = arith.constant 0 : index
    %get3A_33 = arith.constant 1 : index
    %get3A_34 = memref.load %arg1[%get3A_32, %get3A_33] : memref<1x15xf32, #tpu.memory_space<smem>>
    %abs3A_35 = math.absf %get3A_34 : f32
    %mul3A_36 = arith.constant 2.82842708 : f32
    %mul3A_37 = arith.mulf %abs3A_35, %mul3A_36 : f32
    %max3A_38 = arith.constant 9.99999996E-13 : f32
    %max3A_39 = arith.maximumf %mul3A_37, %max3A_38 : f32
    %div3A_40 = arith.divf %get3A_34, %max3A_39 : f32
    %eq3A_41 = arith.constant 3 : i32
    %eq3A_42 = vector.broadcast %eq3A_41 : i32 to vector<512x16xi32>
    %eq3A_43 = arith.cmpi eq, %iota3A_16, %eq3A_42 : vector<512x16xi32>
    %broadcast_in_dim3A_44 = vector.broadcast %div3A_40 : f32 to vector<512x16xf32>
    %select_n3A_45 = arith.select %eq3A_43, %broadcast_in_dim3A_44, %select_n3A_31 : vector<512x16xi1>, vector<512x16xf32>
    %get3A_46 = arith.constant 0 : index
    %get3A_47 = arith.constant 2 : index
    %get3A_48 = memref.load %arg1[%get3A_46, %get3A_47] : memref<1x15xf32, #tpu.memory_space<smem>>
    %abs3A_49 = math.absf %get3A_48 : f32
    %mul3A_50 = arith.constant 2.82842708 : f32
    %mul3A_51 = arith.mulf %abs3A_49, %mul3A_50 : f32
    %max3A_52 = arith.constant 9.99999996E-13 : f32
    %max3A_53 = arith.maximumf %mul3A_51, %max3A_52 : f32
    %div3A_54 = arith.divf %get3A_48, %max3A_53 : f32
    %eq3A_55 = arith.constant 4 : i32
    %eq3A_56 = vector.broadcast %eq3A_55 : i32 to vector<512x16xi32>
    %eq3A_57 = arith.cmpi eq, %iota3A_16, %eq3A_56 : vector<512x16xi32>
    %broadcast_in_dim3A_58 = vector.broadcast %div3A_54 : f32 to vector<512x16xf32>
    %select_n3A_59 = arith.select %eq3A_57, %broadcast_in_dim3A_58, %select_n3A_45 : vector<512x16xi1>, vector<512x16xf32>
    %get3A_60 = arith.constant 0 : index
    %get3A_61 = arith.constant 3 : index
    %get3A_62 = memref.load %arg1[%get3A_60, %get3A_61] : memref<1x15xf32, #tpu.memory_space<smem>>
    %abs3A_63 = math.absf %get3A_62 : f32
    %mul3A_64 = arith.constant 2.82842708 : f32
    %mul3A_65 = arith.mulf %abs3A_63, %mul3A_64 : f32
    %max3A_66 = arith.constant 9.99999996E-13 : f32
    %max3A_67 = arith.maximumf %mul3A_65, %max3A_66 : f32
    %div3A_68 = arith.divf %get3A_62, %max3A_67 : f32
    %eq3A_69 = arith.constant 5 : i32
    %eq3A_70 = vector.broadcast %eq3A_69 : i32 to vector<512x16xi32>
    %eq3A_71 = arith.cmpi eq, %iota3A_16, %eq3A_70 : vector<512x16xi32>
    %broadcast_in_dim3A_72 = vector.broadcast %div3A_68 : f32 to vector<512x16xf32>
    %select_n3A_73 = arith.select %eq3A_71, %broadcast_in_dim3A_72, %select_n3A_59 : vector<512x16xi1>, vector<512x16xf32>
    %get3A_74 = arith.constant 0 : index
    %get3A_75 = arith.constant 4 : index
    %get3A_76 = memref.load %arg1[%get3A_74, %get3A_75] : memref<1x15xf32, #tpu.memory_space<smem>>
    %abs3A_77 = math.absf %get3A_76 : f32
    %mul3A_78 = arith.constant 2.82842708 : f32
    %mul3A_79 = arith.mulf %abs3A_77, %mul3A_78 : f32
    %max3A_80 = arith.constant 9.99999996E-13 : f32
    %max3A_81 = arith.maximumf %mul3A_79, %max3A_80 : f32
    %div3A_82 = arith.divf %get3A_76, %max3A_81 : f32
    %eq3A_83 = arith.constant 6 : i32
    %eq3A_84 = vector.broadcast %eq3A_83 : i32 to vector<512x16xi32>
    %eq3A_85 = arith.cmpi eq, %iota3A_16, %eq3A_84 : vector<512x16xi32>
    %broadcast_in_dim3A_86 = vector.broadcast %div3A_82 : f32 to vector<512x16xf32>
    %select_n3A_87 = arith.select %eq3A_85, %broadcast_in_dim3A_86, %select_n3A_73 : vector<512x16xi1>, vector<512x16xf32>
    %get3A_88 = arith.constant 0 : index
    %get3A_89 = arith.constant 5 : index
    %get3A_90 = memref.load %arg1[%get3A_88, %get3A_89] : memref<1x15xf32, #tpu.memory_space<smem>>
    %abs3A_91 = math.absf %get3A_90 : f32
    %mul3A_92 = arith.constant 2.82842708 : f32
    %mul3A_93 = arith.mulf %abs3A_91, %mul3A_92 : f32
    %max3A_94 = arith.constant 9.99999996E-13 : f32
    %max3A_95 = arith.maximumf %mul3A_93, %max3A_94 : f32
    %div3A_96 = arith.divf %get3A_90, %max3A_95 : f32
    %eq3A_97 = arith.constant 7 : i32
    %eq3A_98 = vector.broadcast %eq3A_97 : i32 to vector<512x16xi32>
    %eq3A_99 = arith.cmpi eq, %iota3A_16, %eq3A_98 : vector<512x16xi32>
    %broadcast_in_dim3A_100 = vector.broadcast %div3A_96 : f32 to vector<512x16xf32>
    %select_n3A_101 = arith.select %eq3A_99, %broadcast_in_dim3A_100, %select_n3A_87 : vector<512x16xi1>, vector<512x16xf32>
    %get3A_102 = arith.constant 0 : index
    %get3A_103 = arith.constant 6 : index
    %get3A_104 = memref.load %arg1[%get3A_102, %get3A_103] : memref<1x15xf32, #tpu.memory_space<smem>>
    %abs3A_105 = math.absf %get3A_104 : f32
    %mul3A_106 = arith.constant 2.82842708 : f32
    %mul3A_107 = arith.mulf %abs3A_105, %mul3A_106 : f32
    %max3A_108 = arith.constant 9.99999996E-13 : f32
    %max3A_109 = arith.maximumf %mul3A_107, %max3A_108 : f32
    %div3A_110 = arith.divf %get3A_104, %max3A_109 : f32
    %eq3A_111 = arith.constant 8 : i32
    %eq3A_112 = vector.broadcast %eq3A_111 : i32 to vector<512x16xi32>
    %eq3A_113 = arith.cmpi eq, %iota3A_16, %eq3A_112 : vector<512x16xi32>
    %broadcast_in_dim3A_114 = vector.broadcast %div3A_110 : f32 to vector<512x16xf32>
    %select_n3A_115 = arith.select %eq3A_113, %broadcast_in_dim3A_114, %select_n3A_101 : vector<512x16xi1>, vector<512x16xf32>
    %get3A_116 = arith.constant 0 : index
    %get3A_117 = arith.constant 7 : index
    %get3A_118 = memref.load %arg1[%get3A_116, %get3A_117] : memref<1x15xf32, #tpu.memory_space<smem>>
    %abs3A_119 = math.absf %get3A_118 : f32
    %mul3A_120 = arith.constant 2.82842708 : f32
    %mul3A_121 = arith.mulf %abs3A_119, %mul3A_120 : f32
    %max3A_122 = arith.constant 9.99999996E-13 : f32
    %max3A_123 = arith.maximumf %mul3A_121, %max3A_122 : f32
    %div3A_124 = arith.divf %get3A_118, %max3A_123 : f32
    %eq3A_125 = arith.constant 9 : i32
    %eq3A_126 = vector.broadcast %eq3A_125 : i32 to vector<512x16xi32>
    %eq3A_127 = arith.cmpi eq, %iota3A_16, %eq3A_126 : vector<512x16xi32>
    %broadcast_in_dim3A_128 = vector.broadcast %div3A_124 : f32 to vector<512x16xf32>
    %select_n3A_129 = arith.select %eq3A_127, %broadcast_in_dim3A_128, %select_n3A_115 : vector<512x16xi1>, vector<512x16xf32>
    %get3A_130 = arith.constant 0 : index
    %get3A_131 = arith.constant 8 : index
    %get3A_132 = memref.load %arg1[%get3A_130, %get3A_131] : memref<1x15xf32, #tpu.memory_space<smem>>
    %abs3A_133 = math.absf %get3A_132 : f32
    %mul3A_134 = arith.constant 2.82842708 : f32
    %mul3A_135 = arith.mulf %abs3A_133, %mul3A_134 : f32
    %max3A_136 = arith.constant 9.99999996E-13 : f32
    %max3A_137 = arith.maximumf %mul3A_135, %max3A_136 : f32
    %div3A_138 = arith.divf %get3A_132, %max3A_137 : f32
    %eq3A_139 = arith.constant 10 : i32
    %eq3A_140 = vector.broadcast %eq3A_139 : i32 to vector<512x16xi32>
    %eq3A_141 = arith.cmpi eq, %iota3A_16, %eq3A_140 : vector<512x16xi32>
    %broadcast_in_dim3A_142 = vector.broadcast %div3A_138 : f32 to vector<512x16xf32>
    %select_n3A_143 = arith.select %eq3A_141, %broadcast_in_dim3A_142, %select_n3A_129 : vector<512x16xi1>, vector<512x16xf32>
    %get3A_144 = arith.constant 0 : index
    %get3A_145 = arith.constant 9 : index
    %get3A_146 = memref.load %arg1[%get3A_144, %get3A_145] : memref<1x15xf32, #tpu.memory_space<smem>>
    %abs3A_147 = math.absf %get3A_146 : f32
    %mul3A_148 = arith.constant 2.82842708 : f32
    %mul3A_149 = arith.mulf %abs3A_147, %mul3A_148 : f32
    %max3A_150 = arith.constant 9.99999996E-13 : f32
    %max3A_151 = arith.maximumf %mul3A_149, %max3A_150 : f32
    %div3A_152 = arith.divf %get3A_146, %max3A_151 : f32
    %eq3A_153 = arith.constant 11 : i32
    %eq3A_154 = vector.broadcast %eq3A_153 : i32 to vector<512x16xi32>
    %eq3A_155 = arith.cmpi eq, %iota3A_16, %eq3A_154 : vector<512x16xi32>
    %broadcast_in_dim3A_156 = vector.broadcast %div3A_152 : f32 to vector<512x16xf32>
    %select_n3A_157 = arith.select %eq3A_155, %broadcast_in_dim3A_156, %select_n3A_143 : vector<512x16xi1>, vector<512x16xf32>
    %get3A_158 = arith.constant 0 : index
    %get3A_159 = arith.constant 10 : index
    %get3A_160 = memref.load %arg1[%get3A_158, %get3A_159] : memref<1x15xf32, #tpu.memory_space<smem>>
    %abs3A_161 = math.absf %get3A_160 : f32
    %mul3A_162 = arith.constant 2.82842708 : f32
    %mul3A_163 = arith.mulf %abs3A_161, %mul3A_162 : f32
    %max3A_164 = arith.constant 9.99999996E-13 : f32
    %max3A_165 = arith.maximumf %mul3A_163, %max3A_164 : f32
    %div3A_166 = arith.divf %get3A_160, %max3A_165 : f32
    %eq3A_167 = arith.constant 12 : i32
    %eq3A_168 = vector.broadcast %eq3A_167 : i32 to vector<512x16xi32>
    %eq3A_169 = arith.cmpi eq, %iota3A_16, %eq3A_168 : vector<512x16xi32>
    %broadcast_in_dim3A_170 = vector.broadcast %div3A_166 : f32 to vector<512x16xf32>
    %select_n3A_171 = arith.select %eq3A_169, %broadcast_in_dim3A_170, %select_n3A_157 : vector<512x16xi1>, vector<512x16xf32>
    %get3A_172 = arith.constant 0 : index
    %get3A_173 = arith.constant 11 : index
    %get3A_174 = memref.load %arg1[%get3A_172, %get3A_173] : memref<1x15xf32, #tpu.memory_space<smem>>
    %abs3A_175 = math.absf %get3A_174 : f32
    %mul3A_176 = arith.constant 2.82842708 : f32
    %mul3A_177 = arith.mulf %abs3A_175, %mul3A_176 : f32
    %max3A_178 = arith.constant 9.99999996E-13 : f32
    %max3A_179 = arith.maximumf %mul3A_177, %max3A_178 : f32
    %div3A_180 = arith.divf %get3A_174, %max3A_179 : f32
    %eq3A_181 = arith.constant 13 : i32
    %eq3A_182 = vector.broadcast %eq3A_181 : i32 to vector<512x16xi32>
    %eq3A_183 = arith.cmpi eq, %iota3A_16, %eq3A_182 : vector<512x16xi32>
    %broadcast_in_dim3A_184 = vector.broadcast %div3A_180 : f32 to vector<512x16xf32>
    %select_n3A_185 = arith.select %eq3A_183, %broadcast_in_dim3A_184, %select_n3A_171 : vector<512x16xi1>, vector<512x16xf32>
    %get3A_186 = arith.constant 0 : index
    %get3A_187 = arith.constant 12 : index
    %get3A_188 = memref.load %arg1[%get3A_186, %get3A_187] : memref<1x15xf32, #tpu.memory_space<smem>>
    %abs3A_189 = math.absf %get3A_188 : f32
    %mul3A_190 = arith.constant 2.82842708 : f32
    %mul3A_191 = arith.mulf %abs3A_189, %mul3A_190 : f32
    %max3A_192 = arith.constant 9.99999996E-13 : f32
    %max3A_193 = arith.maximumf %mul3A_191, %max3A_192 : f32
    %div3A_194 = arith.divf %get3A_188, %max3A_193 : f32
    %eq3A_195 = arith.constant 14 : i32
    %eq3A_196 = vector.broadcast %eq3A_195 : i32 to vector<512x16xi32>
    %eq3A_197 = arith.cmpi eq, %iota3A_16, %eq3A_196 : vector<512x16xi32>
    %broadcast_in_dim3A_198 = vector.broadcast %div3A_194 : f32 to vector<512x16xf32>
    %select_n3A_199 = arith.select %eq3A_197, %broadcast_in_dim3A_198, %select_n3A_185 : vector<512x16xi1>, vector<512x16xf32>
    %get3A_200 = arith.constant 0 : index
    %get3A_201 = arith.constant 13 : index
    %get3A_202 = memref.load %arg1[%get3A_200, %get3A_201] : memref<1x15xf32, #tpu.memory_space<smem>>
    %abs3A_203 = math.absf %get3A_202 : f32
    %mul3A_204 = arith.constant 2.82842708 : f32
    %mul3A_205 = arith.mulf %abs3A_203, %mul3A_204 : f32
    %max3A_206 = arith.constant 9.99999996E-13 : f32
    %max3A_207 = arith.maximumf %mul3A_205, %max3A_206 : f32
    %div3A_208 = arith.divf %get3A_202, %max3A_207 : f32
    %eq3A_209 = arith.constant 15 : i32
    %eq3A_210 = vector.broadcast %eq3A_209 : i32 to vector<512x16xi32>
    %eq3A_211 = arith.cmpi eq, %iota3A_16, %eq3A_210 : vector<512x16xi32>
    %broadcast_in_dim3A_212 = vector.broadcast %div3A_208 : f32 to vector<512x16xf32>
    %select_n3A_213 = arith.select %eq3A_211, %broadcast_in_dim3A_212, %select_n3A_199 : vector<512x16xi1>, vector<512x16xf32>
    %sub3A = arith.constant 1 : i32
    %sub3A_214 = vector.broadcast %sub3A : i32 to vector<512x16xi32>
    %sub3A_215 = arith.subi %iota3A_16, %sub3A_214 : vector<512x16xi32>
    %mul3A_216 = arith.constant 32 : i32
    %mul3A_217 = vector.broadcast %mul3A_216 : i32 to vector<512x16xi32>
    %mul3A_218 = arith.muli %sub3A_215, %mul3A_217 : vector<512x16xi32>
    %ge3A = arith.cmpi sge, %iota3A_15, %mul3A_218 : vector<512x16xi32>
    %add3A = arith.constant 8 : i32
    %add3A_219 = vector.broadcast %add3A : i32 to vector<512x16xi32>
    %add3A_220 = arith.addi %mul3A_218, %add3A_219 : vector<512x16xi32>
    %lt3A = arith.cmpi slt, %iota3A_15, %add3A_220 : vector<512x16xi32>
    %and3A = arith.andi %ge3A, %lt3A : vector<512x16xi1>
    %ge3A_221 = arith.constant 2 : i32
    %ge3A_222 = vector.broadcast %ge3A_221 : i32 to vector<512x16xi32>
    %ge3A_223 = arith.cmpi sge, %iota3A_16, %ge3A_222 : vector<512x16xi32>
    %and3A_224 = arith.andi %and3A, %ge3A_223 : vector<512x16xi1>
    %jit3A_225 = arith.constant 0.000000e+00 : f32
    %broadcast_in_dim3A_226 = vector.broadcast %jit3A_225 : f32 to vector<512x16xf32>
    %select_n3A_227 = arith.select %and3A_224, %select_n3A_213, %broadcast_in_dim3A_226 : vector<512x16xi1>, vector<512x16xf32>
    %iota3A_228 = tpu.iota {dimensions = array<i32: 0>} : vector<16x1024xi32>
    %iota3A_229 = tpu.iota {dimensions = array<i32: 1>} : vector<16x1024xi32>
    %jit3A_230 = arith.constant 16 : i32
    %eq3A_231 = arith.constant 0 : i32
    %eq3A_232 = arith.cmpi eq, %jit3A_230, %eq3A_231 : i32
    %jit3A_233 = arith.constant 1 : i32
    %select_n3A_234 = arith.select %eq3A_232, %jit3A_233, %jit3A_230 : i32
    %rem3A = vector.broadcast %select_n3A_234 : i32 to vector<16x1024xi32>
    %rem3A_235 = arith.remsi %iota3A_229, %rem3A : vector<16x1024xi32>
    %ne3A = arith.constant 0 : i32
    %ne3A_236 = vector.broadcast %ne3A : i32 to vector<16x1024xi32>
    %ne3A_237 = arith.cmpi ne, %rem3A_235, %ne3A_236 : vector<16x1024xi32>
    %lt3A_238 = arith.constant 0 : i32
    %lt3A_239 = vector.broadcast %lt3A_238 : i32 to vector<16x1024xi32>
    %lt3A_240 = arith.cmpi slt, %rem3A_235, %lt3A_239 : vector<16x1024xi32>
    %lt3A_241 = arith.constant 0 : i32
    %lt3A_242 = arith.cmpi slt, %select_n3A_234, %lt3A_241 : i32
    %ne3A_243 = vector.broadcast %lt3A_242 : i1 to vector<16x1024xi1>
    %ne3A_244 = vector.broadcast %ne3A_243 : vector<16x1024xi1> to vector<16x1024xi1>
    %ne3A_245 = arith.xori %lt3A_240, %ne3A_244 : vector<16x1024xi1>
    %and3A_246 = arith.andi %ne3A_245, %ne3A_237 : vector<16x1024xi1>
    %add3A_247 = vector.broadcast %select_n3A_234 : i32 to vector<16x1024xi32>
    %add3A_248 = arith.addi %rem3A_235, %add3A_247 : vector<16x1024xi32>
    %select_n3A_249 = arith.select %and3A_246, %add3A_248, %rem3A_235 : vector<16x1024xi1>, vector<16x1024xi32>
    %eq3A_250 = arith.cmpi eq, %select_n3A_249, %iota3A_228 : vector<16x1024xi32>
    %convert_element_type3A = arith.extui %eq3A_250 : vector<16x1024xi1> to vector<16x1024xi32>
    %convert_element_type3A_251 = arith.sitofp %convert_element_type3A : vector<16x1024xi32> to vector<16x1024xf32>
    %dot_general3A_252 = arith.constant dense<0.000000e+00> : vector<512x1024xf32>
    %dot_general3A_253 = tpu.matmul %select_n3A_227, %convert_element_type3A_251, %dot_general3A_252 {dimension_numbers = #tpu.dot_dimension_numbers<[1], [0], [0], [1], [0, 0, 1, 1], [], []>, transpose_lhs_hint = false} : vector<512x16xf32>, vector<16x1024xf32>, vector<512x1024xf32> -> vector<512x1024xf32>
    %add3A_254 = arith.addf %dot_general3A_14, %dot_general3A_253 : vector<512x1024xf32>
    %swap3A = arith.constant 0 : index
    %swap3A_255 = arith.constant 0 : index
    %swap3A_256 = vector.load %arg4[%swap3A, %swap3A_255] : memref<512x1024xf32, #tpu.memory_space<vmem>>, vector<512x1024xf32>
    tpu.vector_store %arg4[%swap3A, %swap3A_255], %add3A_254 {strides = array<i32>} : memref<512x1024xf32, #tpu.memory_space<vmem>>, vector<512x1024xf32>,
    %lt3A_257 = arith.constant 12 : i32
    %lt3A_258 = arith.cmpi slt, %arg0, %lt3A_257 : i32
    %convert_element_type3A_259 = arith.extui %lt3A_258 : i1 to i32
    %cond3A = arith.constant 0 : i32
    %cond3A_260 = arith.cmpi ne, %convert_element_type3A_259, %cond3A : i32
    scf.if %cond3A_260 {
      %swap3A_261 = arith.constant 0 : index
      %swap3A_262 = arith.constant 0 : index
      %swap3A_263 = vector.load %arg3[%swap3A_261, %swap3A_262] : memref<512x1024xf32, #tpu.memory_space<vmem>>, vector<512x1024xf32>
      tpu.vector_store %arg3[%swap3A_261, %swap3A_262], %add3A_254 {strides = array<i32>} : memref<512x1024xf32, #tpu.memory_space<vmem>>, vector<512x1024xf32>,
    } else {
    }
    return
  }
  func.func @transform_0(%arg0: i32) -> (i32, i32) {
    %c0_i32 = arith.constant 0 : i32
    %c0_i32_0 = arith.constant 0 : i32
    %c0_i32_1 = arith.constant 0 : i32
    return %c0_i32, %c0_i32_0 : i32, i32
  }
  func.func @transform_1(%arg0: i32) -> (i32, i32) {
    %c0_i32 = arith.constant 0 : i32
    %c0_i32_0 = arith.constant 0 : i32
    return %arg0, %c0_i32 : i32, i32
  }
  func.func @transform_2(%arg0: i32) -> (i32, i32) {
    %min3A = arith.constant 11 : i32
    %min3A_0 = arith.minsi %arg0, %min3A : i32
    %c0_i32 = arith.constant 0 : i32
    %c0_i32_1 = arith.constant 0 : i32
    return %c0_i32, %min3A_0 : i32, i32
  }
  func.func @transform_3(%arg0: i32) -> (i32, i32) {
    %c0_i32 = arith.constant 0 : i32
    %c0_i32_0 = arith.constant 0 : i32
    return %c0_i32, %arg0 : i32, i32
  }
}

</mosaic_0001>

<sc_bundles>
// kernel: kernel.5.cloned.1.call-start
scs
__scs_entry_jumppad:
0x0: {  	(pc) =	sbr.rel $0x88, $3  }
0x1: {  	(tag) =	ssettag $0x0;
	lr =	simm.s32 $0x1  }
0x2: {  	[smem:$0x3F9F] =	sst lr;
	_ =	strace $0xD0000000  }
0x3: {  	_ = 	snop  }
0x4: {  	_ = 	snop  }
0x5: {  	_ = 	snop  }
0x6: {  	_ = 	snop  }
0x7: {  	_ = 	snop  }
__scs_overlays_trampoline_lowered:
0x8: {  	[smem:$0x3FAE] =	sst s0  }
0x9: {  	[smem:$0x3FAF] =	sst s1  }
0xa: {  	[smem:$0x3FB0] =	sst s2  }
0xb: {  	[smem:$0x3FB1] =	sst s3  }
0xc: {  	[smem:$0x3FB2] =	sst s4  }
0xd: {  	[smem:$0x3FB3] =	sst s5  }
0xe: {  	[smem:$0x3FB4] =	sst s6  }
0xf: {  	[smem:$0x3FB5] =	sst s7  }
0x10: {  	[smem:$0x3FB6] =	sst s8  }
0x11: {  	[smem:$0x3FB7] =	sst s9;
	s0 =	simm.s32 @!p0 $0x0  }
0x12: {  	s1 =	sld [smem:$0x3F9D];
	s0 =	simm.s32 @p0 $0x1  }
0x13: {  	[smem:$0x3FB8] =	sst s0;
	s0 =	simm.s32 @!p1 $0x0  }
0x14: {  	s2 =	sld [smem:$0x3F9C];
	s0 =	simm.s32 @p1 $0x1  }
0x15: {  	[smem:$0x3FB9] =	sst s0;
	s0 =	simm.s32 @!p2 $0x0  }
0x16: {  	s3 =	sld [smem:$0x3FDB];
	s0 =	simm.s32 @p2 $0x1  }
0x17: {  	s4 =	simm.s32 $0x1BF5;
	[smem:$0x3FBB] =	sst s0  }
0x18: {  	s0 =	sld [smem:$0x3F9E];
	_ =	swait.ge [sflag:s4], $0x0  }
0x19: {  	s7 =	sld [smem:$0x3F9F]  }
0x1a: {  	s8 =	sadd.s32 $0xFFFFE003, lr  }
0x1b: {  	s9 =	sadd.s32 $0xFFFFFEF7, lr;
	s5 =	simm.s32 $0xFFFFFFFF;
	p2 =	slt.u32 s8, $0xFFFFF086  }
0x1c: {  	p1 =	slt.u32 s9, $0xF7A;
	s5 =	simm.s32 @!p2 $0x0  }
0x1d: {  	s5 =	simm.s32 @p1 $0x1;
	p0 =	seq.s32 s7, s2  }
0x1e: {  	s7 =	smul.u32 @!p0 $0xF7A, s2;
	p2 =	seq.s32 @!p0 s5, $0x0  }
0x1f: {  	s9 =	smul.u32 $0xF7A, s1;
	s8 =	simm.s32 @!p0 $0x1BF5;
	p2 =	por !p2, p0  }
0x20: {  	[sflag:s8] =	ssyncset.s32 @!p0 $0xFFFFF086;
	s6 =	sadd.s32 @!p0 s3, s7;
	s7 =	simm.s32 @!p0 $0x108  }
0x21: {  	s3 =	sadd.s32 s3, s9;
	s6 =	sadd.s32 @!p0 $0x88, s6;
	s7 =	simm.s32 @p2 $0x1082  }
0x22: {  	[simem:s7], [sflag:s8] =	dma.local @!p0 [hbm:s6], $0xF7A  }
0x23: {  	s9 =	sor.u32 $0xD0000000, s2;
	s6 =	simm.s32 $0x108;
	_ =	swait.ge @!p0 [sflag:s8], $0x0  }
0x24: {  	s3 =	sadd.s32 $0x88, s3;
	s6 =	simm.s32 @!p1 $0x1082;
	[sflag:s4] =	ssyncset.s32 $0xFFFFF086  }
0x25: {  	[simem:s6], [sflag:s4] =	dma.local [hbm:s3], $0xF7A  }
0x26: {  	[smem:$0x3F9F] =	sst s1;
	(tag) =	ssettag s2;
	_ =	strace s9  }
0x27: {  	s1 =	sld [smem:$0x3FAF]  }
0x28: {  	s2 =	sld [smem:$0x3FB0]  }
0x29: {  	s4 =	sld [smem:$0x3FB2]  }
0x2a: {  	p0 =	seq.s32 s5, $0x0;
	s5 =	sld [smem:$0x3FB3]  }
0x2b: {  	s6 =	sld [smem:$0x3FB4]  }
0x2c: {  	s7 =	sld [smem:$0x3FB5]  }
0x2d: {  	s3 =	simm.s32 $0x108;
	s8 =	sld [smem:$0x3FB6]  }
0x2e: {  	s3 =	simm.s32 @!p0 $0x1082;
	s9 =	sld [smem:$0x3FB7]  }
0x2f: {  	lr =	sadd.s32 s0, s3;
	s0 =	sld [smem:$0x3FAE]  }
0x30: {  	s3 =	sld [smem:$0x3FB1]  }
0x31: {  	[smem:$0x3FBA] =	sst s10  }
0x32: {  	s10 =	sld [smem:$0x3FB8];
	_ =	sdelay $0x3  }
0x33: {  	p0 =	seq.s32 s10, $0x1;
	s10 =	sld [smem:$0x3FBA];
	_ =	sdelay $0x3  }
0x34: {  	[smem:$0x3FBA] =	sst s10  }
0x35: {  	s10 =	sld [smem:$0x3FB9];
	_ =	sdelay $0x3  }
0x36: {  	p1 =	seq.s32 s10, $0x1;
	s10 =	sld [smem:$0x3FBA];
	_ =	sdelay $0x3  }
0x37: {  	[smem:$0x3FBA] =	sst s10  }
0x38: {  	s10 =	sld [smem:$0x3FBB]  }
0x39: {  	_ = 	snop;
	(pc) =	sbr.ind lr, $3  }
0x3a: {  	_ = 	snop  }
0x3b: {  	_ = 	snop  }
0x3c: {  	p2 =	seq.s32 s10, $0x1;
	s10 =	sld [smem:$0x3FBA]  }
0x3d: {  	_ =	shalt  }
0x3e: {  	_ =	shalt  }
0x3f: {  	_ =	shalt  }
0x40: {  	_ =	shalt  }
0x41: {  	_ =	shalt  }
0x42: {  	_ =	shalt  }
0x43: {  	_ =	shalt  }
0x44: {  	_ =	shalt  }
0x45: {  	_ =	shalt  }
0x46: {  	_ =	shalt  }
0x47: {  	_ =	shalt  }
0x48: {  	_ =	shalt  }
0x49: {  	_ =	shalt  }
0x4a: {  	_ =	shalt  }
0x4b: {  	_ =	shalt  }
0x4c: {  	_ =	shalt  }
0x4d: {  	_ =	shalt  }
0x4e: {  	_ =	shalt  }
0x4f: {  	_ =	shalt  }
0x50: {  	_ =	shalt  }
0x51: {  	_ =	shalt  }
0x52: {  	_ =	shalt  }
0x53: {  	_ =	shalt  }
0x54: {  	_ =	shalt  }
0x55: {  	_ =	shalt  }
0x56: {  	_ =	shalt  }
0x57: {  	_ =	shalt  }
0x58: {  	_ =	shalt  }
0x59: {  	_ =	shalt  }
0x5a: {  	_ =	shalt  }
0x5b: {  	_ =	shalt  }
0x5c: {  	_ =	shalt  }
0x5d: {  	_ =	shalt  }
0x5e: {  	_ =	shalt  }
0x5f: {  	_ =	shalt  }
0x60: {  	_ =	shalt  }
0x61: {  	_ =	shalt  }
0x62: {  	_ =	shalt  }
0x63: {  	_ =	shalt  }
0x64: {  	_ =	shalt  }
0x65: {  	_ =	shalt  }
0x66: {  	_ =	shalt  }
0x67: {  	_ =	shalt  }
0x68: {  	_ =	shalt  }
0x69: {  	_ =	shalt  }
0x6a: {  	_ =	shalt  }
0x6b: {  	_ =	shalt  }
0x6c: {  	_ =	shalt  }
0x6d: {  	_ =	shalt  }
0x6e: {  	_ =	shalt  }
0x6f: {  	_ =	shalt  }
0x70: {  	_ =	shalt  }
0x71: {  	_ =	shalt  }
0x72: {  	_ =	shalt  }
0x73: {  	_ =	shalt  }
0x74: {  	_ =	shalt  }
0x75: {  	_ =	shalt  }
0x76: {  	_ =	shalt  }
0x77: {  	_ =	shalt  }
0x78: {  	_ =	shalt  }
0x79: {  	_ =	shalt  }
0x7a: {  	_ =	shalt  }
0x7b: {  	_ =	shalt  }
0x7c: {  	_ =	shalt  }
0x7d: {  	_ =	shalt  }
0x7e: {  	_ =	shalt  }
0x7f: {  	_ =	shalt  }
0x80: {  	_ =	shalt  }
0x81: {  	_ =	shalt  }
0x82: {  	_ =	shalt  }
0x83: {  	_ =	shalt  }
0x84: {  	_ =	shalt  }
0x85: {  	_ =	shalt  }
0x86: {  	_ =	shalt  }
0x87: {  	_ =	shalt  }
.Lfunc_end0:
.L_simem_size_0:
called_computation_lowered:
.L_overlay_start_0:
0x88: {  	s2 =	sld [smem:$0x3FD9]  }
0x89: {  	s3 =	sld [smem:$0x3FFE];
	_ =	sdelay $0x1  }
0x8a: {  	s1 =	srdreg.scid  }
0x8b: {  	s0 =	sand.u32 $0x1, s1  }
0x8c: {  	s14 =	sshll.u32 s0, $0xA;
	s2 =	sadd.s32 s3, s2  }
0x8d: {  	s2 =	sadd.s32 s2, s14  }
0x8e: {  	[smem:$0x3FC6] =	sst s2  }
0x8f: {  	_ = 	snop  }
0x90: {  	s2 =	sld [smem:$0x3FD0];
	_ =	sdelay $0x2  }
0x91: {  	s15 =	simm.s32 $0xA;
	s4 =	simm.s32 $0x10  }
0x92: {  	[smem:s4], [sflag:s15] =	dma.local [hbm:s2], $0x1  }
0x93: {  	_ =	swait.eq [sflag:s15], $0x1  }
0x94: {  	[sflag:s15] =	ssyncset.done $0x0  }
0x95: {  	[sflag:s15] =	ssyncadd.s32 $0xFFFFFFFF  }
0x96: {  	s16 =	sld [smem:$0x10];
	(tm) =	ssettm $0x1  }
0x97: {  	s17 =	sld [smem:$0x3FFB];
	_ =	sdelay $0x3  }
0x98: {  	_ =	strace s17  }
0x99: {  	s3 =	sld [smem:$0x3FFC];
	_ =	sdelay $0x3  }
0x9a: {  	_ =	strace s3  }
0x9b: {  	s3 =	sld [smem:$0x3FFD];
	_ =	sdelay $0x3  }
0x9c: {  	_ =	strace s3  }
0x9d: {  	_ =	strace $0x8FFFFFFF  }
0x9e: {  	s18 =	sld [smem:$0x3FDB];
	_ =	sdelay $0x1  }
0x9f: {  	s19 =	simm.s32 $_scs_section_size  }
0xa0: {  	s5 =	simm.s32 $_size__tile_overlayer_lowered;
	s6 =	simm.s32 $_tile_overlayer_lowered  }
0xa1: {  	s22 =	simm.s32 $0x1BFF;
	s21 =	sshll.u32 s6, $0x1;
	s3 =	sadd.s32 s19, s18  }
0xa2: {  	s7 =	simm.s32 $0x0;
	s20 =	sshll.u32 s5, $0x1;
	s5 =	sadd.s32 s21, s3  }
0xa3: {  	[timem:s7], [sflag:s22] =	dma.local [hbm:s5], s20  }
0xa4: {  	_ =	swait.ge [sflag:s22], s20  }
0xa5: {  	s4 =	ssub.s32 $0x0, s20;
	[sflag:s22] =	ssyncset.done $0x0  }
0xa6: {  	[sflag:s22] =	ssyncadd.s32 s4;
	_ =	sdelay $0x1  }
0xa7: {  	s23 =	simm.s32 $0x1B8B  }
0xa8: {  	_ =	swait.ge [sflag:s23], $0x1  }
0xa9: {  	[sflag:s23] =	ssyncset.done $0x0  }
0xaa: {  	s25 =	simm.s32 $0x1B8E;
	s24 =	sld [smem:$0x3FFE];
	[sflag:s23] =	ssyncadd.s32 $0xFFFFFFFF  }
0xab: {  	s26 =	simm.s32 $execute0_lowered;
	[smem:$0x3FD2] =	sst s25  }
0xac: {  	s5 =	sshll.u32 s26, $0x1;
	_ =	strace $0x80000046;
	[dreg:$0x1] =	wrdreg $0xFFFFFFFF  }
0xad: {  	s28 =	simm.s32 $_size_execute0_lowered;
	s3 =	sadd.s32 s3, s5;
	[dreg:$0x0] =	wrdreg $0x0  }
0xae: {  	s5 =	sshll.u32 s28, $0x1;
	[dreg:$0x2] =	wrdreg s3  }
0xaf: {  	[dreg:$0x3] =	wrdreg s5  }
0xb0: {  	[dreg:$0x4] =	wrdreg $0xC0  }
0xb1: {  	_ =	task [dreg:s7], $0x5FFFF  }
0xb2: {  	[dreg:$0x1] =	wrdreg $0xFFFFFFFF  }
0xb3: {  	[dreg:$0x0] =	wrdreg $0x60  }
0xb4: {  	[dreg:$0x2] =	wrdreg s24  }
0xb5: {  	[dreg:$0x3] =	wrdreg s16  }
0xb6: {  	[dreg:$0x4] =	wrdreg $0x9  }
0xb7: {  	_ =	task.clear_ibuf [dreg:s7], $0x5FFFF;
	_ =	strace $0x90000046  }
0xb8: {  	s29 =	simm.s32 $0x9;
	_ =	strace $0x80000048  }
0xb9: {  	_ =	swait.ge [sflag:s29], $0x1  }
0xba: {  	[sflag:s29] =	ssyncadd.s32 $0xFFFFFFFF  }
0xbb: {  	_ =	strace $0x90000048  }
0xbc: {  	_ =	sfence  }
0xbd: {  	s30 =	sld [smem:$0x0];
	_ =	sdelay $0x2  }
0xbe: {  	s31 =	sshll.u32 s1, $0xD;
	s1 =	sshrl.u32 s1, $0x2  }
0xbf: {  	s3 =	sand.u32 $0x4000, s31;
	s1 =	sadd.s32 s1, s30  }
0xc0: {  	s0 =	sor.u32 s3, s0;
	s1 =	sshll.u32 s1, $0x11  }
0xc1: {  	s0 =	sor.u32 s1, s0  }
0xc2: {  	s0 =	sadd.s32 $0x8F2B, s0  }
0xc3: {  	[sflag:s0] =	ssyncadd.remote.s32 $0x1  }
0xc4: {  	_ =	sfence.sel $0xFFFF  }
0xc5: {  	[dreg:$0x0] =	wrdreg $0xFFFFFFFF;
	(pc) =	sbr.abs _section_cstart, $3  }
0xc6: {  	[dreg:$0x1] =	wrdreg $0xFFFFFFFF  }
0xc7: {  	_ =	task.clear_ibuf [dreg:s7], $0x2FFFF;
	_ =	strace $0x9FFFFFFF  }
0xc8: {  	(tm) =	ssettm $0x7FFFFFFF  }
0xc9: {  	_ =	shalt  }
tec
execute0_lowered:
.L_overlay_start_1:
0x0: {  	(tag) =	ssettag $0x1  }
0x1: {  	s0 =	srdreg.scid  }
0x2: {  	s6 =	stileid.u32;
	s3 =	rddreg [dreg:$0x0]  }
0x3: {  	s4 =	simm.s32 $0x1;
	s5 =	rddreg [dreg:$0x1];
	s24 =	simm.s32 $0x4  }
0x4: {  	s28 =	simm.s32 $0x400;
	s29 =	simm.s32 $0x2800;
	s0 =	sand.u32 $0x1, s0  }
0x5: {  	s30 =	simm.s32 $0x2;
	s1 =	sshll.u32 s6, $0x5;
	s2 =	sshll.u32 s0, $0x4  }
0x6: {  	s31 =	simm.s32 $0x3;
	p1 =	seq.s32 s0, $0x1;
	s1 =	sor.u32 s2, s1  }
0x7: {  	v0 =	vlaneseq.u32;
	s0 =	ssub.s32 $0x2, s0;
	s2 =	simm.s32 $0x0;
	p0 =	seq.s32 s1, $0x0  }
0x8: {  	v0 =	vmul.u32 $0x10, v0;
	s26 =	sshrl.u32 s0, $0x1;
	[smem:$0x7FF] =	sst s2;
	p0 =	por !p0, !p1  }
0x9: {  	s25 =	sshll.u32 s1, $0x5;
	s7 =	sshll.u32 s1, $0x4;
	p0 =	por !p0, !p0  }
0xa: {  	v33 =	vimm.f32 $0.0e+00;
	v3 =	vor.u32 $0x100, v0;
	v5 =	vor.u32 $0x200, v0;
	s1 =	sshll.u32 s1, $0x9;
	s0 =	ssub.s32 s0, s26;
	s4 =	simm.s32 @!p0 $0x0  }
0xb: {  	v6 =	vor.u32 $0x300, v0;
	v9 =	vor.u32 $0x400, v0;
	v11 =	vor.u32 $0x500, v0;
	s26 =	simm.s32 $0x80;
	_ =	strace $0x80000047;
	s4 =	ssub.s32 s6, s4  }
0xc: {  	v12 =	vor.u32 $0x600, v0;
	v15 =	vor.u32 $0x700, v0;
	v17 =	vor.u32 $0x800, v0;
	s7 =	sadd.s32 s7, s3;
	s22 =	smax.u32 s0, $0x1;
	p0 =	slt.s32 s4, $0xE  }
0xd: {  	v18 =	vor.u32 $0x900, v0;
	v21 =	vor.u32 $0xA00, v0;
	v23 =	vor.u32 $0xB00, v0;
	s6 =	sadd.s32 s25, s3;
	s25 =	simm.s32 $0x1800;
	s4 =	simm.s32 @!p0 $0xE  }
0xe: {  	v24 =	vor.u32 $0xC00, v0;
	v27 =	vor.u32 $0xD00, v0;
	v29 =	vor.u32 $0xE00, v0;
	s3 =	sadd.s32 $0x1000, s6;
	s6 =	simm.s32 $0x1;
	s23 =	sadd.s32 $0x1, s4  }
0xf: {  	v30 =	vor.u32 $0xF00, v0;
	s4 =	sadd.s32 s5, s1;
	s5 =	sadd.s32 $0x5000, s7;
	s1 =	simm.s32 $0x0;
	v1 =	vmov s23;
	v2 =	vadd.s32 s23, v0  }
0x10: {  	v4 =	vadd.s32 s23, v3;
	v7 =	vadd.s32 s23, v5;
	v8 =	vadd.s32 s23, v6;
	s7 =	sadd.s32 $0x10, s4;
	s8 =	sadd.s32 $0x20, s4;
	s9 =	sadd.s32 $0x30, s4  }
0x11: {  	v10 =	vadd.s32 s23, v9;
	s10 =	sadd.s32 $0x40, s4;
	v13 =	vadd.s32 s23, v11;
	v14 =	vadd.s32 s23, v12;
	s11 =	sadd.s32 $0x50, s4;
	s12 =	sadd.s32 $0x60, s4  }
0x12: {  	s13 =	sadd.s32 $0x70, s4;
	v16 =	vadd.s32 s23, v15;
	s14 =	sadd.s32 $0x1000, s4;
	s15 =	sadd.s32 $0x1010, s4;
	v19 =	vadd.s32 s23, v17;
	v20 =	vadd.s32 s23, v18  }
0x13: {  	s16 =	sadd.s32 $0x1020, s4;
	s17 =	sadd.s32 $0x1030, s4;
	s18 =	sadd.s32 $0x1040, s4;
	v22 =	vadd.s32 s23, v21;
	v25 =	vadd.s32 s23, v23;
	v26 =	vadd.s32 s23, v24  }
0x14: {  	s19 =	sadd.s32 $0x1050, s4;
	s20 =	sadd.s32 $0x1060, s4;
	s21 =	sadd.s32 $0x1070, s4;
	v28 =	vadd.s32 s23, v27;
	v31 =	vadd.s32 s23, v29;
	v32 =	vadd.s32 s23, v30  }
.LBB2_1:
0x15: {  	[tilespmem:s2], [sflag:$0x1] =	stream.linear.gather [hbm4b:s3+s2], $0x1000, $0x38;
	[tilespmem:$0x3800] =	vst v63  }
0x16: {  	s0 =	simm.s32 $0x1000  }
0x17: {  	[tilespmem:s0], [sflag:$0x4] =	stream.linear.gather [hbm4b:s5+s2], $0x800, $0x38;
	[tilespmem:$0x3800] =	vst v63  }
0x18: {  	_ =	swait.ge [sflag:s24], $0x800  }
0x19: {  	[sflag:s24] =	ssyncset.done $0x0  }
0x1a: {  	s23 =	simm.s32 $0x200;
	s0 =	simm.s32 $0x0;
	[sflag:s24] =	ssyncadd.s32 $0xFFFFF800  }
.LBB2_2:
0x1b: {  	p0 =	sne.s32 s23, $0x3E00;
	[tilespmem:s0+$0x1870] =	vst v33  }
0x1c: {  	[tilespmem:s0+$0x1800] =	vst v33  }
0x1d: {  	[tilespmem:s0+$0x1810] =	vst v33  }
.Ltmp0:
0x1e: {  	[tilespmem:s0+$0x1820] =	vst v33;
	(pc) =	sbr.rel @p0 .LBB2_2-.Ltmp0, $4  }
0x1f: {  	[tilespmem:s0+$0x1830] =	vst v33  }
0x20: {  	[tilespmem:s0+$0x1840] =	vst v33  }
0x21: {  	[tilespmem:s0+$0x1850] =	vst v33  }
0x22: {  	[tilespmem:s0+$0x1860] =	vst v33;
	s0 =	sshra.s32 s23, $0x2;
	s23 =	sadd.s32 $0x200, s23  }
0x23: {  	[tilespmem:s0+$0x1870] =	vst v33  }
0x24: {  	[tilespmem:s0+$0x1800] =	vst v33  }
0x25: {  	[tilespmem:s0+$0x1810] =	vst v33  }
0x26: {  	[tilespmem:s0+$0x1820] =	vst v33  }
0x27: {  	[tilespmem:s0+$0x1830] =	vst v33  }
0x28: {  	[tilespmem:s0+$0x1840] =	vst v33  }
0x29: {  	[tilespmem:s0+$0x1850] =	vst v33  }
0x2a: {  	[tilespmem:s0+$0x1860] =	vst v33;
	s0 =	simm.s32 $0x0;
	s23 =	simm.s32 $0x200  }
.LBB2_4:
0x2b: {  	p0 =	sne.s32 s23, $0x3E00;
	[tilespmem:s0+$0x2870] =	vst v33  }
0x2c: {  	[tilespmem:s0+$0x2800] =	vst v33  }
0x2d: {  	[tilespmem:s0+$0x2810] =	vst v33  }
.Ltmp1:
0x2e: {  	[tilespmem:s0+$0x2820] =	vst v33;
	(pc) =	sbr.rel @p0 .LBB2_4-.Ltmp1, $4  }
0x2f: {  	[tilespmem:s0+$0x2830] =	vst v33  }
0x30: {  	[tilespmem:s0+$0x2840] =	vst v33  }
0x31: {  	[tilespmem:s0+$0x2850] =	vst v33  }
0x32: {  	[tilespmem:s0+$0x2860] =	vst v33;
	s0 =	sshra.s32 s23, $0x2;
	s23 =	sadd.s32 $0x200, s23  }
0x33: {  	[tilespmem:s0+$0x2870] =	vst v33  }
0x34: {  	[tilespmem:s0+$0x2800] =	vst v33  }
0x35: {  	[tilespmem:s0+$0x2810] =	vst v33  }
0x36: {  	[tilespmem:s0+$0x2820] =	vst v33  }
0x37: {  	[tilespmem:s0+$0x2830] =	vst v33  }
0x38: {  	[tilespmem:s0+$0x2840] =	vst v33  }
0x39: {  	[tilespmem:s0+$0x2850] =	vst v33  }
0x3a: {  	[tilespmem:s0+$0x2860] =	vst v33  }
0x3b: {  	_ =	swait.ge [sflag:s6], $0x1000  }
0x3c: {  	[sflag:s6] =	ssyncset.done $0x0  }
0x3d: {  	[sflag:s6] =	ssyncadd.s32 $0xFFFFF000  }
0x3e: {  	v34 =	vld [tilespmem:$0x1000];
	_ =	sdelay $0x4  }
0x3f: {  	v34 =	vperm.xlane v34, v1;
	_ =	sdelay $0x1  }
0x40: {  	[tilespmem:v2+s25+$0x0] =	vst.idx.msk $0xffff, v34  }
0x41: {  	v35 =	vld [tilespmem:$0x0];
	_ =	sdelay $0x4  }
0x42: {  	[tilespmem:v0+s25+$0x0] =	vst.idx.msk $0xffff, v35  }
0x43: {  	[tilespmem:v4+s25+$0x0] =	vst.idx.msk $0xffff, v34  }
0x44: {  	v35 =	vld [tilespmem:$0x10];
	_ =	sdelay $0x4  }
0x45: {  	[tilespmem:v3+s25+$0x0] =	vst.idx.msk $0xffff, v35  }
0x46: {  	[tilespmem:v7+s25+$0x0] =	vst.idx.msk $0xffff, v34  }
0x47: {  	v35 =	vld [tilespmem:$0x20];
	_ =	sdelay $0x4  }
0x48: {  	[tilespmem:v5+s25+$0x0] =	vst.idx.msk $0xffff, v35  }
0x49: {  	[tilespmem:v8+s25+$0x0] =	vst.idx.msk $0xffff, v34  }
0x4a: {  	v35 =	vld [tilespmem:$0x30];
	_ =	sdelay $0x4  }
0x4b: {  	[tilespmem:v6+s25+$0x0] =	vst.idx.msk $0xffff, v35  }
0x4c: {  	[tilespmem:v10+s25+$0x0] =	vst.idx.msk $0xffff, v34  }
0x4d: {  	v35 =	vld [tilespmem:$0x40];
	_ =	sdelay $0x4  }
0x4e: {  	[tilespmem:v9+s25+$0x0] =	vst.idx.msk $0xffff, v35  }
0x4f: {  	[tilespmem:v13+s25+$0x0] =	vst.idx.msk $0xffff, v34  }
0x50: {  	v35 =	vld [tilespmem:$0x50];
	_ =	sdelay $0x4  }
0x51: {  	[tilespmem:v11+s25+$0x0] =	vst.idx.msk $0xffff, v35  }
0x52: {  	[tilespmem:v14+s25+$0x0] =	vst.idx.msk $0xffff, v34  }
0x53: {  	v35 =	vld [tilespmem:$0x60];
	_ =	sdelay $0x4  }
0x54: {  	[tilespmem:v12+s25+$0x0] =	vst.idx.msk $0xffff, v35  }
0x55: {  	[tilespmem:v16+s25+$0x0] =	vst.idx.msk $0xffff, v34  }
0x56: {  	v35 =	vld [tilespmem:$0x70];
	_ =	sdelay $0x4  }
0x57: {  	[tilespmem:v15+s25+$0x0] =	vst.idx.msk $0xffff, v35  }
0x58: {  	[tilespmem:v19+s25+$0x0] =	vst.idx.msk $0xffff, v34  }
0x59: {  	v35 =	vld [tilespmem:$0x400];
	_ =	sdelay $0x4  }
0x5a: {  	[tilespmem:v17+s25+$0x0] =	vst.idx.msk $0xffff, v35  }
0x5b: {  	[tilespmem:v20+s25+$0x0] =	vst.idx.msk $0xffff, v34  }
0x5c: {  	v35 =	vld [tilespmem:$0x410];
	_ =	sdelay $0x4  }
0x5d: {  	[tilespmem:v18+s25+$0x0] =	vst.idx.msk $0xffff, v35  }
0x5e: {  	[tilespmem:v22+s25+$0x0] =	vst.idx.msk $0xffff, v34  }
0x5f: {  	v35 =	vld [tilespmem:$0x420];
	_ =	sdelay $0x4  }
0x60: {  	[tilespmem:v21+s25+$0x0] =	vst.idx.msk $0xffff, v35  }
0x61: {  	[tilespmem:v25+s25+$0x0] =	vst.idx.msk $0xffff, v34  }
0x62: {  	v35 =	vld [tilespmem:$0x430];
	_ =	sdelay $0x4  }
0x63: {  	[tilespmem:v23+s25+$0x0] =	vst.idx.msk $0xffff, v35  }
0x64: {  	[tilespmem:v26+s25+$0x0] =	vst.idx.msk $0xffff, v34  }
0x65: {  	v35 =	vld [tilespmem:$0x440];
	_ =	sdelay $0x4  }
0x66: {  	[tilespmem:v24+s25+$0x0] =	vst.idx.msk $0xffff, v35  }
0x67: {  	[tilespmem:v28+s25+$0x0] =	vst.idx.msk $0xffff, v34  }
0x68: {  	v35 =	vld [tilespmem:$0x450];
	_ =	sdelay $0x4  }
0x69: {  	[tilespmem:v27+s25+$0x0] =	vst.idx.msk $0xffff, v35  }
0x6a: {  	[tilespmem:v31+s25+$0x0] =	vst.idx.msk $0xffff, v34  }
0x6b: {  	v35 =	vld [tilespmem:$0x460];
	_ =	sdelay $0x4  }
0x6c: {  	[tilespmem:v29+s25+$0x0] =	vst.idx.msk $0xffff, v35  }
0x6d: {  	[tilespmem:v32+s25+$0x0] =	vst.idx.msk $0xffff, v34  }
0x6e: {  	v34 =	vld [tilespmem:$0x470];
	_ =	sdelay $0x4  }
0x6f: {  	[tilespmem:v30+s25+$0x0] =	vst.idx.msk $0xffff, v34  }
0x70: {  	[hbm4b:s4+s26] =	stream.strided.scatter [tilespmem:s25], [sflag:$0x2], $0x1000, s28, s26, $0x38;
	[tilespmem:$0x3800] =	vst v63  }
0x71: {  	v34 =	vld [tilespmem:$0x1080];
	_ =	sdelay $0x4  }
0x72: {  	v34 =	vperm.xlane v34, v1;
	_ =	sdelay $0x1  }
0x73: {  	[tilespmem:v2+s29+$0x0] =	vst.idx.msk $0xffff, v34  }
0x74: {  	v35 =	vld [tilespmem:$0x80];
	_ =	sdelay $0x4  }
0x75: {  	[tilespmem:v0+s29+$0x0] =	vst.idx.msk $0xffff, v35  }
0x76: {  	[tilespmem:v4+s29+$0x0] =	vst.idx.msk $0xffff, v34  }
0x77: {  	v35 =	vld [tilespmem:$0x90];
	_ =	sdelay $0x4  }
0x78: {  	[tilespmem:v3+s29+$0x0] =	vst.idx.msk $0xffff, v35  }
0x79: {  	[tilespmem:v7+s29+$0x0] =	vst.idx.msk $0xffff, v34  }
0x7a: {  	v35 =	vld [tilespmem:$0xA0];
	_ =	sdelay $0x4  }
0x7b: {  	[tilespmem:v5+s29+$0x0] =	vst.idx.msk $0xffff, v35  }
0x7c: {  	[tilespmem:v8+s29+$0x0] =	vst.idx.msk $0xffff, v34  }
0x7d: {  	v35 =	vld [tilespmem:$0xB0];
	_ =	sdelay $0x4  }
0x7e: {  	[tilespmem:v6+s29+$0x0] =	vst.idx.msk $0xffff, v35  }
0x7f: {  	[tilespmem:v10+s29+$0x0] =	vst.idx.msk $0xffff, v34  }
0x80: {  	v35 =	vld [tilespmem:$0xC0];
	_ =	sdelay $0x4  }
0x81: {  	[tilespmem:v9+s29+$0x0] =	vst.idx.msk $0xffff, v35  }
0x82: {  	[tilespmem:v13+s29+$0x0] =	vst.idx.msk $0xffff, v34  }
0x83: {  	v35 =	vld [tilespmem:$0xD0];
	_ =	sdelay $0x4  }
0x84: {  	[tilespmem:v11+s29+$0x0] =	vst.idx.msk $0xffff, v35  }
0x85: {  	[tilespmem:v14+s29+$0x0] =	vst.idx.msk $0xffff, v34  }
0x86: {  	v35 =	vld [tilespmem:$0xE0];
	_ =	sdelay $0x4  }
0x87: {  	[tilespmem:v12+s29+$0x0] =	vst.idx.msk $0xffff, v35  }
0x88: {  	[tilespmem:v16+s29+$0x0] =	vst.idx.msk $0xffff, v34  }
0x89: {  	v35 =	vld [tilespmem:$0xF0];
	_ =	sdelay $0x4  }
0x8a: {  	[tilespmem:v15+s29+$0x0] =	vst.idx.msk $0xffff, v35  }
0x8b: {  	[tilespmem:v19+s29+$0x0] =	vst.idx.msk $0xffff, v34  }
0x8c: {  	v35 =	vld [tilespmem:$0x480];
	_ =	sdelay $0x4  }
0x8d: {  	[tilespmem:v17+s29+$0x0] =	vst.idx.msk $0xffff, v35  }
0x8e: {  	[tilespmem:v20+s29+$0x0] =	vst.idx.msk $0xffff, v34  }
0x8f: {  	v35 =	vld [tilespmem:$0x490];
	_ =	sdelay $0x4  }
0x90: {  	[tilespmem:v18+s29+$0x0] =	vst.idx.msk $0xffff, v35  }
0x91: {  	[tilespmem:v22+s29+$0x0] =	vst.idx.msk $0xffff, v34  }
0x92: {  	v35 =	vld [tilespmem:$0x4A0];
	_ =	sdelay $0x4  }
0x93: {  	[tilespmem:v21+s29+$0x0] =	vst.idx.msk $0xffff, v35  }
0x94: {  	[tilespmem:v25+s29+$0x0] =	vst.idx.msk $0xffff, v34  }
0x95: {  	v35 =	vld [tilespmem:$0x4B0];
	_ =	sdelay $0x4  }
0x96: {  	[tilespmem:v23+s29+$0x0] =	vst.idx.msk $0xffff, v35  }
0x97: {  	[tilespmem:v26+s29+$0x0] =	vst.idx.msk $0xffff, v34  }
0x98: {  	v35 =	vld [tilespmem:$0x4C0];
	_ =	sdelay $0x4  }
0x99: {  	[tilespmem:v24+s29+$0x0] =	vst.idx.msk $0xffff, v35  }
0x9a: {  	[tilespmem:v28+s29+$0x0] =	vst.idx.msk $0xffff, v34  }
0x9b: {  	v35 =	vld [tilespmem:$0x4D0];
	_ =	sdelay $0x4  }
0x9c: {  	[tilespmem:v27+s29+$0x0] =	vst.idx.msk $0xffff, v35  }
0x9d: {  	[tilespmem:v31+s29+$0x0] =	vst.idx.msk $0xffff, v34  }
0x9e: {  	v35 =	vld [tilespmem:$0x4E0];
	_ =	sdelay $0x4  }
0x9f: {  	[tilespmem:v29+s29+$0x0] =	vst.idx.msk $0xffff, v35  }
0xa0: {  	[tilespmem:v32+s29+$0x0] =	vst.idx.msk $0xffff, v34  }
0xa1: {  	v34 =	vld [tilespmem:$0x4F0];
	_ =	sdelay $0x4  }
0xa2: {  	[tilespmem:v30+s29+$0x0] =	vst.idx.msk $0xffff, v34  }
0xa3: {  	[hbm4b:s7+s26] =	stream.strided.scatter [tilespmem:s29], [sflag:$0x3], $0x1000, s28, s26, $0x38;
	[tilespmem:$0x3800] =	vst v63  }
0xa4: {  	_ =	swait.ge [sflag:s30], $0x1000  }
0xa5: {  	[sflag:s30] =	ssyncset.done $0x0  }
0xa6: {  	[sflag:s30] =	ssyncadd.s32 $0xFFFFF000  }
0xa7: {  	v63 =	vld [tilespmem:$0x1100];
	_ =	sdelay $0x4  }
0xa8: {  	v34 =	vperm.xlane v63, v1;
	_ =	sdelay $0x1  }
0xa9: {  	[tilespmem:v2+s25+$0x0] =	vst.idx.msk $0xffff, v34  }
0xaa: {  	v36 =	vld [tilespmem:$0x100];
	_ =	sdelay $0x4  }
0xab: {  	[tilespmem:v0+s25+$0x0] =	vst.idx.msk $0xffff, v36  }
0xac: {  	[tilespmem:v4+s25+$0x0] =	vst.idx.msk $0xffff, v34  }
0xad: {  	v35 =	vld [tilespmem:$0x110];
	_ =	sdelay $0x4  }
0xae: {  	[tilespmem:v3+s25+$0x0] =	vst.idx.msk $0xffff, v35  }
0xaf: {  	[tilespmem:v7+s25+$0x0] =	vst.idx.msk $0xffff, v34  }
0xb0: {  	v35 =	vld [tilespmem:$0x120];
	_ =	sdelay $0x4  }
0xb1: {  	[tilespmem:v5+s25+$0x0] =	vst.idx.msk $0xffff, v35  }
0xb2: {  	[tilespmem:v8+s25+$0x0] =	vst.idx.msk $0xffff, v34  }
0xb3: {  	v35 =	vld [tilespmem:$0x130];
	_ =	sdelay $0x4  }
0xb4: {  	[tilespmem:v6+s25+$0x0] =	vst.idx.msk $0xffff, v35  }
0xb5: {  	[tilespmem:v10+s25+$0x0] =	vst.idx.msk $0xffff, v34  }
0xb6: {  	v35 =	vld [tilespmem:$0x140];
	_ =	sdelay $0x4  }
0xb7: {  	[tilespmem:v9+s25+$0x0] =	vst.idx.msk $0xffff, v35  }
0xb8: {  	[tilespmem:v13+s25+$0x0] =	vst.idx.msk $0xffff, v34  }
0xb9: {  	v35 =	vld [tilespmem:$0x150];
	_ =	sdelay $0x4  }
0xba: {  	[tilespmem:v11+s25+$0x0] =	vst.idx.msk $0xffff, v35  }
0xbb: {  	[tilespmem:v14+s25+$0x0] =	vst.idx.msk $0xffff, v34  }
0xbc: {  	v35 =	vld [tilespmem:$0x160];
	_ =	sdelay $0x4  }
0xbd: {  	[tilespmem:v12+s25+$0x0] =	vst.idx.msk $0xffff, v35  }
0xbe: {  	[tilespmem:v16+s25+$0x0] =	vst.idx.msk $0xffff, v34  }
0xbf: {  	v35 =	vld [tilespmem:$0x170];
	_ =	sdelay $0x4  }
0xc0: {  	[tilespmem:v15+s25+$0x0] =	vst.idx.msk $0xffff, v35  }
0xc1: {  	[tilespmem:v19+s25+$0x0] =	vst.idx.msk $0xffff, v34  }
0xc2: {  	v35 =	vld [tilespmem:$0x500];
	_ =	sdelay $0x4  }
0xc3: {  	[tilespmem:v17+s25+$0x0] =	vst.idx.msk $0xffff, v35  }
0xc4: {  	[tilespmem:v20+s25+$0x0] =	vst.idx.msk $0xffff, v34  }
0xc5: {  	v35 =	vld [tilespmem:$0x510];
	_ =	sdelay $0x4  }
0xc6: {  	[tilespmem:v18+s25+$0x0] =	vst.idx.msk $0xffff, v35  }
0xc7: {  	[tilespmem:v22+s25+$0x0] =	vst.idx.msk $0xffff, v34  }
0xc8: {  	v35 =	vld [tilespmem:$0x520];
	_ =	sdelay $0x4  }
0xc9: {  	[tilespmem:v21+s25+$0x0] =	vst.idx.msk $0xffff, v35  }
0xca: {  	[tilespmem:v25+s25+$0x0] =	vst.idx.msk $0xffff, v34  }
0xcb: {  	v35 =	vld [tilespmem:$0x530];
	_ =	sdelay $0x4  }
0xcc: {  	[tilespmem:v23+s25+$0x0] =	vst.idx.msk $0xffff, v35  }
0xcd: {  	[tilespmem:v26+s25+$0x0] =	vst.idx.msk $0xffff, v34  }
0xce: {  	v35 =	vld [tilespmem:$0x540];
	_ =	sdelay $0x4  }
0xcf: {  	[tilespmem:v24+s25+$0x0] =	vst.idx.msk $0xffff, v35  }
0xd0: {  	[tilespmem:v28+s25+$0x0] =	vst.idx.msk $0xffff, v34  }
0xd1: {  	v35 =	vld [tilespmem:$0x550];
	_ =	sdelay $0x4  }
0xd2: {  	[tilespmem:v27+s25+$0x0] =	vst.idx.msk $0xffff, v35  }
0xd3: {  	[tilespmem:v31+s25+$0x0] =	vst.idx.msk $0xffff, v34  }
0xd4: {  	v35 =	vld [tilespmem:$0x560];
	_ =	sdelay $0x4  }
0xd5: {  	[tilespmem:v29+s25+$0x0] =	vst.idx.msk $0xffff, v35  }
0xd6: {  	[tilespmem:v32+s25+$0x0] =	vst.idx.msk $0xffff, v34  }
0xd7: {  	v34 =	vld [tilespmem:$0x570];
	_ =	sdelay $0x4  }
0xd8: {  	[tilespmem:v30+s25+$0x0] =	vst.idx.msk $0xffff, v34  }
0xd9: {  	[hbm4b:s8+s26] =	stream.strided.scatter [tilespmem:s25], [sflag:$0x2], $0x1000, s28, s26, $0x38;
	[tilespmem:$0x3800] =	vst v63  }
0xda: {  	_ =	swait.ge [sflag:s31], $0x1000  }
0xdb: {  	[sflag:s31] =	ssyncset.done $0x0  }
0xdc: {  	[sflag:s31] =	ssyncadd.s32 $0xFFFFF000  }
0xdd: {  	v37 =	vld [tilespmem:$0x1180];
	_ =	sdelay $0x4  }
0xde: {  	v34 =	vperm.xlane v37, v1;
	_ =	sdelay $0x1  }
0xdf: {  	[tilespmem:v2+s29+$0x0] =	vst.idx.msk $0xffff, v34  }
0xe0: {  	v38 =	vld [tilespmem:$0x180];
	_ =	sdelay $0x4  }
0xe1: {  	[tilespmem:v0+s29+$0x0] =	vst.idx.msk $0xffff, v38  }
0xe2: {  	[tilespmem:v4+s29+$0x0] =	vst.idx.msk $0xffff, v34  }
0xe3: {  	v35 =	vld [tilespmem:$0x190];
	_ =	sdelay $0x4  }
0xe4: {  	[tilespmem:v3+s29+$0x0] =	vst.idx.msk $0xffff, v35  }
0xe5: {  	[tilespmem:v7+s29+$0x0] =	vst.idx.msk $0xffff, v34  }
0xe6: {  	v35 =	vld [tilespmem:$0x1A0];
	_ =	sdelay $0x4  }
0xe7: {  	[tilespmem:v5+s29+$0x0] =	vst.idx.msk $0xffff, v35  }
0xe8: {  	[tilespmem:v8+s29+$0x0] =	vst.idx.msk $0xffff, v34  }
0xe9: {  	v35 =	vld [tilespmem:$0x1B0];
	_ =	sdelay $0x4  }
0xea: {  	[tilespmem:v6+s29+$0x0] =	vst.idx.msk $0xffff, v35  }
0xeb: {  	[tilespmem:v10+s29+$0x0] =	vst.idx.msk $0xffff, v34  }
0xec: {  	v35 =	vld [tilespmem:$0x1C0];
	_ =	sdelay $0x4  }
0xed: {  	[tilespmem:v9+s29+$0x0] =	vst.idx.msk $0xffff, v35  }
0xee: {  	[tilespmem:v13+s29+$0x0] =	vst.idx.msk $0xffff, v34  }
0xef: {  	v35 =	vld [tilespmem:$0x1D0];
	_ =	sdelay $0x4  }
0xf0: {  	[tilespmem:v11+s29+$0x0] =	vst.idx.msk $0xffff, v35  }
0xf1: {  	[tilespmem:v14+s29+$0x0] =	vst.idx.msk $0xffff, v34  }
0xf2: {  	v35 =	vld [tilespmem:$0x1E0];
	_ =	sdelay $0x4  }
0xf3: {  	[tilespmem:v12+s29+$0x0] =	vst.idx.msk $0xffff, v35  }
0xf4: {  	[tilespmem:v16+s29+$0x0] =	vst.idx.msk $0xffff, v34  }
0xf5: {  	v35 =	vld [tilespmem:$0x1F0];
	_ =	sdelay $0x4  }
0xf6: {  	[tilespmem:v15+s29+$0x0] =	vst.idx.msk $0xffff, v35  }
0xf7: {  	[tilespmem:v19+s29+$0x0] =	vst.idx.msk $0xffff, v34  }
0xf8: {  	v35 =	vld [tilespmem:$0x580];
	_ =	sdelay $0x4  }
0xf9: {  	[tilespmem:v17+s29+$0x0] =	vst.idx.msk $0xffff, v35  }
0xfa: {  	[tilespmem:v20+s29+$0x0] =	vst.idx.msk $0xffff, v34  }
0xfb: {  	v35 =	vld [tilespmem:$0x590];
	_ =	sdelay $0x4  }
0xfc: {  	[tilespmem:v18+s29+$0x0] =	vst.idx.msk $0xffff, v35  }
0xfd: {  	[tilespmem:v22+s29+$0x0] =	vst.idx.msk $0xffff, v34  }
0xfe: {  	v35 =	vld [tilespmem:$0x5A0];
	_ =	sdelay $0x4  }
0xff: {  	[tilespmem:v21+s29+$0x0] =	vst.idx.msk $0xffff, v35  }
0x100: {  	[tilespmem:v25+s29+$0x0] =	vst.idx.msk $0xffff, v34  }
0x101: {  	v35 =	vld [tilespmem:$0x5B0];
	_ =	sdelay $0x4  }
0x102: {  	[tilespmem:v23+s29+$0x0] =	vst.idx.msk $0xffff, v35  }
0x103: {  	[tilespmem:v26+s29+$0x0] =	vst.idx.msk $0xffff, v34  }
0x104: {  	v35 =	vld [tilespmem:$0x5C0];
	_ =	sdelay $0x4  }
0x105: {  	[tilespmem:v24+s29+$0x0] =	vst.idx.msk $0xffff, v35  }
0x106: {  	[tilespmem:v28+s29+$0x0] =	vst.idx.msk $0xffff, v34  }
0x107: {  	v35 =	vld [tilespmem:$0x5D0];
	_ =	sdelay $0x4  }
0x108: {  	[tilespmem:v27+s29+$0x0] =	vst.idx.msk $0xffff, v35  }
0x109: {  	[tilespmem:v31+s29+$0x0] =	vst.idx.msk $0xffff, v34  }
0x10a: {  	v35 =	vld [tilespmem:$0x5E0];
	_ =	sdelay $0x4  }
0x10b: {  	[tilespmem:v29+s29+$0x0] =	vst.idx.msk $0xffff, v35  }
0x10c: {  	[tilespmem:v32+s29+$0x0] =	vst.idx.msk $0xffff, v34  }
0x10d: {  	v34 =	vld [tilespmem:$0x5F0];
	_ =	sdelay $0x4  }
0x10e: {  	[tilespmem:v30+s29+$0x0] =	vst.idx.msk $0xffff, v34  }
0x10f: {  	[hbm4b:s9+s26] =	stream.strided.scatter [tilespmem:s29], [sflag:$0x3], $0x1000, s28, s26, $0x38;
	[tilespmem:$0x3800] =	vst v63  }
0x110: {  	_ =	swait.ge [sflag:s30], $0x1000  }
0x111: {  	[sflag:s30] =	ssyncset.done $0x0  }
0x112: {  	[sflag:s30] =	ssyncadd.s32 $0xFFFFF000  }
0x113: {  	v39 =	vld [tilespmem:$0x1200];
	_ =	sdelay $0x4  }
0x114: {  	v34 =	vperm.xlane v39, v1;
	_ =	sdelay $0x1  }
0x115: {  	[tilespmem:v2+s25+$0x0] =	vst.idx.msk $0xffff, v34  }
0x116: {  	v40 =	vld [tilespmem:$0x200];
	_ =	sdelay $0x4  }
0x117: {  	[tilespmem:v0+s25+$0x0] =	vst.idx.msk $0xffff, v40  }
0x118: {  	[tilespmem:v4+s25+$0x0] =	vst.idx.msk $0xffff, v34  }
0x119: {  	v35 =	vld [tilespmem:$0x210];
	_ =	sdelay $0x4  }
0x11a: {  	[tilespmem:v3+s25+$0x0] =	vst.idx.msk $0xffff, v35  }
0x11b: {  	[tilespmem:v7+s25+$0x0] =	vst.idx.msk $0xffff, v34  }
0x11c: {  	v35 =	vld [tilespmem:$0x220];
	_ =	sdelay $0x4  }
0x11d: {  	[tilespmem:v5+s25+$0x0] =	vst.idx.msk $0xffff, v35  }
0x11e: {  	[tilespmem:v8+s25+$0x0] =	vst.idx.msk $0xffff, v34  }
0x11f: {  	v35 =	vld [tilespmem:$0x230];
	_ =	sdelay $0x4  }
0x120: {  	[tilespmem:v6+s25+$0x0] =	vst.idx.msk $0xffff, v35  }
0x121: {  	[tilespmem:v10+s25+$0x0] =	vst.idx.msk $0xffff, v34  }
0x122: {  	v35 =	vld [tilespmem:$0x240];
	_ =	sdelay $0x4  }
0x123: {  	[tilespmem:v9+s25+$0x0] =	vst.idx.msk $0xffff, v35  }
0x124: {  	[tilespmem:v13+s25+$0x0] =	vst.idx.msk $0xffff, v34  }
0x125: {  	v35 =	vld [tilespmem:$0x250];
	_ =	sdelay $0x4  }
0x126: {  	[tilespmem:v11+s25+$0x0] =	vst.idx.msk $0xffff, v35  }
0x127: {  	[tilespmem:v14+s25+$0x0] =	vst.idx.msk $0xffff, v34  }
0x128: {  	v35 =	vld [tilespmem:$0x260];
	_ =	sdelay $0x4  }
0x129: {  	[tilespmem:v12+s25+$0x0] =	vst.idx.msk $0xffff, v35  }
0x12a: {  	[tilespmem:v16+s25+$0x0] =	vst.idx.msk $0xffff, v34  }
0x12b: {  	v35 =	vld [tilespmem:$0x270];
	_ =	sdelay $0x4  }
0x12c: {  	[tilespmem:v15+s25+$0x0] =	vst.idx.msk $0xffff, v35  }
0x12d: {  	[tilespmem:v19+s25+$0x0] =	vst.idx.msk $0xffff, v34  }
0x12e: {  	v35 =	vld [tilespmem:$0x600];
	_ =	sdelay $0x4  }
0x12f: {  	[tilespmem:v17+s25+$0x0] =	vst.idx.msk $0xffff, v35  }
0x130: {  	[tilespmem:v20+s25+$0x0] =	vst.idx.msk $0xffff, v34  }
0x131: {  	v35 =	vld [tilespmem:$0x610];
	_ =	sdelay $0x4  }
0x132: {  	[tilespmem:v18+s25+$0x0] =	vst.idx.msk $0xffff, v35  }
0x133: {  	[tilespmem:v22+s25+$0x0] =	vst.idx.msk $0xffff, v34  }
0x134: {  	v35 =	vld [tilespmem:$0x620];
	_ =	sdelay $0x4  }
0x135: {  	[tilespmem:v21+s25+$0x0] =	vst.idx.msk $0xffff, v35  }
0x136: {  	[tilespmem:v25+s25+$0x0] =	vst.idx.msk $0xffff, v34  }
0x137: {  	v35 =	vld [tilespmem:$0x630];
	_ =	sdelay $0x4  }
0x138: {  	[tilespmem:v23+s25+$0x0] =	vst.idx.msk $0xffff, v35  }
0x139: {  	[tilespmem:v26+s25+$0x0] =	vst.idx.msk $0xffff, v34  }
0x13a: {  	v35 =	vld [tilespmem:$0x640];
	_ =	sdelay $0x4  }
0x13b: {  	[tilespmem:v24+s25+$0x0] =	vst.idx.msk $0xffff, v35  }
0x13c: {  	[tilespmem:v28+s25+$0x0] =	vst.idx.msk $0xffff, v34  }
0x13d: {  	v35 =	vld [tilespmem:$0x650];
	_ =	sdelay $0x4  }
0x13e: {  	[tilespmem:v27+s25+$0x0] =	vst.idx.msk $0xffff, v35  }
0x13f: {  	[tilespmem:v31+s25+$0x0] =	vst.idx.msk $0xffff, v34  }
0x140: {  	v35 =	vld [tilespmem:$0x660];
	_ =	sdelay $0x4  }
0x141: {  	[tilespmem:v29+s25+$0x0] =	vst.idx.msk $0xffff, v35  }
0x142: {  	[tilespmem:v32+s25+$0x0] =	vst.idx.msk $0xffff, v34  }
0x143: {  	v34 =	vld [tilespmem:$0x670];
	_ =	sdelay $0x4  }
0x144: {  	[tilespmem:v30+s25+$0x0] =	vst.idx.msk $0xffff, v34  }
0x145: {  	[hbm4b:s10+s26] =	stream.strided.scatter [tilespmem:s25], [sflag:$0x2], $0x1000, s28, s26, $0x38;
	[tilespmem:$0x3800] =	vst v63  }
0x146: {  	_ =	swait.ge [sflag:s31], $0x1000  }
0x147: {  	[sflag:s31] =	ssyncset.done $0x0  }
0x148: {  	[sflag:s31] =	ssyncadd.s32 $0xFFFFF000  }
0x149: {  	v41 =	vld [tilespmem:$0x1280];
	_ =	sdelay $0x4  }
0x14a: {  	v34 =	vperm.xlane v41, v1;
	_ =	sdelay $0x1  }
0x14b: {  	[tilespmem:v2+s29+$0x0] =	vst.idx.msk $0xffff, v34  }
0x14c: {  	v42 =	vld [tilespmem:$0x280];
	_ =	sdelay $0x4  }
0x14d: {  	[tilespmem:v0+s29+$0x0] =	vst.idx.msk $0xffff, v42  }
0x14e: {  	[tilespmem:v4+s29+$0x0] =	vst.idx.msk $0xffff, v34  }
0x14f: {  	v35 =	vld [tilespmem:$0x290];
	_ =	sdelay $0x4  }
0x150: {  	[tilespmem:v3+s29+$0x0] =	vst.idx.msk $0xffff, v35  }
0x151: {  	[tilespmem:v7+s29+$0x0] =	vst.idx.msk $0xffff, v34  }
0x152: {  	v35 =	vld [tilespmem:$0x2A0];
	_ =	sdelay $0x4  }
0x153: {  	[tilespmem:v5+s29+$0x0] =	vst.idx.msk $0xffff, v35  }
0x154: {  	[tilespmem:v8+s29+$0x0] =	vst.idx.msk $0xffff, v34  }
0x155: {  	v35 =	vld [tilespmem:$0x2B0];
	_ =	sdelay $0x4  }
0x156: {  	[tilespmem:v6+s29+$0x0] =	vst.idx.msk $0xffff, v35  }
0x157: {  	[tilespmem:v10+s29+$0x0] =	vst.idx.msk $0xffff, v34  }
0x158: {  	v35 =	vld [tilespmem:$0x2C0];
	_ =	sdelay $0x4  }
0x159: {  	[tilespmem:v9+s29+$0x0] =	vst.idx.msk $0xffff, v35  }
0x15a: {  	[tilespmem:v13+s29+$0x0] =	vst.idx.msk $0xffff, v34  }
0x15b: {  	v35 =	vld [tilespmem:$0x2D0];
	_ =	sdelay $0x4  }
0x15c: {  	[tilespmem:v11+s29+$0x0] =	vst.idx.msk $0xffff, v35  }
0x15d: {  	[tilespmem:v14+s29+$0x0] =	vst.idx.msk $0xffff, v34  }
0x15e: {  	v35 =	vld [tilespmem:$0x2E0];
	_ =	sdelay $0x4  }
0x15f: {  	[tilespmem:v12+s29+$0x0] =	vst.idx.msk $0xffff, v35  }
0x160: {  	[tilespmem:v16+s29+$0x0] =	vst.idx.msk $0xffff, v34  }
0x161: {  	v35 =	vld [tilespmem:$0x2F0];
	_ =	sdelay $0x4  }
0x162: {  	[tilespmem:v15+s29+$0x0] =	vst.idx.msk $0xffff, v35  }
0x163: {  	[tilespmem:v19+s29+$0x0] =	vst.idx.msk $0xffff, v34  }
0x164: {  	v35 =	vld [tilespmem:$0x680];
	_ =	sdelay $0x4  }
0x165: {  	[tilespmem:v17+s29+$0x0] =	vst.idx.msk $0xffff, v35  }
0x166: {  	[tilespmem:v20+s29+$0x0] =	vst.idx.msk $0xffff, v34  }
0x167: {  	v35 =	vld [tilespmem:$0x690];
	_ =	sdelay $0x4  }
0x168: {  	[tilespmem:v18+s29+$0x0] =	vst.idx.msk $0xffff, v35  }
0x169: {  	[tilespmem:v22+s29+$0x0] =	vst.idx.msk $0xffff, v34  }
0x16a: {  	v35 =	vld [tilespmem:$0x6A0];
	_ =	sdelay $0x4  }
0x16b: {  	[tilespmem:v21+s29+$0x0] =	vst.idx.msk $0xffff, v35  }
0x16c: {  	[tilespmem:v25+s29+$0x0] =	vst.idx.msk $0xffff, v34  }
0x16d: {  	v35 =	vld [tilespmem:$0x6B0];
	_ =	sdelay $0x4  }
0x16e: {  	[tilespmem:v23+s29+$0x0] =	vst.idx.msk $0xffff, v35  }
0x16f: {  	[tilespmem:v26+s29+$0x0] =	vst.idx.msk $0xffff, v34  }
0x170: {  	v35 =	vld [tilespmem:$0x6C0];
	_ =	sdelay $0x4  }
0x171: {  	[tilespmem:v24+s29+$0x0] =	vst.idx.msk $0xffff, v35  }
0x172: {  	[tilespmem:v28+s29+$0x0] =	vst.idx.msk $0xffff, v34  }
0x173: {  	v35 =	vld [tilespmem:$0x6D0];
	_ =	sdelay $0x4  }
0x174: {  	[tilespmem:v27+s29+$0x0] =	vst.idx.msk $0xffff, v35  }
0x175: {  	[tilespmem:v31+s29+$0x0] =	vst.idx.msk $0xffff, v34  }
0x176: {  	v35 =	vld [tilespmem:$0x6E0];
	_ =	sdelay $0x4  }
0x177: {  	[tilespmem:v29+s29+$0x0] =	vst.idx.msk $0xffff, v35  }
0x178: {  	[tilespmem:v32+s29+$0x0] =	vst.idx.msk $0xffff, v34  }
0x179: {  	v34 =	vld [tilespmem:$0x6F0];
	_ =	sdelay $0x4  }
0x17a: {  	[tilespmem:v30+s29+$0x0] =	vst.idx.msk $0xffff, v34  }
0x17b: {  	[hbm4b:s11+s26] =	stream.strided.scatter [tilespmem:s29], [sflag:$0x3], $0x1000, s28, s26, $0x38;
	[tilespmem:$0x3800] =	vst v63  }
0x17c: {  	_ =	swait.ge [sflag:s30], $0x1000  }
0x17d: {  	[sflag:s30] =	ssyncset.done $0x0  }
0x17e: {  	[sflag:s30] =	ssyncadd.s32 $0xFFFFF000  }
0x17f: {  	v43 =	vld [tilespmem:$0x1300];
	_ =	sdelay $0x4  }
0x180: {  	v34 =	vperm.xlane v43, v1;
	_ =	sdelay $0x1  }
0x181: {  	[tilespmem:v2+s25+$0x0] =	vst.idx.msk $0xffff, v34  }
0x182: {  	v44 =	vld [tilespmem:$0x300];
	_ =	sdelay $0x4  }
0x183: {  	[tilespmem:v0+s25+$0x0] =	vst.idx.msk $0xffff, v44  }
0x184: {  	[tilespmem:v4+s25+$0x0] =	vst.idx.msk $0xffff, v34  }
0x185: {  	v35 =	vld [tilespmem:$0x310];
	_ =	sdelay $0x4  }
0x186: {  	[tilespmem:v3+s25+$0x0] =	vst.idx.msk $0xffff, v35  }
0x187: {  	[tilespmem:v7+s25+$0x0] =	vst.idx.msk $0xffff, v34  }
0x188: {  	v35 =	vld [tilespmem:$0x320];
	_ =	sdelay $0x4  }
0x189: {  	[tilespmem:v5+s25+$0x0] =	vst.idx.msk $0xffff, v35  }
0x18a: {  	[tilespmem:v8+s25+$0x0] =	vst.idx.msk $0xffff, v34  }
0x18b: {  	v35 =	vld [tilespmem:$0x330];
	_ =	sdelay $0x4  }
0x18c: {  	[tilespmem:v6+s25+$0x0] =	vst.idx.msk $0xffff, v35  }
0x18d: {  	[tilespmem:v10+s25+$0x0] =	vst.idx.msk $0xffff, v34  }
0x18e: {  	v35 =	vld [tilespmem:$0x340];
	_ =	sdelay $0x4  }
0x18f: {  	[tilespmem:v9+s25+$0x0] =	vst.idx.msk $0xffff, v35  }
0x190: {  	[tilespmem:v13+s25+$0x0] =	vst.idx.msk $0xffff, v34  }
0x191: {  	v35 =	vld [tilespmem:$0x350];
	_ =	sdelay $0x4  }
0x192: {  	[tilespmem:v11+s25+$0x0] =	vst.idx.msk $0xffff, v35  }
0x193: {  	[tilespmem:v14+s25+$0x0] =	vst.idx.msk $0xffff, v34  }
0x194: {  	v35 =	vld [tilespmem:$0x360];
	_ =	sdelay $0x4  }
0x195: {  	[tilespmem:v12+s25+$0x0] =	vst.idx.msk $0xffff, v35  }
0x196: {  	[tilespmem:v16+s25+$0x0] =	vst.idx.msk $0xffff, v34  }
0x197: {  	v45 =	vld [tilespmem:$0x370];
	_ =	sdelay $0x4  }
0x198: {  	[tilespmem:v15+s25+$0x0] =	vst.idx.msk $0xffff, v45  }
0x199: {  	[tilespmem:v19+s25+$0x0] =	vst.idx.msk $0xffff, v34  }
0x19a: {  	v35 =	vld [tilespmem:$0x700];
	_ =	sdelay $0x4  }
0x19b: {  	[tilespmem:v17+s25+$0x0] =	vst.idx.msk $0xffff, v35  }
0x19c: {  	[tilespmem:v20+s25+$0x0] =	vst.idx.msk $0xffff, v34  }
0x19d: {  	v35 =	vld [tilespmem:$0x710];
	_ =	sdelay $0x4  }
0x19e: {  	[tilespmem:v18+s25+$0x0] =	vst.idx.msk $0xffff, v35  }
0x19f: {  	[tilespmem:v22+s25+$0x0] =	vst.idx.msk $0xffff, v34  }
0x1a0: {  	v35 =	vld [tilespmem:$0x720];
	_ =	sdelay $0x4  }
0x1a1: {  	[tilespmem:v21+s25+$0x0] =	vst.idx.msk $0xffff, v35  }
0x1a2: {  	[tilespmem:v25+s25+$0x0] =	vst.idx.msk $0xffff, v34  }
0x1a3: {  	v35 =	vld [tilespmem:$0x730];
	_ =	sdelay $0x4  }
0x1a4: {  	[tilespmem:v23+s25+$0x0] =	vst.idx.msk $0xffff, v35  }
0x1a5: {  	[tilespmem:v26+s25+$0x0] =	vst.idx.msk $0xffff, v34  }
0x1a6: {  	v35 =	vld [tilespmem:$0x740];
	_ =	sdelay $0x4  }
0x1a7: {  	[tilespmem:v24+s25+$0x0] =	vst.idx.msk $0xffff, v35  }
0x1a8: {  	[tilespmem:v28+s25+$0x0] =	vst.idx.msk $0xffff, v34  }
0x1a9: {  	v35 =	vld [tilespmem:$0x750];
	_ =	sdelay $0x4  }
0x1aa: {  	[tilespmem:v27+s25+$0x0] =	vst.idx.msk $0xffff, v35  }
0x1ab: {  	[tilespmem:v31+s25+$0x0] =	vst.idx.msk $0xffff, v34  }
0x1ac: {  	v35 =	vld [tilespmem:$0x760];
	_ =	sdelay $0x4  }
0x1ad: {  	[tilespmem:v29+s25+$0x0] =	vst.idx.msk $0xffff, v35  }
0x1ae: {  	[tilespmem:v32+s25+$0x0] =	vst.idx.msk $0xffff, v34  }
0x1af: {  	v34 =	vld [tilespmem:$0x770];
	_ =	sdelay $0x4  }
0x1b0: {  	[tilespmem:v30+s25+$0x0] =	vst.idx.msk $0xffff, v34  }
0x1b1: {  	[hbm4b:s12+s26] =	stream.strided.scatter [tilespmem:s25], [sflag:$0x2], $0x1000, s28, s26, $0x38;
	[tilespmem:$0x3800] =	vst v63  }
0x1b2: {  	_ =	swait.ge [sflag:s31], $0x1000  }
0x1b3: {  	[sflag:s31] =	ssyncset.done $0x0  }
0x1b4: {  	[sflag:s31] =	ssyncadd.s32 $0xFFFFF000  }
0x1b5: {  	v46 =	vld [tilespmem:$0x1380];
	_ =	sdelay $0x4  }
0x1b6: {  	v34 =	vperm.xlane v46, v1;
	_ =	sdelay $0x1  }
0x1b7: {  	[tilespmem:v2+s29+$0x0] =	vst.idx.msk $0xffff, v34  }
0x1b8: {  	v47 =	vld [tilespmem:$0x380];
	_ =	sdelay $0x4  }
0x1b9: {  	[tilespmem:v0+s29+$0x0] =	vst.idx.msk $0xffff, v47  }
0x1ba: {  	[tilespmem:v4+s29+$0x0] =	vst.idx.msk $0xffff, v34  }
0x1bb: {  	v35 =	vld [tilespmem:$0x390];
	_ =	sdelay $0x4  }
0x1bc: {  	[tilespmem:v3+s29+$0x0] =	vst.idx.msk $0xffff, v35  }
0x1bd: {  	[tilespmem:v7+s29+$0x0] =	vst.idx.msk $0xffff, v34  }
0x1be: {  	v35 =	vld [tilespmem:$0x3A0];
	_ =	sdelay $0x4  }
0x1bf: {  	[tilespmem:v5+s29+$0x0] =	vst.idx.msk $0xffff, v35  }
0x1c0: {  	[tilespmem:v8+s29+$0x0] =	vst.idx.msk $0xffff, v34  }
0x1c1: {  	v35 =	vld [tilespmem:$0x3B0];
	_ =	sdelay $0x4  }
0x1c2: {  	[tilespmem:v6+s29+$0x0] =	vst.idx.msk $0xffff, v35  }
0x1c3: {  	[tilespmem:v10+s29+$0x0] =	vst.idx.msk $0xffff, v34  }
0x1c4: {  	v35 =	vld [tilespmem:$0x3C0];
	_ =	sdelay $0x4  }
0x1c5: {  	[tilespmem:v9+s29+$0x0] =	vst.idx.msk $0xffff, v35  }
0x1c6: {  	[tilespmem:v13+s29+$0x0] =	vst.idx.msk $0xffff, v34  }
0x1c7: {  	v35 =	vld [tilespmem:$0x3D0];
	_ =	sdelay $0x4  }
0x1c8: {  	[tilespmem:v11+s29+$0x0] =	vst.idx.msk $0xffff, v35  }
0x1c9: {  	[tilespmem:v14+s29+$0x0] =	vst.idx.msk $0xffff, v34  }
0x1ca: {  	v35 =	vld [tilespmem:$0x3E0];
	_ =	sdelay $0x4  }
0x1cb: {  	[tilespmem:v12+s29+$0x0] =	vst.idx.msk $0xffff, v35  }
0x1cc: {  	[tilespmem:v16+s29+$0x0] =	vst.idx.msk $0xffff, v34  }
0x1cd: {  	v35 =	vld [tilespmem:$0x3F0];
	_ =	sdelay $0x4  }
0x1ce: {  	[tilespmem:v15+s29+$0x0] =	vst.idx.msk $0xffff, v35  }
0x1cf: {  	[tilespmem:v19+s29+$0x0] =	vst.idx.msk $0xffff, v34  }
0x1d0: {  	v35 =	vld [tilespmem:$0x780];
	_ =	sdelay $0x4  }
0x1d1: {  	[tilespmem:v17+s29+$0x0] =	vst.idx.msk $0xffff, v35  }
0x1d2: {  	[tilespmem:v20+s29+$0x0] =	vst.idx.msk $0xffff, v34  }
0x1d3: {  	v35 =	vld [tilespmem:$0x790];
	_ =	sdelay $0x4  }
0x1d4: {  	[tilespmem:v18+s29+$0x0] =	vst.idx.msk $0xffff, v35  }
0x1d5: {  	[tilespmem:v22+s29+$0x0] =	vst.idx.msk $0xffff, v34  }
0x1d6: {  	v35 =	vld [tilespmem:$0x7A0];
	_ =	sdelay $0x4  }
0x1d7: {  	[tilespmem:v21+s29+$0x0] =	vst.idx.msk $0xffff, v35  }
0x1d8: {  	[tilespmem:v25+s29+$0x0] =	vst.idx.msk $0xffff, v34  }
0x1d9: {  	v35 =	vld [tilespmem:$0x7B0];
	_ =	sdelay $0x4  }
0x1da: {  	[tilespmem:v23+s29+$0x0] =	vst.idx.msk $0xffff, v35  }
0x1db: {  	[tilespmem:v26+s29+$0x0] =	vst.idx.msk $0xffff, v34  }
0x1dc: {  	v35 =	vld [tilespmem:$0x7C0];
	_ =	sdelay $0x4  }
0x1dd: {  	[tilespmem:v24+s29+$0x0] =	vst.idx.msk $0xffff, v35  }
0x1de: {  	[tilespmem:v28+s29+$0x0] =	vst.idx.msk $0xffff, v34  }
0x1df: {  	v35 =	vld [tilespmem:$0x7D0];
	_ =	sdelay $0x4  }
0x1e0: {  	[tilespmem:v27+s29+$0x0] =	vst.idx.msk $0xffff, v35  }
0x1e1: {  	[tilespmem:v31+s29+$0x0] =	vst.idx.msk $0xffff, v34  }
0x1e2: {  	v35 =	vld [tilespmem:$0x7E0];
	_ =	sdelay $0x4  }
0x1e3: {  	[tilespmem:v29+s29+$0x0] =	vst.idx.msk $0xffff, v35  }
0x1e4: {  	[tilespmem:v32+s29+$0x0] =	vst.idx.msk $0xffff, v34  }
0x1e5: {  	v34 =	vld [tilespmem:$0x7F0];
	_ =	sdelay $0x4  }
0x1e6: {  	[tilespmem:v30+s29+$0x0] =	vst.idx.msk $0xffff, v34  }
0x1e7: {  	[hbm4b:s13+s26] =	stream.strided.scatter [tilespmem:s29], [sflag:$0x3], $0x1000, s28, s26, $0x38;
	[tilespmem:$0x3800] =	vst v63  }
0x1e8: {  	_ =	swait.ge [sflag:s30], $0x1000  }
0x1e9: {  	[sflag:s30] =	ssyncset.done $0x0  }
0x1ea: {  	[sflag:s30] =	ssyncadd.s32 $0xFFFFF000  }
0x1eb: {  	v48 =	vld [tilespmem:$0x1400];
	_ =	sdelay $0x4  }
0x1ec: {  	v34 =	vperm.xlane v48, v1;
	_ =	sdelay $0x1  }
0x1ed: {  	[tilespmem:v2+s25+$0x0] =	vst.idx.msk $0xffff, v34  }
0x1ee: {  	v49 =	vld [tilespmem:$0x800];
	_ =	sdelay $0x4  }
0x1ef: {  	[tilespmem:v0+s25+$0x0] =	vst.idx.msk $0xffff, v49  }
0x1f0: {  	[tilespmem:v4+s25+$0x0] =	vst.idx.msk $0xffff, v34  }
0x1f1: {  	v35 =	vld [tilespmem:$0x810];
	_ =	sdelay $0x4  }
0x1f2: {  	[tilespmem:v3+s25+$0x0] =	vst.idx.msk $0xffff, v35  }
0x1f3: {  	[tilespmem:v7+s25+$0x0] =	vst.idx.msk $0xffff, v34  }
0x1f4: {  	v35 =	vld [tilespmem:$0x820];
	_ =	sdelay $0x4  }
0x1f5: {  	[tilespmem:v5+s25+$0x0] =	vst.idx.msk $0xffff, v35  }
0x1f6: {  	[tilespmem:v8+s25+$0x0] =	vst.idx.msk $0xffff, v34  }
0x1f7: {  	v35 =	vld [tilespmem:$0x830];
	_ =	sdelay $0x4  }
0x1f8: {  	[tilespmem:v6+s25+$0x0] =	vst.idx.msk $0xffff, v35  }
0x1f9: {  	[tilespmem:v10+s25+$0x0] =	vst.idx.msk $0xffff, v34  }
0x1fa: {  	v35 =	vld [tilespmem:$0x840];
	_ =	sdelay $0x4  }
0x1fb: {  	[tilespmem:v9+s25+$0x0] =	vst.idx.msk $0xffff, v35  }
0x1fc: {  	[tilespmem:v13+s25+$0x0] =	vst.idx.msk $0xffff, v34  }
0x1fd: {  	v35 =	vld [tilespmem:$0x850];
	_ =	sdelay $0x4  }
0x1fe: {  	[tilespmem:v11+s25+$0x0] =	vst.idx.msk $0xffff, v35  }
0x1ff: {  	[tilespmem:v14+s25+$0x0] =	vst.idx.msk $0xffff, v34  }
0x200: {  	v35 =	vld [tilespmem:$0x860];
	_ =	sdelay $0x4  }
0x201: {  	[tilespmem:v12+s25+$0x0] =	vst.idx.msk $0xffff, v35  }
0x202: {  	[tilespmem:v16+s25+$0x0] =	vst.idx.msk $0xffff, v34  }
0x203: {  	v35 =	vld [tilespmem:$0x870];
	_ =	sdelay $0x4  }
0x204: {  	[tilespmem:v15+s25+$0x0] =	vst.idx.msk $0xffff, v35  }
0x205: {  	[tilespmem:v19+s25+$0x0] =	vst.idx.msk $0xffff, v34  }
0x206: {  	v35 =	vld [tilespmem:$0xC00];
	_ =	sdelay $0x4  }
0x207: {  	[tilespmem:v17+s25+$0x0] =	vst.idx.msk $0xffff, v35  }
0x208: {  	[tilespmem:v20+s25+$0x0] =	vst.idx.msk $0xffff, v34  }
0x209: {  	v35 =	vld [tilespmem:$0xC10];
	_ =	sdelay $0x4  }
0x20a: {  	[tilespmem:v18+s25+$0x0] =	vst.idx.msk $0xffff, v35  }
0x20b: {  	[tilespmem:v22+s25+$0x0] =	vst.idx.msk $0xffff, v34  }
0x20c: {  	v35 =	vld [tilespmem:$0xC20];
	_ =	sdelay $0x4  }
0x20d: {  	[tilespmem:v21+s25+$0x0] =	vst.idx.msk $0xffff, v35  }
0x20e: {  	[tilespmem:v25+s25+$0x0] =	vst.idx.msk $0xffff, v34  }
0x20f: {  	v35 =	vld [tilespmem:$0xC30];
	_ =	sdelay $0x4  }
0x210: {  	[tilespmem:v23+s25+$0x0] =	vst.idx.msk $0xffff, v35  }
0x211: {  	[tilespmem:v26+s25+$0x0] =	vst.idx.msk $0xffff, v34  }
0x212: {  	v35 =	vld [tilespmem:$0xC40];
	_ =	sdelay $0x4  }
0x213: {  	[tilespmem:v24+s25+$0x0] =	vst.idx.msk $0xffff, v35  }
0x214: {  	[tilespmem:v28+s25+$0x0] =	vst.idx.msk $0xffff, v34  }
0x215: {  	v35 =	vld [tilespmem:$0xC50];
	_ =	sdelay $0x4  }
0x216: {  	[tilespmem:v27+s25+$0x0] =	vst.idx.msk $0xffff, v35  }
0x217: {  	[tilespmem:v31+s25+$0x0] =	vst.idx.msk $0xffff, v34  }
0x218: {  	v35 =	vld [tilespmem:$0xC60];
	_ =	sdelay $0x4  }
0x219: {  	[tilespmem:v29+s25+$0x0] =	vst.idx.msk $0xffff, v35  }
0x21a: {  	[tilespmem:v32+s25+$0x0] =	vst.idx.msk $0xffff, v34  }
0x21b: {  	v34 =	vld [tilespmem:$0xC70];
	_ =	sdelay $0x4  }
0x21c: {  	[tilespmem:v30+s25+$0x0] =	vst.idx.msk $0xffff, v34  }
0x21d: {  	[hbm4b:s14+s26] =	stream.strided.scatter [tilespmem:s25], [sflag:$0x2], $0x1000, s28, s26, $0x38;
	[tilespmem:$0x3800] =	vst v63  }
0x21e: {  	_ =	swait.ge [sflag:s31], $0x1000  }
0x21f: {  	[sflag:s31] =	ssyncset.done $0x0  }
0x220: {  	[sflag:s31] =	ssyncadd.s32 $0xFFFFF000  }
0x221: {  	v50 =	vld [tilespmem:$0x1480];
	_ =	sdelay $0x4  }
0x222: {  	v34 =	vperm.xlane v50, v1;
	_ =	sdelay $0x1  }
0x223: {  	[tilespmem:v2+s29+$0x0] =	vst.idx.msk $0xffff, v34  }
0x224: {  	v51 =	vld [tilespmem:$0x880];
	_ =	sdelay $0x4  }
0x225: {  	[tilespmem:v0+s29+$0x0] =	vst.idx.msk $0xffff, v51  }
0x226: {  	[tilespmem:v4+s29+$0x0] =	vst.idx.msk $0xffff, v34  }
0x227: {  	v35 =	vld [tilespmem:$0x890];
	_ =	sdelay $0x4  }
0x228: {  	[tilespmem:v3+s29+$0x0] =	vst.idx.msk $0xffff, v35  }
0x229: {  	[tilespmem:v7+s29+$0x0] =	vst.idx.msk $0xffff, v34  }
0x22a: {  	v35 =	vld [tilespmem:$0x8A0];
	_ =	sdelay $0x4  }
0x22b: {  	[tilespmem:v5+s29+$0x0] =	vst.idx.msk $0xffff, v35  }
0x22c: {  	[tilespmem:v8+s29+$0x0] =	vst.idx.msk $0xffff, v34  }
0x22d: {  	v35 =	vld [tilespmem:$0x8B0];
	_ =	sdelay $0x4  }
0x22e: {  	[tilespmem:v6+s29+$0x0] =	vst.idx.msk $0xffff, v35  }
0x22f: {  	[tilespmem:v10+s29+$0x0] =	vst.idx.msk $0xffff, v34  }
0x230: {  	v35 =	vld [tilespmem:$0x8C0];
	_ =	sdelay $0x4  }
0x231: {  	[tilespmem:v9+s29+$0x0] =	vst.idx.msk $0xffff, v35  }
0x232: {  	[tilespmem:v13+s29+$0x0] =	vst.idx.msk $0xffff, v34  }
0x233: {  	v35 =	vld [tilespmem:$0x8D0];
	_ =	sdelay $0x4  }
0x234: {  	[tilespmem:v11+s29+$0x0] =	vst.idx.msk $0xffff, v35  }
0x235: {  	[tilespmem:v14+s29+$0x0] =	vst.idx.msk $0xffff, v34  }
0x236: {  	v35 =	vld [tilespmem:$0x8E0];
	_ =	sdelay $0x4  }
0x237: {  	[tilespmem:v12+s29+$0x0] =	vst.idx.msk $0xffff, v35  }
0x238: {  	[tilespmem:v16+s29+$0x0] =	vst.idx.msk $0xffff, v34  }
0x239: {  	v35 =	vld [tilespmem:$0x8F0];
	_ =	sdelay $0x4  }
0x23a: {  	[tilespmem:v15+s29+$0x0] =	vst.idx.msk $0xffff, v35  }
0x23b: {  	[tilespmem:v19+s29+$0x0] =	vst.idx.msk $0xffff, v34  }
0x23c: {  	v35 =	vld [tilespmem:$0xC80];
	_ =	sdelay $0x4  }
0x23d: {  	[tilespmem:v17+s29+$0x0] =	vst.idx.msk $0xffff, v35  }
0x23e: {  	[tilespmem:v20+s29+$0x0] =	vst.idx.msk $0xffff, v34  }
0x23f: {  	v35 =	vld [tilespmem:$0xC90];
	_ =	sdelay $0x4  }
0x240: {  	[tilespmem:v18+s29+$0x0] =	vst.idx.msk $0xffff, v35  }
0x241: {  	[tilespmem:v22+s29+$0x0] =	vst.idx.msk $0xffff, v34  }
0x242: {  	v35 =	vld [tilespmem:$0xCA0];
	_ =	sdelay $0x4  }
0x243: {  	[tilespmem:v21+s29+$0x0] =	vst.idx.msk $0xffff, v35  }
0x244: {  	[tilespmem:v25+s29+$0x0] =	vst.idx.msk $0xffff, v34  }
0x245: {  	v35 =	vld [tilespmem:$0xCB0];
	_ =	sdelay $0x4  }
0x246: {  	[tilespmem:v23+s29+$0x0] =	vst.idx.msk $0xffff, v35  }
0x247: {  	[tilespmem:v26+s29+$0x0] =	vst.idx.msk $0xffff, v34  }
0x248: {  	v35 =	vld [tilespmem:$0xCC0];
	_ =	sdelay $0x4  }
0x249: {  	[tilespmem:v24+s29+$0x0] =	vst.idx.msk $0xffff, v35  }
0x24a: {  	[tilespmem:v28+s29+$0x0] =	vst.idx.msk $0xffff, v34  }
0x24b: {  	v35 =	vld [tilespmem:$0xCD0];
	_ =	sdelay $0x4  }
0x24c: {  	[tilespmem:v27+s29+$0x0] =	vst.idx.msk $0xffff, v35  }
0x24d: {  	[tilespmem:v31+s29+$0x0] =	vst.idx.msk $0xffff, v34  }
0x24e: {  	v35 =	vld [tilespmem:$0xCE0];
	_ =	sdelay $0x4  }
0x24f: {  	[tilespmem:v29+s29+$0x0] =	vst.idx.msk $0xffff, v35  }
0x250: {  	[tilespmem:v32+s29+$0x0] =	vst.idx.msk $0xffff, v34  }
0x251: {  	v34 =	vld [tilespmem:$0xCF0];
	_ =	sdelay $0x4  }
0x252: {  	[tilespmem:v30+s29+$0x0] =	vst.idx.msk $0xffff, v34  }
0x253: {  	[hbm4b:s15+s26] =	stream.strided.scatter [tilespmem:s29], [sflag:$0x3], $0x1000, s28, s26, $0x38;
	[tilespmem:$0x3800] =	vst v63  }
0x254: {  	_ =	swait.ge [sflag:s30], $0x1000  }
0x255: {  	[sflag:s30] =	ssyncset.done $0x0  }
0x256: {  	[sflag:s30] =	ssyncadd.s32 $0xFFFFF000  }
0x257: {  	v52 =	vld [tilespmem:$0x1500];
	_ =	sdelay $0x4  }
0x258: {  	v34 =	vperm.xlane v52, v1;
	_ =	sdelay $0x1  }
0x259: {  	[tilespmem:v2+s25+$0x0] =	vst.idx.msk $0xffff, v34  }
0x25a: {  	v53 =	vld [tilespmem:$0x900];
	_ =	sdelay $0x4  }
0x25b: {  	[tilespmem:v0+s25+$0x0] =	vst.idx.msk $0xffff, v53  }
0x25c: {  	[tilespmem:v4+s25+$0x0] =	vst.idx.msk $0xffff, v34  }
0x25d: {  	v35 =	vld [tilespmem:$0x910];
	_ =	sdelay $0x4  }
0x25e: {  	[tilespmem:v3+s25+$0x0] =	vst.idx.msk $0xffff, v35  }
0x25f: {  	[tilespmem:v7+s25+$0x0] =	vst.idx.msk $0xffff, v34  }
0x260: {  	v35 =	vld [tilespmem:$0x920];
	_ =	sdelay $0x4  }
0x261: {  	[tilespmem:v5+s25+$0x0] =	vst.idx.msk $0xffff, v35  }
0x262: {  	[tilespmem:v8+s25+$0x0] =	vst.idx.msk $0xffff, v34  }
0x263: {  	v35 =	vld [tilespmem:$0x930];
	_ =	sdelay $0x4  }
0x264: {  	[tilespmem:v6+s25+$0x0] =	vst.idx.msk $0xffff, v35  }
0x265: {  	[tilespmem:v10+s25+$0x0] =	vst.idx.msk $0xffff, v34  }
0x266: {  	v35 =	vld [tilespmem:$0x940];
	_ =	sdelay $0x4  }
0x267: {  	[tilespmem:v9+s25+$0x0] =	vst.idx.msk $0xffff, v35  }
0x268: {  	[tilespmem:v13+s25+$0x0] =	vst.idx.msk $0xffff, v34  }
0x269: {  	v35 =	vld [tilespmem:$0x950];
	_ =	sdelay $0x4  }
0x26a: {  	[tilespmem:v11+s25+$0x0] =	vst.idx.msk $0xffff, v35  }
0x26b: {  	[tilespmem:v14+s25+$0x0] =	vst.idx.msk $0xffff, v34  }
0x26c: {  	v35 =	vld [tilespmem:$0x960];
	_ =	sdelay $0x4  }
0x26d: {  	[tilespmem:v12+s25+$0x0] =	vst.idx.msk $0xffff, v35  }
0x26e: {  	[tilespmem:v16+s25+$0x0] =	vst.idx.msk $0xffff, v34  }
0x26f: {  	v35 =	vld [tilespmem:$0x970];
	_ =	sdelay $0x4  }
0x270: {  	[tilespmem:v15+s25+$0x0] =	vst.idx.msk $0xffff, v35  }
0x271: {  	[tilespmem:v19+s25+$0x0] =	vst.idx.msk $0xffff, v34  }
0x272: {  	v35 =	vld [tilespmem:$0xD00];
	_ =	sdelay $0x4  }
0x273: {  	[tilespmem:v17+s25+$0x0] =	vst.idx.msk $0xffff, v35  }
0x274: {  	[tilespmem:v20+s25+$0x0] =	vst.idx.msk $0xffff, v34  }
0x275: {  	v35 =	vld [tilespmem:$0xD10];
	_ =	sdelay $0x4  }
0x276: {  	[tilespmem:v18+s25+$0x0] =	vst.idx.msk $0xffff, v35  }
0x277: {  	[tilespmem:v22+s25+$0x0] =	vst.idx.msk $0xffff, v34  }
0x278: {  	v35 =	vld [tilespmem:$0xD20];
	_ =	sdelay $0x4  }
0x279: {  	[tilespmem:v21+s25+$0x0] =	vst.idx.msk $0xffff, v35  }
0x27a: {  	[tilespmem:v25+s25+$0x0] =	vst.idx.msk $0xffff, v34  }
0x27b: {  	v35 =	vld [tilespmem:$0xD30];
	_ =	sdelay $0x4  }
0x27c: {  	[tilespmem:v23+s25+$0x0] =	vst.idx.msk $0xffff, v35  }
0x27d: {  	[tilespmem:v26+s25+$0x0] =	vst.idx.msk $0xffff, v34  }
0x27e: {  	v35 =	vld [tilespmem:$0xD40];
	_ =	sdelay $0x4  }
0x27f: {  	[tilespmem:v24+s25+$0x0] =	vst.idx.msk $0xffff, v35  }
0x280: {  	[tilespmem:v28+s25+$0x0] =	vst.idx.msk $0xffff, v34  }
0x281: {  	v35 =	vld [tilespmem:$0xD50];
	_ =	sdelay $0x4  }
0x282: {  	[tilespmem:v27+s25+$0x0] =	vst.idx.msk $0xffff, v35  }
0x283: {  	[tilespmem:v31+s25+$0x0] =	vst.idx.msk $0xffff, v34  }
0x284: {  	v35 =	vld [tilespmem:$0xD60];
	_ =	sdelay $0x4  }
0x285: {  	[tilespmem:v29+s25+$0x0] =	vst.idx.msk $0xffff, v35  }
0x286: {  	[tilespmem:v32+s25+$0x0] =	vst.idx.msk $0xffff, v34  }
0x287: {  	v34 =	vld [tilespmem:$0xD70];
	_ =	sdelay $0x4  }
0x288: {  	[tilespmem:v30+s25+$0x0] =	vst.idx.msk $0xffff, v34  }
0x289: {  	[hbm4b:s16+s26] =	stream.strided.scatter [tilespmem:s25], [sflag:$0x2], $0x1000, s28, s26, $0x38;
	[tilespmem:$0x3800] =	vst v63  }
0x28a: {  	_ =	swait.ge [sflag:s31], $0x1000  }
0x28b: {  	[sflag:s31] =	ssyncset.done $0x0  }
0x28c: {  	[sflag:s31] =	ssyncadd.s32 $0xFFFFF000  }
0x28d: {  	v54 =	vld [tilespmem:$0x1580];
	_ =	sdelay $0x4  }
0x28e: {  	v34 =	vperm.xlane v54, v1;
	_ =	sdelay $0x1  }
0x28f: {  	[tilespmem:v2+s29+$0x0] =	vst.idx.msk $0xffff, v34  }
0x290: {  	v55 =	vld [tilespmem:$0x980];
	_ =	sdelay $0x4  }
0x291: {  	[tilespmem:v0+s29+$0x0] =	vst.idx.msk $0xffff, v55  }
0x292: {  	[tilespmem:v4+s29+$0x0] =	vst.idx.msk $0xffff, v34  }
0x293: {  	v35 =	vld [tilespmem:$0x990];
	_ =	sdelay $0x4  }
0x294: {  	[tilespmem:v3+s29+$0x0] =	vst.idx.msk $0xffff, v35  }
0x295: {  	[tilespmem:v7+s29+$0x0] =	vst.idx.msk $0xffff, v34  }
0x296: {  	v35 =	vld [tilespmem:$0x9A0];
	_ =	sdelay $0x4  }
0x297: {  	[tilespmem:v5+s29+$0x0] =	vst.idx.msk $0xffff, v35  }
0x298: {  	[tilespmem:v8+s29+$0x0] =	vst.idx.msk $0xffff, v34  }
0x299: {  	v35 =	vld [tilespmem:$0x9B0];
	_ =	sdelay $0x4  }
0x29a: {  	[tilespmem:v6+s29+$0x0] =	vst.idx.msk $0xffff, v35  }
0x29b: {  	[tilespmem:v10+s29+$0x0] =	vst.idx.msk $0xffff, v34  }
0x29c: {  	v35 =	vld [tilespmem:$0x9C0];
	_ =	sdelay $0x4  }
0x29d: {  	[tilespmem:v9+s29+$0x0] =	vst.idx.msk $0xffff, v35  }
0x29e: {  	[tilespmem:v13+s29+$0x0] =	vst.idx.msk $0xffff, v34  }
0x29f: {  	v35 =	vld [tilespmem:$0x9D0];
	_ =	sdelay $0x4  }
0x2a0: {  	[tilespmem:v11+s29+$0x0] =	vst.idx.msk $0xffff, v35  }
0x2a1: {  	[tilespmem:v14+s29+$0x0] =	vst.idx.msk $0xffff, v34  }
0x2a2: {  	v35 =	vld [tilespmem:$0x9E0];
	_ =	sdelay $0x4  }
0x2a3: {  	[tilespmem:v12+s29+$0x0] =	vst.idx.msk $0xffff, v35  }
0x2a4: {  	[tilespmem:v16+s29+$0x0] =	vst.idx.msk $0xffff, v34  }
0x2a5: {  	v35 =	vld [tilespmem:$0x9F0];
	_ =	sdelay $0x4  }
0x2a6: {  	[tilespmem:v15+s29+$0x0] =	vst.idx.msk $0xffff, v35  }
0x2a7: {  	[tilespmem:v19+s29+$0x0] =	vst.idx.msk $0xffff, v34  }
0x2a8: {  	v35 =	vld [tilespmem:$0xD80];
	_ =	sdelay $0x4  }
0x2a9: {  	[tilespmem:v17+s29+$0x0] =	vst.idx.msk $0xffff, v35  }
0x2aa: {  	[tilespmem:v20+s29+$0x0] =	vst.idx.msk $0xffff, v34  }
0x2ab: {  	v35 =	vld [tilespmem:$0xD90];
	_ =	sdelay $0x4  }
0x2ac: {  	[tilespmem:v18+s29+$0x0] =	vst.idx.msk $0xffff, v35  }
0x2ad: {  	[tilespmem:v22+s29+$0x0] =	vst.idx.msk $0xffff, v34  }
0x2ae: {  	v35 =	vld [tilespmem:$0xDA0];
	_ =	sdelay $0x4  }
0x2af: {  	[tilespmem:v21+s29+$0x0] =	vst.idx.msk $0xffff, v35  }
0x2b0: {  	[tilespmem:v25+s29+$0x0] =	vst.idx.msk $0xffff, v34  }
0x2b1: {  	v35 =	vld [tilespmem:$0xDB0];
	_ =	sdelay $0x4  }
0x2b2: {  	[tilespmem:v23+s29+$0x0] =	vst.idx.msk $0xffff, v35  }
0x2b3: {  	[tilespmem:v26+s29+$0x0] =	vst.idx.msk $0xffff, v34  }
0x2b4: {  	v35 =	vld [tilespmem:$0xDC0];
	_ =	sdelay $0x4  }
0x2b5: {  	[tilespmem:v24+s29+$0x0] =	vst.idx.msk $0xffff, v35  }
0x2b6: {  	[tilespmem:v28+s29+$0x0] =	vst.idx.msk $0xffff, v34  }
0x2b7: {  	v35 =	vld [tilespmem:$0xDD0];
	_ =	sdelay $0x4  }
0x2b8: {  	[tilespmem:v27+s29+$0x0] =	vst.idx.msk $0xffff, v35  }
0x2b9: {  	[tilespmem:v31+s29+$0x0] =	vst.idx.msk $0xffff, v34  }
0x2ba: {  	v35 =	vld [tilespmem:$0xDE0];
	_ =	sdelay $0x4  }
0x2bb: {  	[tilespmem:v29+s29+$0x0] =	vst.idx.msk $0xffff, v35  }
0x2bc: {  	[tilespmem:v32+s29+$0x0] =	vst.idx.msk $0xffff, v34  }
0x2bd: {  	v34 =	vld [tilespmem:$0xDF0];
	_ =	sdelay $0x4  }
0x2be: {  	[tilespmem:v30+s29+$0x0] =	vst.idx.msk $0xffff, v34  }
0x2bf: {  	[hbm4b:s17+s26] =	stream.strided.scatter [tilespmem:s29], [sflag:$0x3], $0x1000, s28, s26, $0x38;
	[tilespmem:$0x3800] =	vst v63  }
0x2c0: {  	_ =	swait.ge [sflag:s30], $0x1000  }
0x2c1: {  	[sflag:s30] =	ssyncset.done $0x0  }
0x2c2: {  	[sflag:s30] =	ssyncadd.s32 $0xFFFFF000  }
0x2c3: {  	v56 =	vld [tilespmem:$0x1600];
	_ =	sdelay $0x4  }
0x2c4: {  	v34 =	vperm.xlane v56, v1;
	_ =	sdelay $0x1  }
0x2c5: {  	[tilespmem:v2+s25+$0x0] =	vst.idx.msk $0xffff, v34  }
0x2c6: {  	v57 =	vld [tilespmem:$0xA00];
	_ =	sdelay $0x4  }
0x2c7: {  	[tilespmem:v0+s25+$0x0] =	vst.idx.msk $0xffff, v57  }
0x2c8: {  	[tilespmem:v4+s25+$0x0] =	vst.idx.msk $0xffff, v34  }
0x2c9: {  	v35 =	vld [tilespmem:$0xA10];
	_ =	sdelay $0x4  }
0x2ca: {  	[tilespmem:v3+s25+$0x0] =	vst.idx.msk $0xffff, v35  }
0x2cb: {  	[tilespmem:v7+s25+$0x0] =	vst.idx.msk $0xffff, v34  }
0x2cc: {  	v35 =	vld [tilespmem:$0xA20];
	_ =	sdelay $0x4  }
0x2cd: {  	[tilespmem:v5+s25+$0x0] =	vst.idx.msk $0xffff, v35  }
0x2ce: {  	[tilespmem:v8+s25+$0x0] =	vst.idx.msk $0xffff, v34  }
0x2cf: {  	v35 =	vld [tilespmem:$0xA30];
	_ =	sdelay $0x4  }
0x2d0: {  	[tilespmem:v6+s25+$0x0] =	vst.idx.msk $0xffff, v35  }
0x2d1: {  	[tilespmem:v10+s25+$0x0] =	vst.idx.msk $0xffff, v34  }
0x2d2: {  	v35 =	vld [tilespmem:$0xA40];
	_ =	sdelay $0x4  }
0x2d3: {  	[tilespmem:v9+s25+$0x0] =	vst.idx.msk $0xffff, v35  }
0x2d4: {  	[tilespmem:v13+s25+$0x0] =	vst.idx.msk $0xffff, v34  }
0x2d5: {  	v35 =	vld [tilespmem:$0xA50];
	_ =	sdelay $0x4  }
0x2d6: {  	[tilespmem:v11+s25+$0x0] =	vst.idx.msk $0xffff, v35  }
0x2d7: {  	[tilespmem:v14+s25+$0x0] =	vst.idx.msk $0xffff, v34  }
0x2d8: {  	v35 =	vld [tilespmem:$0xA60];
	_ =	sdelay $0x4  }
0x2d9: {  	[tilespmem:v12+s25+$0x0] =	vst.idx.msk $0xffff, v35  }
0x2da: {  	[tilespmem:v16+s25+$0x0] =	vst.idx.msk $0xffff, v34  }
0x2db: {  	v35 =	vld [tilespmem:$0xA70];
	_ =	sdelay $0x4  }
0x2dc: {  	[tilespmem:v15+s25+$0x0] =	vst.idx.msk $0xffff, v35  }
0x2dd: {  	[tilespmem:v19+s25+$0x0] =	vst.idx.msk $0xffff, v34  }
0x2de: {  	v35 =	vld [tilespmem:$0xE00];
	_ =	sdelay $0x4  }
0x2df: {  	[tilespmem:v17+s25+$0x0] =	vst.idx.msk $0xffff, v35  }
0x2e0: {  	[tilespmem:v20+s25+$0x0] =	vst.idx.msk $0xffff, v34  }
0x2e1: {  	v35 =	vld [tilespmem:$0xE10];
	_ =	sdelay $0x4  }
0x2e2: {  	[tilespmem:v18+s25+$0x0] =	vst.idx.msk $0xffff, v35  }
0x2e3: {  	[tilespmem:v22+s25+$0x0] =	vst.idx.msk $0xffff, v34  }
0x2e4: {  	v35 =	vld [tilespmem:$0xE20];
	_ =	sdelay $0x4  }
0x2e5: {  	[tilespmem:v21+s25+$0x0] =	vst.idx.msk $0xffff, v35  }
0x2e6: {  	[tilespmem:v25+s25+$0x0] =	vst.idx.msk $0xffff, v34  }
0x2e7: {  	v35 =	vld [tilespmem:$0xE30];
	_ =	sdelay $0x4  }
0x2e8: {  	[tilespmem:v23+s25+$0x0] =	vst.idx.msk $0xffff, v35  }
0x2e9: {  	[tilespmem:v26+s25+$0x0] =	vst.idx.msk $0xffff, v34  }
0x2ea: {  	v35 =	vld [tilespmem:$0xE40];
	_ =	sdelay $0x4  }
0x2eb: {  	[tilespmem:v24+s25+$0x0] =	vst.idx.msk $0xffff, v35  }
0x2ec: {  	[tilespmem:v28+s25+$0x0] =	vst.idx.msk $0xffff, v34  }
0x2ed: {  	v35 =	vld [tilespmem:$0xE50];
	_ =	sdelay $0x4  }
0x2ee: {  	[tilespmem:v27+s25+$0x0] =	vst.idx.msk $0xffff, v35  }
0x2ef: {  	[tilespmem:v31+s25+$0x0] =	vst.idx.msk $0xffff, v34  }
0x2f0: {  	v35 =	vld [tilespmem:$0xE60];
	_ =	sdelay $0x4  }
0x2f1: {  	[tilespmem:v29+s25+$0x0] =	vst.idx.msk $0xffff, v35  }
0x2f2: {  	[tilespmem:v32+s25+$0x0] =	vst.idx.msk $0xffff, v34  }
0x2f3: {  	v34 =	vld [tilespmem:$0xE70];
	_ =	sdelay $0x4  }
0x2f4: {  	[tilespmem:v30+s25+$0x0] =	vst.idx.msk $0xffff, v34  }
0x2f5: {  	[hbm4b:s18+s26] =	stream.strided.scatter [tilespmem:s25], [sflag:$0x2], $0x1000, s28, s26, $0x38;
	[tilespmem:$0x3800] =	vst v63  }
0x2f6: {  	_ =	swait.ge [sflag:s31], $0x1000  }
0x2f7: {  	[sflag:s31] =	ssyncset.done $0x0  }
0x2f8: {  	[sflag:s31] =	ssyncadd.s32 $0xFFFFF000  }
0x2f9: {  	v58 =	vld [tilespmem:$0x1680];
	_ =	sdelay $0x4  }
0x2fa: {  	v34 =	vperm.xlane v58, v1;
	_ =	sdelay $0x1  }
0x2fb: {  	[tilespmem:v2+s29+$0x0] =	vst.idx.msk $0xffff, v34  }
0x2fc: {  	v59 =	vld [tilespmem:$0xA80];
	_ =	sdelay $0x4  }
0x2fd: {  	[tilespmem:v0+s29+$0x0] =	vst.idx.msk $0xffff, v59  }
0x2fe: {  	[tilespmem:v4+s29+$0x0] =	vst.idx.msk $0xffff, v34  }
0x2ff: {  	v35 =	vld [tilespmem:$0xA90];
	_ =	sdelay $0x4  }
0x300: {  	[tilespmem:v3+s29+$0x0] =	vst.idx.msk $0xffff, v35  }
0x301: {  	[tilespmem:v7+s29+$0x0] =	vst.idx.msk $0xffff, v34  }
0x302: {  	v35 =	vld [tilespmem:$0xAA0];
	_ =	sdelay $0x4  }
0x303: {  	[tilespmem:v5+s29+$0x0] =	vst.idx.msk $0xffff, v35  }
0x304: {  	[tilespmem:v8+s29+$0x0] =	vst.idx.msk $0xffff, v34  }
0x305: {  	v35 =	vld [tilespmem:$0xAB0];
	_ =	sdelay $0x4  }
0x306: {  	[tilespmem:v6+s29+$0x0] =	vst.idx.msk $0xffff, v35  }
0x307: {  	[tilespmem:v10+s29+$0x0] =	vst.idx.msk $0xffff, v34  }
0x308: {  	v35 =	vld [tilespmem:$0xAC0];
	_ =	sdelay $0x4  }
0x309: {  	[tilespmem:v9+s29+$0x0] =	vst.idx.msk $0xffff, v35  }
0x30a: {  	[tilespmem:v13+s29+$0x0] =	vst.idx.msk $0xffff, v34  }
0x30b: {  	v35 =	vld [tilespmem:$0xAD0];
	_ =	sdelay $0x4  }
0x30c: {  	[tilespmem:v11+s29+$0x0] =	vst.idx.msk $0xffff, v35  }
0x30d: {  	[tilespmem:v14+s29+$0x0] =	vst.idx.msk $0xffff, v34  }
0x30e: {  	v35 =	vld [tilespmem:$0xAE0];
	_ =	sdelay $0x4  }
0x30f: {  	[tilespmem:v12+s29+$0x0] =	vst.idx.msk $0xffff, v35  }
0x310: {  	[tilespmem:v16+s29+$0x0] =	vst.idx.msk $0xffff, v34  }
0x311: {  	v35 =	vld [tilespmem:$0xAF0];
	_ =	sdelay $0x4  }
0x312: {  	[tilespmem:v15+s29+$0x0] =	vst.idx.msk $0xffff, v35  }
0x313: {  	[tilespmem:v19+s29+$0x0] =	vst.idx.msk $0xffff, v34  }
0x314: {  	v35 =	vld [tilespmem:$0xE80];
	_ =	sdelay $0x4  }
0x315: {  	[tilespmem:v17+s29+$0x0] =	vst.idx.msk $0xffff, v35  }
0x316: {  	[tilespmem:v20+s29+$0x0] =	vst.idx.msk $0xffff, v34  }
0x317: {  	v35 =	vld [tilespmem:$0xE90];
	_ =	sdelay $0x4  }
0x318: {  	[tilespmem:v18+s29+$0x0] =	vst.idx.msk $0xffff, v35  }
0x319: {  	[tilespmem:v22+s29+$0x0] =	vst.idx.msk $0xffff, v34  }
0x31a: {  	v35 =	vld [tilespmem:$0xEA0];
	_ =	sdelay $0x4  }
0x31b: {  	[tilespmem:v21+s29+$0x0] =	vst.idx.msk $0xffff, v35  }
0x31c: {  	[tilespmem:v25+s29+$0x0] =	vst.idx.msk $0xffff, v34  }
0x31d: {  	v35 =	vld [tilespmem:$0xEB0];
	_ =	sdelay $0x4  }
0x31e: {  	[tilespmem:v23+s29+$0x0] =	vst.idx.msk $0xffff, v35  }
0x31f: {  	[tilespmem:v26+s29+$0x0] =	vst.idx.msk $0xffff, v34  }
0x320: {  	v35 =	vld [tilespmem:$0xEC0];
	_ =	sdelay $0x4  }
0x321: {  	[tilespmem:v24+s29+$0x0] =	vst.idx.msk $0xffff, v35  }
0x322: {  	[tilespmem:v28+s29+$0x0] =	vst.idx.msk $0xffff, v34  }
0x323: {  	v35 =	vld [tilespmem:$0xED0];
	_ =	sdelay $0x4  }
0x324: {  	[tilespmem:v27+s29+$0x0] =	vst.idx.msk $0xffff, v35  }
0x325: {  	[tilespmem:v31+s29+$0x0] =	vst.idx.msk $0xffff, v34  }
0x326: {  	v35 =	vld [tilespmem:$0xEE0];
	_ =	sdelay $0x4  }
0x327: {  	[tilespmem:v29+s29+$0x0] =	vst.idx.msk $0xffff, v35  }
0x328: {  	[tilespmem:v32+s29+$0x0] =	vst.idx.msk $0xffff, v34  }
0x329: {  	v34 =	vld [tilespmem:$0xEF0];
	_ =	sdelay $0x4  }
0x32a: {  	[tilespmem:v30+s29+$0x0] =	vst.idx.msk $0xffff, v34  }
0x32b: {  	[hbm4b:s19+s26] =	stream.strided.scatter [tilespmem:s29], [sflag:$0x3], $0x1000, s28, s26, $0x38;
	[tilespmem:$0x3800] =	vst v63  }
0x32c: {  	_ =	swait.ge [sflag:s30], $0x1000  }
0x32d: {  	[sflag:s30] =	ssyncset.done $0x0  }
0x32e: {  	[sflag:s30] =	ssyncadd.s32 $0xFFFFF000  }
0x32f: {  	v60 =	vld [tilespmem:$0x1700];
	_ =	sdelay $0x4  }
0x330: {  	v34 =	vperm.xlane v60, v1;
	_ =	sdelay $0x1  }
0x331: {  	[tilespmem:v2+s25+$0x0] =	vst.idx.msk $0xffff, v34  }
0x332: {  	v61 =	vld [tilespmem:$0xB00];
	_ =	sdelay $0x4  }
0x333: {  	[tilespmem:v0+s25+$0x0] =	vst.idx.msk $0xffff, v61  }
0x334: {  	[tilespmem:v4+s25+$0x0] =	vst.idx.msk $0xffff, v34  }
0x335: {  	v35 =	vld [tilespmem:$0xB10];
	_ =	sdelay $0x4  }
0x336: {  	[tilespmem:v3+s25+$0x0] =	vst.idx.msk $0xffff, v35  }
0x337: {  	[tilespmem:v7+s25+$0x0] =	vst.idx.msk $0xffff, v34  }
0x338: {  	v35 =	vld [tilespmem:$0xB20];
	_ =	sdelay $0x4  }
0x339: {  	[tilespmem:v5+s25+$0x0] =	vst.idx.msk $0xffff, v35  }
0x33a: {  	[tilespmem:v8+s25+$0x0] =	vst.idx.msk $0xffff, v34  }
0x33b: {  	v35 =	vld [tilespmem:$0xB30];
	_ =	sdelay $0x4  }
0x33c: {  	[tilespmem:v6+s25+$0x0] =	vst.idx.msk $0xffff, v35  }
0x33d: {  	[tilespmem:v10+s25+$0x0] =	vst.idx.msk $0xffff, v34  }
0x33e: {  	v35 =	vld [tilespmem:$0xB40];
	_ =	sdelay $0x4  }
0x33f: {  	[tilespmem:v9+s25+$0x0] =	vst.idx.msk $0xffff, v35  }
0x340: {  	[tilespmem:v13+s25+$0x0] =	vst.idx.msk $0xffff, v34  }
0x341: {  	v35 =	vld [tilespmem:$0xB50];
	_ =	sdelay $0x4  }
0x342: {  	[tilespmem:v11+s25+$0x0] =	vst.idx.msk $0xffff, v35  }
0x343: {  	[tilespmem:v14+s25+$0x0] =	vst.idx.msk $0xffff, v34  }
0x344: {  	v35 =	vld [tilespmem:$0xB60];
	_ =	sdelay $0x4  }
0x345: {  	[tilespmem:v12+s25+$0x0] =	vst.idx.msk $0xffff, v35  }
0x346: {  	[tilespmem:v16+s25+$0x0] =	vst.idx.msk $0xffff, v34  }
0x347: {  	v35 =	vld [tilespmem:$0xB70];
	_ =	sdelay $0x4  }
0x348: {  	[tilespmem:v15+s25+$0x0] =	vst.idx.msk $0xffff, v35  }
0x349: {  	[tilespmem:v19+s25+$0x0] =	vst.idx.msk $0xffff, v34  }
0x34a: {  	v35 =	vld [tilespmem:$0xF00];
	_ =	sdelay $0x4  }
0x34b: {  	[tilespmem:v17+s25+$0x0] =	vst.idx.msk $0xffff, v35  }
0x34c: {  	[tilespmem:v20+s25+$0x0] =	vst.idx.msk $0xffff, v34  }
0x34d: {  	v35 =	vld [tilespmem:$0xF10];
	_ =	sdelay $0x4  }
0x34e: {  	[tilespmem:v18+s25+$0x0] =	vst.idx.msk $0xffff, v35  }
0x34f: {  	[tilespmem:v22+s25+$0x0] =	vst.idx.msk $0xffff, v34  }
0x350: {  	v35 =	vld [tilespmem:$0xF20];
	_ =	sdelay $0x4  }
0x351: {  	[tilespmem:v21+s25+$0x0] =	vst.idx.msk $0xffff, v35  }
0x352: {  	[tilespmem:v25+s25+$0x0] =	vst.idx.msk $0xffff, v34  }
0x353: {  	v35 =	vld [tilespmem:$0xF30];
	_ =	sdelay $0x4  }
0x354: {  	[tilespmem:v23+s25+$0x0] =	vst.idx.msk $0xffff, v35  }
0x355: {  	[tilespmem:v26+s25+$0x0] =	vst.idx.msk $0xffff, v34  }
0x356: {  	v35 =	vld [tilespmem:$0xF40];
	_ =	sdelay $0x4  }
0x357: {  	[tilespmem:v24+s25+$0x0] =	vst.idx.msk $0xffff, v35  }
0x358: {  	[tilespmem:v28+s25+$0x0] =	vst.idx.msk $0xffff, v34  }
0x359: {  	v35 =	vld [tilespmem:$0xF50];
	_ =	sdelay $0x4  }
0x35a: {  	[tilespmem:v27+s25+$0x0] =	vst.idx.msk $0xffff, v35  }
0x35b: {  	[tilespmem:v31+s25+$0x0] =	vst.idx.msk $0xffff, v34  }
0x35c: {  	v35 =	vld [tilespmem:$0xF60];
	_ =	sdelay $0x4  }
0x35d: {  	[tilespmem:v29+s25+$0x0] =	vst.idx.msk $0xffff, v35  }
0x35e: {  	[tilespmem:v32+s25+$0x0] =	vst.idx.msk $0xffff, v34  }
0x35f: {  	v34 =	vld [tilespmem:$0xF70];
	_ =	sdelay $0x4  }
0x360: {  	[tilespmem:v30+s25+$0x0] =	vst.idx.msk $0xffff, v34  }
0x361: {  	[hbm4b:s20+s26] =	stream.strided.scatter [tilespmem:s25], [sflag:$0x2], $0x1000, s28, s26, $0x38;
	[tilespmem:$0x3800] =	vst v63  }
0x362: {  	_ =	swait.ge [sflag:s31], $0x1000  }
0x363: {  	[sflag:s31] =	ssyncset.done $0x0  }
0x364: {  	[sflag:s31] =	ssyncadd.s32 $0xFFFFF000  }
0x365: {  	v62 =	vld [tilespmem:$0x1780];
	_ =	sdelay $0x4  }
0x366: {  	v34 =	vperm.xlane v62, v1;
	_ =	sdelay $0x1  }
0x367: {  	[tilespmem:v2+s29+$0x0] =	vst.idx.msk $0xffff, v34  }
0x368: {  	v63 =	vld [tilespmem:$0xB80];
	_ =	sdelay $0x4  }
0x369: {  	[tilespmem:v0+s29+$0x0] =	vst.idx.msk $0xffff, v63  }
0x36a: {  	[tilespmem:v4+s29+$0x0] =	vst.idx.msk $0xffff, v34  }
0x36b: {  	v35 =	vld [tilespmem:$0xB90];
	_ =	sdelay $0x4  }
0x36c: {  	[tilespmem:v3+s29+$0x0] =	vst.idx.msk $0xffff, v35  }
0x36d: {  	[tilespmem:v7+s29+$0x0] =	vst.idx.msk $0xffff, v34  }
0x36e: {  	v35 =	vld [tilespmem:$0xBA0];
	_ =	sdelay $0x4  }
0x36f: {  	[tilespmem:v5+s29+$0x0] =	vst.idx.msk $0xffff, v35  }
0x370: {  	[tilespmem:v8+s29+$0x0] =	vst.idx.msk $0xffff, v34  }
0x371: {  	v35 =	vld [tilespmem:$0xBB0];
	_ =	sdelay $0x4  }
0x372: {  	[tilespmem:v6+s29+$0x0] =	vst.idx.msk $0xffff, v35  }
0x373: {  	[tilespmem:v10+s29+$0x0] =	vst.idx.msk $0xffff, v34  }
0x374: {  	v35 =	vld [tilespmem:$0xBC0];
	_ =	sdelay $0x4  }
0x375: {  	[tilespmem:v9+s29+$0x0] =	vst.idx.msk $0xffff, v35  }
0x376: {  	[tilespmem:v13+s29+$0x0] =	vst.idx.msk $0xffff, v34  }
0x377: {  	v35 =	vld [tilespmem:$0xBD0];
	_ =	sdelay $0x4  }
0x378: {  	[tilespmem:v11+s29+$0x0] =	vst.idx.msk $0xffff, v35  }
0x379: {  	[tilespmem:v14+s29+$0x0] =	vst.idx.msk $0xffff, v34  }
0x37a: {  	v35 =	vld [tilespmem:$0xBE0];
	_ =	sdelay $0x4  }
0x37b: {  	[tilespmem:v12+s29+$0x0] =	vst.idx.msk $0xffff, v35  }
0x37c: {  	[tilespmem:v16+s29+$0x0] =	vst.idx.msk $0xffff, v34  }
0x37d: {  	v35 =	vld [tilespmem:$0xBF0];
	_ =	sdelay $0x4  }
0x37e: {  	[tilespmem:v15+s29+$0x0] =	vst.idx.msk $0xffff, v35  }
0x37f: {  	[tilespmem:v19+s29+$0x0] =	vst.idx.msk $0xffff, v34  }
0x380: {  	v35 =	vld [tilespmem:$0xF80];
	_ =	sdelay $0x4  }
0x381: {  	[tilespmem:v17+s29+$0x0] =	vst.idx.msk $0xffff, v35  }
0x382: {  	[tilespmem:v20+s29+$0x0] =	vst.idx.msk $0xffff, v34  }
0x383: {  	v35 =	vld [tilespmem:$0xF90];
	_ =	sdelay $0x4  }
0x384: {  	[tilespmem:v18+s29+$0x0] =	vst.idx.msk $0xffff, v35  }
0x385: {  	[tilespmem:v22+s29+$0x0] =	vst.idx.msk $0xffff, v34  }
0x386: {  	v35 =	vld [tilespmem:$0xFA0];
	_ =	sdelay $0x4  }
0x387: {  	[tilespmem:v21+s29+$0x0] =	vst.idx.msk $0xffff, v35  }
0x388: {  	[tilespmem:v25+s29+$0x0] =	vst.idx.msk $0xffff, v34  }
0x389: {  	v35 =	vld [tilespmem:$0xFB0];
	_ =	sdelay $0x4  }
0x38a: {  	[tilespmem:v23+s29+$0x0] =	vst.idx.msk $0xffff, v35  }
0x38b: {  	[tilespmem:v26+s29+$0x0] =	vst.idx.msk $0xffff, v34  }
0x38c: {  	v35 =	vld [tilespmem:$0xFC0];
	_ =	sdelay $0x4  }
0x38d: {  	[tilespmem:v24+s29+$0x0] =	vst.idx.msk $0xffff, v35  }
0x38e: {  	[tilespmem:v28+s29+$0x0] =	vst.idx.msk $0xffff, v34  }
0x38f: {  	v35 =	vld [tilespmem:$0xFD0];
	_ =	sdelay $0x4  }
0x390: {  	[tilespmem:v27+s29+$0x0] =	vst.idx.msk $0xffff, v35  }
0x391: {  	[tilespmem:v31+s29+$0x0] =	vst.idx.msk $0xffff, v34  }
0x392: {  	v35 =	vld [tilespmem:$0xFE0];
	_ =	sdelay $0x4  }
0x393: {  	[tilespmem:v29+s29+$0x0] =	vst.idx.msk $0xffff, v35  }
0x394: {  	[tilespmem:v32+s29+$0x0] =	vst.idx.msk $0xffff, v34  }
0x395: {  	v34 =	vld [tilespmem:$0xFF0];
	_ =	sdelay $0x4  }
0x396: {  	s1 =	sadd.s32 $0x1, s1;
	[tilespmem:v30+s29+$0x0] =	vst.idx.msk $0xffff, v34  }
0x397: {  	[hbm4b:s21+s26] =	stream.strided.scatter [tilespmem:s29], [sflag:$0x3], $0x1000, s28, s26, $0x38;
	[tilespmem:$0x3800] =	vst v63  }
0x398: {  	p0 =	sne.s32 s1, s22;
	_ =	swait.ge [sflag:s30], $0x1000  }
.Ltmp2:
0x399: {  	[sflag:s30] =	ssyncset.done $0x0;
	(pc) =	sbr.rel @p0 .LBB2_1-.Ltmp2, $4  }
0x39a: {  	[sflag:s30] =	ssyncadd.s32 $0xFFFFF000  }
0x39b: {  	_ =	swait.ge [sflag:s31], $0x1000  }
0x39c: {  	[sflag:s31] =	ssyncset.done $0x0  }
0x39d: {  	[sflag:s31] =	ssyncadd.s32 $0xFFFFF000  }
0x39e: {  	_ =	sfence.sel $0x180000  }
0x39f: {  	[bflag:$0x0] =	sbarrier.arrive $0xFFFF  }
0x3a0: {  	_ =	strace $0x90000047  }
0x3a1: {  	s0 =	stileid.u32;
	[bflag:$0x2] =	sbarrier.arrive $0xFFFF  }
0x3a2: {  	p0 =	sne.s32 s0, $0x0;
	s0 =	rddreg [dreg:$0x2]  }
0x3a3: {  	s0 =	sadd.s32 @!p0 $0x100000, s0  }
0x3a4: {  	[sflag:s0] =	ssyncadd.tile.s32 @!p0 $0x1;
	_ =	shalt  }
.Lfunc_end2:
_tile_overlayer_lowered:
.L_overlay_start_2:
0x3a5: {  	(tag) =	ssettag $0x2  }
0x3a6: {  	s0 =	rddreg [dreg:$0x0];
	s2 =	stileid.u32  }
0x3a7: {  	s1 =	rddreg [dreg:$0x1];
	p0 =	sne.s32 s2, $0x0  }
0x3a8: {  	s3 =	rddreg [dreg:$0x2];
	[bflag:$0x3] =	sbarrier.arrive $0xFFFF;
	s2 =	simm.s32 @!p0 $0x1C04  }
0x3a9: {  	[timem:s3], [sflag:s2] =	dma.local @!p0 [hbm:s0], s1  }
0x3aa: {  	s0 =	simm.s32 @!p0 $0x4  }
0x3ab: {  	_ =	swait.ge @!p0 [sflag:s0], s1  }
0x3ac: {  	s1 =	ssub.s32 @!p0 $0x0, s1;
	[sflag:s0] =	ssyncset.done @!p0 $0x0  }
0x3ad: {  	[sflag:s0] =	ssyncadd.s32 @!p0 s1  }
0x3ae: {  	[bflag:$0x3] =	sbarrier.arrive $0xFFFF  }
0x3af: {  	_ =	shalt  }

</sc_bundles>
